<compile_context>
chip_gen: v7x
topology: tpu7x:2x2x1
jax: 0.10.2.dev20260603
libtpu: 0.0.44.dev20260713+nightly
codegen_flags: <defaults>
</compile_context>

<pallas_src>
import functools

import jax
import jax.numpy as jnp
from jax.experimental import pallas as pl
from jax.experimental.pallas import tpu as pltpu
from jax.experimental.pallas import tpu_sc as plsc

D = 512
H = 8
DK = 64
CHUNK = 64
E = 4
TOPK = 2
MULT = 4
CAPF = 1.25
LANES = 128

BT = 512
BTF = 256
NW = 32
CHC = 64


def _attn_router_body(x_ref, n1_ref, n2_ref, wcat_ref, wo_ref, bcat_ref,
                      ob_ref, cos_ref, sin_ref, rw_ref, rb_ref,
                      x2_ref, xn2_ref, spos1_ref, spos2_ref, g1_ref, g2_ref,
                      stats_ref,
                      S_ref, Z_ref, cnt_ref, *, cap, nt):
    b = pl.program_id(0)
    t = pl.program_id(1)

    @pl.when(t == 0)
    def _():
        S_ref[...] = jnp.zeros_like(S_ref)
        Z_ref[...] = jnp.zeros_like(Z_ref)

    @pl.when(jnp.logical_and(b == 0, t == 0))
    def _():
        cnt_ref[...] = jnp.zeros_like(cnt_ref)

    xb = x_ref[0]
    ms = jnp.mean(xb * xb, axis=-1, keepdims=True)
    xn = xb * jax.lax.rsqrt(ms) * n1_ref[...]

    y6 = xn @ wcat_ref[...] + bcat_ref[...]
    q = y6[:, 0:D]
    qp = y6[:, D:2 * D]
    k = y6[:, 2 * D:3 * D]
    kp = y6[:, 3 * D:4 * D]
    v = y6[:, 4 * D:5 * D]
    g = 1.0 / (1.0 + jnp.exp(-y6[:, 5 * D:6 * D]))

    cosb = cos_ref[...]
    sinb = sin_ref[...]
    qr = q * cosb + qp * sinb
    kr = k * cosb + kp * sinb
    qe = jnp.where(qr > 0, qr + 1.0, jnp.exp(qr))
    ke = jnp.where(kr > 0, kr + 1.0, jnp.exp(kr))

    ri = jax.lax.broadcasted_iota(jnp.int32, (D, D), 0) // DK
    ci = jax.lax.broadcasted_iota(jnp.int32, (D, D), 1) // DK
    bdf = (ri == ci).astype(jnp.float32)

    outs = []
    for c in range(BT // CHUNK):
        sl = slice(c * CHUNK, (c + 1) * CHUNK)
        qc, kc, vc, gc = qe[sl], ke[sl], v[sl], g[sl]
        m = jax.lax.dot_general(kc, vc, (((0,), (0,)), ((), ())),
                                preferred_element_type=jnp.float32)
        S_ref[...] += m * bdf
        Z_ref[0:1, :] += jnp.sum(kc, axis=0, keepdims=True)
        num = jax.lax.dot_general(qc, S_ref[...], (((1,), (0,)), ((), ())),
                                  preferred_element_type=jnp.float32)
        den = jax.lax.dot_general(qc * Z_ref[0:1, :], bdf,
                                  (((1,), (0,)), ((), ())),
                                  preferred_element_type=jnp.float32) + 1e-6
        outs.append(gc * num / den)
    attn = jnp.concatenate(outs, axis=0)
    x2 = xb + attn @ wo_ref[...] + ob_ref[...]
    x2_ref[0] = x2

    ms2 = jnp.mean(x2 * x2, axis=-1, keepdims=True)
    xn2 = x2 * jax.lax.rsqrt(ms2) * n2_ref[...]
    xn2_ref[...] = xn2

    logits = xn2 @ rw_ref[...] + rb_ref[...]
    mx = jnp.max(logits, axis=-1, keepdims=True)
    pe = jnp.exp(logits - mx)
    probs = pe / jnp.sum(pe, axis=-1, keepdims=True)
    cnt_ref[2:3, :] += jnp.sum(probs, axis=0, keepdims=True)

    lane = jax.lax.broadcasted_iota(jnp.int32, (BT, LANES), 1)
    m1 = jnp.max(probs, axis=-1, keepdims=True)
    i1 = jnp.min(jnp.where(probs == m1, lane, LANES), axis=-1, keepdims=True)
    pwo = jnp.where(lane == i1, -1.0, probs)
    m2 = jnp.max(pwo, axis=-1, keepdims=True)
    i2 = jnp.min(jnp.where(pwo == m2, lane, LANES), axis=-1, keepdims=True)
    tsum = m1 + m2
    tp1 = m1 / tsum
    tp2 = m2 / tsum

    oh1 = (lane == i1).astype(jnp.float32)
    oh2 = (lane == i2).astype(jnp.float32)
    mm = oh1 + oh2
    lt = (jax.lax.broadcasted_iota(jnp.int32, (BT, BT), 1) <
          jax.lax.broadcasted_iota(jnp.int32, (BT, BT), 0)).astype(jnp.float32)
    excl = jax.lax.dot_general(lt, mm, (((1,), (0,)), ((), ())),
                               preferred_element_type=jnp.float32)
    rank = cnt_ref[0:1, :] + excl
    keepm = (rank < float(cap)).astype(jnp.float32)
    keep1 = oh1 * keepm
    keep2 = oh2 * keepm
    cnt_ref[1:2, :] += jnp.sum(keep1 + keep2, axis=0, keepdims=True)
    cnt_ref[0:1, :] += jnp.sum(mm, axis=0, keepdims=True)
    stats_ref[...] = cnt_ref[...]

    nslot = E * cap
    rank1 = jnp.sum(rank * oh1, axis=-1, keepdims=True).astype(jnp.int32)
    rank2 = jnp.sum(rank * oh2, axis=-1, keepdims=True).astype(jnp.int32)
    k1 = jnp.sum(keep1, axis=-1, keepdims=True)
    k2 = jnp.sum(keep2, axis=-1, keepdims=True)
    ntok = (jax.lax.broadcasted_iota(jnp.int32, (BT, 1), 0)
            + (b * nt + t) * BT)
    trash = nslot + jnp.mod(ntok, BTF)
    spos1_ref[...] = jnp.where(k1 > 0, i1 * cap + rank1, trash)
    spos2_ref[...] = jnp.where(k2 > 0, i2 * cap + rank2, trash)
    g1_ref[...] = jnp.broadcast_to(k1 * tp1, (BT, 16))
    g2_ref[...] = jnp.broadcast_to(k2 * tp2, (BT, 16))


def _ffn_body(xe_ref, w1_ref, b1_ref, w2_ref, b2_ref, y_ref, *, nsteps):
    s = pl.program_id(0)

    @pl.when(s < nsteps)
    def _():
        xv = xe_ref[...]
        h = xv @ w1_ref[0] + b1_ref[0]
        h = 0.5 * h * (1.0 + jax.lax.erf(h * 0.7071067811865476))
        y_ref[...] = h @ w2_ref[0] + b2_ref[0]

    @pl.when(s == nsteps)
    def _():
        y_ref[...] = jnp.zeros_like(y_ref)


def _dispatch_body(xn2_hbm, s1_hbm, s2_hbm, xe_hbm,
                   idx1_v, idx2_v, rows_v, sem1, sem2, *, cht):
    wid = jax.lax.axis_index("s") * 2 + jax.lax.axis_index("c")
    base = wid * cht
    pltpu.sync_copy(s1_hbm.at[pl.ds(base, cht)], idx1_v)
    pltpu.sync_copy(s2_hbm.at[pl.ds(base, cht)], idx2_v)
    pltpu.sync_copy(xn2_hbm.at[pl.ds(base, cht)], rows_v)
    c1 = pltpu.async_copy(rows_v, xe_hbm.at[idx1_v], sem1)
    c2 = pltpu.async_copy(rows_v, xe_hbm.at[idx2_v], sem2)
    c1.wait()
    c2.wait()


def _combine_body(x2_hbm, y_hbm, s1_hbm, s2_hbm, g1_hbm, g2_hbm, out_hbm,
                  idx1_v, idx2_v, g1_v, g2_v, y1_v, y2_v, acc_v, sy1, sy2,
                  *, cht):
    wid = jax.lax.axis_index("s") * 2 + jax.lax.axis_index("c")
    for c in range(cht // CHC):
        b = wid * cht + c * CHC
        pltpu.sync_copy(s1_hbm.at[pl.ds(b, CHC)], idx1_v)
        pltpu.sync_copy(s2_hbm.at[pl.ds(b, CHC)], idx2_v)
        cy1 = pltpu.async_copy(y_hbm.at[idx1_v], y1_v, sy1)
        cy2 = pltpu.async_copy(y_hbm.at[idx2_v], y2_v, sy2)
        pltpu.sync_copy(x2_hbm.at[pl.ds(b, CHC)], acc_v)
        pltpu.sync_copy(g1_hbm.at[pl.ds(b, CHC)], g1_v)
        pltpu.sync_copy(g2_hbm.at[pl.ds(b, CHC)], g2_v)
        cy1.wait()
        cy2.wait()

        def row_body(r, carry):
            gv1 = g1_v[r, :]
            gv2 = g2_v[r, :]
            for j in range(D // 16):
                sl = pl.ds(j * 16, 16)
                acc_v[r, sl] = (acc_v[r, sl] + gv1 * y1_v[r, sl]
                                + gv2 * y2_v[r, sl])
            return carry

        jax.lax.fori_loop(0, CHC, row_body, 0)
        pltpu.sync_copy(acc_v, out_hbm.at[pl.ds(b, CHC)])


def _swap_halves(w):
    shp = w.shape
    wr = w.reshape(shp[:-1] + (H, 2, DK // 2))
    return jnp.flip(wr, axis=-2).reshape(shp)


def kernel(x, norm1_scale, norm2_scale, qw, qb, kw, kb, vw, vb, gw, gb, ow, ob,
           router_w, router_b, e_w1, e_b1, e_w2, e_b2):
    B, T, _ = x.shape
    N = B * T
    NT = T // BT
    cap = int(CAPF * (N / E))
    nslot = E * cap
    tbl = nslot + BTF
    hidden = D * MULT
    cht = N // NW

    qwp = _swap_halves(qw)
    kwp = _swap_halves(kw)
    qbp = _swap_halves(qb)
    kbp = _swap_halves(kb)
    wcat = jnp.concatenate([qw, qwp, kw, kwp, vw, gw], axis=1)
    bcat = jnp.concatenate([qb, qbp, kb, kbp, vb, gb]).reshape(1, 6 * D)

    half = DK // 2
    freqs = 1.0 / (10000.0 ** (jnp.arange(half, dtype=jnp.float32) / half))
    f = jnp.outer(jnp.arange(T, dtype=jnp.float32), freqs)
    cosb = jnp.cos(f)
    sinb = jnp.sin(f)
    cosF = jnp.tile(jnp.concatenate([cosb, cosb], axis=1), (1, H))
    sinF = jnp.tile(jnp.concatenate([-sinb, sinb], axis=1), (1, H))

    rw_pad = jnp.zeros((D, LANES), jnp.float32).at[:, :E].set(router_w)
    rb_pad = jnp.full((1, LANES), -1e30, jnp.float32).at[0, :E].set(router_b)

    body = functools.partial(_attn_router_body, cap=cap, nt=NT)
    x2, xn2, spos1, spos2, g1, g2, stats = pl.pallas_call(
        body,
        grid=(B, NT),
        in_specs=[
            pl.BlockSpec((1, BT, D), lambda b, t: (b, t, 0)),
            pl.BlockSpec((1, D), lambda b, t: (0, 0)),
            pl.BlockSpec((1, D), lambda b, t: (0, 0)),
            pl.BlockSpec((D, 6 * D), lambda b, t: (0, 0)),
            pl.BlockSpec((D, D), lambda b, t: (0, 0)),
            pl.BlockSpec((1, 6 * D), lambda b, t: (0, 0)),
            pl.BlockSpec((1, D), lambda b, t: (0, 0)),
            pl.BlockSpec((BT, D), lambda b, t: (t, 0)),
            pl.BlockSpec((BT, D), lambda b, t: (t, 0)),
            pl.BlockSpec((D, LANES), lambda b, t: (0, 0)),
            pl.BlockSpec((1, LANES), lambda b, t: (0, 0)),
        ],
        out_specs=[
            pl.BlockSpec((1, BT, D), lambda b, t: (b, t, 0)),
            pl.BlockSpec((BT, D), lambda b, t: (b * (T // BT) + t, 0)),
            pl.BlockSpec((BT, 1), lambda b, t: (b * (T // BT) + t, 0)),
            pl.BlockSpec((BT, 1), lambda b, t: (b * (T // BT) + t, 0)),
            pl.BlockSpec((BT, 16), lambda b, t: (b * (T // BT) + t, 0)),
            pl.BlockSpec((BT, 16), lambda b, t: (b * (T // BT) + t, 0)),
            pl.BlockSpec((8, LANES), lambda b, t: (0, 0)),
        ],
        out_shape=[
            jax.ShapeDtypeStruct((B, T, D), jnp.float32),
            jax.ShapeDtypeStruct((N, D), jnp.float32),
            jax.ShapeDtypeStruct((N, 1), jnp.int32),
            jax.ShapeDtypeStruct((N, 1), jnp.int32),
            jax.ShapeDtypeStruct((N, 16), jnp.float32),
            jax.ShapeDtypeStruct((N, 16), jnp.float32),
            jax.ShapeDtypeStruct((8, LANES), jnp.float32),
        ],
        scratch_shapes=[
            pltpu.VMEM((D, D), jnp.float32),
            pltpu.VMEM((8, D), jnp.float32),
            pltpu.VMEM((8, LANES), jnp.float32),
        ],
        compiler_params=pltpu.CompilerParams(
            dimension_semantics=("arbitrary", "arbitrary")),
    )(x, norm1_scale.reshape(1, D), norm2_scale.reshape(1, D),
      wcat, ow, bcat, ob.reshape(1, D), cosF, sinF, rw_pad, rb_pad)

    s1f = spos1.reshape(N)
    s2f = spos2.reshape(N)

    mesh = plsc.VectorSubcoreMesh(core_axis_name="c", subcore_axis_name="s",
                                  num_cores=2, num_subcores=16)

    dispatch = pl.kernel(
        functools.partial(_dispatch_body, cht=cht),
        out_type=jax.ShapeDtypeStruct((tbl, D), jnp.float32),
        mesh=mesh,
        scratch_types=[
            pltpu.VMEM((cht,), jnp.int32),
            pltpu.VMEM((cht,), jnp.int32),
            pltpu.VMEM((cht, D), jnp.float32),
            pltpu.SemaphoreType.DMA,
            pltpu.SemaphoreType.DMA,
        ],
    )
    xe = dispatch(xn2, s1f, s2f)

    nbf = cap // BTF
    nsteps = E * nbf
    ffn = functools.partial(_ffn_body, nsteps=nsteps)
    y = pl.pallas_call(
        ffn,
        grid=(nsteps + 1,),
        in_specs=[
            pl.BlockSpec((BTF, D),
                         lambda s: (jnp.minimum(s, E * (cap // BTF) - 1), 0)),
            pl.BlockSpec((1, D, hidden),
                         lambda s: (jnp.minimum(s // (cap // BTF), E - 1), 0, 0)),
            pl.BlockSpec((1, 1, hidden),
                         lambda s: (jnp.minimum(s // (cap // BTF), E - 1), 0, 0)),
            pl.BlockSpec((1, hidden, D),
                         lambda s: (jnp.minimum(s // (cap // BTF), E - 1), 0, 0)),
            pl.BlockSpec((1, 1, D),
                         lambda s: (jnp.minimum(s // (cap // BTF), E - 1), 0, 0)),
        ],
        out_specs=pl.BlockSpec((BTF, D), lambda s: (s, 0)),
        out_shape=jax.ShapeDtypeStruct((nslot + BTF, D), jnp.float32),
        compiler_params=pltpu.CompilerParams(
            dimension_semantics=("arbitrary",)),
    )(xe, e_w1, e_b1.reshape(E, 1, hidden), e_w2, e_b2.reshape(E, 1, D))

    combine = pl.kernel(
        functools.partial(_combine_body, cht=cht),
        out_type=jax.ShapeDtypeStruct((N, D), jnp.float32),
        mesh=mesh,
        scratch_types=[
            pltpu.VMEM((CHC,), jnp.int32),
            pltpu.VMEM((CHC,), jnp.int32),
            pltpu.VMEM((CHC, 16), jnp.float32),
            pltpu.VMEM((CHC, 16), jnp.float32),
            pltpu.VMEM((CHC, D), jnp.float32),
            pltpu.VMEM((CHC, D), jnp.float32),
            pltpu.VMEM((CHC, D), jnp.float32),
            pltpu.SemaphoreType.DMA,
            pltpu.SemaphoreType.DMA,
        ],
    )
    final = combine(x2.reshape(N, D), y, s1f, s2f, g1, g2)

    imp = stats[2, :E]
    load = stats[1, :E]
    aux = jnp.sum((imp / jnp.sum(imp)) * (load / jnp.sum(load))) * float(E * E)
    return final.reshape(B, T, D), aux

# --- scband reference (transcript-rebuilt; emitter-appended) ---
"""Pipeline reference for scband-transformer-block-32066225832169 (READ-ONLY COPY).

The authoritative reference and input builder live on the scoring server;
editing this copy changes nothing except your own understanding.
"""

import jax, jax.numpy as jnp
import numpy as np

D = 512
H = 8
DK = D // H
CHUNK = 64
E = 4
TOPK = 2
MULT = 4
CAPF = 1.25


def apply_rope(x):
    B, Hh, T, Dd = x.shape
    half = Dd // 2
    freqs = jnp.arange(half, dtype=jnp.float32)
    freqs = 1.0 / (10000.0 ** (freqs / half))
    pos = jnp.arange(T, dtype=jnp.float32)
    f = jnp.outer(pos, freqs)
    sin = jnp.sin(f)[None, None, :, :]
    cos = jnp.cos(f)[None, None, :, :]
    x1 = x[..., :half]
    x2 = x[..., half:]
    return jnp.concatenate([x1 * cos - x2 * sin, x1 * sin + x2 * cos], axis=-1)


def rmsnorm(x, scale):
    norm = jnp.linalg.norm(x, axis=-1, keepdims=True) * (1.0 / (x.shape[-1] ** 0.5))
    return x / norm * scale


def attention(x, qw, qb, kw, kb, vw, vb, gw, gb, ow, ob):
    B, T, C = x.shape

    def split(y):
        return y.reshape(B, T, H, DK).transpose(0, 2, 1, 3)

    q = split(x @ qw + qb)
    k = split(x @ kw + kb)
    v = split(x @ vw + vb)
    g = split(jax.nn.sigmoid(x @ gw + gb))
    q = apply_rope(q)
    k = apply_rope(k)
    q = jax.nn.elu(q) + 1.0
    k = jax.nn.elu(k) + 1.0
    S = jnp.zeros((B, H, DK, DK), dtype=x.dtype)
    Z = jnp.zeros((B, H, DK), dtype=x.dtype)
    outs = []
    for start in range(0, T, CHUNK):
        end = min(start + CHUNK, T)
        qc = q[:, :, start:end]
        kc = k[:, :, start:end]
        vc = v[:, :, start:end]
        gc = g[:, :, start:end]
        S = S + jnp.einsum('bhtd,bhte->bhde', kc, vc)
        Z = Z + kc.sum(axis=2)
        num = jnp.einsum('bhtd,bhde->bhte', qc, S)
        den = jnp.einsum('bhtd,bhd->bht', qc, Z)[..., None] + 1e-06
        outs.append(gc * (num / den))
    out = jnp.concatenate(outs, axis=2)
    out = out.transpose(0, 2, 1, 3).reshape(B, T, C)
    return out @ ow + ob


def moe(x, router_w, router_b, e_w1, e_b1, e_w2, e_b2):
    B, T, C = x.shape
    N = B * T
    xf = x.reshape(N, C)
    logits = xf @ router_w + router_b
    probs = jax.nn.softmax(logits, axis=-1)
    topk_probs, topk_idx = jax.lax.top_k(probs, TOPK)
    topk_probs = topk_probs / jnp.sum(topk_probs, axis=-1, keepdims=True)
    capacity = int(CAPF * (N / E))
    output = jnp.zeros_like(xf)
    loads = []
    for eid in range(E):
        mask = (topk_idx == eid)
        flat = mask.reshape(-1)
        rank = jnp.cumsum(flat.astype(jnp.int32)) - 1
        keep = jnp.logical_and(flat, rank < capacity).reshape(N, TOPK)
        gate = jnp.sum(jnp.where(keep, topk_probs, 0.0), axis=-1)
        h = jax.nn.gelu(xf @ e_w1[eid] + e_b1[eid], approximate=False)
        out_e = h @ e_w2[eid] + e_b2[eid]
        output = output + gate[:, None] * out_e
        loads.append(jnp.sum(keep).astype(jnp.float32))
    load = jnp.stack(loads)
    importance = probs.sum(0)
    importance = importance / importance.sum()
    load = load / load.sum()
    aux = jnp.sum(importance * load) * float(E ** 2)
    return output.reshape(B, T, C), aux


def setup_inputs(seed: int = 0):
    key = jax.random.key(seed)
    ks = jax.random.split(key, 16)
    B, T = 2, 2048
    hidden = D * MULT

    def w(k, shape):
        return jax.random.normal(k, shape, dtype=jnp.float32) * 0.02

    inp = {
        'x': jax.random.normal(ks[0], (B, T, D), dtype=jnp.float32),
        'norm1_scale': jnp.ones((D,), dtype=jnp.float32),
        'norm2_scale': jnp.ones((D,), dtype=jnp.float32),
        'qw': w(ks[1], (D, D)), 'qb': jnp.zeros((D,), dtype=jnp.float32),
        'kw': w(ks[2], (D, D)), 'kb': jnp.zeros((D,), dtype=jnp.float32),
        'vw': w(ks[3], (D, D)), 'vb': jnp.zeros((D,), dtype=jnp.float32),
        'gw': w(ks[4], (D, D)), 'gb': jnp.zeros((D,), dtype=jnp.float32),
        'ow': w(ks[5], (D, D)), 'ob': jnp.zeros((D,), dtype=jnp.float32),
        'router_w': w(ks[6], (D, E)), 'router_b': jnp.zeros((E,), dtype=jnp.float32),
        'e_w1': w(ks[7], (E, D, hidden)), 'e_b1': jnp.zeros((E, hidden), dtype=jnp.float32),
        'e_w2': w(ks[8], (E, hidden, D)), 'e_b2': jnp.zeros((E, D), dtype=jnp.float32),
    }
    return inp


def reference(x, norm1_scale, norm2_scale, qw, qb, kw, kb, vw, vb, gw, gb, ow, ob, router_w, router_b, e_w1, e_b1, e_w2, e_b2):
    x = x + attention(rmsnorm(x, norm1_scale), qw, qb, kw, kb, vw, vb, gw, gb, ow, ob)
    moe_out, aux = moe(rmsnorm(x, norm2_scale), router_w, router_b, e_w1, e_b1, e_w2, e_b2)
    return (x + moe_out, aux)

if __name__ == "__main__":
    import jax
    _d = setup_inputs()
    print(jax.jit(kernel)(*tuple(_d.values())))

</pallas_src>

<mosaic_0001>
#map = affine_map<(d0, d1) -> (0, 0)>
#map1 = affine_map<(d0, d1) -> (0)>
module attributes {stable_mosaic.version = 14 : i64} {
  func.func @_combine_body(%arg0: i32, %arg1: i32, %arg2: memref<4096x512xf32, #tpu.memory_space<hbm>>, %arg3: memref<5376x512xf32, #tpu.memory_space<hbm>>, %arg4: memref<4096xi32, #tpu.memory_space<hbm>>, %arg5: memref<4096xi32, #tpu.memory_space<hbm>>, %arg6: memref<4096x16xf32, #tpu.memory_space<hbm>>, %arg7: memref<4096x16xf32, #tpu.memory_space<hbm>>, %arg8: memref<4096x512xf32, #tpu.memory_space<hbm>>, %arg9: memref<64xi32, #tpu.memory_space<vmem>>, %arg10: memref<64xi32, #tpu.memory_space<vmem>>, %arg11: memref<64x16xf32, #tpu.memory_space<vmem>>, %arg12: memref<64x16xf32, #tpu.memory_space<vmem>>, %arg13: memref<64x512xf32, #tpu.memory_space<vmem>>, %arg14: memref<64x512xf32, #tpu.memory_space<vmem>>, %arg15: memref<64x512xf32, #tpu.memory_space<vmem>>, %arg16: memref<!tpu.dma_semaphore, #tpu.memory_space<semaphore_mem>>, %arg17: memref<!tpu.dma_semaphore, #tpu.memory_space<semaphore_mem>>) attributes {dimension_semantics = [#tpu.dimension_semantics<core_parallel>, #tpu.dimension_semantics<subcore_parallel>], iteration_bounds = array<i64: 2, 16>, scalar_prefetch = 0 : i64, scratch_operands = 9 : i64, tpu.core_type = #tpu.core_type<sc_vector_subcore>, window_params = [{transform_indices = #map}, {transform_indices = #map}, {transform_indices = #map1}, {transform_indices = #map1}, {transform_indices = #map}, {transform_indices = #map}, {transform_indices = #map}]} {
    %mul3A = arith.constant 2 : i32
    %mul3A_0 = arith.muli %arg1, %mul3A : i32
    %add3A = arith.addi %mul3A_0, %arg0 : i32
    %mul3A_1 = arith.constant 128 : i32
    %mul3A_2 = arith.muli %add3A, %mul3A_1 : i32
    %add3A_3 = arith.constant 0 : i32
    %add3A_4 = arith.addi %mul3A_2, %add3A_3 : i32
    "tpu.region"() ({
      %run_scoped3A = tpu.sem_alloc : memref<!tpu.dma_semaphore, #tpu.memory_space<semaphore_mem>>
      %dma_start3A_42 = tpu.memref_slice %arg4[%add3A_4] : memref<4096xi32, #tpu.memory_space<hbm>> -> memref<64xi32, #tpu.memory_space<hbm>>
      %dma_start3A_43 = tpu.memref_slice %arg4[%add3A_4] : memref<4096xi32, #tpu.memory_space<hbm>> -> memref<64xi32, #tpu.memory_space<hbm>>
      tpu.enqueue_dma source(%dma_start3A_43 : memref<64xi32, #tpu.memory_space<hbm>>) target(%arg9 : memref<64xi32, #tpu.memory_space<vmem>>) target_semaphore(%run_scoped3A : memref<!tpu.dma_semaphore, #tpu.memory_space<semaphore_mem>>)
      %dma_wait3A_44 = tpu.memref_slice %arg4[%add3A_4] : memref<4096xi32, #tpu.memory_space<hbm>> -> memref<64xi32, #tpu.memory_space<hbm>>
      %dma_wait3A_45 = tpu.memref_slice %arg4[%add3A_4] : memref<4096xi32, #tpu.memory_space<hbm>> -> memref<64xi32, #tpu.memory_space<hbm>>
      tpu.wait_dma2 semaphore(%run_scoped3A : memref<!tpu.dma_semaphore, #tpu.memory_space<semaphore_mem>>) src(%dma_wait3A_45 : memref<64xi32, #tpu.memory_space<hbm>>) dst(%arg9 : memref<64xi32, #tpu.memory_space<vmem>>)
      tpu.yield
    }) : () -> ()
    "tpu.region"() ({
      %run_scoped3A = tpu.sem_alloc : memref<!tpu.dma_semaphore, #tpu.memory_space<semaphore_mem>>
      %dma_start3A_42 = tpu.memref_slice %arg5[%add3A_4] : memref<4096xi32, #tpu.memory_space<hbm>> -> memref<64xi32, #tpu.memory_space<hbm>>
      %dma_start3A_43 = tpu.memref_slice %arg5[%add3A_4] : memref<4096xi32, #tpu.memory_space<hbm>> -> memref<64xi32, #tpu.memory_space<hbm>>
      tpu.enqueue_dma source(%dma_start3A_43 : memref<64xi32, #tpu.memory_space<hbm>>) target(%arg10 : memref<64xi32, #tpu.memory_space<vmem>>) target_semaphore(%run_scoped3A : memref<!tpu.dma_semaphore, #tpu.memory_space<semaphore_mem>>)
      %dma_wait3A_44 = tpu.memref_slice %arg5[%add3A_4] : memref<4096xi32, #tpu.memory_space<hbm>> -> memref<64xi32, #tpu.memory_space<hbm>>
      %dma_wait3A_45 = tpu.memref_slice %arg5[%add3A_4] : memref<4096xi32, #tpu.memory_space<hbm>> -> memref<64xi32, #tpu.memory_space<hbm>>
      tpu.wait_dma2 semaphore(%run_scoped3A : memref<!tpu.dma_semaphore, #tpu.memory_space<semaphore_mem>>) src(%dma_wait3A_45 : memref<64xi32, #tpu.memory_space<hbm>>) dst(%arg10 : memref<64xi32, #tpu.memory_space<vmem>>)
      tpu.yield
    }) : () -> ()
    %dma_start3A = arith.constant 0 : i32
    %dma_start3A_5 = arith.constant 0 : i32
    %dma_start3A_6 = tpu.memref_slice %arg3[%dma_start3A, %dma_start3A_5] : memref<5376x512xf32, #tpu.memory_space<hbm>> -> memref<5376x512xf32, #tpu.memory_space<hbm>>
    tpu.enqueue_indirect_dma source(%dma_start3A_6 : memref<5376x512xf32, #tpu.memory_space<hbm>>) target(%arg13 : memref<64x512xf32, #tpu.memory_space<vmem>>) offsets(%arg9 : memref<64xi32, #tpu.memory_space<vmem>>) semaphore(%arg16 : memref<!tpu.dma_semaphore, #tpu.memory_space<semaphore_mem>>)
    %dma_start3A_7 = arith.constant 0 : i32
    %dma_start3A_8 = arith.constant 0 : i32
    %dma_start3A_9 = tpu.memref_slice %arg3[%dma_start3A_7, %dma_start3A_8] : memref<5376x512xf32, #tpu.memory_space<hbm>> -> memref<5376x512xf32, #tpu.memory_space<hbm>>
    tpu.enqueue_indirect_dma source(%dma_start3A_9 : memref<5376x512xf32, #tpu.memory_space<hbm>>) target(%arg14 : memref<64x512xf32, #tpu.memory_space<vmem>>) offsets(%arg10 : memref<64xi32, #tpu.memory_space<vmem>>) semaphore(%arg17 : memref<!tpu.dma_semaphore, #tpu.memory_space<semaphore_mem>>)
    "tpu.region"() ({
      %run_scoped3A = tpu.sem_alloc : memref<!tpu.dma_semaphore, #tpu.memory_space<semaphore_mem>>
      %dma_start3A_42 = arith.constant 0 : i32
      %dma_start3A_43 = tpu.memref_slice %arg2[%add3A_4, %dma_start3A_42] : memref<4096x512xf32, #tpu.memory_space<hbm>> -> memref<64x512xf32, #tpu.memory_space<hbm>>
      %dma_start3A_44 = arith.constant 0 : i32
      %dma_start3A_45 = tpu.memref_slice %arg2[%add3A_4, %dma_start3A_44] : memref<4096x512xf32, #tpu.memory_space<hbm>> -> memref<64x512xf32, #tpu.memory_space<hbm>>
      tpu.enqueue_dma source(%dma_start3A_45 : memref<64x512xf32, #tpu.memory_space<hbm>>) target(%arg15 : memref<64x512xf32, #tpu.memory_space<vmem>>) target_semaphore(%run_scoped3A : memref<!tpu.dma_semaphore, #tpu.memory_space<semaphore_mem>>)
      %dma_wait3A_46 = arith.constant 0 : i32
      %dma_wait3A_47 = tpu.memref_slice %arg2[%add3A_4, %dma_wait3A_46] : memref<4096x512xf32, #tpu.memory_space<hbm>> -> memref<64x512xf32, #tpu.memory_space<hbm>>
      %dma_wait3A_48 = arith.constant 0 : i32
      %dma_wait3A_49 = tpu.memref_slice %arg2[%add3A_4, %dma_wait3A_48] : memref<4096x512xf32, #tpu.memory_space<hbm>> -> memref<64x512xf32, #tpu.memory_space<hbm>>
      tpu.wait_dma2 semaphore(%run_scoped3A : memref<!tpu.dma_semaphore, #tpu.memory_space<semaphore_mem>>) src(%dma_wait3A_49 : memref<64x512xf32, #tpu.memory_space<hbm>>) dst(%arg15 : memref<64x512xf32, #tpu.memory_space<vmem>>)
      tpu.yield
    }) : () -> ()
    "tpu.region"() ({
      %run_scoped3A = tpu.sem_alloc : memref<!tpu.dma_semaphore, #tpu.memory_space<semaphore_mem>>
      %dma_start3A_42 = arith.constant 0 : i32
      %dma_start3A_43 = tpu.memref_slice %arg6[%add3A_4, %dma_start3A_42] : memref<4096x16xf32, #tpu.memory_space<hbm>> -> memref<64x16xf32, #tpu.memory_space<hbm>>
      %dma_start3A_44 = arith.constant 0 : i32
      %dma_start3A_45 = tpu.memref_slice %arg6[%add3A_4, %dma_start3A_44] : memref<4096x16xf32, #tpu.memory_space<hbm>> -> memref<64x16xf32, #tpu.memory_space<hbm>>
      tpu.enqueue_dma source(%dma_start3A_45 : memref<64x16xf32, #tpu.memory_space<hbm>>) target(%arg11 : memref<64x16xf32, #tpu.memory_space<vmem>>) target_semaphore(%run_scoped3A : memref<!tpu.dma_semaphore, #tpu.memory_space<semaphore_mem>>)
      %dma_wait3A_46 = arith.constant 0 : i32
      %dma_wait3A_47 = tpu.memref_slice %arg6[%add3A_4, %dma_wait3A_46] : memref<4096x16xf32, #tpu.memory_space<hbm>> -> memref<64x16xf32, #tpu.memory_space<hbm>>
      %dma_wait3A_48 = arith.constant 0 : i32
      %dma_wait3A_49 = tpu.memref_slice %arg6[%add3A_4, %dma_wait3A_48] : memref<4096x16xf32, #tpu.memory_space<hbm>> -> memref<64x16xf32, #tpu.memory_space<hbm>>
      tpu.wait_dma2 semaphore(%run_scoped3A : memref<!tpu.dma_semaphore, #tpu.memory_space<semaphore_mem>>) src(%dma_wait3A_49 : memref<64x16xf32, #tpu.memory_space<hbm>>) dst(%arg11 : memref<64x16xf32, #tpu.memory_space<vmem>>)
      tpu.yield
    }) : () -> ()
    "tpu.region"() ({
      %run_scoped3A = tpu.sem_alloc : memref<!tpu.dma_semaphore, #tpu.memory_space<semaphore_mem>>
      %dma_start3A_42 = arith.constant 0 : i32
      %dma_start3A_43 = tpu.memref_slice %arg7[%add3A_4, %dma_start3A_42] : memref<4096x16xf32, #tpu.memory_space<hbm>> -> memref<64x16xf32, #tpu.memory_space<hbm>>
      %dma_start3A_44 = arith.constant 0 : i32
      %dma_start3A_45 = tpu.memref_slice %arg7[%add3A_4, %dma_start3A_44] : memref<4096x16xf32, #tpu.memory_space<hbm>> -> memref<64x16xf32, #tpu.memory_space<hbm>>
      tpu.enqueue_dma source(%dma_start3A_45 : memref<64x16xf32, #tpu.memory_space<hbm>>) target(%arg12 : memref<64x16xf32, #tpu.memory_space<vmem>>) target_semaphore(%run_scoped3A : memref<!tpu.dma_semaphore, #tpu.memory_space<semaphore_mem>>)
      %dma_wait3A_46 = arith.constant 0 : i32
      %dma_wait3A_47 = tpu.memref_slice %arg7[%add3A_4, %dma_wait3A_46] : memref<4096x16xf32, #tpu.memory_space<hbm>> -> memref<64x16xf32, #tpu.memory_space<hbm>>
      %dma_wait3A_48 = arith.constant 0 : i32
      %dma_wait3A_49 = tpu.memref_slice %arg7[%add3A_4, %dma_wait3A_48] : memref<4096x16xf32, #tpu.memory_space<hbm>> -> memref<64x16xf32, #tpu.memory_space<hbm>>
      tpu.wait_dma2 semaphore(%run_scoped3A : memref<!tpu.dma_semaphore, #tpu.memory_space<semaphore_mem>>) src(%dma_wait3A_49 : memref<64x16xf32, #tpu.memory_space<hbm>>) dst(%arg12 : memref<64x16xf32, #tpu.memory_space<vmem>>)
      tpu.yield
    }) : () -> ()
    %dma_wait3A = arith.constant 0 : i32
    %dma_wait3A_10 = arith.constant 0 : i32
    %dma_wait3A_11 = tpu.memref_slice %arg3[%dma_wait3A, %dma_wait3A_10] : memref<5376x512xf32, #tpu.memory_space<hbm>> -> memref<5376x512xf32, #tpu.memory_space<hbm>>
    tpu.wait_indirect_dma semaphore(%arg16 : memref<!tpu.dma_semaphore, #tpu.memory_space<semaphore_mem>>) src(%dma_wait3A_11 : memref<5376x512xf32, #tpu.memory_space<hbm>>) dst(%arg13 : memref<64x512xf32, #tpu.memory_space<vmem>>)
    %dma_wait3A_12 = arith.constant 0 : i32
    %dma_wait3A_13 = arith.constant 0 : i32
    %dma_wait3A_14 = tpu.memref_slice %arg3[%dma_wait3A_12, %dma_wait3A_13] : memref<5376x512xf32, #tpu.memory_space<hbm>> -> memref<5376x512xf32, #tpu.memory_space<hbm>>
    tpu.wait_indirect_dma semaphore(%arg17 : memref<!tpu.dma_semaphore, #tpu.memory_space<semaphore_mem>>) src(%dma_wait3A_14 : memref<5376x512xf32, #tpu.memory_space<hbm>>) dst(%arg14 : memref<64x512xf32, #tpu.memory_space<vmem>>)
    %scan3A = arith.constant 0 : i32
    %scan3A_15 = arith.constant 0 : i32
    %scan3A_16 = arith.constant 64 : i32
    %scan3A_17 = arith.addi %scan3A_15, %scan3A_16 : i32
    %scan3A_18 = arith.constant 1 : i32
    scf.for %scan3A_42 = %scan3A_15 to %scan3A_17 step %scan3A_18  : i32 {
      %get3A = arith.index_cast %scan3A_42 : i32 to index
      %get3A_43 = arith.constant 0 : index
      %get3A_44 = tpu.vector_load %arg11[%get3A, %get3A_43] {strides = array<i32>} : memref<64x16xf32, #tpu.memory_space<vmem>>, vector<1x16xf32>,
      %get3A_45 = vector.shape_cast %get3A_44 : vector<1x16xf32> to vector<16xf32>
      %get3A_46 = arith.index_cast %scan3A_42 : i32 to index
      %get3A_47 = arith.constant 0 : index
      %get3A_48 = tpu.vector_load %arg12[%get3A_46, %get3A_47] {strides = array<i32>} : memref<64x16xf32, #tpu.memory_space<vmem>>, vector<1x16xf32>,
      %get3A_49 = vector.shape_cast %get3A_48 : vector<1x16xf32> to vector<16xf32>
      %get3A_50 = arith.index_cast %scan3A_42 : i32 to index
      %get3A_51 = arith.constant 0 : index
      %get3A_52 = tpu.vector_load %arg15[%get3A_50, %get3A_51] {strides = array<i32>} : memref<64x512xf32, #tpu.memory_space<vmem>>, vector<1x16xf32>,
      %get3A_53 = vector.shape_cast %get3A_52 : vector<1x16xf32> to vector<16xf32>
      %get3A_54 = arith.index_cast %scan3A_42 : i32 to index
      %get3A_55 = arith.constant 0 : index
      %get3A_56 = tpu.vector_load %arg13[%get3A_54, %get3A_55] {strides = array<i32>} : memref<64x512xf32, #tpu.memory_space<vmem>>, vector<1x16xf32>,
      %get3A_57 = vector.shape_cast %get3A_56 : vector<1x16xf32> to vector<16xf32>
      %mul3A_58 = arith.mulf %get3A_45, %get3A_57 : vector<16xf32>
      %add3A_59 = arith.addf %get3A_53, %mul3A_58 : vector<16xf32>
      %get3A_60 = arith.index_cast %scan3A_42 : i32 to index
      %get3A_61 = arith.constant 0 : index
      %get3A_62 = tpu.vector_load %arg14[%get3A_60, %get3A_61] {strides = array<i32>} : memref<64x512xf32, #tpu.memory_space<vmem>>, vector<1x16xf32>,
      %get3A_63 = vector.shape_cast %get3A_62 : vector<1x16xf32> to vector<16xf32>
      %mul3A_64 = arith.mulf %get3A_49, %get3A_63 : vector<16xf32>
      %add3A_65 = arith.addf %add3A_59, %mul3A_64 : vector<16xf32>
      %swap3A = arith.index_cast %scan3A_42 : i32 to index
      %swap3A_66 = arith.constant 0 : index
      %swap3A_67 = tpu.vector_load %arg15[%swap3A, %swap3A_66] {strides = array<i32>} : memref<64x512xf32, #tpu.memory_space<vmem>>, vector<1x16xf32>,
      %swap3A_68 = vector.shape_cast %swap3A_67 : vector<1x16xf32> to vector<16xf32>
      %swap3A_69 = vector.shape_cast %add3A_65 : vector<16xf32> to vector<1x16xf32>
      tpu.vector_store %arg15[%swap3A, %swap3A_66], %swap3A_69 {strides = array<i32>} : memref<64x512xf32, #tpu.memory_space<vmem>>, vector<1x16xf32>,
      %get3A_70 = arith.index_cast %scan3A_42 : i32 to index
      %get3A_71 = arith.constant 16 : index
      %get3A_72 = tpu.vector_load %arg15[%get3A_70, %get3A_71] {strides = array<i32>} : memref<64x512xf32, #tpu.memory_space<vmem>>, vector<1x16xf32>,
      %get3A_73 = vector.shape_cast %get3A_72 : vector<1x16xf32> to vector<16xf32>
      %get3A_74 = arith.index_cast %scan3A_42 : i32 to index
      %get3A_75 = arith.constant 16 : index
      %get3A_76 = tpu.vector_load %arg13[%get3A_74, %get3A_75] {strides = array<i32>} : memref<64x512xf32, #tpu.memory_space<vmem>>, vector<1x16xf32>,
      %get3A_77 = vector.shape_cast %get3A_76 : vector<1x16xf32> to vector<16xf32>
      %mul3A_78 = arith.mulf %get3A_45, %get3A_77 : vector<16xf32>
      %add3A_79 = arith.addf %get3A_73, %mul3A_78 : vector<16xf32>
      %get3A_80 = arith.index_cast %scan3A_42 : i32 to index
      %get3A_81 = arith.constant 16 : index
      %get3A_82 = tpu.vector_load %arg14[%get3A_80, %get3A_81] {strides = array<i32>} : memref<64x512xf32, #tpu.memory_space<vmem>>, vector<1x16xf32>,
      %get3A_83 = vector.shape_cast %get3A_82 : vector<1x16xf32> to vector<16xf32>
      %mul3A_84 = arith.mulf %get3A_49, %get3A_83 : vector<16xf32>
      %add3A_85 = arith.addf %add3A_79, %mul3A_84 : vector<16xf32>
      %swap3A_86 = arith.index_cast %scan3A_42 : i32 to index
      %swap3A_87 = arith.constant 16 : index
      %swap3A_88 = tpu.vector_load %arg15[%swap3A_86, %swap3A_87] {strides = array<i32>} : memref<64x512xf32, #tpu.memory_space<vmem>>, vector<1x16xf32>,
      %swap3A_89 = vector.shape_cast %swap3A_88 : vector<1x16xf32> to vector<16xf32>
      %swap3A_90 = vector.shape_cast %add3A_85 : vector<16xf32> to vector<1x16xf32>
      tpu.vector_store %arg15[%swap3A_86, %swap3A_87], %swap3A_90 {strides = array<i32>} : memref<64x512xf32, #tpu.memory_space<vmem>>, vector<1x16xf32>,
      %get3A_91 = arith.index_cast %scan3A_42 : i32 to index
      %get3A_92 = arith.constant 32 : index
      %get3A_93 = tpu.vector_load %arg15[%get3A_91, %get3A_92] {strides = array<i32>} : memref<64x512xf32, #tpu.memory_space<vmem>>, vector<1x16xf32>,
      %get3A_94 = vector.shape_cast %get3A_93 : vector<1x16xf32> to vector<16xf32>
      %get3A_95 = arith.index_cast %scan3A_42 : i32 to index
      %get3A_96 = arith.constant 32 : index
      %get3A_97 = tpu.vector_load %arg13[%get3A_95, %get3A_96] {strides = array<i32>} : memref<64x512xf32, #tpu.memory_space<vmem>>, vector<1x16xf32>,
      %get3A_98 = vector.shape_cast %get3A_97 : vector<1x16xf32> to vector<16xf32>
      %mul3A_99 = arith.mulf %get3A_45, %get3A_98 : vector<16xf32>
      %add3A_100 = arith.addf %get3A_94, %mul3A_99 : vector<16xf32>
      %get3A_101 = arith.index_cast %scan3A_42 : i32 to index
      %get3A_102 = arith.constant 32 : index
      %get3A_103 = tpu.vector_load %arg14[%get3A_101, %get3A_102] {strides = array<i32>} : memref<64x512xf32, #tpu.memory_space<vmem>>, vector<1x16xf32>,
      %get3A_104 = vector.shape_cast %get3A_103 : vector<1x16xf32> to vector<16xf32>
      %mul3A_105 = arith.mulf %get3A_49, %get3A_104 : vector<16xf32>
      %add3A_106 = arith.addf %add3A_100, %mul3A_105 : vector<16xf32>
      %swap3A_107 = arith.index_cast %scan3A_42 : i32 to index
      %swap3A_108 = arith.constant 32 : index
      %swap3A_109 = tpu.vector_load %arg15[%swap3A_107, %swap3A_108] {strides = array<i32>} : memref<64x512xf32, #tpu.memory_space<vmem>>, vector<1x16xf32>,
      %swap3A_110 = vector.shape_cast %swap3A_109 : vector<1x16xf32> to vector<16xf32>
      %swap3A_111 = vector.shape_cast %add3A_106 : vector<16xf32> to vector<1x16xf32>
      tpu.vector_store %arg15[%swap3A_107, %swap3A_108], %swap3A_111 {strides = array<i32>} : memref<64x512xf32, #tpu.memory_space<vmem>>, vector<1x16xf32>,
      %get3A_112 = arith.index_cast %scan3A_42 : i32 to index
      %get3A_113 = arith.constant 48 : index
      %get3A_114 = tpu.vector_load %arg15[%get3A_112, %get3A_113] {strides = array<i32>} : memref<64x512xf32, #tpu.memory_space<vmem>>, vector<1x16xf32>,
      %get3A_115 = vector.shape_cast %get3A_114 : vector<1x16xf32> to vector<16xf32>
      %get3A_116 = arith.index_cast %scan3A_42 : i32 to index
      %get3A_117 = arith.constant 48 : index
      %get3A_118 = tpu.vector_load %arg13[%get3A_116, %get3A_117] {strides = array<i32>} : memref<64x512xf32, #tpu.memory_space<vmem>>, vector<1x16xf32>,
      %get3A_119 = vector.shape_cast %get3A_118 : vector<1x16xf32> to vector<16xf32>
      %mul3A_120 = arith.mulf %get3A_45, %get3A_119 : vector<16xf32>
      %add3A_121 = arith.addf %get3A_115, %mul3A_120 : vector<16xf32>
      %get3A_122 = arith.index_cast %scan3A_42 : i32 to index
      %get3A_123 = arith.constant 48 : index
      %get3A_124 = tpu.vector_load %arg14[%get3A_122, %get3A_123] {strides = array<i32>} : memref<64x512xf32, #tpu.memory_space<vmem>>, vector<1x16xf32>,
      %get3A_125 = vector.shape_cast %get3A_124 : vector<1x16xf32> to vector<16xf32>
      %mul3A_126 = arith.mulf %get3A_49, %get3A_125 : vector<16xf32>
      %add3A_127 = arith.addf %add3A_121, %mul3A_126 : vector<16xf32>
      %swap3A_128 = arith.index_cast %scan3A_42 : i32 to index
      %swap3A_129 = arith.constant 48 : index
      %swap3A_130 = tpu.vector_load %arg15[%swap3A_128, %swap3A_129] {strides = array<i32>} : memref<64x512xf32, #tpu.memory_space<vmem>>, vector<1x16xf32>,
      %swap3A_131 = vector.shape_cast %swap3A_130 : vector<1x16xf32> to vector<16xf32>
      %swap3A_132 = vector.shape_cast %add3A_127 : vector<16xf32> to vector<1x16xf32>
      tpu.vector_store %arg15[%swap3A_128, %swap3A_129], %swap3A_132 {strides = array<i32>} : memref<64x512xf32, #tpu.memory_space<vmem>>, vector<1x16xf32>,
      %get3A_133 = arith.index_cast %scan3A_42 : i32 to index
      %get3A_134 = arith.constant 64 : index
      %get3A_135 = tpu.vector_load %arg15[%get3A_133, %get3A_134] {strides = array<i32>} : memref<64x512xf32, #tpu.memory_space<vmem>>, vector<1x16xf32>,
      %get3A_136 = vector.shape_cast %get3A_135 : vector<1x16xf32> to vector<16xf32>
      %get3A_137 = arith.index_cast %scan3A_42 : i32 to index
      %get3A_138 = arith.constant 64 : index
      %get3A_139 = tpu.vector_load %arg13[%get3A_137, %get3A_138] {strides = array<i32>} : memref<64x512xf32, #tpu.memory_space<vmem>>, vector<1x16xf32>,
      %get3A_140 = vector.shape_cast %get3A_139 : vector<1x16xf32> to vector<16xf32>
      %mul3A_141 = arith.mulf %get3A_45, %get3A_140 : vector<16xf32>
      %add3A_142 = arith.addf %get3A_136, %mul3A_141 : vector<16xf32>
      %get3A_143 = arith.index_cast %scan3A_42 : i32 to index
      %get3A_144 = arith.constant 64 : index
      %get3A_145 = tpu.vector_load %arg14[%get3A_143, %get3A_144] {strides = array<i32>} : memref<64x512xf32, #tpu.memory_space<vmem>>, vector<1x16xf32>,
      %get3A_146 = vector.shape_cast %get3A_145 : vector<1x16xf32> to vector<16xf32>
      %mul3A_147 = arith.mulf %get3A_49, %get3A_146 : vector<16xf32>
      %add3A_148 = arith.addf %add3A_142, %mul3A_147 : vector<16xf32>
      %swap3A_149 = arith.index_cast %scan3A_42 : i32 to index
      %swap3A_150 = arith.constant 64 : index
      %swap3A_151 = tpu.vector_load %arg15[%swap3A_149, %swap3A_150] {strides = array<i32>} : memref<64x512xf32, #tpu.memory_space<vmem>>, vector<1x16xf32>,
      %swap3A_152 = vector.shape_cast %swap3A_151 : vector<1x16xf32> to vector<16xf32>
      %swap3A_153 = vector.shape_cast %add3A_148 : vector<16xf32> to vector<1x16xf32>
      tpu.vector_store %arg15[%swap3A_149, %swap3A_150], %swap3A_153 {strides = array<i32>} : memref<64x512xf32, #tpu.memory_space<vmem>>, vector<1x16xf32>,
      %get3A_154 = arith.index_cast %scan3A_42 : i32 to index
      %get3A_155 = arith.constant 80 : index
      %get3A_156 = tpu.vector_load %arg15[%get3A_154, %get3A_155] {strides = array<i32>} : memref<64x512xf32, #tpu.memory_space<vmem>>, vector<1x16xf32>,
      %get3A_157 = vector.shape_cast %get3A_156 : vector<1x16xf32> to vector<16xf32>
      %get3A_158 = arith.index_cast %scan3A_42 : i32 to index
      %get3A_159 = arith.constant 80 : index
      %get3A_160 = tpu.vector_load %arg13[%get3A_158, %get3A_159] {strides = array<i32>} : memref<64x512xf32, #tpu.memory_space<vmem>>, vector<1x16xf32>,
      %get3A_161 = vector.shape_cast %get3A_160 : vector<1x16xf32> to vector<16xf32>
      %mul3A_162 = arith.mulf %get3A_45, %get3A_161 : vector<16xf32>
      %add3A_163 = arith.addf %get3A_157, %mul3A_162 : vector<16xf32>
      %get3A_164 = arith.index_cast %scan3A_42 : i32 to index
      %get3A_165 = arith.constant 80 : index
      %get3A_166 = tpu.vector_load %arg14[%get3A_164, %get3A_165] {strides = array<i32>} : memref<64x512xf32, #tpu.memory_space<vmem>>, vector<1x16xf32>,
      %get3A_167 = vector.shape_cast %get3A_166 : vector<1x16xf32> to vector<16xf32>
      %mul3A_168 = arith.mulf %get3A_49, %get3A_167 : vector<16xf32>
      %add3A_169 = arith.addf %add3A_163, %mul3A_168 : vector<16xf32>
      %swap3A_170 = arith.index_cast %scan3A_42 : i32 to index
      %swap3A_171 = arith.constant 80 : index
      %swap3A_172 = tpu.vector_load %arg15[%swap3A_170, %swap3A_171] {strides = array<i32>} : memref<64x512xf32, #tpu.memory_space<vmem>>, vector<1x16xf32>,
      %swap3A_173 = vector.shape_cast %swap3A_172 : vector<1x16xf32> to vector<16xf32>
      %swap3A_174 = vector.shape_cast %add3A_169 : vector<16xf32> to vector<1x16xf32>
      tpu.vector_store %arg15[%swap3A_170, %swap3A_171], %swap3A_174 {strides = array<i32>} : memref<64x512xf32, #tpu.memory_space<vmem>>, vector<1x16xf32>,
      %get3A_175 = arith.index_cast %scan3A_42 : i32 to index
      %get3A_176 = arith.constant 96 : index
      %get3A_177 = tpu.vector_load %arg15[%get3A_175, %get3A_176] {strides = array<i32>} : memref<64x512xf32, #tpu.memory_space<vmem>>, vector<1x16xf32>,
      %get3A_178 = vector.shape_cast %get3A_177 : vector<1x16xf32> to vector<16xf32>
      %get3A_179 = arith.index_cast %scan3A_42 : i32 to index
      %get3A_180 = arith.constant 96 : index
      %get3A_181 = tpu.vector_load %arg13[%get3A_179, %get3A_180] {strides = array<i32>} : memref<64x512xf32, #tpu.memory_space<vmem>>, vector<1x16xf32>,
      %get3A_182 = vector.shape_cast %get3A_181 : vector<1x16xf32> to vector<16xf32>
      %mul3A_183 = arith.mulf %get3A_45, %get3A_182 : vector<16xf32>
      %add3A_184 = arith.addf %get3A_178, %mul3A_183 : vector<16xf32>
      %get3A_185 = arith.index_cast %scan3A_42 : i32 to index
      %get3A_186 = arith.constant 96 : index
      %get3A_187 = tpu.vector_load %arg14[%get3A_185, %get3A_186] {strides = array<i32>} : memref<64x512xf32, #tpu.memory_space<vmem>>, vector<1x16xf32>,
      %get3A_188 = vector.shape_cast %get3A_187 : vector<1x16xf32> to vector<16xf32>
      %mul3A_189 = arith.mulf %get3A_49, %get3A_188 : vector<16xf32>
      %add3A_190 = arith.addf %add3A_184, %mul3A_189 : vector<16xf32>
      %swap3A_191 = arith.index_cast %scan3A_42 : i32 to index
      %swap3A_192 = arith.constant 96 : index
      %swap3A_193 = tpu.vector_load %arg15[%swap3A_191, %swap3A_192] {strides = array<i32>} : memref<64x512xf32, #tpu.memory_space<vmem>>, vector<1x16xf32>,
      %swap3A_194 = vector.shape_cast %swap3A_193 : vector<1x16xf32> to vector<16xf32>
      %swap3A_195 = vector.shape_cast %add3A_190 : vector<16xf32> to vector<1x16xf32>
      tpu.vector_store %arg15[%swap3A_191, %swap3A_192], %swap3A_195 {strides = array<i32>} : memref<64x512xf32, #tpu.memory_space<vmem>>, vector<1x16xf32>,
      %get3A_196 = arith.index_cast %scan3A_42 : i32 to index
      %get3A_197 = arith.constant 112 : index
      %get3A_198 = tpu.vector_load %arg15[%get3A_196, %get3A_197] {strides = array<i32>} : memref<64x512xf32, #tpu.memory_space<vmem>>, vector<1x16xf32>,
      %get3A_199 = vector.shape_cast %get3A_198 : vector<1x16xf32> to vector<16xf32>
      %get3A_200 = arith.index_cast %scan3A_42 : i32 to index
      %get3A_201 = arith.constant 112 : index
      %get3A_202 = tpu.vector_load %arg13[%get3A_200, %get3A_201] {strides = array<i32>} : memref<64x512xf32, #tpu.memory_space<vmem>>, vector<1x16xf32>,
      %get3A_203 = vector.shape_cast %get3A_202 : vector<1x16xf32> to vector<16xf32>
      %mul3A_204 = arith.mulf %get3A_45, %get3A_203 : vector<16xf32>
      %add3A_205 = arith.addf %get3A_199, %mul3A_204 : vector<16xf32>
      %get3A_206 = arith.index_cast %scan3A_42 : i32 to index
      %get3A_207 = arith.constant 112 : index
      %get3A_208 = tpu.vector_load %arg14[%get3A_206, %get3A_207] {strides = array<i32>} : memref<64x512xf32, #tpu.memory_space<vmem>>, vector<1x16xf32>,
      %get3A_209 = vector.shape_cast %get3A_208 : vector<1x16xf32> to vector<16xf32>
      %mul3A_210 = arith.mulf %get3A_49, %get3A_209 : vector<16xf32>
      %add3A_211 = arith.addf %add3A_205, %mul3A_210 : vector<16xf32>
      %swap3A_212 = arith.index_cast %scan3A_42 : i32 to index
      %swap3A_213 = arith.constant 112 : index
      %swap3A_214 = tpu.vector_load %arg15[%swap3A_212, %swap3A_213] {strides = array<i32>} : memref<64x512xf32, #tpu.memory_space<vmem>>, vector<1x16xf32>,
      %swap3A_215 = vector.shape_cast %swap3A_214 : vector<1x16xf32> to vector<16xf32>
      %swap3A_216 = vector.shape_cast %add3A_211 : vector<16xf32> to vector<1x16xf32>
      tpu.vector_store %arg15[%swap3A_212, %swap3A_213], %swap3A_216 {strides = array<i32>} : memref<64x512xf32, #tpu.memory_space<vmem>>, vector<1x16xf32>,
      %get3A_217 = arith.index_cast %scan3A_42 : i32 to index
      %get3A_218 = arith.constant 128 : index
      %get3A_219 = tpu.vector_load %arg15[%get3A_217, %get3A_218] {strides = array<i32>} : memref<64x512xf32, #tpu.memory_space<vmem>>, vector<1x16xf32>,
      %get3A_220 = vector.shape_cast %get3A_219 : vector<1x16xf32> to vector<16xf32>
      %get3A_221 = arith.index_cast %scan3A_42 : i32 to index
      %get3A_222 = arith.constant 128 : index
      %get3A_223 = tpu.vector_load %arg13[%get3A_221, %get3A_222] {strides = array<i32>} : memref<64x512xf32, #tpu.memory_space<vmem>>, vector<1x16xf32>,
      %get3A_224 = vector.shape_cast %get3A_223 : vector<1x16xf32> to vector<16xf32>
      %mul3A_225 = arith.mulf %get3A_45, %get3A_224 : vector<16xf32>
      %add3A_226 = arith.addf %get3A_220, %mul3A_225 : vector<16xf32>
      %get3A_227 = arith.index_cast %scan3A_42 : i32 to index
      %get3A_228 = arith.constant 128 : index
      %get3A_229 = tpu.vector_load %arg14[%get3A_227, %get3A_228] {strides = array<i32>} : memref<64x512xf32, #tpu.memory_space<vmem>>, vector<1x16xf32>,
      %get3A_230 = vector.shape_cast %get3A_229 : vector<1x16xf32> to vector<16xf32>
      %mul3A_231 = arith.mulf %get3A_49, %get3A_230 : vector<16xf32>
      %add3A_232 = arith.addf %add3A_226, %mul3A_231 : vector<16xf32>
      %swap3A_233 = arith.index_cast %scan3A_42 : i32 to index
      %swap3A_234 = arith.constant 128 : index
      %swap3A_235 = tpu.vector_load %arg15[%swap3A_233, %swap3A_234] {strides = array<i32>} : memref<64x512xf32, #tpu.memory_space<vmem>>, vector<1x16xf32>,
      %swap3A_236 = vector.shape_cast %swap3A_235 : vector<1x16xf32> to vector<16xf32>
      %swap3A_237 = vector.shape_cast %add3A_232 : vector<16xf32> to vector<1x16xf32>
      tpu.vector_store %arg15[%swap3A_233, %swap3A_234], %swap3A_237 {strides = array<i32>} : memref<64x512xf32, #tpu.memory_space<vmem>>, vector<1x16xf32>,
      %get3A_238 = arith.index_cast %scan3A_42 : i32 to index
      %get3A_239 = arith.constant 144 : index
      %get3A_240 = tpu.vector_load %arg15[%get3A_238, %get3A_239] {strides = array<i32>} : memref<64x512xf32, #tpu.memory_space<vmem>>, vector<1x16xf32>,
      %get3A_241 = vector.shape_cast %get3A_240 : vector<1x16xf32> to vector<16xf32>
      %get3A_242 = arith.index_cast %scan3A_42 : i32 to index
      %get3A_243 = arith.constant 144 : index
      %get3A_244 = tpu.vector_load %arg13[%get3A_242, %get3A_243] {strides = array<i32>} : memref<64x512xf32, #tpu.memory_space<vmem>>, vector<1x16xf32>,
      %get3A_245 = vector.shape_cast %get3A_244 : vector<1x16xf32> to vector<16xf32>
      %mul3A_246 = arith.mulf %get3A_45, %get3A_245 : vector<16xf32>
      %add3A_247 = arith.addf %get3A_241, %mul3A_246 : vector<16xf32>
      %get3A_248 = arith.index_cast %scan3A_42 : i32 to index
      %get3A_249 = arith.constant 144 : index
      %get3A_250 = tpu.vector_load %arg14[%get3A_248, %get3A_249] {strides = array<i32>} : memref<64x512xf32, #tpu.memory_space<vmem>>, vector<1x16xf32>,
      %get3A_251 = vector.shape_cast %get3A_250 : vector<1x16xf32> to vector<16xf32>
      %mul3A_252 = arith.mulf %get3A_49, %get3A_251 : vector<16xf32>
      %add3A_253 = arith.addf %add3A_247, %mul3A_252 : vector<16xf32>
      %swap3A_254 = arith.index_cast %scan3A_42 : i32 to index
      %swap3A_255 = arith.constant 144 : index
      %swap3A_256 = tpu.vector_load %arg15[%swap3A_254, %swap3A_255] {strides = array<i32>} : memref<64x512xf32, #tpu.memory_space<vmem>>, vector<1x16xf32>,
      %swap3A_257 = vector.shape_cast %swap3A_256 : vector<1x16xf32> to vector<16xf32>
      %swap3A_258 = vector.shape_cast %add3A_253 : vector<16xf32> to vector<1x16xf32>
      tpu.vector_store %arg15[%swap3A_254, %swap3A_255], %swap3A_258 {strides = array<i32>} : memref<64x512xf32, #tpu.memory_space<vmem>>, vector<1x16xf32>,
      %get3A_259 = arith.index_cast %scan3A_42 : i32 to index
      %get3A_260 = arith.constant 160 : index
      %get3A_261 = tpu.vector_load %arg15[%get3A_259, %get3A_260] {strides = array<i32>} : memref<64x512xf32, #tpu.memory_space<vmem>>, vector<1x16xf32>,
      %get3A_262 = vector.shape_cast %get3A_261 : vector<1x16xf32> to vector<16xf32>
      %get3A_263 = arith.index_cast %scan3A_42 : i32 to index
      %get3A_264 = arith.constant 160 : index
      %get3A_265 = tpu.vector_load %arg13[%get3A_263, %get3A_264] {strides = array<i32>} : memref<64x512xf32, #tpu.memory_space<vmem>>, vector<1x16xf32>,
      %get3A_266 = vector.shape_cast %get3A_265 : vector<1x16xf32> to vector<16xf32>
      %mul3A_267 = arith.mulf %get3A_45, %get3A_266 : vector<16xf32>
      %add3A_268 = arith.addf %get3A_262, %mul3A_267 : vector<16xf32>
      %get3A_269 = arith.index_cast %scan3A_42 : i32 to index
      %get3A_270 = arith.constant 160 : index
      %get3A_271 = tpu.vector_load %arg14[%get3A_269, %get3A_270] {strides = array<i32>} : memref<64x512xf32, #tpu.memory_space<vmem>>, vector<1x16xf32>,
      %get3A_272 = vector.shape_cast %get3A_271 : vector<1x16xf32> to vector<16xf32>
      %mul3A_273 = arith.mulf %get3A_49, %get3A_272 : vector<16xf32>
      %add3A_274 = arith.addf %add3A_268, %mul3A_273 : vector<16xf32>
      %swap3A_275 = arith.index_cast %scan3A_42 : i32 to index
      %swap3A_276 = arith.constant 160 : index
      %swap3A_277 = tpu.vector_load %arg15[%swap3A_275, %swap3A_276] {strides = array<i32>} : memref<64x512xf32, #tpu.memory_space<vmem>>, vector<1x16xf32>,
      %swap3A_278 = vector.shape_cast %swap3A_277 : vector<1x16xf32> to vector<16xf32>
      %swap3A_279 = vector.shape_cast %add3A_274 : vector<16xf32> to vector<1x16xf32>
      tpu.vector_store %arg15[%swap3A_275, %swap3A_276], %swap3A_279 {strides = array<i32>} : memref<64x512xf32, #tpu.memory_space<vmem>>, vector<1x16xf32>,
      %get3A_280 = arith.index_cast %scan3A_42 : i32 to index
      %get3A_281 = arith.constant 176 : index
      %get3A_282 = tpu.vector_load %arg15[%get3A_280, %get3A_281] {strides = array<i32>} : memref<64x512xf32, #tpu.memory_space<vmem>>, vector<1x16xf32>,
      %get3A_283 = vector.shape_cast %get3A_282 : vector<1x16xf32> to vector<16xf32>
      %get3A_284 = arith.index_cast %scan3A_42 : i32 to index
      %get3A_285 = arith.constant 176 : index
      %get3A_286 = tpu.vector_load %arg13[%get3A_284, %get3A_285] {strides = array<i32>} : memref<64x512xf32, #tpu.memory_space<vmem>>, vector<1x16xf32>,
      %get3A_287 = vector.shape_cast %get3A_286 : vector<1x16xf32> to vector<16xf32>
      %mul3A_288 = arith.mulf %get3A_45, %get3A_287 : vector<16xf32>
      %add3A_289 = arith.addf %get3A_283, %mul3A_288 : vector<16xf32>
      %get3A_290 = arith.index_cast %scan3A_42 : i32 to index
      %get3A_291 = arith.constant 176 : index
      %get3A_292 = tpu.vector_load %arg14[%get3A_290, %get3A_291] {strides = array<i32>} : memref<64x512xf32, #tpu.memory_space<vmem>>, vector<1x16xf32>,
      %get3A_293 = vector.shape_cast %get3A_292 : vector<1x16xf32> to vector<16xf32>
      %mul3A_294 = arith.mulf %get3A_49, %get3A_293 : vector<16xf32>
      %add3A_295 = arith.addf %add3A_289, %mul3A_294 : vector<16xf32>
      %swap3A_296 = arith.index_cast %scan3A_42 : i32 to index
      %swap3A_297 = arith.constant 176 : index
      %swap3A_298 = tpu.vector_load %arg15[%swap3A_296, %swap3A_297] {strides = array<i32>} : memref<64x512xf32, #tpu.memory_space<vmem>>, vector<1x16xf32>,
      %swap3A_299 = vector.shape_cast %swap3A_298 : vector<1x16xf32> to vector<16xf32>
      %swap3A_300 = vector.shape_cast %add3A_295 : vector<16xf32> to vector<1x16xf32>
      tpu.vector_store %arg15[%swap3A_296, %swap3A_297], %swap3A_300 {strides = array<i32>} : memref<64x512xf32, #tpu.memory_space<vmem>>, vector<1x16xf32>,
      %get3A_301 = arith.index_cast %scan3A_42 : i32 to index
      %get3A_302 = arith.constant 192 : index
      %get3A_303 = tpu.vector_load %arg15[%get3A_301, %get3A_302] {strides = array<i32>} : memref<64x512xf32, #tpu.memory_space<vmem>>, vector<1x16xf32>,
      %get3A_304 = vector.shape_cast %get3A_303 : vector<1x16xf32> to vector<16xf32>
      %get3A_305 = arith.index_cast %scan3A_42 : i32 to index
      %get3A_306 = arith.constant 192 : index
      %get3A_307 = tpu.vector_load %arg13[%get3A_305, %get3A_306] {strides = array<i32>} : memref<64x512xf32, #tpu.memory_space<vmem>>, vector<1x16xf32>,
      %get3A_308 = vector.shape_cast %get3A_307 : vector<1x16xf32> to vector<16xf32>
      %mul3A_309 = arith.mulf %get3A_45, %get3A_308 : vector<16xf32>
      %add3A_310 = arith.addf %get3A_304, %mul3A_309 : vector<16xf32>
      %get3A_311 = arith.index_cast %scan3A_42 : i32 to index
      %get3A_312 = arith.constant 192 : index
      %get3A_313 = tpu.vector_load %arg14[%get3A_311, %get3A_312] {strides = array<i32>} : memref<64x512xf32, #tpu.memory_space<vmem>>, vector<1x16xf32>,
      %get3A_314 = vector.shape_cast %get3A_313 : vector<1x16xf32> to vector<16xf32>
      %mul3A_315 = arith.mulf %get3A_49, %get3A_314 : vector<16xf32>
      %add3A_316 = arith.addf %add3A_310, %mul3A_315 : vector<16xf32>
      %swap3A_317 = arith.index_cast %scan3A_42 : i32 to index
      %swap3A_318 = arith.constant 192 : index
      %swap3A_319 = tpu.vector_load %arg15[%swap3A_317, %swap3A_318] {strides = array<i32>} : memref<64x512xf32, #tpu.memory_space<vmem>>, vector<1x16xf32>,
      %swap3A_320 = vector.shape_cast %swap3A_319 : vector<1x16xf32> to vector<16xf32>
      %swap3A_321 = vector.shape_cast %add3A_316 : vector<16xf32> to vector<1x16xf32>
      tpu.vector_store %arg15[%swap3A_317, %swap3A_318], %swap3A_321 {strides = array<i32>} : memref<64x512xf32, #tpu.memory_space<vmem>>, vector<1x16xf32>,
      %get3A_322 = arith.index_cast %scan3A_42 : i32 to index
      %get3A_323 = arith.constant 208 : index
      %get3A_324 = tpu.vector_load %arg15[%get3A_322, %get3A_323] {strides = array<i32>} : memref<64x512xf32, #tpu.memory_space<vmem>>, vector<1x16xf32>,
      %get3A_325 = vector.shape_cast %get3A_324 : vector<1x16xf32> to vector<16xf32>
      %get3A_326 = arith.index_cast %scan3A_42 : i32 to index
      %get3A_327 = arith.constant 208 : index
      %get3A_328 = tpu.vector_load %arg13[%get3A_326, %get3A_327] {strides = array<i32>} : memref<64x512xf32, #tpu.memory_space<vmem>>, vector<1x16xf32>,
      %get3A_329 = vector.shape_cast %get3A_328 : vector<1x16xf32> to vector<16xf32>
      %mul3A_330 = arith.mulf %get3A_45, %get3A_329 : vector<16xf32>
      %add3A_331 = arith.addf %get3A_325, %mul3A_330 : vector<16xf32>
      %get3A_332 = arith.index_cast %scan3A_42 : i32 to index
      %get3A_333 = arith.constant 208 : index
      %get3A_334 = tpu.vector_load %arg14[%get3A_332, %get3A_333] {strides = array<i32>} : memref<64x512xf32, #tpu.memory_space<vmem>>, vector<1x16xf32>,
      %get3A_335 = vector.shape_cast %get3A_334 : vector<1x16xf32> to vector<16xf32>
      %mul3A_336 = arith.mulf %get3A_49, %get3A_335 : vector<16xf32>
      %add3A_337 = arith.addf %add3A_331, %mul3A_336 : vector<16xf32>
      %swap3A_338 = arith.index_cast %scan3A_42 : i32 to index
      %swap3A_339 = arith.constant 208 : index
      %swap3A_340 = tpu.vector_load %arg15[%swap3A_338, %swap3A_339] {strides = array<i32>} : memref<64x512xf32, #tpu.memory_space<vmem>>, vector<1x16xf32>,
      %swap3A_341 = vector.shape_cast %swap3A_340 : vector<1x16xf32> to vector<16xf32>
      %swap3A_342 = vector.shape_cast %add3A_337 : vector<16xf32> to vector<1x16xf32>
      tpu.vector_store %arg15[%swap3A_338, %swap3A_339], %swap3A_342 {strides = array<i32>} : memref<64x512xf32, #tpu.memory_space<vmem>>, vector<1x16xf32>,
      %get3A_343 = arith.index_cast %scan3A_42 : i32 to index
      %get3A_344 = arith.constant 224 : index
      %get3A_345 = tpu.vector_load %arg15[%get3A_343, %get3A_344] {strides = array<i32>} : memref<64x512xf32, #tpu.memory_space<vmem>>, vector<1x16xf32>,
      %get3A_346 = vector.shape_cast %get3A_345 : vector<1x16xf32> to vector<16xf32>
      %get3A_347 = arith.index_cast %scan3A_42 : i32 to index
      %get3A_348 = arith.constant 224 : index
      %get3A_349 = tpu.vector_load %arg13[%get3A_347, %get3A_348] {strides = array<i32>} : memref<64x512xf32, #tpu.memory_space<vmem>>, vector<1x16xf32>,
      %get3A_350 = vector.shape_cast %get3A_349 : vector<1x16xf32> to vector<16xf32>
      %mul3A_351 = arith.mulf %get3A_45, %get3A_350 : vector<16xf32>
      %add3A_352 = arith.addf %get3A_346, %mul3A_351 : vector<16xf32>
      %get3A_353 = arith.index_cast %scan3A_42 : i32 to index
      %get3A_354 = arith.constant 224 : index
      %get3A_355 = tpu.vector_load %arg14[%get3A_353, %get3A_354] {strides = array<i32>} : memref<64x512xf32, #tpu.memory_space<vmem>>, vector<1x16xf32>,
      %get3A_356 = vector.shape_cast %get3A_355 : vector<1x16xf32> to vector<16xf32>
      %mul3A_357 = arith.mulf %get3A_49, %get3A_356 : vector<16xf32>
      %add3A_358 = arith.addf %add3A_352, %mul3A_357 : vector<16xf32>
      %swap3A_359 = arith.index_cast %scan3A_42 : i32 to index
      %swap3A_360 = arith.constant 224 : index
      %swap3A_361 = tpu.vector_load %arg15[%swap3A_359, %swap3A_360] {strides = array<i32>} : memref<64x512xf32, #tpu.memory_space<vmem>>, vector<1x16xf32>,
      %swap3A_362 = vector.shape_cast %swap3A_361 : vector<1x16xf32> to vector<16xf32>
      %swap3A_363 = vector.shape_cast %add3A_358 : vector<16xf32> to vector<1x16xf32>
      tpu.vector_store %arg15[%swap3A_359, %swap3A_360], %swap3A_363 {strides = array<i32>} : memref<64x512xf32, #tpu.memory_space<vmem>>, vector<1x16xf32>,
      %get3A_364 = arith.index_cast %scan3A_42 : i32 to index
      %get3A_365 = arith.constant 240 : index
      %get3A_366 = tpu.vector_load %arg15[%get3A_364, %get3A_365] {strides = array<i32>} : memref<64x512xf32, #tpu.memory_space<vmem>>, vector<1x16xf32>,
      %get3A_367 = vector.shape_cast %get3A_366 : vector<1x16xf32> to vector<16xf32>
      %get3A_368 = arith.index_cast %scan3A_42 : i32 to index
      %get3A_369 = arith.constant 240 : index
      %get3A_370 = tpu.vector_load %arg13[%get3A_368, %get3A_369] {strides = array<i32>} : memref<64x512xf32, #tpu.memory_space<vmem>>, vector<1x16xf32>,
      %get3A_371 = vector.shape_cast %get3A_370 : vector<1x16xf32> to vector<16xf32>
      %mul3A_372 = arith.mulf %get3A_45, %get3A_371 : vector<16xf32>
      %add3A_373 = arith.addf %get3A_367, %mul3A_372 : vector<16xf32>
      %get3A_374 = arith.index_cast %scan3A_42 : i32 to index
      %get3A_375 = arith.constant 240 : index
      %get3A_376 = tpu.vector_load %arg14[%get3A_374, %get3A_375] {strides = array<i32>} : memref<64x512xf32, #tpu.memory_space<vmem>>, vector<1x16xf32>,
      %get3A_377 = vector.shape_cast %get3A_376 : vector<1x16xf32> to vector<16xf32>
      %mul3A_378 = arith.mulf %get3A_49, %get3A_377 : vector<16xf32>
      %add3A_379 = arith.addf %add3A_373, %mul3A_378 : vector<16xf32>
      %swap3A_380 = arith.index_cast %scan3A_42 : i32 to index
      %swap3A_381 = arith.constant 240 : index
      %swap3A_382 = tpu.vector_load %arg15[%swap3A_380, %swap3A_381] {strides = array<i32>} : memref<64x512xf32, #tpu.memory_space<vmem>>, vector<1x16xf32>,
      %swap3A_383 = vector.shape_cast %swap3A_382 : vector<1x16xf32> to vector<16xf32>
      %swap3A_384 = vector.shape_cast %add3A_379 : vector<16xf32> to vector<1x16xf32>
      tpu.vector_store %arg15[%swap3A_380, %swap3A_381], %swap3A_384 {strides = array<i32>} : memref<64x512xf32, #tpu.memory_space<vmem>>, vector<1x16xf32>,
      %get3A_385 = arith.index_cast %scan3A_42 : i32 to index
      %get3A_386 = arith.constant 256 : index
      %get3A_387 = tpu.vector_load %arg15[%get3A_385, %get3A_386] {strides = array<i32>} : memref<64x512xf32, #tpu.memory_space<vmem>>, vector<1x16xf32>,
      %get3A_388 = vector.shape_cast %get3A_387 : vector<1x16xf32> to vector<16xf32>
      %get3A_389 = arith.index_cast %scan3A_42 : i32 to index
      %get3A_390 = arith.constant 256 : index
      %get3A_391 = tpu.vector_load %arg13[%get3A_389, %get3A_390] {strides = array<i32>} : memref<64x512xf32, #tpu.memory_space<vmem>>, vector<1x16xf32>,
      %get3A_392 = vector.shape_cast %get3A_391 : vector<1x16xf32> to vector<16xf32>
      %mul3A_393 = arith.mulf %get3A_45, %get3A_392 : vector<16xf32>
      %add3A_394 = arith.addf %get3A_388, %mul3A_393 : vector<16xf32>
      %get3A_395 = arith.index_cast %scan3A_42 : i32 to index
      %get3A_396 = arith.constant 256 : index
      %get3A_397 = tpu.vector_load %arg14[%get3A_395, %get3A_396] {strides = array<i32>} : memref<64x512xf32, #tpu.memory_space<vmem>>, vector<1x16xf32>,
      %get3A_398 = vector.shape_cast %get3A_397 : vector<1x16xf32> to vector<16xf32>
      %mul3A_399 = arith.mulf %get3A_49, %get3A_398 : vector<16xf32>
      %add3A_400 = arith.addf %add3A_394, %mul3A_399 : vector<16xf32>
      %swap3A_401 = arith.index_cast %scan3A_42 : i32 to index
      %swap3A_402 = arith.constant 256 : index
      %swap3A_403 = tpu.vector_load %arg15[%swap3A_401, %swap3A_402] {strides = array<i32>} : memref<64x512xf32, #tpu.memory_space<vmem>>, vector<1x16xf32>,
      %swap3A_404 = vector.shape_cast %swap3A_403 : vector<1x16xf32> to vector<16xf32>
      %swap3A_405 = vector.shape_cast %add3A_400 : vector<16xf32> to vector<1x16xf32>
      tpu.vector_store %arg15[%swap3A_401, %swap3A_402], %swap3A_405 {strides = array<i32>} : memref<64x512xf32, #tpu.memory_space<vmem>>, vector<1x16xf32>,
      %get3A_406 = arith.index_cast %scan3A_42 : i32 to index
      %get3A_407 = arith.constant 272 : index
      %get3A_408 = tpu.vector_load %arg15[%get3A_406, %get3A_407] {strides = array<i32>} : memref<64x512xf32, #tpu.memory_space<vmem>>, vector<1x16xf32>,
      %get3A_409 = vector.shape_cast %get3A_408 : vector<1x16xf32> to vector<16xf32>
      %get3A_410 = arith.index_cast %scan3A_42 : i32 to index
      %get3A_411 = arith.constant 272 : index
      %get3A_412 = tpu.vector_load %arg13[%get3A_410, %get3A_411] {strides = array<i32>} : memref<64x512xf32, #tpu.memory_space<vmem>>, vector<1x16xf32>,
      %get3A_413 = vector.shape_cast %get3A_412 : vector<1x16xf32> to vector<16xf32>
      %mul3A_414 = arith.mulf %get3A_45, %get3A_413 : vector<16xf32>
      %add3A_415 = arith.addf %get3A_409, %mul3A_414 : vector<16xf32>
      %get3A_416 = arith.index_cast %scan3A_42 : i32 to index
      %get3A_417 = arith.constant 272 : index
      %get3A_418 = tpu.vector_load %arg14[%get3A_416, %get3A_417] {strides = array<i32>} : memref<64x512xf32, #tpu.memory_space<vmem>>, vector<1x16xf32>,
      %get3A_419 = vector.shape_cast %get3A_418 : vector<1x16xf32> to vector<16xf32>
      %mul3A_420 = arith.mulf %get3A_49, %get3A_419 : vector<16xf32>
      %add3A_421 = arith.addf %add3A_415, %mul3A_420 : vector<16xf32>
      %swap3A_422 = arith.index_cast %scan3A_42 : i32 to index
      %swap3A_423 = arith.constant 272 : index
      %swap3A_424 = tpu.vector_load %arg15[%swap3A_422, %swap3A_423] {strides = array<i32>} : memref<64x512xf32, #tpu.memory_space<vmem>>, vector<1x16xf32>,
      %swap3A_425 = vector.shape_cast %swap3A_424 : vector<1x16xf32> to vector<16xf32>
      %swap3A_426 = vector.shape_cast %add3A_421 : vector<16xf32> to vector<1x16xf32>
      tpu.vector_store %arg15[%swap3A_422, %swap3A_423], %swap3A_426 {strides = array<i32>} : memref<64x512xf32, #tpu.memory_space<vmem>>, vector<1x16xf32>,
      %get3A_427 = arith.index_cast %scan3A_42 : i32 to index
      %get3A_428 = arith.constant 288 : index
      %get3A_429 = tpu.vector_load %arg15[%get3A_427, %get3A_428] {strides = array<i32>} : memref<64x512xf32, #tpu.memory_space<vmem>>, vector<1x16xf32>,
      %get3A_430 = vector.shape_cast %get3A_429 : vector<1x16xf32> to vector<16xf32>
      %get3A_431 = arith.index_cast %scan3A_42 : i32 to index
      %get3A_432 = arith.constant 288 : index
      %get3A_433 = tpu.vector_load %arg13[%get3A_431, %get3A_432] {strides = array<i32>} : memref<64x512xf32, #tpu.memory_space<vmem>>, vector<1x16xf32>,
      %get3A_434 = vector.shape_cast %get3A_433 : vector<1x16xf32> to vector<16xf32>
      %mul3A_435 = arith.mulf %get3A_45, %get3A_434 : vector<16xf32>
      %add3A_436 = arith.addf %get3A_430, %mul3A_435 : vector<16xf32>
      %get3A_437 = arith.index_cast %scan3A_42 : i32 to index
      %get3A_438 = arith.constant 288 : index
      %get3A_439 = tpu.vector_load %arg14[%get3A_437, %get3A_438] {strides = array<i32>} : memref<64x512xf32, #tpu.memory_space<vmem>>, vector<1x16xf32>,
      %get3A_440 = vector.shape_cast %get3A_439 : vector<1x16xf32> to vector<16xf32>
      %mul3A_441 = arith.mulf %get3A_49, %get3A_440 : vector<16xf32>
      %add3A_442 = arith.addf %add3A_436, %mul3A_441 : vector<16xf32>
      %swap3A_443 = arith.index_cast %scan3A_42 : i32 to index
      %swap3A_444 = arith.constant 288 : index
      %swap3A_445 = tpu.vector_load %arg15[%swap3A_443, %swap3A_444] {strides = array<i32>} : memref<64x512xf32, #tpu.memory_space<vmem>>, vector<1x16xf32>,
      %swap3A_446 = vector.shape_cast %swap3A_445 : vector<1x16xf32> to vector<16xf32>
      %swap3A_447 = vector.shape_cast %add3A_442 : vector<16xf32> to vector<1x16xf32>
      tpu.vector_store %arg15[%swap3A_443, %swap3A_444], %swap3A_447 {strides = array<i32>} : memref<64x512xf32, #tpu.memory_space<vmem>>, vector<1x16xf32>,
      %get3A_448 = arith.index_cast %scan3A_42 : i32 to index
      %get3A_449 = arith.constant 304 : index
      %get3A_450 = tpu.vector_load %arg15[%get3A_448, %get3A_449] {strides = array<i32>} : memref<64x512xf32, #tpu.memory_space<vmem>>, vector<1x16xf32>,
      %get3A_451 = vector.shape_cast %get3A_450 : vector<1x16xf32> to vector<16xf32>
      %get3A_452 = arith.index_cast %scan3A_42 : i32 to index
      %get3A_453 = arith.constant 304 : index
      %get3A_454 = tpu.vector_load %arg13[%get3A_452, %get3A_453] {strides = array<i32>} : memref<64x512xf32, #tpu.memory_space<vmem>>, vector<1x16xf32>,
      %get3A_455 = vector.shape_cast %get3A_454 : vector<1x16xf32> to vector<16xf32>
      %mul3A_456 = arith.mulf %get3A_45, %get3A_455 : vector<16xf32>
      %add3A_457 = arith.addf %get3A_451, %mul3A_456 : vector<16xf32>
      %get3A_458 = arith.index_cast %scan3A_42 : i32 to index
      %get3A_459 = arith.constant 304 : index
      %get3A_460 = tpu.vector_load %arg14[%get3A_458, %get3A_459] {strides = array<i32>} : memref<64x512xf32, #tpu.memory_space<vmem>>, vector<1x16xf32>,
      %get3A_461 = vector.shape_cast %get3A_460 : vector<1x16xf32> to vector<16xf32>
      %mul3A_462 = arith.mulf %get3A_49, %get3A_461 : vector<16xf32>
      %add3A_463 = arith.addf %add3A_457, %mul3A_462 : vector<16xf32>
      %swap3A_464 = arith.index_cast %scan3A_42 : i32 to index
      %swap3A_465 = arith.constant 304 : index
      %swap3A_466 = tpu.vector_load %arg15[%swap3A_464, %swap3A_465] {strides = array<i32>} : memref<64x512xf32, #tpu.memory_space<vmem>>, vector<1x16xf32>,
      %swap3A_467 = vector.shape_cast %swap3A_466 : vector<1x16xf32> to vector<16xf32>
      %swap3A_468 = vector.shape_cast %add3A_463 : vector<16xf32> to vector<1x16xf32>
      tpu.vector_store %arg15[%swap3A_464, %swap3A_465], %swap3A_468 {strides = array<i32>} : memref<64x512xf32, #tpu.memory_space<vmem>>, vector<1x16xf32>,
      %get3A_469 = arith.index_cast %scan3A_42 : i32 to index
      %get3A_470 = arith.constant 320 : index
      %get3A_471 = tpu.vector_load %arg15[%get3A_469, %get3A_470] {strides = array<i32>} : memref<64x512xf32, #tpu.memory_space<vmem>>, vector<1x16xf32>,
      %get3A_472 = vector.shape_cast %get3A_471 : vector<1x16xf32> to vector<16xf32>
      %get3A_473 = arith.index_cast %scan3A_42 : i32 to index
      %get3A_474 = arith.constant 320 : index
      %get3A_475 = tpu.vector_load %arg13[%get3A_473, %get3A_474] {strides = array<i32>} : memref<64x512xf32, #tpu.memory_space<vmem>>, vector<1x16xf32>,
      %get3A_476 = vector.shape_cast %get3A_475 : vector<1x16xf32> to vector<16xf32>
      %mul3A_477 = arith.mulf %get3A_45, %get3A_476 : vector<16xf32>
      %add3A_478 = arith.addf %get3A_472, %mul3A_477 : vector<16xf32>
      %get3A_479 = arith.index_cast %scan3A_42 : i32 to index
      %get3A_480 = arith.constant 320 : index
      %get3A_481 = tpu.vector_load %arg14[%get3A_479, %get3A_480] {strides = array<i32>} : memref<64x512xf32, #tpu.memory_space<vmem>>, vector<1x16xf32>,
      %get3A_482 = vector.shape_cast %get3A_481 : vector<1x16xf32> to vector<16xf32>
      %mul3A_483 = arith.mulf %get3A_49, %get3A_482 : vector<16xf32>
      %add3A_484 = arith.addf %add3A_478, %mul3A_483 : vector<16xf32>
      %swap3A_485 = arith.index_cast %scan3A_42 : i32 to index
      %swap3A_486 = arith.constant 320 : index
      %swap3A_487 = tpu.vector_load %arg15[%swap3A_485, %swap3A_486] {strides = array<i32>} : memref<64x512xf32, #tpu.memory_space<vmem>>, vector<1x16xf32>,
      %swap3A_488 = vector.shape_cast %swap3A_487 : vector<1x16xf32> to vector<16xf32>
      %swap3A_489 = vector.shape_cast %add3A_484 : vector<16xf32> to vector<1x16xf32>
      tpu.vector_store %arg15[%swap3A_485, %swap3A_486], %swap3A_489 {strides = array<i32>} : memref<64x512xf32, #tpu.memory_space<vmem>>, vector<1x16xf32>,
      %get3A_490 = arith.index_cast %scan3A_42 : i32 to index
      %get3A_491 = arith.constant 336 : index
      %get3A_492 = tpu.vector_load %arg15[%get3A_490, %get3A_491] {strides = array<i32>} : memref<64x512xf32, #tpu.memory_space<vmem>>, vector<1x16xf32>,
      %get3A_493 = vector.shape_cast %get3A_492 : vector<1x16xf32> to vector<16xf32>
      %get3A_494 = arith.index_cast %scan3A_42 : i32 to index
      %get3A_495 = arith.constant 336 : index
      %get3A_496 = tpu.vector_load %arg13[%get3A_494, %get3A_495] {strides = array<i32>} : memref<64x512xf32, #tpu.memory_space<vmem>>, vector<1x16xf32>,
      %get3A_497 = vector.shape_cast %get3A_496 : vector<1x16xf32> to vector<16xf32>
      %mul3A_498 = arith.mulf %get3A_45, %get3A_497 : vector<16xf32>
      %add3A_499 = arith.addf %get3A_493, %mul3A_498 : vector<16xf32>
      %get3A_500 = arith.index_cast %scan3A_42 : i32 to index
      %get3A_501 = arith.constant 336 : index
      %get3A_502 = tpu.vector_load %arg14[%get3A_500, %get3A_501] {strides = array<i32>} : memref<64x512xf32, #tpu.memory_space<vmem>>, vector<1x16xf32>,
      %get3A_503 = vector.shape_cast %get3A_502 : vector<1x16xf32> to vector<16xf32>
      %mul3A_504 = arith.mulf %get3A_49, %get3A_503 : vector<16xf32>
      %add3A_505 = arith.addf %add3A_499, %mul3A_504 : vector<16xf32>
      %swap3A_506 = arith.index_cast %scan3A_42 : i32 to index
      %swap3A_507 = arith.constant 336 : index
      %swap3A_508 = tpu.vector_load %arg15[%swap3A_506, %swap3A_507] {strides = array<i32>} : memref<64x512xf32, #tpu.memory_space<vmem>>, vector<1x16xf32>,
      %swap3A_509 = vector.shape_cast %swap3A_508 : vector<1x16xf32> to vector<16xf32>
      %swap3A_510 = vector.shape_cast %add3A_505 : vector<16xf32> to vector<1x16xf32>
      tpu.vector_store %arg15[%swap3A_506, %swap3A_507], %swap3A_510 {strides = array<i32>} : memref<64x512xf32, #tpu.memory_space<vmem>>, vector<1x16xf32>,
      %get3A_511 = arith.index_cast %scan3A_42 : i32 to index
      %get3A_512 = arith.constant 352 : index
      %get3A_513 = tpu.vector_load %arg15[%get3A_511, %get3A_512] {strides = array<i32>} : memref<64x512xf32, #tpu.memory_space<vmem>>, vector<1x16xf32>,
      %get3A_514 = vector.shape_cast %get3A_513 : vector<1x16xf32> to vector<16xf32>
      %get3A_515 = arith.index_cast %scan3A_42 : i32 to index
      %get3A_516 = arith.constant 352 : index
      %get3A_517 = tpu.vector_load %arg13[%get3A_515, %get3A_516] {strides = array<i32>} : memref<64x512xf32, #tpu.memory_space<vmem>>, vector<1x16xf32>,
      %get3A_518 = vector.shape_cast %get3A_517 : vector<1x16xf32> to vector<16xf32>
      %mul3A_519 = arith.mulf %get3A_45, %get3A_518 : vector<16xf32>
      %add3A_520 = arith.addf %get3A_514, %mul3A_519 : vector<16xf32>
      %get3A_521 = arith.index_cast %scan3A_42 : i32 to index
      %get3A_522 = arith.constant 352 : index
      %get3A_523 = tpu.vector_load %arg14[%get3A_521, %get3A_522] {strides = array<i32>} : memref<64x512xf32, #tpu.memory_space<vmem>>, vector<1x16xf32>,
      %get3A_524 = vector.shape_cast %get3A_523 : vector<1x16xf32> to vector<16xf32>
      %mul3A_525 = arith.mulf %get3A_49, %get3A_524 : vector<16xf32>
      %add3A_526 = arith.addf %add3A_520, %mul3A_525 : vector<16xf32>
      %swap3A_527 = arith.index_cast %scan3A_42 : i32 to index
      %swap3A_528 = arith.constant 352 : index
      %swap3A_529 = tpu.vector_load %arg15[%swap3A_527, %swap3A_528] {strides = array<i32>} : memref<64x512xf32, #tpu.memory_space<vmem>>, vector<1x16xf32>,
      %swap3A_530 = vector.shape_cast %swap3A_529 : vector<1x16xf32> to vector<16xf32>
      %swap3A_531 = vector.shape_cast %add3A_526 : vector<16xf32> to vector<1x16xf32>
      tpu.vector_store %arg15[%swap3A_527, %swap3A_528], %swap3A_531 {strides = array<i32>} : memref<64x512xf32, #tpu.memory_space<vmem>>, vector<1x16xf32>,
      %get3A_532 = arith.index_cast %scan3A_42 : i32 to index
      %get3A_533 = arith.constant 368 : index
      %get3A_534 = tpu.vector_load %arg15[%get3A_532, %get3A_533] {strides = array<i32>} : memref<64x512xf32, #tpu.memory_space<vmem>>, vector<1x16xf32>,
      %get3A_535 = vector.shape_cast %get3A_534 : vector<1x16xf32> to vector<16xf32>
      %get3A_536 = arith.index_cast %scan3A_42 : i32 to index
      %get3A_537 = arith.constant 368 : index
      %get3A_538 = tpu.vector_load %arg13[%get3A_536, %get3A_537] {strides = array<i32>} : memref<64x512xf32, #tpu.memory_space<vmem>>, vector<1x16xf32>,
      %get3A_539 = vector.shape_cast %get3A_538 : vector<1x16xf32> to vector<16xf32>
      %mul3A_540 = arith.mulf %get3A_45, %get3A_539 : vector<16xf32>
      %add3A_541 = arith.addf %get3A_535, %mul3A_540 : vector<16xf32>
      %get3A_542 = arith.index_cast %scan3A_42 : i32 to index
      %get3A_543 = arith.constant 368 : index
      %get3A_544 = tpu.vector_load %arg14[%get3A_542, %get3A_543] {strides = array<i32>} : memref<64x512xf32, #tpu.memory_space<vmem>>, vector<1x16xf32>,
      %get3A_545 = vector.shape_cast %get3A_544 : vector<1x16xf32> to vector<16xf32>
      %mul3A_546 = arith.mulf %get3A_49, %get3A_545 : vector<16xf32>
      %add3A_547 = arith.addf %add3A_541, %mul3A_546 : vector<16xf32>
      %swap3A_548 = arith.index_cast %scan3A_42 : i32 to index
      %swap3A_549 = arith.constant 368 : index
      %swap3A_550 = tpu.vector_load %arg15[%swap3A_548, %swap3A_549] {strides = array<i32>} : memref<64x512xf32, #tpu.memory_space<vmem>>, vector<1x16xf32>,
      %swap3A_551 = vector.shape_cast %swap3A_550 : vector<1x16xf32> to vector<16xf32>
      %swap3A_552 = vector.shape_cast %add3A_547 : vector<16xf32> to vector<1x16xf32>
      tpu.vector_store %arg15[%swap3A_548, %swap3A_549], %swap3A_552 {strides = array<i32>} : memref<64x512xf32, #tpu.memory_space<vmem>>, vector<1x16xf32>,
      %get3A_553 = arith.index_cast %scan3A_42 : i32 to index
      %get3A_554 = arith.constant 384 : index
      %get3A_555 = tpu.vector_load %arg15[%get3A_553, %get3A_554] {strides = array<i32>} : memref<64x512xf32, #tpu.memory_space<vmem>>, vector<1x16xf32>,
      %get3A_556 = vector.shape_cast %get3A_555 : vector<1x16xf32> to vector<16xf32>
      %get3A_557 = arith.index_cast %scan3A_42 : i32 to index
      %get3A_558 = arith.constant 384 : index
      %get3A_559 = tpu.vector_load %arg13[%get3A_557, %get3A_558] {strides = array<i32>} : memref<64x512xf32, #tpu.memory_space<vmem>>, vector<1x16xf32>,
      %get3A_560 = vector.shape_cast %get3A_559 : vector<1x16xf32> to vector<16xf32>
      %mul3A_561 = arith.mulf %get3A_45, %get3A_560 : vector<16xf32>
      %add3A_562 = arith.addf %get3A_556, %mul3A_561 : vector<16xf32>
      %get3A_563 = arith.index_cast %scan3A_42 : i32 to index
      %get3A_564 = arith.constant 384 : index
      %get3A_565 = tpu.vector_load %arg14[%get3A_563, %get3A_564] {strides = array<i32>} : memref<64x512xf32, #tpu.memory_space<vmem>>, vector<1x16xf32>,
      %get3A_566 = vector.shape_cast %get3A_565 : vector<1x16xf32> to vector<16xf32>
      %mul3A_567 = arith.mulf %get3A_49, %get3A_566 : vector<16xf32>
      %add3A_568 = arith.addf %add3A_562, %mul3A_567 : vector<16xf32>
      %swap3A_569 = arith.index_cast %scan3A_42 : i32 to index
      %swap3A_570 = arith.constant 384 : index
      %swap3A_571 = tpu.vector_load %arg15[%swap3A_569, %swap3A_570] {strides = array<i32>} : memref<64x512xf32, #tpu.memory_space<vmem>>, vector<1x16xf32>,
      %swap3A_572 = vector.shape_cast %swap3A_571 : vector<1x16xf32> to vector<16xf32>
      %swap3A_573 = vector.shape_cast %add3A_568 : vector<16xf32> to vector<1x16xf32>
      tpu.vector_store %arg15[%swap3A_569, %swap3A_570], %swap3A_573 {strides = array<i32>} : memref<64x512xf32, #tpu.memory_space<vmem>>, vector<1x16xf32>,
      %get3A_574 = arith.index_cast %scan3A_42 : i32 to index
      %get3A_575 = arith.constant 400 : index
      %get3A_576 = tpu.vector_load %arg15[%get3A_574, %get3A_575] {strides = array<i32>} : memref<64x512xf32, #tpu.memory_space<vmem>>, vector<1x16xf32>,
      %get3A_577 = vector.shape_cast %get3A_576 : vector<1x16xf32> to vector<16xf32>
      %get3A_578 = arith.index_cast %scan3A_42 : i32 to index
      %get3A_579 = arith.constant 400 : index
      %get3A_580 = tpu.vector_load %arg13[%get3A_578, %get3A_579] {strides = array<i32>} : memref<64x512xf32, #tpu.memory_space<vmem>>, vector<1x16xf32>,
      %get3A_581 = vector.shape_cast %get3A_580 : vector<1x16xf32> to vector<16xf32>
      %mul3A_582 = arith.mulf %get3A_45, %get3A_581 : vector<16xf32>
      %add3A_583 = arith.addf %get3A_577, %mul3A_582 : vector<16xf32>
      %get3A_584 = arith.index_cast %scan3A_42 : i32 to index
      %get3A_585 = arith.constant 400 : index
      %get3A_586 = tpu.vector_load %arg14[%get3A_584, %get3A_585] {strides = array<i32>} : memref<64x512xf32, #tpu.memory_space<vmem>>, vector<1x16xf32>,
      %get3A_587 = vector.shape_cast %get3A_586 : vector<1x16xf32> to vector<16xf32>
      %mul3A_588 = arith.mulf %get3A_49, %get3A_587 : vector<16xf32>
      %add3A_589 = arith.addf %add3A_583, %mul3A_588 : vector<16xf32>
      %swap3A_590 = arith.index_cast %scan3A_42 : i32 to index
      %swap3A_591 = arith.constant 400 : index
      %swap3A_592 = tpu.vector_load %arg15[%swap3A_590, %swap3A_591] {strides = array<i32>} : memref<64x512xf32, #tpu.memory_space<vmem>>, vector<1x16xf32>,
      %swap3A_593 = vector.shape_cast %swap3A_592 : vector<1x16xf32> to vector<16xf32>
      %swap3A_594 = vector.shape_cast %add3A_589 : vector<16xf32> to vector<1x16xf32>
      tpu.vector_store %arg15[%swap3A_590, %swap3A_591], %swap3A_594 {strides = array<i32>} : memref<64x512xf32, #tpu.memory_space<vmem>>, vector<1x16xf32>,
      %get3A_595 = arith.index_cast %scan3A_42 : i32 to index
      %get3A_596 = arith.constant 416 : index
      %get3A_597 = tpu.vector_load %arg15[%get3A_595, %get3A_596] {strides = array<i32>} : memref<64x512xf32, #tpu.memory_space<vmem>>, vector<1x16xf32>,
      %get3A_598 = vector.shape_cast %get3A_597 : vector<1x16xf32> to vector<16xf32>
      %get3A_599 = arith.index_cast %scan3A_42 : i32 to index
      %get3A_600 = arith.constant 416 : index
      %get3A_601 = tpu.vector_load %arg13[%get3A_599, %get3A_600] {strides = array<i32>} : memref<64x512xf32, #tpu.memory_space<vmem>>, vector<1x16xf32>,
      %get3A_602 = vector.shape_cast %get3A_601 : vector<1x16xf32> to vector<16xf32>
      %mul3A_603 = arith.mulf %get3A_45, %get3A_602 : vector<16xf32>
      %add3A_604 = arith.addf %get3A_598, %mul3A_603 : vector<16xf32>
      %get3A_605 = arith.index_cast %scan3A_42 : i32 to index
      %get3A_606 = arith.constant 416 : index
      %get3A_607 = tpu.vector_load %arg14[%get3A_605, %get3A_606] {strides = array<i32>} : memref<64x512xf32, #tpu.memory_space<vmem>>, vector<1x16xf32>,
      %get3A_608 = vector.shape_cast %get3A_607 : vector<1x16xf32> to vector<16xf32>
      %mul3A_609 = arith.mulf %get3A_49, %get3A_608 : vector<16xf32>
      %add3A_610 = arith.addf %add3A_604, %mul3A_609 : vector<16xf32>
      %swap3A_611 = arith.index_cast %scan3A_42 : i32 to index
      %swap3A_612 = arith.constant 416 : index
      %swap3A_613 = tpu.vector_load %arg15[%swap3A_611, %swap3A_612] {strides = array<i32>} : memref<64x512xf32, #tpu.memory_space<vmem>>, vector<1x16xf32>,
      %swap3A_614 = vector.shape_cast %swap3A_613 : vector<1x16xf32> to vector<16xf32>
      %swap3A_615 = vector.shape_cast %add3A_610 : vector<16xf32> to vector<1x16xf32>
      tpu.vector_store %arg15[%swap3A_611, %swap3A_612], %swap3A_615 {strides = array<i32>} : memref<64x512xf32, #tpu.memory_space<vmem>>, vector<1x16xf32>,
      %get3A_616 = arith.index_cast %scan3A_42 : i32 to index
      %get3A_617 = arith.constant 432 : index
      %get3A_618 = tpu.vector_load %arg15[%get3A_616, %get3A_617] {strides = array<i32>} : memref<64x512xf32, #tpu.memory_space<vmem>>, vector<1x16xf32>,
      %get3A_619 = vector.shape_cast %get3A_618 : vector<1x16xf32> to vector<16xf32>
      %get3A_620 = arith.index_cast %scan3A_42 : i32 to index
      %get3A_621 = arith.constant 432 : index
      %get3A_622 = tpu.vector_load %arg13[%get3A_620, %get3A_621] {strides = array<i32>} : memref<64x512xf32, #tpu.memory_space<vmem>>, vector<1x16xf32>,
      %get3A_623 = vector.shape_cast %get3A_622 : vector<1x16xf32> to vector<16xf32>
      %mul3A_624 = arith.mulf %get3A_45, %get3A_623 : vector<16xf32>
      %add3A_625 = arith.addf %get3A_619, %mul3A_624 : vector<16xf32>
      %get3A_626 = arith.index_cast %scan3A_42 : i32 to index
      %get3A_627 = arith.constant 432 : index
      %get3A_628 = tpu.vector_load %arg14[%get3A_626, %get3A_627] {strides = array<i32>} : memref<64x512xf32, #tpu.memory_space<vmem>>, vector<1x16xf32>,
      %get3A_629 = vector.shape_cast %get3A_628 : vector<1x16xf32> to vector<16xf32>
      %mul3A_630 = arith.mulf %get3A_49, %get3A_629 : vector<16xf32>
      %add3A_631 = arith.addf %add3A_625, %mul3A_630 : vector<16xf32>
      %swap3A_632 = arith.index_cast %scan3A_42 : i32 to index
      %swap3A_633 = arith.constant 432 : index
      %swap3A_634 = tpu.vector_load %arg15[%swap3A_632, %swap3A_633] {strides = array<i32>} : memref<64x512xf32, #tpu.memory_space<vmem>>, vector<1x16xf32>,
      %swap3A_635 = vector.shape_cast %swap3A_634 : vector<1x16xf32> to vector<16xf32>
      %swap3A_636 = vector.shape_cast %add3A_631 : vector<16xf32> to vector<1x16xf32>
      tpu.vector_store %arg15[%swap3A_632, %swap3A_633], %swap3A_636 {strides = array<i32>} : memref<64x512xf32, #tpu.memory_space<vmem>>, vector<1x16xf32>,
      %get3A_637 = arith.index_cast %scan3A_42 : i32 to index
      %get3A_638 = arith.constant 448 : index
      %get3A_639 = tpu.vector_load %arg15[%get3A_637, %get3A_638] {strides = array<i32>} : memref<64x512xf32, #tpu.memory_space<vmem>>, vector<1x16xf32>,
      %get3A_640 = vector.shape_cast %get3A_639 : vector<1x16xf32> to vector<16xf32>
      %get3A_641 = arith.index_cast %scan3A_42 : i32 to index
      %get3A_642 = arith.constant 448 : index
      %get3A_643 = tpu.vector_load %arg13[%get3A_641, %get3A_642] {strides = array<i32>} : memref<64x512xf32, #tpu.memory_space<vmem>>, vector<1x16xf32>,
      %get3A_644 = vector.shape_cast %get3A_643 : vector<1x16xf32> to vector<16xf32>
      %mul3A_645 = arith.mulf %get3A_45, %get3A_644 : vector<16xf32>
      %add3A_646 = arith.addf %get3A_640, %mul3A_645 : vector<16xf32>
      %get3A_647 = arith.index_cast %scan3A_42 : i32 to index
      %get3A_648 = arith.constant 448 : index
      %get3A_649 = tpu.vector_load %arg14[%get3A_647, %get3A_648] {strides = array<i32>} : memref<64x512xf32, #tpu.memory_space<vmem>>, vector<1x16xf32>,
      %get3A_650 = vector.shape_cast %get3A_649 : vector<1x16xf32> to vector<16xf32>
      %mul3A_651 = arith.mulf %get3A_49, %get3A_650 : vector<16xf32>
      %add3A_652 = arith.addf %add3A_646, %mul3A_651 : vector<16xf32>
      %swap3A_653 = arith.index_cast %scan3A_42 : i32 to index
      %swap3A_654 = arith.constant 448 : index
      %swap3A_655 = tpu.vector_load %arg15[%swap3A_653, %swap3A_654] {strides = array<i32>} : memref<64x512xf32, #tpu.memory_space<vmem>>, vector<1x16xf32>,
      %swap3A_656 = vector.shape_cast %swap3A_655 : vector<1x16xf32> to vector<16xf32>
      %swap3A_657 = vector.shape_cast %add3A_652 : vector<16xf32> to vector<1x16xf32>
      tpu.vector_store %arg15[%swap3A_653, %swap3A_654], %swap3A_657 {strides = array<i32>} : memref<64x512xf32, #tpu.memory_space<vmem>>, vector<1x16xf32>,
      %get3A_658 = arith.index_cast %scan3A_42 : i32 to index
      %get3A_659 = arith.constant 464 : index
      %get3A_660 = tpu.vector_load %arg15[%get3A_658, %get3A_659] {strides = array<i32>} : memref<64x512xf32, #tpu.memory_space<vmem>>, vector<1x16xf32>,
      %get3A_661 = vector.shape_cast %get3A_660 : vector<1x16xf32> to vector<16xf32>
      %get3A_662 = arith.index_cast %scan3A_42 : i32 to index
      %get3A_663 = arith.constant 464 : index
      %get3A_664 = tpu.vector_load %arg13[%get3A_662, %get3A_663] {strides = array<i32>} : memref<64x512xf32, #tpu.memory_space<vmem>>, vector<1x16xf32>,
      %get3A_665 = vector.shape_cast %get3A_664 : vector<1x16xf32> to vector<16xf32>
      %mul3A_666 = arith.mulf %get3A_45, %get3A_665 : vector<16xf32>
      %add3A_667 = arith.addf %get3A_661, %mul3A_666 : vector<16xf32>
      %get3A_668 = arith.index_cast %scan3A_42 : i32 to index
      %get3A_669 = arith.constant 464 : index
      %get3A_670 = tpu.vector_load %arg14[%get3A_668, %get3A_669] {strides = array<i32>} : memref<64x512xf32, #tpu.memory_space<vmem>>, vector<1x16xf32>,
      %get3A_671 = vector.shape_cast %get3A_670 : vector<1x16xf32> to vector<16xf32>
      %mul3A_672 = arith.mulf %get3A_49, %get3A_671 : vector<16xf32>
      %add3A_673 = arith.addf %add3A_667, %mul3A_672 : vector<16xf32>
      %swap3A_674 = arith.index_cast %scan3A_42 : i32 to index
      %swap3A_675 = arith.constant 464 : index
      %swap3A_676 = tpu.vector_load %arg15[%swap3A_674, %swap3A_675] {strides = array<i32>} : memref<64x512xf32, #tpu.memory_space<vmem>>, vector<1x16xf32>,
      %swap3A_677 = vector.shape_cast %swap3A_676 : vector<1x16xf32> to vector<16xf32>
      %swap3A_678 = vector.shape_cast %add3A_673 : vector<16xf32> to vector<1x16xf32>
      tpu.vector_store %arg15[%swap3A_674, %swap3A_675], %swap3A_678 {strides = array<i32>} : memref<64x512xf32, #tpu.memory_space<vmem>>, vector<1x16xf32>,
      %get3A_679 = arith.index_cast %scan3A_42 : i32 to index
      %get3A_680 = arith.constant 480 : index
      %get3A_681 = tpu.vector_load %arg15[%get3A_679, %get3A_680] {strides = array<i32>} : memref<64x512xf32, #tpu.memory_space<vmem>>, vector<1x16xf32>,
      %get3A_682 = vector.shape_cast %get3A_681 : vector<1x16xf32> to vector<16xf32>
      %get3A_683 = arith.index_cast %scan3A_42 : i32 to index
      %get3A_684 = arith.constant 480 : index
      %get3A_685 = tpu.vector_load %arg13[%get3A_683, %get3A_684] {strides = array<i32>} : memref<64x512xf32, #tpu.memory_space<vmem>>, vector<1x16xf32>,
      %get3A_686 = vector.shape_cast %get3A_685 : vector<1x16xf32> to vector<16xf32>
      %mul3A_687 = arith.mulf %get3A_45, %get3A_686 : vector<16xf32>
      %add3A_688 = arith.addf %get3A_682, %mul3A_687 : vector<16xf32>
      %get3A_689 = arith.index_cast %scan3A_42 : i32 to index
      %get3A_690 = arith.constant 480 : index
      %get3A_691 = tpu.vector_load %arg14[%get3A_689, %get3A_690] {strides = array<i32>} : memref<64x512xf32, #tpu.memory_space<vmem>>, vector<1x16xf32>,
      %get3A_692 = vector.shape_cast %get3A_691 : vector<1x16xf32> to vector<16xf32>
      %mul3A_693 = arith.mulf %get3A_49, %get3A_692 : vector<16xf32>
      %add3A_694 = arith.addf %add3A_688, %mul3A_693 : vector<16xf32>
      %swap3A_695 = arith.index_cast %scan3A_42 : i32 to index
      %swap3A_696 = arith.constant 480 : index
      %swap3A_697 = tpu.vector_load %arg15[%swap3A_695, %swap3A_696] {strides = array<i32>} : memref<64x512xf32, #tpu.memory_space<vmem>>, vector<1x16xf32>,
      %swap3A_698 = vector.shape_cast %swap3A_697 : vector<1x16xf32> to vector<16xf32>
      %swap3A_699 = vector.shape_cast %add3A_694 : vector<16xf32> to vector<1x16xf32>
      tpu.vector_store %arg15[%swap3A_695, %swap3A_696], %swap3A_699 {strides = array<i32>} : memref<64x512xf32, #tpu.memory_space<vmem>>, vector<1x16xf32>,
      %get3A_700 = arith.index_cast %scan3A_42 : i32 to index
      %get3A_701 = arith.constant 496 : index
      %get3A_702 = tpu.vector_load %arg15[%get3A_700, %get3A_701] {strides = array<i32>} : memref<64x512xf32, #tpu.memory_space<vmem>>, vector<1x16xf32>,
      %get3A_703 = vector.shape_cast %get3A_702 : vector<1x16xf32> to vector<16xf32>
      %get3A_704 = arith.index_cast %scan3A_42 : i32 to index
      %get3A_705 = arith.constant 496 : index
      %get3A_706 = tpu.vector_load %arg13[%get3A_704, %get3A_705] {strides = array<i32>} : memref<64x512xf32, #tpu.memory_space<vmem>>, vector<1x16xf32>,
      %get3A_707 = vector.shape_cast %get3A_706 : vector<1x16xf32> to vector<16xf32>
      %mul3A_708 = arith.mulf %get3A_45, %get3A_707 : vector<16xf32>
      %add3A_709 = arith.addf %get3A_703, %mul3A_708 : vector<16xf32>
      %get3A_710 = arith.index_cast %scan3A_42 : i32 to index
      %get3A_711 = arith.constant 496 : index
      %get3A_712 = tpu.vector_load %arg14[%get3A_710, %get3A_711] {strides = array<i32>} : memref<64x512xf32, #tpu.memory_space<vmem>>, vector<1x16xf32>,
      %get3A_713 = vector.shape_cast %get3A_712 : vector<1x16xf32> to vector<16xf32>
      %mul3A_714 = arith.mulf %get3A_49, %get3A_713 : vector<16xf32>
      %add3A_715 = arith.addf %add3A_709, %mul3A_714 : vector<16xf32>
      %swap3A_716 = arith.index_cast %scan3A_42 : i32 to index
      %swap3A_717 = arith.constant 496 : index
      %swap3A_718 = tpu.vector_load %arg15[%swap3A_716, %swap3A_717] {strides = array<i32>} : memref<64x512xf32, #tpu.memory_space<vmem>>, vector<1x16xf32>,
      %swap3A_719 = vector.shape_cast %swap3A_718 : vector<1x16xf32> to vector<16xf32>
      %swap3A_720 = vector.shape_cast %add3A_715 : vector<16xf32> to vector<1x16xf32>
      tpu.vector_store %arg15[%swap3A_716, %swap3A_717], %swap3A_720 {strides = array<i32>} : memref<64x512xf32, #tpu.memory_space<vmem>>, vector<1x16xf32>,
    }
    %scan3A_19 = arith.constant 64 : i32
    "tpu.region"() ({
      %run_scoped3A = tpu.sem_alloc : memref<!tpu.dma_semaphore, #tpu.memory_space<semaphore_mem>>
      %dma_start3A_42 = arith.constant 0 : i32
      %dma_start3A_43 = tpu.memref_slice %arg8[%add3A_4, %dma_start3A_42] : memref<4096x512xf32, #tpu.memory_space<hbm>> -> memref<64x512xf32, #tpu.memory_space<hbm>>
      %dma_start3A_44 = arith.constant 0 : i32
      %dma_start3A_45 = tpu.memref_slice %arg8[%add3A_4, %dma_start3A_44] : memref<4096x512xf32, #tpu.memory_space<hbm>> -> memref<64x512xf32, #tpu.memory_space<hbm>>
      tpu.enqueue_dma source(%arg15 : memref<64x512xf32, #tpu.memory_space<vmem>>) target(%dma_start3A_45 : memref<64x512xf32, #tpu.memory_space<hbm>>) target_semaphore(%run_scoped3A : memref<!tpu.dma_semaphore, #tpu.memory_space<semaphore_mem>>)
      %dma_wait3A_46 = arith.constant 0 : i32
      %dma_wait3A_47 = tpu.memref_slice %arg8[%add3A_4, %dma_wait3A_46] : memref<4096x512xf32, #tpu.memory_space<hbm>> -> memref<64x512xf32, #tpu.memory_space<hbm>>
      %dma_wait3A_48 = arith.constant 0 : i32
      %dma_wait3A_49 = tpu.memref_slice %arg8[%add3A_4, %dma_wait3A_48] : memref<4096x512xf32, #tpu.memory_space<hbm>> -> memref<64x512xf32, #tpu.memory_space<hbm>>
      tpu.wait_dma2 semaphore(%run_scoped3A : memref<!tpu.dma_semaphore, #tpu.memory_space<semaphore_mem>>) src(%arg15 : memref<64x512xf32, #tpu.memory_space<vmem>>) dst(%dma_wait3A_49 : memref<64x512xf32, #tpu.memory_space<hbm>>)
      tpu.yield
    }) : () -> ()
    %mul3A_20 = arith.constant 128 : i32
    %mul3A_21 = arith.muli %add3A, %mul3A_20 : i32
    %add3A_22 = arith.constant 64 : i32
    %add3A_23 = arith.addi %mul3A_21, %add3A_22 : i32
    "tpu.region"() ({
      %run_scoped3A = tpu.sem_alloc : memref<!tpu.dma_semaphore, #tpu.memory_space<semaphore_mem>>
      %dma_start3A_42 = tpu.memref_slice %arg4[%add3A_23] : memref<4096xi32, #tpu.memory_space<hbm>> -> memref<64xi32, #tpu.memory_space<hbm>>
      %dma_start3A_43 = tpu.memref_slice %arg4[%add3A_23] : memref<4096xi32, #tpu.memory_space<hbm>> -> memref<64xi32, #tpu.memory_space<hbm>>
      tpu.enqueue_dma source(%dma_start3A_43 : memref<64xi32, #tpu.memory_space<hbm>>) target(%arg9 : memref<64xi32, #tpu.memory_space<vmem>>) target_semaphore(%run_scoped3A : memref<!tpu.dma_semaphore, #tpu.memory_space<semaphore_mem>>)
      %dma_wait3A_44 = tpu.memref_slice %arg4[%add3A_23] : memref<4096xi32, #tpu.memory_space<hbm>> -> memref<64xi32, #tpu.memory_space<hbm>>
      %dma_wait3A_45 = tpu.memref_slice %arg4[%add3A_23] : memref<4096xi32, #tpu.memory_space<hbm>> -> memref<64xi32, #tpu.memory_space<hbm>>
      tpu.wait_dma2 semaphore(%run_scoped3A : memref<!tpu.dma_semaphore, #tpu.memory_space<semaphore_mem>>) src(%dma_wait3A_45 : memref<64xi32, #tpu.memory_space<hbm>>) dst(%arg9 : memref<64xi32, #tpu.memory_space<vmem>>)
      tpu.yield
    }) : () -> ()
    "tpu.region"() ({
      %run_scoped3A = tpu.sem_alloc : memref<!tpu.dma_semaphore, #tpu.memory_space<semaphore_mem>>
      %dma_start3A_42 = tpu.memref_slice %arg5[%add3A_23] : memref<4096xi32, #tpu.memory_space<hbm>> -> memref<64xi32, #tpu.memory_space<hbm>>
      %dma_start3A_43 = tpu.memref_slice %arg5[%add3A_23] : memref<4096xi32, #tpu.memory_space<hbm>> -> memref<64xi32, #tpu.memory_space<hbm>>
      tpu.enqueue_dma source(%dma_start3A_43 : memref<64xi32, #tpu.memory_space<hbm>>) target(%arg10 : memref<64xi32, #tpu.memory_space<vmem>>) target_semaphore(%run_scoped3A : memref<!tpu.dma_semaphore, #tpu.memory_space<semaphore_mem>>)
      %dma_wait3A_44 = tpu.memref_slice %arg5[%add3A_23] : memref<4096xi32, #tpu.memory_space<hbm>> -> memref<64xi32, #tpu.memory_space<hbm>>
      %dma_wait3A_45 = tpu.memref_slice %arg5[%add3A_23] : memref<4096xi32, #tpu.memory_space<hbm>> -> memref<64xi32, #tpu.memory_space<hbm>>
      tpu.wait_dma2 semaphore(%run_scoped3A : memref<!tpu.dma_semaphore, #tpu.memory_space<semaphore_mem>>) src(%dma_wait3A_45 : memref<64xi32, #tpu.memory_space<hbm>>) dst(%arg10 : memref<64xi32, #tpu.memory_space<vmem>>)
      tpu.yield
    }) : () -> ()
    %dma_start3A_24 = arith.constant 0 : i32
    %dma_start3A_25 = arith.constant 0 : i32
    %dma_start3A_26 = tpu.memref_slice %arg3[%dma_start3A_24, %dma_start3A_25] : memref<5376x512xf32, #tpu.memory_space<hbm>> -> memref<5376x512xf32, #tpu.memory_space<hbm>>
    tpu.enqueue_indirect_dma source(%dma_start3A_26 : memref<5376x512xf32, #tpu.memory_space<hbm>>) target(%arg13 : memref<64x512xf32, #tpu.memory_space<vmem>>) offsets(%arg9 : memref<64xi32, #tpu.memory_space<vmem>>) semaphore(%arg16 : memref<!tpu.dma_semaphore, #tpu.memory_space<semaphore_mem>>)
    %dma_start3A_27 = arith.constant 0 : i32
    %dma_start3A_28 = arith.constant 0 : i32
    %dma_start3A_29 = tpu.memref_slice %arg3[%dma_start3A_27, %dma_start3A_28] : memref<5376x512xf32, #tpu.memory_space<hbm>> -> memref<5376x512xf32, #tpu.memory_space<hbm>>
    tpu.enqueue_indirect_dma source(%dma_start3A_29 : memref<5376x512xf32, #tpu.memory_space<hbm>>) target(%arg14 : memref<64x512xf32, #tpu.memory_space<vmem>>) offsets(%arg10 : memref<64xi32, #tpu.memory_space<vmem>>) semaphore(%arg17 : memref<!tpu.dma_semaphore, #tpu.memory_space<semaphore_mem>>)
    "tpu.region"() ({
      %run_scoped3A = tpu.sem_alloc : memref<!tpu.dma_semaphore, #tpu.memory_space<semaphore_mem>>
      %dma_start3A_42 = arith.constant 0 : i32
      %dma_start3A_43 = tpu.memref_slice %arg2[%add3A_23, %dma_start3A_42] : memref<4096x512xf32, #tpu.memory_space<hbm>> -> memref<64x512xf32, #tpu.memory_space<hbm>>
      %dma_start3A_44 = arith.constant 0 : i32
      %dma_start3A_45 = tpu.memref_slice %arg2[%add3A_23, %dma_start3A_44] : memref<4096x512xf32, #tpu.memory_space<hbm>> -> memref<64x512xf32, #tpu.memory_space<hbm>>
      tpu.enqueue_dma source(%dma_start3A_45 : memref<64x512xf32, #tpu.memory_space<hbm>>) target(%arg15 : memref<64x512xf32, #tpu.memory_space<vmem>>) target_semaphore(%run_scoped3A : memref<!tpu.dma_semaphore, #tpu.memory_space<semaphore_mem>>)
      %dma_wait3A_46 = arith.constant 0 : i32
      %dma_wait3A_47 = tpu.memref_slice %arg2[%add3A_23, %dma_wait3A_46] : memref<4096x512xf32, #tpu.memory_space<hbm>> -> memref<64x512xf32, #tpu.memory_space<hbm>>
      %dma_wait3A_48 = arith.constant 0 : i32
      %dma_wait3A_49 = tpu.memref_slice %arg2[%add3A_23, %dma_wait3A_48] : memref<4096x512xf32, #tpu.memory_space<hbm>> -> memref<64x512xf32, #tpu.memory_space<hbm>>
      tpu.wait_dma2 semaphore(%run_scoped3A : memref<!tpu.dma_semaphore, #tpu.memory_space<semaphore_mem>>) src(%dma_wait3A_49 : memref<64x512xf32, #tpu.memory_space<hbm>>) dst(%arg15 : memref<64x512xf32, #tpu.memory_space<vmem>>)
      tpu.yield
    }) : () -> ()
    "tpu.region"() ({
      %run_scoped3A = tpu.sem_alloc : memref<!tpu.dma_semaphore, #tpu.memory_space<semaphore_mem>>
      %dma_start3A_42 = arith.constant 0 : i32
      %dma_start3A_43 = tpu.memref_slice %arg6[%add3A_23, %dma_start3A_42] : memref<4096x16xf32, #tpu.memory_space<hbm>> -> memref<64x16xf32, #tpu.memory_space<hbm>>
      %dma_start3A_44 = arith.constant 0 : i32
      %dma_start3A_45 = tpu.memref_slice %arg6[%add3A_23, %dma_start3A_44] : memref<4096x16xf32, #tpu.memory_space<hbm>> -> memref<64x16xf32, #tpu.memory_space<hbm>>
      tpu.enqueue_dma source(%dma_start3A_45 : memref<64x16xf32, #tpu.memory_space<hbm>>) target(%arg11 : memref<64x16xf32, #tpu.memory_space<vmem>>) target_semaphore(%run_scoped3A : memref<!tpu.dma_semaphore, #tpu.memory_space<semaphore_mem>>)
      %dma_wait3A_46 = arith.constant 0 : i32
      %dma_wait3A_47 = tpu.memref_slice %arg6[%add3A_23, %dma_wait3A_46] : memref<4096x16xf32, #tpu.memory_space<hbm>> -> memref<64x16xf32, #tpu.memory_space<hbm>>
      %dma_wait3A_48 = arith.constant 0 : i32
      %dma_wait3A_49 = tpu.memref_slice %arg6[%add3A_23, %dma_wait3A_48] : memref<4096x16xf32, #tpu.memory_space<hbm>> -> memref<64x16xf32, #tpu.memory_space<hbm>>
      tpu.wait_dma2 semaphore(%run_scoped3A : memref<!tpu.dma_semaphore, #tpu.memory_space<semaphore_mem>>) src(%dma_wait3A_49 : memref<64x16xf32, #tpu.memory_space<hbm>>) dst(%arg11 : memref<64x16xf32, #tpu.memory_space<vmem>>)
      tpu.yield
    }) : () -> ()
    "tpu.region"() ({
      %run_scoped3A = tpu.sem_alloc : memref<!tpu.dma_semaphore, #tpu.memory_space<semaphore_mem>>
      %dma_start3A_42 = arith.constant 0 : i32
      %dma_start3A_43 = tpu.memref_slice %arg7[%add3A_23, %dma_start3A_42] : memref<4096x16xf32, #tpu.memory_space<hbm>> -> memref<64x16xf32, #tpu.memory_space<hbm>>
      %dma_start3A_44 = arith.constant 0 : i32
      %dma_start3A_45 = tpu.memref_slice %arg7[%add3A_23, %dma_start3A_44] : memref<4096x16xf32, #tpu.memory_space<hbm>> -> memref<64x16xf32, #tpu.memory_space<hbm>>
      tpu.enqueue_dma source(%dma_start3A_45 : memref<64x16xf32, #tpu.memory_space<hbm>>) target(%arg12 : memref<64x16xf32, #tpu.memory_space<vmem>>) target_semaphore(%run_scoped3A : memref<!tpu.dma_semaphore, #tpu.memory_space<semaphore_mem>>)
      %dma_wait3A_46 = arith.constant 0 : i32
      %dma_wait3A_47 = tpu.memref_slice %arg7[%add3A_23, %dma_wait3A_46] : memref<4096x16xf32, #tpu.memory_space<hbm>> -> memref<64x16xf32, #tpu.memory_space<hbm>>
      %dma_wait3A_48 = arith.constant 0 : i32
      %dma_wait3A_49 = tpu.memref_slice %arg7[%add3A_23, %dma_wait3A_48] : memref<4096x16xf32, #tpu.memory_space<hbm>> -> memref<64x16xf32, #tpu.memory_space<hbm>>
      tpu.wait_dma2 semaphore(%run_scoped3A : memref<!tpu.dma_semaphore, #tpu.memory_space<semaphore_mem>>) src(%dma_wait3A_49 : memref<64x16xf32, #tpu.memory_space<hbm>>) dst(%arg12 : memref<64x16xf32, #tpu.memory_space<vmem>>)
      tpu.yield
    }) : () -> ()
    %dma_wait3A_30 = arith.constant 0 : i32
    %dma_wait3A_31 = arith.constant 0 : i32
    %dma_wait3A_32 = tpu.memref_slice %arg3[%dma_wait3A_30, %dma_wait3A_31] : memref<5376x512xf32, #tpu.memory_space<hbm>> -> memref<5376x512xf32, #tpu.memory_space<hbm>>
    tpu.wait_indirect_dma semaphore(%arg16 : memref<!tpu.dma_semaphore, #tpu.memory_space<semaphore_mem>>) src(%dma_wait3A_32 : memref<5376x512xf32, #tpu.memory_space<hbm>>) dst(%arg13 : memref<64x512xf32, #tpu.memory_space<vmem>>)
    %dma_wait3A_33 = arith.constant 0 : i32
    %dma_wait3A_34 = arith.constant 0 : i32
    %dma_wait3A_35 = tpu.memref_slice %arg3[%dma_wait3A_33, %dma_wait3A_34] : memref<5376x512xf32, #tpu.memory_space<hbm>> -> memref<5376x512xf32, #tpu.memory_space<hbm>>
    tpu.wait_indirect_dma semaphore(%arg17 : memref<!tpu.dma_semaphore, #tpu.memory_space<semaphore_mem>>) src(%dma_wait3A_35 : memref<5376x512xf32, #tpu.memory_space<hbm>>) dst(%arg14 : memref<64x512xf32, #tpu.memory_space<vmem>>)
    %scan3A_36 = arith.constant 0 : i32
    %scan3A_37 = arith.constant 0 : i32
    %scan3A_38 = arith.constant 64 : i32
    %scan3A_39 = arith.addi %scan3A_37, %scan3A_38 : i32
    %scan3A_40 = arith.constant 1 : i32
    scf.for %scan3A_42 = %scan3A_37 to %scan3A_39 step %scan3A_40  : i32 {
      %get3A = arith.index_cast %scan3A_42 : i32 to index
      %get3A_43 = arith.constant 0 : index
      %get3A_44 = tpu.vector_load %arg11[%get3A, %get3A_43] {strides = array<i32>} : memref<64x16xf32, #tpu.memory_space<vmem>>, vector<1x16xf32>,
      %get3A_45 = vector.shape_cast %get3A_44 : vector<1x16xf32> to vector<16xf32>
      %get3A_46 = arith.index_cast %scan3A_42 : i32 to index
      %get3A_47 = arith.constant 0 : index
      %get3A_48 = tpu.vector_load %arg12[%get3A_46, %get3A_47] {strides = array<i32>} : memref<64x16xf32, #tpu.memory_space<vmem>>, vector<1x16xf32>,
      %get3A_49 = vector.shape_cast %get3A_48 : vector<1x16xf32> to vector<16xf32>
      %get3A_50 = arith.index_cast %scan3A_42 : i32 to index
      %get3A_51 = arith.constant 0 : index
      %get3A_52 = tpu.vector_load %arg15[%get3A_50, %get3A_51] {strides = array<i32>} : memref<64x512xf32, #tpu.memory_space<vmem>>, vector<1x16xf32>,
      %get3A_53 = vector.shape_cast %get3A_52 : vector<1x16xf32> to vector<16xf32>
      %get3A_54 = arith.index_cast %scan3A_42 : i32 to index
      %get3A_55 = arith.constant 0 : index
      %get3A_56 = tpu.vector_load %arg13[%get3A_54, %get3A_55] {strides = array<i32>} : memref<64x512xf32, #tpu.memory_space<vmem>>, vector<1x16xf32>,
      %get3A_57 = vector.shape_cast %get3A_56 : vector<1x16xf32> to vector<16xf32>
      %mul3A_58 = arith.mulf %get3A_45, %get3A_57 : vector<16xf32>
      %add3A_59 = arith.addf %get3A_53, %mul3A_58 : vector<16xf32>
      %get3A_60 = arith.index_cast %scan3A_42 : i32 to index
      %get3A_61 = arith.constant 0 : index
      %get3A_62 = tpu.vector_load %arg14[%get3A_60, %get3A_61] {strides = array<i32>} : memref<64x512xf32, #tpu.memory_space<vmem>>, vector<1x16xf32>,
      %get3A_63 = vector.shape_cast %get3A_62 : vector<1x16xf32> to vector<16xf32>
      %mul3A_64 = arith.mulf %get3A_49, %get3A_63 : vector<16xf32>
      %add3A_65 = arith.addf %add3A_59, %mul3A_64 : vector<16xf32>
      %swap3A = arith.index_cast %scan3A_42 : i32 to index
      %swap3A_66 = arith.constant 0 : index
      %swap3A_67 = tpu.vector_load %arg15[%swap3A, %swap3A_66] {strides = array<i32>} : memref<64x512xf32, #tpu.memory_space<vmem>>, vector<1x16xf32>,
      %swap3A_68 = vector.shape_cast %swap3A_67 : vector<1x16xf32> to vector<16xf32>
      %swap3A_69 = vector.shape_cast %add3A_65 : vector<16xf32> to vector<1x16xf32>
      tpu.vector_store %arg15[%swap3A, %swap3A_66], %swap3A_69 {strides = array<i32>} : memref<64x512xf32, #tpu.memory_space<vmem>>, vector<1x16xf32>,
      %get3A_70 = arith.index_cast %scan3A_42 : i32 to index
      %get3A_71 = arith.constant 16 : index
      %get3A_72 = tpu.vector_load %arg15[%get3A_70, %get3A_71] {strides = array<i32>} : memref<64x512xf32, #tpu.memory_space<vmem>>, vector<1x16xf32>,
      %get3A_73 = vector.shape_cast %get3A_72 : vector<1x16xf32> to vector<16xf32>
      %get3A_74 = arith.index_cast %scan3A_42 : i32 to index
      %get3A_75 = arith.constant 16 : index
      %get3A_76 = tpu.vector_load %arg13[%get3A_74, %get3A_75] {strides = array<i32>} : memref<64x512xf32, #tpu.memory_space<vmem>>, vector<1x16xf32>,
      %get3A_77 = vector.shape_cast %get3A_76 : vector<1x16xf32> to vector<16xf32>
      %mul3A_78 = arith.mulf %get3A_45, %get3A_77 : vector<16xf32>
      %add3A_79 = arith.addf %get3A_73, %mul3A_78 : vector<16xf32>
      %get3A_80 = arith.index_cast %scan3A_42 : i32 to index
      %get3A_81 = arith.constant 16 : index
      %get3A_82 = tpu.vector_load %arg14[%get3A_80, %get3A_81] {strides = array<i32>} : memref<64x512xf32, #tpu.memory_space<vmem>>, vector<1x16xf32>,
      %get3A_83 = vector.shape_cast %get3A_82 : vector<1x16xf32> to vector<16xf32>
      %mul3A_84 = arith.mulf %get3A_49, %get3A_83 : vector<16xf32>
      %add3A_85 = arith.addf %add3A_79, %mul3A_84 : vector<16xf32>
      %swap3A_86 = arith.index_cast %scan3A_42 : i32 to index
      %swap3A_87 = arith.constant 16 : index
      %swap3A_88 = tpu.vector_load %arg15[%swap3A_86, %swap3A_87] {strides = array<i32>} : memref<64x512xf32, #tpu.memory_space<vmem>>, vector<1x16xf32>,
      %swap3A_89 = vector.shape_cast %swap3A_88 : vector<1x16xf32> to vector<16xf32>
      %swap3A_90 = vector.shape_cast %add3A_85 : vector<16xf32> to vector<1x16xf32>
      tpu.vector_store %arg15[%swap3A_86, %swap3A_87], %swap3A_90 {strides = array<i32>} : memref<64x512xf32, #tpu.memory_space<vmem>>, vector<1x16xf32>,
      %get3A_91 = arith.index_cast %scan3A_42 : i32 to index
      %get3A_92 = arith.constant 32 : index
      %get3A_93 = tpu.vector_load %arg15[%get3A_91, %get3A_92] {strides = array<i32>} : memref<64x512xf32, #tpu.memory_space<vmem>>, vector<1x16xf32>,
      %get3A_94 = vector.shape_cast %get3A_93 : vector<1x16xf32> to vector<16xf32>
      %get3A_95 = arith.index_cast %scan3A_42 : i32 to index
      %get3A_96 = arith.constant 32 : index
      %get3A_97 = tpu.vector_load %arg13[%get3A_95, %get3A_96] {strides = array<i32>} : memref<64x512xf32, #tpu.memory_space<vmem>>, vector<1x16xf32>,
      %get3A_98 = vector.shape_cast %get3A_97 : vector<1x16xf32> to vector<16xf32>
      %mul3A_99 = arith.mulf %get3A_45, %get3A_98 : vector<16xf32>
      %add3A_100 = arith.addf %get3A_94, %mul3A_99 : vector<16xf32>
      %get3A_101 = arith.index_cast %scan3A_42 : i32 to index
      %get3A_102 = arith.constant 32 : index
      %get3A_103 = tpu.vector_load %arg14[%get3A_101, %get3A_102] {strides = array<i32>} : memref<64x512xf32, #tpu.memory_space<vmem>>, vector<1x16xf32>,
      %get3A_104 = vector.shape_cast %get3A_103 : vector<1x16xf32> to vector<16xf32>
      %mul3A_105 = arith.mulf %get3A_49, %get3A_104 : vector<16xf32>
      %add3A_106 = arith.addf %add3A_100, %mul3A_105 : vector<16xf32>
      %swap3A_107 = arith.index_cast %scan3A_42 : i32 to index
      %swap3A_108 = arith.constant 32 : index
      %swap3A_109 = tpu.vector_load %arg15[%swap3A_107, %swap3A_108] {strides = array<i32>} : memref<64x512xf32, #tpu.memory_space<vmem>>, vector<1x16xf32>,
      %swap3A_110 = vector.shape_cast %swap3A_109 : vector<1x16xf32> to vector<16xf32>
      %swap3A_111 = vector.shape_cast %add3A_106 : vector<16xf32> to vector<1x16xf32>
      tpu.vector_store %arg15[%swap3A_107, %swap3A_108], %swap3A_111 {strides = array<i32>} : memref<64x512xf32, #tpu.memory_space<vmem>>, vector<1x16xf32>,
      %get3A_112 = arith.index_cast %scan3A_42 : i32 to index
      %get3A_113 = arith.constant 48 : index
      %get3A_114 = tpu.vector_load %arg15[%get3A_112, %get3A_113] {strides = array<i32>} : memref<64x512xf32, #tpu.memory_space<vmem>>, vector<1x16xf32>,
      %get3A_115 = vector.shape_cast %get3A_114 : vector<1x16xf32> to vector<16xf32>
      %get3A_116 = arith.index_cast %scan3A_42 : i32 to index
      %get3A_117 = arith.constant 48 : index
      %get3A_118 = tpu.vector_load %arg13[%get3A_116, %get3A_117] {strides = array<i32>} : memref<64x512xf32, #tpu.memory_space<vmem>>, vector<1x16xf32>,
      %get3A_119 = vector.shape_cast %get3A_118 : vector<1x16xf32> to vector<16xf32>
      %mul3A_120 = arith.mulf %get3A_45, %get3A_119 : vector<16xf32>
      %add3A_121 = arith.addf %get3A_115, %mul3A_120 : vector<16xf32>
      %get3A_122 = arith.index_cast %scan3A_42 : i32 to index
      %get3A_123 = arith.constant 48 : index
      %get3A_124 = tpu.vector_load %arg14[%get3A_122, %get3A_123] {strides = array<i32>} : memref<64x512xf32, #tpu.memory_space<vmem>>, vector<1x16xf32>,
      %get3A_125 = vector.shape_cast %get3A_124 : vector<1x16xf32> to vector<16xf32>
      %mul3A_126 = arith.mulf %get3A_49, %get3A_125 : vector<16xf32>
      %add3A_127 = arith.addf %add3A_121, %mul3A_126 : vector<16xf32>
      %swap3A_128 = arith.index_cast %scan3A_42 : i32 to index
      %swap3A_129 = arith.constant 48 : index
      %swap3A_130 = tpu.vector_load %arg15[%swap3A_128, %swap3A_129] {strides = array<i32>} : memref<64x512xf32, #tpu.memory_space<vmem>>, vector<1x16xf32>,
      %swap3A_131 = vector.shape_cast %swap3A_130 : vector<1x16xf32> to vector<16xf32>
      %swap3A_132 = vector.shape_cast %add3A_127 : vector<16xf32> to vector<1x16xf32>
      tpu.vector_store %arg15[%swap3A_128, %swap3A_129], %swap3A_132 {strides = array<i32>} : memref<64x512xf32, #tpu.memory_space<vmem>>, vector<1x16xf32>,
      %get3A_133 = arith.index_cast %scan3A_42 : i32 to index
      %get3A_134 = arith.constant 64 : index
      %get3A_135 = tpu.vector_load %arg15[%get3A_133, %get3A_134] {strides = array<i32>} : memref<64x512xf32, #tpu.memory_space<vmem>>, vector<1x16xf32>,
      %get3A_136 = vector.shape_cast %get3A_135 : vector<1x16xf32> to vector<16xf32>
      %get3A_137 = arith.index_cast %scan3A_42 : i32 to index
      %get3A_138 = arith.constant 64 : index
      %get3A_139 = tpu.vector_load %arg13[%get3A_137, %get3A_138] {strides = array<i32>} : memref<64x512xf32, #tpu.memory_space<vmem>>, vector<1x16xf32>,
      %get3A_140 = vector.shape_cast %get3A_139 : vector<1x16xf32> to vector<16xf32>
      %mul3A_141 = arith.mulf %get3A_45, %get3A_140 : vector<16xf32>
      %add3A_142 = arith.addf %get3A_136, %mul3A_141 : vector<16xf32>
      %get3A_143 = arith.index_cast %scan3A_42 : i32 to index
      %get3A_144 = arith.constant 64 : index
      %get3A_145 = tpu.vector_load %arg14[%get3A_143, %get3A_144] {strides = array<i32>} : memref<64x512xf32, #tpu.memory_space<vmem>>, vector<1x16xf32>,
      %get3A_146 = vector.shape_cast %get3A_145 : vector<1x16xf32> to vector<16xf32>
      %mul3A_147 = arith.mulf %get3A_49, %get3A_146 : vector<16xf32>
      %add3A_148 = arith.addf %add3A_142, %mul3A_147 : vector<16xf32>
      %swap3A_149 = arith.index_cast %scan3A_42 : i32 to index
      %swap3A_150 = arith.constant 64 : index
      %swap3A_151 = tpu.vector_load %arg15[%swap3A_149, %swap3A_150] {strides = array<i32>} : memref<64x512xf32, #tpu.memory_space<vmem>>, vector<1x16xf32>,
      %swap3A_152 = vector.shape_cast %swap3A_151 : vector<1x16xf32> to vector<16xf32>
      %swap3A_153 = vector.shape_cast %add3A_148 : vector<16xf32> to vector<1x16xf32>
      tpu.vector_store %arg15[%swap3A_149, %swap3A_150], %swap3A_153 {strides = array<i32>} : memref<64x512xf32, #tpu.memory_space<vmem>>, vector<1x16xf32>,
      %get3A_154 = arith.index_cast %scan3A_42 : i32 to index
      %get3A_155 = arith.constant 80 : index
      %get3A_156 = tpu.vector_load %arg15[%get3A_154, %get3A_155] {strides = array<i32>} : memref<64x512xf32, #tpu.memory_space<vmem>>, vector<1x16xf32>,
      %get3A_157 = vector.shape_cast %get3A_156 : vector<1x16xf32> to vector<16xf32>
      %get3A_158 = arith.index_cast %scan3A_42 : i32 to index
      %get3A_159 = arith.constant 80 : index
      %get3A_160 = tpu.vector_load %arg13[%get3A_158, %get3A_159] {strides = array<i32>} : memref<64x512xf32, #tpu.memory_space<vmem>>, vector<1x16xf32>,
      %get3A_161 = vector.shape_cast %get3A_160 : vector<1x16xf32> to vector<16xf32>
      %mul3A_162 = arith.mulf %get3A_45, %get3A_161 : vector<16xf32>
      %add3A_163 = arith.addf %get3A_157, %mul3A_162 : vector<16xf32>
      %get3A_164 = arith.index_cast %scan3A_42 : i32 to index
      %get3A_165 = arith.constant 80 : index
      %get3A_166 = tpu.vector_load %arg14[%get3A_164, %get3A_165] {strides = array<i32>} : memref<64x512xf32, #tpu.memory_space<vmem>>, vector<1x16xf32>,
      %get3A_167 = vector.shape_cast %get3A_166 : vector<1x16xf32> to vector<16xf32>
      %mul3A_168 = arith.mulf %get3A_49, %get3A_167 : vector<16xf32>
      %add3A_169 = arith.addf %add3A_163, %mul3A_168 : vector<16xf32>
      %swap3A_170 = arith.index_cast %scan3A_42 : i32 to index
      %swap3A_171 = arith.constant 80 : index
      %swap3A_172 = tpu.vector_load %arg15[%swap3A_170, %swap3A_171] {strides = array<i32>} : memref<64x512xf32, #tpu.memory_space<vmem>>, vector<1x16xf32>,
      %swap3A_173 = vector.shape_cast %swap3A_172 : vector<1x16xf32> to vector<16xf32>
      %swap3A_174 = vector.shape_cast %add3A_169 : vector<16xf32> to vector<1x16xf32>
      tpu.vector_store %arg15[%swap3A_170, %swap3A_171], %swap3A_174 {strides = array<i32>} : memref<64x512xf32, #tpu.memory_space<vmem>>, vector<1x16xf32>,
      %get3A_175 = arith.index_cast %scan3A_42 : i32 to index
      %get3A_176 = arith.constant 96 : index
      %get3A_177 = tpu.vector_load %arg15[%get3A_175, %get3A_176] {strides = array<i32>} : memref<64x512xf32, #tpu.memory_space<vmem>>, vector<1x16xf32>,
      %get3A_178 = vector.shape_cast %get3A_177 : vector<1x16xf32> to vector<16xf32>
      %get3A_179 = arith.index_cast %scan3A_42 : i32 to index
      %get3A_180 = arith.constant 96 : index
      %get3A_181 = tpu.vector_load %arg13[%get3A_179, %get3A_180] {strides = array<i32>} : memref<64x512xf32, #tpu.memory_space<vmem>>, vector<1x16xf32>,
      %get3A_182 = vector.shape_cast %get3A_181 : vector<1x16xf32> to vector<16xf32>
      %mul3A_183 = arith.mulf %get3A_45, %get3A_182 : vector<16xf32>
      %add3A_184 = arith.addf %get3A_178, %mul3A_183 : vector<16xf32>
      %get3A_185 = arith.index_cast %scan3A_42 : i32 to index
      %get3A_186 = arith.constant 96 : index
      %get3A_187 = tpu.vector_load %arg14[%get3A_185, %get3A_186] {strides = array<i32>} : memref<64x512xf32, #tpu.memory_space<vmem>>, vector<1x16xf32>,
      %get3A_188 = vector.shape_cast %get3A_187 : vector<1x16xf32> to vector<16xf32>
      %mul3A_189 = arith.mulf %get3A_49, %get3A_188 : vector<16xf32>
      %add3A_190 = arith.addf %add3A_184, %mul3A_189 : vector<16xf32>
      %swap3A_191 = arith.index_cast %scan3A_42 : i32 to index
      %swap3A_192 = arith.constant 96 : index
      %swap3A_193 = tpu.vector_load %arg15[%swap3A_191, %swap3A_192] {strides = array<i32>} : memref<64x512xf32, #tpu.memory_space<vmem>>, vector<1x16xf32>,
      %swap3A_194 = vector.shape_cast %swap3A_193 : vector<1x16xf32> to vector<16xf32>
      %swap3A_195 = vector.shape_cast %add3A_190 : vector<16xf32> to vector<1x16xf32>
      tpu.vector_store %arg15[%swap3A_191, %swap3A_192], %swap3A_195 {strides = array<i32>} : memref<64x512xf32, #tpu.memory_space<vmem>>, vector<1x16xf32>,
      %get3A_196 = arith.index_cast %scan3A_42 : i32 to index
      %get3A_197 = arith.constant 112 : index
      %get3A_198 = tpu.vector_load %arg15[%get3A_196, %get3A_197] {strides = array<i32>} : memref<64x512xf32, #tpu.memory_space<vmem>>, vector<1x16xf32>,
      %get3A_199 = vector.shape_cast %get3A_198 : vector<1x16xf32> to vector<16xf32>
      %get3A_200 = arith.index_cast %scan3A_42 : i32 to index
      %get3A_201 = arith.constant 112 : index
      %get3A_202 = tpu.vector_load %arg13[%get3A_200, %get3A_201] {strides = array<i32>} : memref<64x512xf32, #tpu.memory_space<vmem>>, vector<1x16xf32>,
      %get3A_203 = vector.shape_cast %get3A_202 : vector<1x16xf32> to vector<16xf32>
      %mul3A_204 = arith.mulf %get3A_45, %get3A_203 : vector<16xf32>
      %add3A_205 = arith.addf %get3A_199, %mul3A_204 : vector<16xf32>
      %get3A_206 = arith.index_cast %scan3A_42 : i32 to index
      %get3A_207 = arith.constant 112 : index
      %get3A_208 = tpu.vector_load %arg14[%get3A_206, %get3A_207] {strides = array<i32>} : memref<64x512xf32, #tpu.memory_space<vmem>>, vector<1x16xf32>,
      %get3A_209 = vector.shape_cast %get3A_208 : vector<1x16xf32> to vector<16xf32>
      %mul3A_210 = arith.mulf %get3A_49, %get3A_209 : vector<16xf32>
      %add3A_211 = arith.addf %add3A_205, %mul3A_210 : vector<16xf32>
      %swap3A_212 = arith.index_cast %scan3A_42 : i32 to index
      %swap3A_213 = arith.constant 112 : index
      %swap3A_214 = tpu.vector_load %arg15[%swap3A_212, %swap3A_213] {strides = array<i32>} : memref<64x512xf32, #tpu.memory_space<vmem>>, vector<1x16xf32>,
      %swap3A_215 = vector.shape_cast %swap3A_214 : vector<1x16xf32> to vector<16xf32>
      %swap3A_216 = vector.shape_cast %add3A_211 : vector<16xf32> to vector<1x16xf32>
      tpu.vector_store %arg15[%swap3A_212, %swap3A_213], %swap3A_216 {strides = array<i32>} : memref<64x512xf32, #tpu.memory_space<vmem>>, vector<1x16xf32>,
      %get3A_217 = arith.index_cast %scan3A_42 : i32 to index
      %get3A_218 = arith.constant 128 : index
      %get3A_219 = tpu.vector_load %arg15[%get3A_217, %get3A_218] {strides = array<i32>} : memref<64x512xf32, #tpu.memory_space<vmem>>, vector<1x16xf32>,
      %get3A_220 = vector.shape_cast %get3A_219 : vector<1x16xf32> to vector<16xf32>
      %get3A_221 = arith.index_cast %scan3A_42 : i32 to index
      %get3A_222 = arith.constant 128 : index
      %get3A_223 = tpu.vector_load %arg13[%get3A_221, %get3A_222] {strides = array<i32>} : memref<64x512xf32, #tpu.memory_space<vmem>>, vector<1x16xf32>,
      %get3A_224 = vector.shape_cast %get3A_223 : vector<1x16xf32> to vector<16xf32>
      %mul3A_225 = arith.mulf %get3A_45, %get3A_224 : vector<16xf32>
      %add3A_226 = arith.addf %get3A_220, %mul3A_225 : vector<16xf32>
      %get3A_227 = arith.index_cast %scan3A_42 : i32 to index
      %get3A_228 = arith.constant 128 : index
      %get3A_229 = tpu.vector_load %arg14[%get3A_227, %get3A_228] {strides = array<i32>} : memref<64x512xf32, #tpu.memory_space<vmem>>, vector<1x16xf32>,
      %get3A_230 = vector.shape_cast %get3A_229 : vector<1x16xf32> to vector<16xf32>
      %mul3A_231 = arith.mulf %get3A_49, %get3A_230 : vector<16xf32>
      %add3A_232 = arith.addf %add3A_226, %mul3A_231 : vector<16xf32>
      %swap3A_233 = arith.index_cast %scan3A_42 : i32 to index
      %swap3A_234 = arith.constant 128 : index
      %swap3A_235 = tpu.vector_load %arg15[%swap3A_233, %swap3A_234] {strides = array<i32>} : memref<64x512xf32, #tpu.memory_space<vmem>>, vector<1x16xf32>,
      %swap3A_236 = vector.shape_cast %swap3A_235 : vector<1x16xf32> to vector<16xf32>
      %swap3A_237 = vector.shape_cast %add3A_232 : vector<16xf32> to vector<1x16xf32>
      tpu.vector_store %arg15[%swap3A_233, %swap3A_234], %swap3A_237 {strides = array<i32>} : memref<64x512xf32, #tpu.memory_space<vmem>>, vector<1x16xf32>,
      %get3A_238 = arith.index_cast %scan3A_42 : i32 to index
      %get3A_239 = arith.constant 144 : index
      %get3A_240 = tpu.vector_load %arg15[%get3A_238, %get3A_239] {strides = array<i32>} : memref<64x512xf32, #tpu.memory_space<vmem>>, vector<1x16xf32>,
      %get3A_241 = vector.shape_cast %get3A_240 : vector<1x16xf32> to vector<16xf32>
      %get3A_242 = arith.index_cast %scan3A_42 : i32 to index
      %get3A_243 = arith.constant 144 : index
      %get3A_244 = tpu.vector_load %arg13[%get3A_242, %get3A_243] {strides = array<i32>} : memref<64x512xf32, #tpu.memory_space<vmem>>, vector<1x16xf32>,
      %get3A_245 = vector.shape_cast %get3A_244 : vector<1x16xf32> to vector<16xf32>
      %mul3A_246 = arith.mulf %get3A_45, %get3A_245 : vector<16xf32>
      %add3A_247 = arith.addf %get3A_241, %mul3A_246 : vector<16xf32>
      %get3A_248 = arith.index_cast %scan3A_42 : i32 to index
      %get3A_249 = arith.constant 144 : index
      %get3A_250 = tpu.vector_load %arg14[%get3A_248, %get3A_249] {strides = array<i32>} : memref<64x512xf32, #tpu.memory_space<vmem>>, vector<1x16xf32>,
      %get3A_251 = vector.shape_cast %get3A_250 : vector<1x16xf32> to vector<16xf32>
      %mul3A_252 = arith.mulf %get3A_49, %get3A_251 : vector<16xf32>
      %add3A_253 = arith.addf %add3A_247, %mul3A_252 : vector<16xf32>
      %swap3A_254 = arith.index_cast %scan3A_42 : i32 to index
      %swap3A_255 = arith.constant 144 : index
      %swap3A_256 = tpu.vector_load %arg15[%swap3A_254, %swap3A_255] {strides = array<i32>} : memref<64x512xf32, #tpu.memory_space<vmem>>, vector<1x16xf32>,
      %swap3A_257 = vector.shape_cast %swap3A_256 : vector<1x16xf32> to vector<16xf32>
      %swap3A_258 = vector.shape_cast %add3A_253 : vector<16xf32> to vector<1x16xf32>
      tpu.vector_store %arg15[%swap3A_254, %swap3A_255], %swap3A_258 {strides = array<i32>} : memref<64x512xf32, #tpu.memory_space<vmem>>, vector<1x16xf32>,
      %get3A_259 = arith.index_cast %scan3A_42 : i32 to index
      %get3A_260 = arith.constant 160 : index
      %get3A_261 = tpu.vector_load %arg15[%get3A_259, %get3A_260] {strides = array<i32>} : memref<64x512xf32, #tpu.memory_space<vmem>>, vector<1x16xf32>,
      %get3A_262 = vector.shape_cast %get3A_261 : vector<1x16xf32> to vector<16xf32>
      %get3A_263 = arith.index_cast %scan3A_42 : i32 to index
      %get3A_264 = arith.constant 160 : index
      %get3A_265 = tpu.vector_load %arg13[%get3A_263, %get3A_264] {strides = array<i32>} : memref<64x512xf32, #tpu.memory_space<vmem>>, vector<1x16xf32>,
      %get3A_266 = vector.shape_cast %get3A_265 : vector<1x16xf32> to vector<16xf32>
      %mul3A_267 = arith.mulf %get3A_45, %get3A_266 : vector<16xf32>
      %add3A_268 = arith.addf %get3A_262, %mul3A_267 : vector<16xf32>
      %get3A_269 = arith.index_cast %scan3A_42 : i32 to index
      %get3A_270 = arith.constant 160 : index
      %get3A_271 = tpu.vector_load %arg14[%get3A_269, %get3A_270] {strides = array<i32>} : memref<64x512xf32, #tpu.memory_space<vmem>>, vector<1x16xf32>,
      %get3A_272 = vector.shape_cast %get3A_271 : vector<1x16xf32> to vector<16xf32>
      %mul3A_273 = arith.mulf %get3A_49, %get3A_272 : vector<16xf32>
      %add3A_274 = arith.addf %add3A_268, %mul3A_273 : vector<16xf32>
      %swap3A_275 = arith.index_cast %scan3A_42 : i32 to index
      %swap3A_276 = arith.constant 160 : index
      %swap3A_277 = tpu.vector_load %arg15[%swap3A_275, %swap3A_276] {strides = array<i32>} : memref<64x512xf32, #tpu.memory_space<vmem>>, vector<1x16xf32>,
      %swap3A_278 = vector.shape_cast %swap3A_277 : vector<1x16xf32> to vector<16xf32>
      %swap3A_279 = vector.shape_cast %add3A_274 : vector<16xf32> to vector<1x16xf32>
      tpu.vector_store %arg15[%swap3A_275, %swap3A_276], %swap3A_279 {strides = array<i32>} : memref<64x512xf32, #tpu.memory_space<vmem>>, vector<1x16xf32>,
      %get3A_280 = arith.index_cast %scan3A_42 : i32 to index
      %get3A_281 = arith.constant 176 : index
      %get3A_282 = tpu.vector_load %arg15[%get3A_280, %get3A_281] {strides = array<i32>} : memref<64x512xf32, #tpu.memory_space<vmem>>, vector<1x16xf32>,
      %get3A_283 = vector.shape_cast %get3A_282 : vector<1x16xf32> to vector<16xf32>
      %get3A_284 = arith.index_cast %scan3A_42 : i32 to index
      %get3A_285 = arith.constant 176 : index
      %get3A_286 = tpu.vector_load %arg13[%get3A_284, %get3A_285] {strides = array<i32>} : memref<64x512xf32, #tpu.memory_space<vmem>>, vector<1x16xf32>,
      %get3A_287 = vector.shape_cast %get3A_286 : vector<1x16xf32> to vector<16xf32>
      %mul3A_288 = arith.mulf %get3A_45, %get3A_287 : vector<16xf32>
      %add3A_289 = arith.addf %get3A_283, %mul3A_288 : vector<16xf32>
      %get3A_290 = arith.index_cast %scan3A_42 : i32 to index
      %get3A_291 = arith.constant 176 : index
      %get3A_292 = tpu.vector_load %arg14[%get3A_290, %get3A_291] {strides = array<i32>} : memref<64x512xf32, #tpu.memory_space<vmem>>, vector<1x16xf32>,
      %get3A_293 = vector.shape_cast %get3A_292 : vector<1x16xf32> to vector<16xf32>
      %mul3A_294 = arith.mulf %get3A_49, %get3A_293 : vector<16xf32>
      %add3A_295 = arith.addf %add3A_289, %mul3A_294 : vector<16xf32>
      %swap3A_296 = arith.index_cast %scan3A_42 : i32 to index
      %swap3A_297 = arith.constant 176 : index
      %swap3A_298 = tpu.vector_load %arg15[%swap3A_296, %swap3A_297] {strides = array<i32>} : memref<64x512xf32, #tpu.memory_space<vmem>>, vector<1x16xf32>,
      %swap3A_299 = vector.shape_cast %swap3A_298 : vector<1x16xf32> to vector<16xf32>
      %swap3A_300 = vector.shape_cast %add3A_295 : vector<16xf32> to vector<1x16xf32>
      tpu.vector_store %arg15[%swap3A_296, %swap3A_297], %swap3A_300 {strides = array<i32>} : memref<64x512xf32, #tpu.memory_space<vmem>>, vector<1x16xf32>,
      %get3A_301 = arith.index_cast %scan3A_42 : i32 to index
      %get3A_302 = arith.constant 192 : index
      %get3A_303 = tpu.vector_load %arg15[%get3A_301, %get3A_302] {strides = array<i32>} : memref<64x512xf32, #tpu.memory_space<vmem>>, vector<1x16xf32>,
      %get3A_304 = vector.shape_cast %get3A_303 : vector<1x16xf32> to vector<16xf32>
      %get3A_305 = arith.index_cast %scan3A_42 : i32 to index
      %get3A_306 = arith.constant 192 : index
      %get3A_307 = tpu.vector_load %arg13[%get3A_305, %get3A_306] {strides = array<i32>} : memref<64x512xf32, #tpu.memory_space<vmem>>, vector<1x16xf32>,
      %get3A_308 = vector.shape_cast %get3A_307 : vector<1x16xf32> to vector<16xf32>
      %mul3A_309 = arith.mulf %get3A_45, %get3A_308 : vector<16xf32>
      %add3A_310 = arith.addf %get3A_304, %mul3A_309 : vector<16xf32>
      %get3A_311 = arith.index_cast %scan3A_42 : i32 to index
      %get3A_312 = arith.constant 192 : index
      %get3A_313 = tpu.vector_load %arg14[%get3A_311, %get3A_312] {strides = array<i32>} : memref<64x512xf32, #tpu.memory_space<vmem>>, vector<1x16xf32>,
      %get3A_314 = vector.shape_cast %get3A_313 : vector<1x16xf32> to vector<16xf32>
      %mul3A_315 = arith.mulf %get3A_49, %get3A_314 : vector<16xf32>
      %add3A_316 = arith.addf %add3A_310, %mul3A_315 : vector<16xf32>
      %swap3A_317 = arith.index_cast %scan3A_42 : i32 to index
      %swap3A_318 = arith.constant 192 : index
      %swap3A_319 = tpu.vector_load %arg15[%swap3A_317, %swap3A_318] {strides = array<i32>} : memref<64x512xf32, #tpu.memory_space<vmem>>, vector<1x16xf32>,
      %swap3A_320 = vector.shape_cast %swap3A_319 : vector<1x16xf32> to vector<16xf32>
      %swap3A_321 = vector.shape_cast %add3A_316 : vector<16xf32> to vector<1x16xf32>
      tpu.vector_store %arg15[%swap3A_317, %swap3A_318], %swap3A_321 {strides = array<i32>} : memref<64x512xf32, #tpu.memory_space<vmem>>, vector<1x16xf32>,
      %get3A_322 = arith.index_cast %scan3A_42 : i32 to index
      %get3A_323 = arith.constant 208 : index
      %get3A_324 = tpu.vector_load %arg15[%get3A_322, %get3A_323] {strides = array<i32>} : memref<64x512xf32, #tpu.memory_space<vmem>>, vector<1x16xf32>,
      %get3A_325 = vector.shape_cast %get3A_324 : vector<1x16xf32> to vector<16xf32>
      %get3A_326 = arith.index_cast %scan3A_42 : i32 to index
      %get3A_327 = arith.constant 208 : index
      %get3A_328 = tpu.vector_load %arg13[%get3A_326, %get3A_327] {strides = array<i32>} : memref<64x512xf32, #tpu.memory_space<vmem>>, vector<1x16xf32>,
      %get3A_329 = vector.shape_cast %get3A_328 : vector<1x16xf32> to vector<16xf32>
      %mul3A_330 = arith.mulf %get3A_45, %get3A_329 : vector<16xf32>
      %add3A_331 = arith.addf %get3A_325, %mul3A_330 : vector<16xf32>
      %get3A_332 = arith.index_cast %scan3A_42 : i32 to index
      %get3A_333 = arith.constant 208 : index
      %get3A_334 = tpu.vector_load %arg14[%get3A_332, %get3A_333] {strides = array<i32>} : memref<64x512xf32, #tpu.memory_space<vmem>>, vector<1x16xf32>,
      %get3A_335 = vector.shape_cast %get3A_334 : vector<1x16xf32> to vector<16xf32>
      %mul3A_336 = arith.mulf %get3A_49, %get3A_335 : vector<16xf32>
      %add3A_337 = arith.addf %add3A_331, %mul3A_336 : vector<16xf32>
      %swap3A_338 = arith.index_cast %scan3A_42 : i32 to index
      %swap3A_339 = arith.constant 208 : index
      %swap3A_340 = tpu.vector_load %arg15[%swap3A_338, %swap3A_339] {strides = array<i32>} : memref<64x512xf32, #tpu.memory_space<vmem>>, vector<1x16xf32>,
      %swap3A_341 = vector.shape_cast %swap3A_340 : vector<1x16xf32> to vector<16xf32>
      %swap3A_342 = vector.shape_cast %add3A_337 : vector<16xf32> to vector<1x16xf32>
      tpu.vector_store %arg15[%swap3A_338, %swap3A_339], %swap3A_342 {strides = array<i32>} : memref<64x512xf32, #tpu.memory_space<vmem>>, vector<1x16xf32>,
      %get3A_343 = arith.index_cast %scan3A_42 : i32 to index
      %get3A_344 = arith.constant 224 : index
      %get3A_345 = tpu.vector_load %arg15[%get3A_343, %get3A_344] {strides = array<i32>} : memref<64x512xf32, #tpu.memory_space<vmem>>, vector<1x16xf32>,
      %get3A_346 = vector.shape_cast %get3A_345 : vector<1x16xf32> to vector<16xf32>
      %get3A_347 = arith.index_cast %scan3A_42 : i32 to index
      %get3A_348 = arith.constant 224 : index
      %get3A_349 = tpu.vector_load %arg13[%get3A_347, %get3A_348] {strides = array<i32>} : memref<64x512xf32, #tpu.memory_space<vmem>>, vector<1x16xf32>,
      %get3A_350 = vector.shape_cast %get3A_349 : vector<1x16xf32> to vector<16xf32>
      %mul3A_351 = arith.mulf %get3A_45, %get3A_350 : vector<16xf32>
      %add3A_352 = arith.addf %get3A_346, %mul3A_351 : vector<16xf32>
      %get3A_353 = arith.index_cast %scan3A_42 : i32 to index
      %get3A_354 = arith.constant 224 : index
      %get3A_355 = tpu.vector_load %arg14[%get3A_353, %get3A_354] {strides = array<i32>} : memref<64x512xf32, #tpu.memory_space<vmem>>, vector<1x16xf32>,
      %get3A_356 = vector.shape_cast %get3A_355 : vector<1x16xf32> to vector<16xf32>
      %mul3A_357 = arith.mulf %get3A_49, %get3A_356 : vector<16xf32>
      %add3A_358 = arith.addf %add3A_352, %mul3A_357 : vector<16xf32>
      %swap3A_359 = arith.index_cast %scan3A_42 : i32 to index
      %swap3A_360 = arith.constant 224 : index
      %swap3A_361 = tpu.vector_load %arg15[%swap3A_359, %swap3A_360] {strides = array<i32>} : memref<64x512xf32, #tpu.memory_space<vmem>>, vector<1x16xf32>,
      %swap3A_362 = vector.shape_cast %swap3A_361 : vector<1x16xf32> to vector<16xf32>
      %swap3A_363 = vector.shape_cast %add3A_358 : vector<16xf32> to vector<1x16xf32>
      tpu.vector_store %arg15[%swap3A_359, %swap3A_360], %swap3A_363 {strides = array<i32>} : memref<64x512xf32, #tpu.memory_space<vmem>>, vector<1x16xf32>,
      %get3A_364 = arith.index_cast %scan3A_42 : i32 to index
      %get3A_365 = arith.constant 240 : index
      %get3A_366 = tpu.vector_load %arg15[%get3A_364, %get3A_365] {strides = array<i32>} : memref<64x512xf32, #tpu.memory_space<vmem>>, vector<1x16xf32>,
      %get3A_367 = vector.shape_cast %get3A_366 : vector<1x16xf32> to vector<16xf32>
      %get3A_368 = arith.index_cast %scan3A_42 : i32 to index
      %get3A_369 = arith.constant 240 : index
      %get3A_370 = tpu.vector_load %arg13[%get3A_368, %get3A_369] {strides = array<i32>} : memref<64x512xf32, #tpu.memory_space<vmem>>, vector<1x16xf32>,
      %get3A_371 = vector.shape_cast %get3A_370 : vector<1x16xf32> to vector<16xf32>
      %mul3A_372 = arith.mulf %get3A_45, %get3A_371 : vector<16xf32>
      %add3A_373 = arith.addf %get3A_367, %mul3A_372 : vector<16xf32>
      %get3A_374 = arith.index_cast %scan3A_42 : i32 to index
      %get3A_375 = arith.constant 240 : index
      %get3A_376 = tpu.vector_load %arg14[%get3A_374, %get3A_375] {strides = array<i32>} : memref<64x512xf32, #tpu.memory_space<vmem>>, vector<1x16xf32>,
      %get3A_377 = vector.shape_cast %get3A_376 : vector<1x16xf32> to vector<16xf32>
      %mul3A_378 = arith.mulf %get3A_49, %get3A_377 : vector<16xf32>
      %add3A_379 = arith.addf %add3A_373, %mul3A_378 : vector<16xf32>
      %swap3A_380 = arith.index_cast %scan3A_42 : i32 to index
      %swap3A_381 = arith.constant 240 : index
      %swap3A_382 = tpu.vector_load %arg15[%swap3A_380, %swap3A_381] {strides = array<i32>} : memref<64x512xf32, #tpu.memory_space<vmem>>, vector<1x16xf32>,
      %swap3A_383 = vector.shape_cast %swap3A_382 : vector<1x16xf32> to vector<16xf32>
      %swap3A_384 = vector.shape_cast %add3A_379 : vector<16xf32> to vector<1x16xf32>
      tpu.vector_store %arg15[%swap3A_380, %swap3A_381], %swap3A_384 {strides = array<i32>} : memref<64x512xf32, #tpu.memory_space<vmem>>, vector<1x16xf32>,
      %get3A_385 = arith.index_cast %scan3A_42 : i32 to index
      %get3A_386 = arith.constant 256 : index
      %get3A_387 = tpu.vector_load %arg15[%get3A_385, %get3A_386] {strides = array<i32>} : memref<64x512xf32, #tpu.memory_space<vmem>>, vector<1x16xf32>,
      %get3A_388 = vector.shape_cast %get3A_387 : vector<1x16xf32> to vector<16xf32>
      %get3A_389 = arith.index_cast %scan3A_42 : i32 to index
      %get3A_390 = arith.constant 256 : index
      %get3A_391 = tpu.vector_load %arg13[%get3A_389, %get3A_390] {strides = array<i32>} : memref<64x512xf32, #tpu.memory_space<vmem>>, vector<1x16xf32>,
      %get3A_392 = vector.shape_cast %get3A_391 : vector<1x16xf32> to vector<16xf32>
      %mul3A_393 = arith.mulf %get3A_45, %get3A_392 : vector<16xf32>
      %add3A_394 = arith.addf %get3A_388, %mul3A_393 : vector<16xf32>
      %get3A_395 = arith.index_cast %scan3A_42 : i32 to index
      %get3A_396 = arith.constant 256 : index
      %get3A_397 = tpu.vector_load %arg14[%get3A_395, %get3A_396] {strides = array<i32>} : memref<64x512xf32, #tpu.memory_space<vmem>>, vector<1x16xf32>,
      %get3A_398 = vector.shape_cast %get3A_397 : vector<1x16xf32> to vector<16xf32>
      %mul3A_399 = arith.mulf %get3A_49, %get3A_398 : vector<16xf32>
      %add3A_400 = arith.addf %add3A_394, %mul3A_399 : vector<16xf32>
      %swap3A_401 = arith.index_cast %scan3A_42 : i32 to index
      %swap3A_402 = arith.constant 256 : index
      %swap3A_403 = tpu.vector_load %arg15[%swap3A_401, %swap3A_402] {strides = array<i32>} : memref<64x512xf32, #tpu.memory_space<vmem>>, vector<1x16xf32>,
      %swap3A_404 = vector.shape_cast %swap3A_403 : vector<1x16xf32> to vector<16xf32>
      %swap3A_405 = vector.shape_cast %add3A_400 : vector<16xf32> to vector<1x16xf32>
      tpu.vector_store %arg15[%swap3A_401, %swap3A_402], %swap3A_405 {strides = array<i32>} : memref<64x512xf32, #tpu.memory_space<vmem>>, vector<1x16xf32>,
      %get3A_406 = arith.index_cast %scan3A_42 : i32 to index
      %get3A_407 = arith.constant 272 : index
      %get3A_408 = tpu.vector_load %arg15[%get3A_406, %get3A_407] {strides = array<i32>} : memref<64x512xf32, #tpu.memory_space<vmem>>, vector<1x16xf32>,
      %get3A_409 = vector.shape_cast %get3A_408 : vector<1x16xf32> to vector<16xf32>
      %get3A_410 = arith.index_cast %scan3A_42 : i32 to index
      %get3A_411 = arith.constant 272 : index
      %get3A_412 = tpu.vector_load %arg13[%get3A_410, %get3A_411] {strides = array<i32>} : memref<64x512xf32, #tpu.memory_space<vmem>>, vector<1x16xf32>,
      %get3A_413 = vector.shape_cast %get3A_412 : vector<1x16xf32> to vector<16xf32>
      %mul3A_414 = arith.mulf %get3A_45, %get3A_413 : vector<16xf32>
      %add3A_415 = arith.addf %get3A_409, %mul3A_414 : vector<16xf32>
      %get3A_416 = arith.index_cast %scan3A_42 : i32 to index
      %get3A_417 = arith.constant 272 : index
      %get3A_418 = tpu.vector_load %arg14[%get3A_416, %get3A_417] {strides = array<i32>} : memref<64x512xf32, #tpu.memory_space<vmem>>, vector<1x16xf32>,
      %get3A_419 = vector.shape_cast %get3A_418 : vector<1x16xf32> to vector<16xf32>
      %mul3A_420 = arith.mulf %get3A_49, %get3A_419 : vector<16xf32>
      %add3A_421 = arith.addf %add3A_415, %mul3A_420 : vector<16xf32>
      %swap3A_422 = arith.index_cast %scan3A_42 : i32 to index
      %swap3A_423 = arith.constant 272 : index
      %swap3A_424 = tpu.vector_load %arg15[%swap3A_422, %swap3A_423] {strides = array<i32>} : memref<64x512xf32, #tpu.memory_space<vmem>>, vector<1x16xf32>,
      %swap3A_425 = vector.shape_cast %swap3A_424 : vector<1x16xf32> to vector<16xf32>
      %swap3A_426 = vector.shape_cast %add3A_421 : vector<16xf32> to vector<1x16xf32>
      tpu.vector_store %arg15[%swap3A_422, %swap3A_423], %swap3A_426 {strides = array<i32>} : memref<64x512xf32, #tpu.memory_space<vmem>>, vector<1x16xf32>,
      %get3A_427 = arith.index_cast %scan3A_42 : i32 to index
      %get3A_428 = arith.constant 288 : index
      %get3A_429 = tpu.vector_load %arg15[%get3A_427, %get3A_428] {strides = array<i32>} : memref<64x512xf32, #tpu.memory_space<vmem>>, vector<1x16xf32>,
      %get3A_430 = vector.shape_cast %get3A_429 : vector<1x16xf32> to vector<16xf32>
      %get3A_431 = arith.index_cast %scan3A_42 : i32 to index
      %get3A_432 = arith.constant 288 : index
      %get3A_433 = tpu.vector_load %arg13[%get3A_431, %get3A_432] {strides = array<i32>} : memref<64x512xf32, #tpu.memory_space<vmem>>, vector<1x16xf32>,
      %get3A_434 = vector.shape_cast %get3A_433 : vector<1x16xf32> to vector<16xf32>
      %mul3A_435 = arith.mulf %get3A_45, %get3A_434 : vector<16xf32>
      %add3A_436 = arith.addf %get3A_430, %mul3A_435 : vector<16xf32>
      %get3A_437 = arith.index_cast %scan3A_42 : i32 to index
      %get3A_438 = arith.constant 288 : index
      %get3A_439 = tpu.vector_load %arg14[%get3A_437, %get3A_438] {strides = array<i32>} : memref<64x512xf32, #tpu.memory_space<vmem>>, vector<1x16xf32>,
      %get3A_440 = vector.shape_cast %get3A_439 : vector<1x16xf32> to vector<16xf32>
      %mul3A_441 = arith.mulf %get3A_49, %get3A_440 : vector<16xf32>
      %add3A_442 = arith.addf %add3A_436, %mul3A_441 : vector<16xf32>
      %swap3A_443 = arith.index_cast %scan3A_42 : i32 to index
      %swap3A_444 = arith.constant 288 : index
      %swap3A_445 = tpu.vector_load %arg15[%swap3A_443, %swap3A_444] {strides = array<i32>} : memref<64x512xf32, #tpu.memory_space<vmem>>, vector<1x16xf32>,
      %swap3A_446 = vector.shape_cast %swap3A_445 : vector<1x16xf32> to vector<16xf32>
      %swap3A_447 = vector.shape_cast %add3A_442 : vector<16xf32> to vector<1x16xf32>
      tpu.vector_store %arg15[%swap3A_443, %swap3A_444], %swap3A_447 {strides = array<i32>} : memref<64x512xf32, #tpu.memory_space<vmem>>, vector<1x16xf32>,
      %get3A_448 = arith.index_cast %scan3A_42 : i32 to index
      %get3A_449 = arith.constant 304 : index
      %get3A_450 = tpu.vector_load %arg15[%get3A_448, %get3A_449] {strides = array<i32>} : memref<64x512xf32, #tpu.memory_space<vmem>>, vector<1x16xf32>,
      %get3A_451 = vector.shape_cast %get3A_450 : vector<1x16xf32> to vector<16xf32>
      %get3A_452 = arith.index_cast %scan3A_42 : i32 to index
      %get3A_453 = arith.constant 304 : index
      %get3A_454 = tpu.vector_load %arg13[%get3A_452, %get3A_453] {strides = array<i32>} : memref<64x512xf32, #tpu.memory_space<vmem>>, vector<1x16xf32>,
      %get3A_455 = vector.shape_cast %get3A_454 : vector<1x16xf32> to vector<16xf32>
      %mul3A_456 = arith.mulf %get3A_45, %get3A_455 : vector<16xf32>
      %add3A_457 = arith.addf %get3A_451, %mul3A_456 : vector<16xf32>
      %get3A_458 = arith.index_cast %scan3A_42 : i32 to index
      %get3A_459 = arith.constant 304 : index
      %get3A_460 = tpu.vector_load %arg14[%get3A_458, %get3A_459] {strides = array<i32>} : memref<64x512xf32, #tpu.memory_space<vmem>>, vector<1x16xf32>,
      %get3A_461 = vector.shape_cast %get3A_460 : vector<1x16xf32> to vector<16xf32>
      %mul3A_462 = arith.mulf %get3A_49, %get3A_461 : vector<16xf32>
      %add3A_463 = arith.addf %add3A_457, %mul3A_462 : vector<16xf32>
      %swap3A_464 = arith.index_cast %scan3A_42 : i32 to index
      %swap3A_465 = arith.constant 304 : index
      %swap3A_466 = tpu.vector_load %arg15[%swap3A_464, %swap3A_465] {strides = array<i32>} : memref<64x512xf32, #tpu.memory_space<vmem>>, vector<1x16xf32>,
      %swap3A_467 = vector.shape_cast %swap3A_466 : vector<1x16xf32> to vector<16xf32>
      %swap3A_468 = vector.shape_cast %add3A_463 : vector<16xf32> to vector<1x16xf32>
      tpu.vector_store %arg15[%swap3A_464, %swap3A_465], %swap3A_468 {strides = array<i32>} : memref<64x512xf32, #tpu.memory_space<vmem>>, vector<1x16xf32>,
      %get3A_469 = arith.index_cast %scan3A_42 : i32 to index
      %get3A_470 = arith.constant 320 : index
      %get3A_471 = tpu.vector_load %arg15[%get3A_469, %get3A_470] {strides = array<i32>} : memref<64x512xf32, #tpu.memory_space<vmem>>, vector<1x16xf32>,
      %get3A_472 = vector.shape_cast %get3A_471 : vector<1x16xf32> to vector<16xf32>
      %get3A_473 = arith.index_cast %scan3A_42 : i32 to index
      %get3A_474 = arith.constant 320 : index
      %get3A_475 = tpu.vector_load %arg13[%get3A_473, %get3A_474] {strides = array<i32>} : memref<64x512xf32, #tpu.memory_space<vmem>>, vector<1x16xf32>,
      %get3A_476 = vector.shape_cast %get3A_475 : vector<1x16xf32> to vector<16xf32>
      %mul3A_477 = arith.mulf %get3A_45, %get3A_476 : vector<16xf32>
      %add3A_478 = arith.addf %get3A_472, %mul3A_477 : vector<16xf32>
      %get3A_479 = arith.index_cast %scan3A_42 : i32 to index
      %get3A_480 = arith.constant 320 : index
      %get3A_481 = tpu.vector_load %arg14[%get3A_479, %get3A_480] {strides = array<i32>} : memref<64x512xf32, #tpu.memory_space<vmem>>, vector<1x16xf32>,
      %get3A_482 = vector.shape_cast %get3A_481 : vector<1x16xf32> to vector<16xf32>
      %mul3A_483 = arith.mulf %get3A_49, %get3A_482 : vector<16xf32>
      %add3A_484 = arith.addf %add3A_478, %mul3A_483 : vector<16xf32>
      %swap3A_485 = arith.index_cast %scan3A_42 : i32 to index
      %swap3A_486 = arith.constant 320 : index
      %swap3A_487 = tpu.vector_load %arg15[%swap3A_485, %swap3A_486] {strides = array<i32>} : memref<64x512xf32, #tpu.memory_space<vmem>>, vector<1x16xf32>,
      %swap3A_488 = vector.shape_cast %swap3A_487 : vector<1x16xf32> to vector<16xf32>
      %swap3A_489 = vector.shape_cast %add3A_484 : vector<16xf32> to vector<1x16xf32>
      tpu.vector_store %arg15[%swap3A_485, %swap3A_486], %swap3A_489 {strides = array<i32>} : memref<64x512xf32, #tpu.memory_space<vmem>>, vector<1x16xf32>,
      %get3A_490 = arith.index_cast %scan3A_42 : i32 to index
      %get3A_491 = arith.constant 336 : index
      %get3A_492 = tpu.vector_load %arg15[%get3A_490, %get3A_491] {strides = array<i32>} : memref<64x512xf32, #tpu.memory_space<vmem>>, vector<1x16xf32>,
      %get3A_493 = vector.shape_cast %get3A_492 : vector<1x16xf32> to vector<16xf32>
      %get3A_494 = arith.index_cast %scan3A_42 : i32 to index
      %get3A_495 = arith.constant 336 : index
      %get3A_496 = tpu.vector_load %arg13[%get3A_494, %get3A_495] {strides = array<i32>} : memref<64x512xf32, #tpu.memory_space<vmem>>, vector<1x16xf32>,
      %get3A_497 = vector.shape_cast %get3A_496 : vector<1x16xf32> to vector<16xf32>
      %mul3A_498 = arith.mulf %get3A_45, %get3A_497 : vector<16xf32>
      %add3A_499 = arith.addf %get3A_493, %mul3A_498 : vector<16xf32>
      %get3A_500 = arith.index_cast %scan3A_42 : i32 to index
      %get3A_501 = arith.constant 336 : index
      %get3A_502 = tpu.vector_load %arg14[%get3A_500, %get3A_501] {strides = array<i32>} : memref<64x512xf32, #tpu.memory_space<vmem>>, vector<1x16xf32>,
      %get3A_503 = vector.shape_cast %get3A_502 : vector<1x16xf32> to vector<16xf32>
      %mul3A_504 = arith.mulf %get3A_49, %get3A_503 : vector<16xf32>
      %add3A_505 = arith.addf %add3A_499, %mul3A_504 : vector<16xf32>
      %swap3A_506 = arith.index_cast %scan3A_42 : i32 to index
      %swap3A_507 = arith.constant 336 : index
      %swap3A_508 = tpu.vector_load %arg15[%swap3A_506, %swap3A_507] {strides = array<i32>} : memref<64x512xf32, #tpu.memory_space<vmem>>, vector<1x16xf32>,
      %swap3A_509 = vector.shape_cast %swap3A_508 : vector<1x16xf32> to vector<16xf32>
      %swap3A_510 = vector.shape_cast %add3A_505 : vector<16xf32> to vector<1x16xf32>
      tpu.vector_store %arg15[%swap3A_506, %swap3A_507], %swap3A_510 {strides = array<i32>} : memref<64x512xf32, #tpu.memory_space<vmem>>, vector<1x16xf32>,
      %get3A_511 = arith.index_cast %scan3A_42 : i32 to index
      %get3A_512 = arith.constant 352 : index
      %get3A_513 = tpu.vector_load %arg15[%get3A_511, %get3A_512] {strides = array<i32>} : memref<64x512xf32, #tpu.memory_space<vmem>>, vector<1x16xf32>,
      %get3A_514 = vector.shape_cast %get3A_513 : vector<1x16xf32> to vector<16xf32>
      %get3A_515 = arith.index_cast %scan3A_42 : i32 to index
      %get3A_516 = arith.constant 352 : index
      %get3A_517 = tpu.vector_load %arg13[%get3A_515, %get3A_516] {strides = array<i32>} : memref<64x512xf32, #tpu.memory_space<vmem>>, vector<1x16xf32>,
      %get3A_518 = vector.shape_cast %get3A_517 : vector<1x16xf32> to vector<16xf32>
      %mul3A_519 = arith.mulf %get3A_45, %get3A_518 : vector<16xf32>
      %add3A_520 = arith.addf %get3A_514, %mul3A_519 : vector<16xf32>
      %get3A_521 = arith.index_cast %scan3A_42 : i32 to index
      %get3A_522 = arith.constant 352 : index
      %get3A_523 = tpu.vector_load %arg14[%get3A_521, %get3A_522] {strides = array<i32>} : memref<64x512xf32, #tpu.memory_space<vmem>>, vector<1x16xf32>,
      %get3A_524 = vector.shape_cast %get3A_523 : vector<1x16xf32> to vector<16xf32>
      %mul3A_525 = arith.mulf %get3A_49, %get3A_524 : vector<16xf32>
      %add3A_526 = arith.addf %add3A_520, %mul3A_525 : vector<16xf32>
      %swap3A_527 = arith.index_cast %scan3A_42 : i32 to index
      %swap3A_528 = arith.constant 352 : index
      %swap3A_529 = tpu.vector_load %arg15[%swap3A_527, %swap3A_528] {strides = array<i32>} : memref<64x512xf32, #tpu.memory_space<vmem>>, vector<1x16xf32>,
      %swap3A_530 = vector.shape_cast %swap3A_529 : vector<1x16xf32> to vector<16xf32>
      %swap3A_531 = vector.shape_cast %add3A_526 : vector<16xf32> to vector<1x16xf32>
      tpu.vector_store %arg15[%swap3A_527, %swap3A_528], %swap3A_531 {strides = array<i32>} : memref<64x512xf32, #tpu.memory_space<vmem>>, vector<1x16xf32>,
      %get3A_532 = arith.index_cast %scan3A_42 : i32 to index
      %get3A_533 = arith.constant 368 : index
      %get3A_534 = tpu.vector_load %arg15[%get3A_532, %get3A_533] {strides = array<i32>} : memref<64x512xf32, #tpu.memory_space<vmem>>, vector<1x16xf32>,
      %get3A_535 = vector.shape_cast %get3A_534 : vector<1x16xf32> to vector<16xf32>
      %get3A_536 = arith.index_cast %scan3A_42 : i32 to index
      %get3A_537 = arith.constant 368 : index
      %get3A_538 = tpu.vector_load %arg13[%get3A_536, %get3A_537] {strides = array<i32>} : memref<64x512xf32, #tpu.memory_space<vmem>>, vector<1x16xf32>,
      %get3A_539 = vector.shape_cast %get3A_538 : vector<1x16xf32> to vector<16xf32>
      %mul3A_540 = arith.mulf %get3A_45, %get3A_539 : vector<16xf32>
      %add3A_541 = arith.addf %get3A_535, %mul3A_540 : vector<16xf32>
      %get3A_542 = arith.index_cast %scan3A_42 : i32 to index
      %get3A_543 = arith.constant 368 : index
      %get3A_544 = tpu.vector_load %arg14[%get3A_542, %get3A_543] {strides = array<i32>} : memref<64x512xf32, #tpu.memory_space<vmem>>, vector<1x16xf32>,
      %get3A_545 = vector.shape_cast %get3A_544 : vector<1x16xf32> to vector<16xf32>
      %mul3A_546 = arith.mulf %get3A_49, %get3A_545 : vector<16xf32>
      %add3A_547 = arith.addf %add3A_541, %mul3A_546 : vector<16xf32>
      %swap3A_548 = arith.index_cast %scan3A_42 : i32 to index
      %swap3A_549 = arith.constant 368 : index
      %swap3A_550 = tpu.vector_load %arg15[%swap3A_548, %swap3A_549] {strides = array<i32>} : memref<64x512xf32, #tpu.memory_space<vmem>>, vector<1x16xf32>,
      %swap3A_551 = vector.shape_cast %swap3A_550 : vector<1x16xf32> to vector<16xf32>
      %swap3A_552 = vector.shape_cast %add3A_547 : vector<16xf32> to vector<1x16xf32>
      tpu.vector_store %arg15[%swap3A_548, %swap3A_549], %swap3A_552 {strides = array<i32>} : memref<64x512xf32, #tpu.memory_space<vmem>>, vector<1x16xf32>,
      %get3A_553 = arith.index_cast %scan3A_42 : i32 to index
      %get3A_554 = arith.constant 384 : index
      %get3A_555 = tpu.vector_load %arg15[%get3A_553, %get3A_554] {strides = array<i32>} : memref<64x512xf32, #tpu.memory_space<vmem>>, vector<1x16xf32>,
      %get3A_556 = vector.shape_cast %get3A_555 : vector<1x16xf32> to vector<16xf32>
      %get3A_557 = arith.index_cast %scan3A_42 : i32 to index
      %get3A_558 = arith.constant 384 : index
      %get3A_559 = tpu.vector_load %arg13[%get3A_557, %get3A_558] {strides = array<i32>} : memref<64x512xf32, #tpu.memory_space<vmem>>, vector<1x16xf32>,
      %get3A_560 = vector.shape_cast %get3A_559 : vector<1x16xf32> to vector<16xf32>
      %mul3A_561 = arith.mulf %get3A_45, %get3A_560 : vector<16xf32>
      %add3A_562 = arith.addf %get3A_556, %mul3A_561 : vector<16xf32>
      %get3A_563 = arith.index_cast %scan3A_42 : i32 to index
      %get3A_564 = arith.constant 384 : index
      %get3A_565 = tpu.vector_load %arg14[%get3A_563, %get3A_564] {strides = array<i32>} : memref<64x512xf32, #tpu.memory_space<vmem>>, vector<1x16xf32>,
      %get3A_566 = vector.shape_cast %get3A_565 : vector<1x16xf32> to vector<16xf32>
      %mul3A_567 = arith.mulf %get3A_49, %get3A_566 : vector<16xf32>
      %add3A_568 = arith.addf %add3A_562, %mul3A_567 : vector<16xf32>
      %swap3A_569 = arith.index_cast %scan3A_42 : i32 to index
      %swap3A_570 = arith.constant 384 : index
      %swap3A_571 = tpu.vector_load %arg15[%swap3A_569, %swap3A_570] {strides = array<i32>} : memref<64x512xf32, #tpu.memory_space<vmem>>, vector<1x16xf32>,
      %swap3A_572 = vector.shape_cast %swap3A_571 : vector<1x16xf32> to vector<16xf32>
      %swap3A_573 = vector.shape_cast %add3A_568 : vector<16xf32> to vector<1x16xf32>
      tpu.vector_store %arg15[%swap3A_569, %swap3A_570], %swap3A_573 {strides = array<i32>} : memref<64x512xf32, #tpu.memory_space<vmem>>, vector<1x16xf32>,
      %get3A_574 = arith.index_cast %scan3A_42 : i32 to index
      %get3A_575 = arith.constant 400 : index
      %get3A_576 = tpu.vector_load %arg15[%get3A_574, %get3A_575] {strides = array<i32>} : memref<64x512xf32, #tpu.memory_space<vmem>>, vector<1x16xf32>,
      %get3A_577 = vector.shape_cast %get3A_576 : vector<1x16xf32> to vector<16xf32>
      %get3A_578 = arith.index_cast %scan3A_42 : i32 to index
      %get3A_579 = arith.constant 400 : index
      %get3A_580 = tpu.vector_load %arg13[%get3A_578, %get3A_579] {strides = array<i32>} : memref<64x512xf32, #tpu.memory_space<vmem>>, vector<1x16xf32>,
      %get3A_581 = vector.shape_cast %get3A_580 : vector<1x16xf32> to vector<16xf32>
      %mul3A_582 = arith.mulf %get3A_45, %get3A_581 : vector<16xf32>
      %add3A_583 = arith.addf %get3A_577, %mul3A_582 : vector<16xf32>
      %get3A_584 = arith.index_cast %scan3A_42 : i32 to index
      %get3A_585 = arith.constant 400 : index
      %get3A_586 = tpu.vector_load %arg14[%get3A_584, %get3A_585] {strides = array<i32>} : memref<64x512xf32, #tpu.memory_space<vmem>>, vector<1x16xf32>,
      %get3A_587 = vector.shape_cast %get3A_586 : vector<1x16xf32> to vector<16xf32>
      %mul3A_588 = arith.mulf %get3A_49, %get3A_587 : vector<16xf32>
      %add3A_589 = arith.addf %add3A_583, %mul3A_588 : vector<16xf32>
      %swap3A_590 = arith.index_cast %scan3A_42 : i32 to index
      %swap3A_591 = arith.constant 400 : index
      %swap3A_592 = tpu.vector_load %arg15[%swap3A_590, %swap3A_591] {strides = array<i32>} : memref<64x512xf32, #tpu.memory_space<vmem>>, vector<1x16xf32>,
      %swap3A_593 = vector.shape_cast %swap3A_592 : vector<1x16xf32> to vector<16xf32>
      %swap3A_594 = vector.shape_cast %add3A_589 : vector<16xf32> to vector<1x16xf32>
      tpu.vector_store %arg15[%swap3A_590, %swap3A_591], %swap3A_594 {strides = array<i32>} : memref<64x512xf32, #tpu.memory_space<vmem>>, vector<1x16xf32>,
      %get3A_595 = arith.index_cast %scan3A_42 : i32 to index
      %get3A_596 = arith.constant 416 : index
      %get3A_597 = tpu.vector_load %arg15[%get3A_595, %get3A_596] {strides = array<i32>} : memref<64x512xf32, #tpu.memory_space<vmem>>, vector<1x16xf32>,
      %get3A_598 = vector.shape_cast %get3A_597 : vector<1x16xf32> to vector<16xf32>
      %get3A_599 = arith.index_cast %scan3A_42 : i32 to index
      %get3A_600 = arith.constant 416 : index
      %get3A_601 = tpu.vector_load %arg13[%get3A_599, %get3A_600] {strides = array<i32>} : memref<64x512xf32, #tpu.memory_space<vmem>>, vector<1x16xf32>,
      %get3A_602 = vector.shape_cast %get3A_601 : vector<1x16xf32> to vector<16xf32>
      %mul3A_603 = arith.mulf %get3A_45, %get3A_602 : vector<16xf32>
      %add3A_604 = arith.addf %get3A_598, %mul3A_603 : vector<16xf32>
      %get3A_605 = arith.index_cast %scan3A_42 : i32 to index
      %get3A_606 = arith.constant 416 : index
      %get3A_607 = tpu.vector_load %arg14[%get3A_605, %get3A_606] {strides = array<i32>} : memref<64x512xf32, #tpu.memory_space<vmem>>, vector<1x16xf32>,
      %get3A_608 = vector.shape_cast %get3A_607 : vector<1x16xf32> to vector<16xf32>
      %mul3A_609 = arith.mulf %get3A_49, %get3A_608 : vector<16xf32>
      %add3A_610 = arith.addf %add3A_604, %mul3A_609 : vector<16xf32>
      %swap3A_611 = arith.index_cast %scan3A_42 : i32 to index
      %swap3A_612 = arith.constant 416 : index
      %swap3A_613 = tpu.vector_load %arg15[%swap3A_611, %swap3A_612] {strides = array<i32>} : memref<64x512xf32, #tpu.memory_space<vmem>>, vector<1x16xf32>,
      %swap3A_614 = vector.shape_cast %swap3A_613 : vector<1x16xf32> to vector<16xf32>
      %swap3A_615 = vector.shape_cast %add3A_610 : vector<16xf32> to vector<1x16xf32>
      tpu.vector_store %arg15[%swap3A_611, %swap3A_612], %swap3A_615 {strides = array<i32>} : memref<64x512xf32, #tpu.memory_space<vmem>>, vector<1x16xf32>,
      %get3A_616 = arith.index_cast %scan3A_42 : i32 to index
      %get3A_617 = arith.constant 432 : index
      %get3A_618 = tpu.vector_load %arg15[%get3A_616, %get3A_617] {strides = array<i32>} : memref<64x512xf32, #tpu.memory_space<vmem>>, vector<1x16xf32>,
      %get3A_619 = vector.shape_cast %get3A_618 : vector<1x16xf32> to vector<16xf32>
      %get3A_620 = arith.index_cast %scan3A_42 : i32 to index
      %get3A_621 = arith.constant 432 : index
      %get3A_622 = tpu.vector_load %arg13[%get3A_620, %get3A_621] {strides = array<i32>} : memref<64x512xf32, #tpu.memory_space<vmem>>, vector<1x16xf32>,
      %get3A_623 = vector.shape_cast %get3A_622 : vector<1x16xf32> to vector<16xf32>
      %mul3A_624 = arith.mulf %get3A_45, %get3A_623 : vector<16xf32>
      %add3A_625 = arith.addf %get3A_619, %mul3A_624 : vector<16xf32>
      %get3A_626 = arith.index_cast %scan3A_42 : i32 to index
      %get3A_627 = arith.constant 432 : index
      %get3A_628 = tpu.vector_load %arg14[%get3A_626, %get3A_627] {strides = array<i32>} : memref<64x512xf32, #tpu.memory_space<vmem>>, vector<1x16xf32>,
      %get3A_629 = vector.shape_cast %get3A_628 : vector<1x16xf32> to vector<16xf32>
      %mul3A_630 = arith.mulf %get3A_49, %get3A_629 : vector<16xf32>
      %add3A_631 = arith.addf %add3A_625, %mul3A_630 : vector<16xf32>
      %swap3A_632 = arith.index_cast %scan3A_42 : i32 to index
      %swap3A_633 = arith.constant 432 : index
      %swap3A_634 = tpu.vector_load %arg15[%swap3A_632, %swap3A_633] {strides = array<i32>} : memref<64x512xf32, #tpu.memory_space<vmem>>, vector<1x16xf32>,
      %swap3A_635 = vector.shape_cast %swap3A_634 : vector<1x16xf32> to vector<16xf32>
      %swap3A_636 = vector.shape_cast %add3A_631 : vector<16xf32> to vector<1x16xf32>
      tpu.vector_store %arg15[%swap3A_632, %swap3A_633], %swap3A_636 {strides = array<i32>} : memref<64x512xf32, #tpu.memory_space<vmem>>, vector<1x16xf32>,
      %get3A_637 = arith.index_cast %scan3A_42 : i32 to index
      %get3A_638 = arith.constant 448 : index
      %get3A_639 = tpu.vector_load %arg15[%get3A_637, %get3A_638] {strides = array<i32>} : memref<64x512xf32, #tpu.memory_space<vmem>>, vector<1x16xf32>,
      %get3A_640 = vector.shape_cast %get3A_639 : vector<1x16xf32> to vector<16xf32>
      %get3A_641 = arith.index_cast %scan3A_42 : i32 to index
      %get3A_642 = arith.constant 448 : index
      %get3A_643 = tpu.vector_load %arg13[%get3A_641, %get3A_642] {strides = array<i32>} : memref<64x512xf32, #tpu.memory_space<vmem>>, vector<1x16xf32>,
      %get3A_644 = vector.shape_cast %get3A_643 : vector<1x16xf32> to vector<16xf32>
      %mul3A_645 = arith.mulf %get3A_45, %get3A_644 : vector<16xf32>
      %add3A_646 = arith.addf %get3A_640, %mul3A_645 : vector<16xf32>
      %get3A_647 = arith.index_cast %scan3A_42 : i32 to index
      %get3A_648 = arith.constant 448 : index
      %get3A_649 = tpu.vector_load %arg14[%get3A_647, %get3A_648] {strides = array<i32>} : memref<64x512xf32, #tpu.memory_space<vmem>>, vector<1x16xf32>,
      %get3A_650 = vector.shape_cast %get3A_649 : vector<1x16xf32> to vector<16xf32>
      %mul3A_651 = arith.mulf %get3A_49, %get3A_650 : vector<16xf32>
      %add3A_652 = arith.addf %add3A_646, %mul3A_651 : vector<16xf32>
      %swap3A_653 = arith.index_cast %scan3A_42 : i32 to index
      %swap3A_654 = arith.constant 448 : index
      %swap3A_655 = tpu.vector_load %arg15[%swap3A_653, %swap3A_654] {strides = array<i32>} : memref<64x512xf32, #tpu.memory_space<vmem>>, vector<1x16xf32>,
      %swap3A_656 = vector.shape_cast %swap3A_655 : vector<1x16xf32> to vector<16xf32>
      %swap3A_657 = vector.shape_cast %add3A_652 : vector<16xf32> to vector<1x16xf32>
      tpu.vector_store %arg15[%swap3A_653, %swap3A_654], %swap3A_657 {strides = array<i32>} : memref<64x512xf32, #tpu.memory_space<vmem>>, vector<1x16xf32>,
      %get3A_658 = arith.index_cast %scan3A_42 : i32 to index
      %get3A_659 = arith.constant 464 : index
      %get3A_660 = tpu.vector_load %arg15[%get3A_658, %get3A_659] {strides = array<i32>} : memref<64x512xf32, #tpu.memory_space<vmem>>, vector<1x16xf32>,
      %get3A_661 = vector.shape_cast %get3A_660 : vector<1x16xf32> to vector<16xf32>
      %get3A_662 = arith.index_cast %scan3A_42 : i32 to index
      %get3A_663 = arith.constant 464 : index
      %get3A_664 = tpu.vector_load %arg13[%get3A_662, %get3A_663] {strides = array<i32>} : memref<64x512xf32, #tpu.memory_space<vmem>>, vector<1x16xf32>,
      %get3A_665 = vector.shape_cast %get3A_664 : vector<1x16xf32> to vector<16xf32>
      %mul3A_666 = arith.mulf %get3A_45, %get3A_665 : vector<16xf32>
      %add3A_667 = arith.addf %get3A_661, %mul3A_666 : vector<16xf32>
      %get3A_668 = arith.index_cast %scan3A_42 : i32 to index
      %get3A_669 = arith.constant 464 : index
      %get3A_670 = tpu.vector_load %arg14[%get3A_668, %get3A_669] {strides = array<i32>} : memref<64x512xf32, #tpu.memory_space<vmem>>, vector<1x16xf32>,
      %get3A_671 = vector.shape_cast %get3A_670 : vector<1x16xf32> to vector<16xf32>
      %mul3A_672 = arith.mulf %get3A_49, %get3A_671 : vector<16xf32>
      %add3A_673 = arith.addf %add3A_667, %mul3A_672 : vector<16xf32>
      %swap3A_674 = arith.index_cast %scan3A_42 : i32 to index
      %swap3A_675 = arith.constant 464 : index
      %swap3A_676 = tpu.vector_load %arg15[%swap3A_674, %swap3A_675] {strides = array<i32>} : memref<64x512xf32, #tpu.memory_space<vmem>>, vector<1x16xf32>,
      %swap3A_677 = vector.shape_cast %swap3A_676 : vector<1x16xf32> to vector<16xf32>
      %swap3A_678 = vector.shape_cast %add3A_673 : vector<16xf32> to vector<1x16xf32>
      tpu.vector_store %arg15[%swap3A_674, %swap3A_675], %swap3A_678 {strides = array<i32>} : memref<64x512xf32, #tpu.memory_space<vmem>>, vector<1x16xf32>,
      %get3A_679 = arith.index_cast %scan3A_42 : i32 to index
      %get3A_680 = arith.constant 480 : index
      %get3A_681 = tpu.vector_load %arg15[%get3A_679, %get3A_680] {strides = array<i32>} : memref<64x512xf32, #tpu.memory_space<vmem>>, vector<1x16xf32>,
      %get3A_682 = vector.shape_cast %get3A_681 : vector<1x16xf32> to vector<16xf32>
      %get3A_683 = arith.index_cast %scan3A_42 : i32 to index
      %get3A_684 = arith.constant 480 : index
      %get3A_685 = tpu.vector_load %arg13[%get3A_683, %get3A_684] {strides = array<i32>} : memref<64x512xf32, #tpu.memory_space<vmem>>, vector<1x16xf32>,
      %get3A_686 = vector.shape_cast %get3A_685 : vector<1x16xf32> to vector<16xf32>
      %mul3A_687 = arith.mulf %get3A_45, %get3A_686 : vector<16xf32>
      %add3A_688 = arith.addf %get3A_682, %mul3A_687 : vector<16xf32>
      %get3A_689 = arith.index_cast %scan3A_42 : i32 to index
      %get3A_690 = arith.constant 480 : index
      %get3A_691 = tpu.vector_load %arg14[%get3A_689, %get3A_690] {strides = array<i32>} : memref<64x512xf32, #tpu.memory_space<vmem>>, vector<1x16xf32>,
      %get3A_692 = vector.shape_cast %get3A_691 : vector<1x16xf32> to vector<16xf32>
      %mul3A_693 = arith.mulf %get3A_49, %get3A_692 : vector<16xf32>
      %add3A_694 = arith.addf %add3A_688, %mul3A_693 : vector<16xf32>
      %swap3A_695 = arith.index_cast %scan3A_42 : i32 to index
      %swap3A_696 = arith.constant 480 : index
      %swap3A_697 = tpu.vector_load %arg15[%swap3A_695, %swap3A_696] {strides = array<i32>} : memref<64x512xf32, #tpu.memory_space<vmem>>, vector<1x16xf32>,
      %swap3A_698 = vector.shape_cast %swap3A_697 : vector<1x16xf32> to vector<16xf32>
      %swap3A_699 = vector.shape_cast %add3A_694 : vector<16xf32> to vector<1x16xf32>
      tpu.vector_store %arg15[%swap3A_695, %swap3A_696], %swap3A_699 {strides = array<i32>} : memref<64x512xf32, #tpu.memory_space<vmem>>, vector<1x16xf32>,
      %get3A_700 = arith.index_cast %scan3A_42 : i32 to index
      %get3A_701 = arith.constant 496 : index
      %get3A_702 = tpu.vector_load %arg15[%get3A_700, %get3A_701] {strides = array<i32>} : memref<64x512xf32, #tpu.memory_space<vmem>>, vector<1x16xf32>,
      %get3A_703 = vector.shape_cast %get3A_702 : vector<1x16xf32> to vector<16xf32>
      %get3A_704 = arith.index_cast %scan3A_42 : i32 to index
      %get3A_705 = arith.constant 496 : index
      %get3A_706 = tpu.vector_load %arg13[%get3A_704, %get3A_705] {strides = array<i32>} : memref<64x512xf32, #tpu.memory_space<vmem>>, vector<1x16xf32>,
      %get3A_707 = vector.shape_cast %get3A_706 : vector<1x16xf32> to vector<16xf32>
      %mul3A_708 = arith.mulf %get3A_45, %get3A_707 : vector<16xf32>
      %add3A_709 = arith.addf %get3A_703, %mul3A_708 : vector<16xf32>
      %get3A_710 = arith.index_cast %scan3A_42 : i32 to index
      %get3A_711 = arith.constant 496 : index
      %get3A_712 = tpu.vector_load %arg14[%get3A_710, %get3A_711] {strides = array<i32>} : memref<64x512xf32, #tpu.memory_space<vmem>>, vector<1x16xf32>,
      %get3A_713 = vector.shape_cast %get3A_712 : vector<1x16xf32> to vector<16xf32>
      %mul3A_714 = arith.mulf %get3A_49, %get3A_713 : vector<16xf32>
      %add3A_715 = arith.addf %add3A_709, %mul3A_714 : vector<16xf32>
      %swap3A_716 = arith.index_cast %scan3A_42 : i32 to index
      %swap3A_717 = arith.constant 496 : index
      %swap3A_718 = tpu.vector_load %arg15[%swap3A_716, %swap3A_717] {strides = array<i32>} : memref<64x512xf32, #tpu.memory_space<vmem>>, vector<1x16xf32>,
      %swap3A_719 = vector.shape_cast %swap3A_718 : vector<1x16xf32> to vector<16xf32>
      %swap3A_720 = vector.shape_cast %add3A_715 : vector<16xf32> to vector<1x16xf32>
      tpu.vector_store %arg15[%swap3A_716, %swap3A_717], %swap3A_720 {strides = array<i32>} : memref<64x512xf32, #tpu.memory_space<vmem>>, vector<1x16xf32>,
    }
    %scan3A_41 = arith.constant 64 : i32
    "tpu.region"() ({
      %run_scoped3A = tpu.sem_alloc : memref<!tpu.dma_semaphore, #tpu.memory_space<semaphore_mem>>
      %dma_start3A_42 = arith.constant 0 : i32
      %dma_start3A_43 = tpu.memref_slice %arg8[%add3A_23, %dma_start3A_42] : memref<4096x512xf32, #tpu.memory_space<hbm>> -> memref<64x512xf32, #tpu.memory_space<hbm>>
      %dma_start3A_44 = arith.constant 0 : i32
      %dma_start3A_45 = tpu.memref_slice %arg8[%add3A_23, %dma_start3A_44] : memref<4096x512xf32, #tpu.memory_space<hbm>> -> memref<64x512xf32, #tpu.memory_space<hbm>>
      tpu.enqueue_dma source(%arg15 : memref<64x512xf32, #tpu.memory_space<vmem>>) target(%dma_start3A_45 : memref<64x512xf32, #tpu.memory_space<hbm>>) target_semaphore(%run_scoped3A : memref<!tpu.dma_semaphore, #tpu.memory_space<semaphore_mem>>)
      %dma_wait3A_46 = arith.constant 0 : i32
      %dma_wait3A_47 = tpu.memref_slice %arg8[%add3A_23, %dma_wait3A_46] : memref<4096x512xf32, #tpu.memory_space<hbm>> -> memref<64x512xf32, #tpu.memory_space<hbm>>
      %dma_wait3A_48 = arith.constant 0 : i32
      %dma_wait3A_49 = tpu.memref_slice %arg8[%add3A_23, %dma_wait3A_48] : memref<4096x512xf32, #tpu.memory_space<hbm>> -> memref<64x512xf32, #tpu.memory_space<hbm>>
      tpu.wait_dma2 semaphore(%run_scoped3A : memref<!tpu.dma_semaphore, #tpu.memory_space<semaphore_mem>>) src(%arg15 : memref<64x512xf32, #tpu.memory_space<vmem>>) dst(%dma_wait3A_49 : memref<64x512xf32, #tpu.memory_space<hbm>>)
      tpu.yield
    }) : () -> ()
    return
  }
}

#map = affine_map<(d0, d1) -> (0, 0)>
#map1 = affine_map<(d0, d1) -> (0)>
module attributes {stable_mosaic.version = 14 : i64} {
  func.func @_dispatch_body(%arg0: i32, %arg1: i32, %arg2: memref<4096x512xf32, #tpu.memory_space<hbm>>, %arg3: memref<4096xi32, #tpu.memory_space<hbm>>, %arg4: memref<4096xi32, #tpu.memory_space<hbm>>, %arg5: memref<5376x512xf32, #tpu.memory_space<hbm>>, %arg6: memref<128xi32, #tpu.memory_space<vmem>>, %arg7: memref<128xi32, #tpu.memory_space<vmem>>, %arg8: memref<128x512xf32, #tpu.memory_space<vmem>>, %arg9: memref<!tpu.dma_semaphore, #tpu.memory_space<semaphore_mem>>, %arg10: memref<!tpu.dma_semaphore, #tpu.memory_space<semaphore_mem>>) attributes {dimension_semantics = [#tpu.dimension_semantics<core_parallel>, #tpu.dimension_semantics<subcore_parallel>], iteration_bounds = array<i64: 2, 16>, scalar_prefetch = 0 : i64, scratch_operands = 5 : i64, tpu.core_type = #tpu.core_type<sc_vector_subcore>, window_params = [{transform_indices = #map}, {transform_indices = #map1}, {transform_indices = #map1}, {transform_indices = #map}]} {
    %mul3A = arith.constant 2 : i32
    %mul3A_0 = arith.muli %arg1, %mul3A : i32
    %add3A = arith.addi %mul3A_0, %arg0 : i32
    %mul3A_1 = arith.constant 128 : i32
    %mul3A_2 = arith.muli %add3A, %mul3A_1 : i32
    "tpu.region"() ({
      %run_scoped3A = tpu.sem_alloc : memref<!tpu.dma_semaphore, #tpu.memory_space<semaphore_mem>>
      %dma_start3A_13 = tpu.memref_slice %arg3[%mul3A_2] : memref<4096xi32, #tpu.memory_space<hbm>> -> memref<128xi32, #tpu.memory_space<hbm>>
      %dma_start3A_14 = tpu.memref_slice %arg3[%mul3A_2] : memref<4096xi32, #tpu.memory_space<hbm>> -> memref<128xi32, #tpu.memory_space<hbm>>
      tpu.enqueue_dma source(%dma_start3A_14 : memref<128xi32, #tpu.memory_space<hbm>>) target(%arg6 : memref<128xi32, #tpu.memory_space<vmem>>) target_semaphore(%run_scoped3A : memref<!tpu.dma_semaphore, #tpu.memory_space<semaphore_mem>>)
      %dma_wait3A_15 = tpu.memref_slice %arg3[%mul3A_2] : memref<4096xi32, #tpu.memory_space<hbm>> -> memref<128xi32, #tpu.memory_space<hbm>>
      %dma_wait3A_16 = tpu.memref_slice %arg3[%mul3A_2] : memref<4096xi32, #tpu.memory_space<hbm>> -> memref<128xi32, #tpu.memory_space<hbm>>
      tpu.wait_dma2 semaphore(%run_scoped3A : memref<!tpu.dma_semaphore, #tpu.memory_space<semaphore_mem>>) src(%dma_wait3A_16 : memref<128xi32, #tpu.memory_space<hbm>>) dst(%arg6 : memref<128xi32, #tpu.memory_space<vmem>>)
      tpu.yield
    }) : () -> ()
    "tpu.region"() ({
      %run_scoped3A = tpu.sem_alloc : memref<!tpu.dma_semaphore, #tpu.memory_space<semaphore_mem>>
      %dma_start3A_13 = tpu.memref_slice %arg4[%mul3A_2] : memref<4096xi32, #tpu.memory_space<hbm>> -> memref<128xi32, #tpu.memory_space<hbm>>
      %dma_start3A_14 = tpu.memref_slice %arg4[%mul3A_2] : memref<4096xi32, #tpu.memory_space<hbm>> -> memref<128xi32, #tpu.memory_space<hbm>>
      tpu.enqueue_dma source(%dma_start3A_14 : memref<128xi32, #tpu.memory_space<hbm>>) target(%arg7 : memref<128xi32, #tpu.memory_space<vmem>>) target_semaphore(%run_scoped3A : memref<!tpu.dma_semaphore, #tpu.memory_space<semaphore_mem>>)
      %dma_wait3A_15 = tpu.memref_slice %arg4[%mul3A_2] : memref<4096xi32, #tpu.memory_space<hbm>> -> memref<128xi32, #tpu.memory_space<hbm>>
      %dma_wait3A_16 = tpu.memref_slice %arg4[%mul3A_2] : memref<4096xi32, #tpu.memory_space<hbm>> -> memref<128xi32, #tpu.memory_space<hbm>>
      tpu.wait_dma2 semaphore(%run_scoped3A : memref<!tpu.dma_semaphore, #tpu.memory_space<semaphore_mem>>) src(%dma_wait3A_16 : memref<128xi32, #tpu.memory_space<hbm>>) dst(%arg7 : memref<128xi32, #tpu.memory_space<vmem>>)
      tpu.yield
    }) : () -> ()
    "tpu.region"() ({
      %run_scoped3A = tpu.sem_alloc : memref<!tpu.dma_semaphore, #tpu.memory_space<semaphore_mem>>
      %dma_start3A_13 = arith.constant 0 : i32
      %dma_start3A_14 = tpu.memref_slice %arg2[%mul3A_2, %dma_start3A_13] : memref<4096x512xf32, #tpu.memory_space<hbm>> -> memref<128x512xf32, #tpu.memory_space<hbm>>
      %dma_start3A_15 = arith.constant 0 : i32
      %dma_start3A_16 = tpu.memref_slice %arg2[%mul3A_2, %dma_start3A_15] : memref<4096x512xf32, #tpu.memory_space<hbm>> -> memref<128x512xf32, #tpu.memory_space<hbm>>
      tpu.enqueue_dma source(%dma_start3A_16 : memref<128x512xf32, #tpu.memory_space<hbm>>) target(%arg8 : memref<128x512xf32, #tpu.memory_space<vmem>>) target_semaphore(%run_scoped3A : memref<!tpu.dma_semaphore, #tpu.memory_space<semaphore_mem>>)
      %dma_wait3A_17 = arith.constant 0 : i32
      %dma_wait3A_18 = tpu.memref_slice %arg2[%mul3A_2, %dma_wait3A_17] : memref<4096x512xf32, #tpu.memory_space<hbm>> -> memref<128x512xf32, #tpu.memory_space<hbm>>
      %dma_wait3A_19 = arith.constant 0 : i32
      %dma_wait3A_20 = tpu.memref_slice %arg2[%mul3A_2, %dma_wait3A_19] : memref<4096x512xf32, #tpu.memory_space<hbm>> -> memref<128x512xf32, #tpu.memory_space<hbm>>
      tpu.wait_dma2 semaphore(%run_scoped3A : memref<!tpu.dma_semaphore, #tpu.memory_space<semaphore_mem>>) src(%dma_wait3A_20 : memref<128x512xf32, #tpu.memory_space<hbm>>) dst(%arg8 : memref<128x512xf32, #tpu.memory_space<vmem>>)
      tpu.yield
    }) : () -> ()
    %dma_start3A = arith.constant 0 : i32
    %dma_start3A_3 = arith.constant 0 : i32
    %dma_start3A_4 = tpu.memref_slice %arg5[%dma_start3A, %dma_start3A_3] : memref<5376x512xf32, #tpu.memory_space<hbm>> -> memref<5376x512xf32, #tpu.memory_space<hbm>>
    tpu.enqueue_indirect_dma source(%arg8 : memref<128x512xf32, #tpu.memory_space<vmem>>) target(%dma_start3A_4 : memref<5376x512xf32, #tpu.memory_space<hbm>>) offsets(%arg6 : memref<128xi32, #tpu.memory_space<vmem>>) semaphore(%arg9 : memref<!tpu.dma_semaphore, #tpu.memory_space<semaphore_mem>>)
    %dma_start3A_5 = arith.constant 0 : i32
    %dma_start3A_6 = arith.constant 0 : i32
    %dma_start3A_7 = tpu.memref_slice %arg5[%dma_start3A_5, %dma_start3A_6] : memref<5376x512xf32, #tpu.memory_space<hbm>> -> memref<5376x512xf32, #tpu.memory_space<hbm>>
    tpu.enqueue_indirect_dma source(%arg8 : memref<128x512xf32, #tpu.memory_space<vmem>>) target(%dma_start3A_7 : memref<5376x512xf32, #tpu.memory_space<hbm>>) offsets(%arg7 : memref<128xi32, #tpu.memory_space<vmem>>) semaphore(%arg10 : memref<!tpu.dma_semaphore, #tpu.memory_space<semaphore_mem>>)
    %dma_wait3A = arith.constant 0 : i32
    %dma_wait3A_8 = arith.constant 0 : i32
    %dma_wait3A_9 = tpu.memref_slice %arg5[%dma_wait3A, %dma_wait3A_8] : memref<5376x512xf32, #tpu.memory_space<hbm>> -> memref<5376x512xf32, #tpu.memory_space<hbm>>
    tpu.wait_indirect_dma semaphore(%arg9 : memref<!tpu.dma_semaphore, #tpu.memory_space<semaphore_mem>>) src(%arg8 : memref<128x512xf32, #tpu.memory_space<vmem>>) dst(%dma_wait3A_9 : memref<5376x512xf32, #tpu.memory_space<hbm>>)
    %dma_wait3A_10 = arith.constant 0 : i32
    %dma_wait3A_11 = arith.constant 0 : i32
    %dma_wait3A_12 = tpu.memref_slice %arg5[%dma_wait3A_10, %dma_wait3A_11] : memref<5376x512xf32, #tpu.memory_space<hbm>> -> memref<5376x512xf32, #tpu.memory_space<hbm>>
    tpu.wait_indirect_dma semaphore(%arg10 : memref<!tpu.dma_semaphore, #tpu.memory_space<semaphore_mem>>) src(%arg8 : memref<128x512xf32, #tpu.memory_space<vmem>>) dst(%dma_wait3A_12 : memref<5376x512xf32, #tpu.memory_space<hbm>>)
    return
  }
}

module attributes {stable_mosaic.version = 14 : i64} {
  func.func @_attn_router_body(%arg0: i32, %arg1: i32, %arg2: memref<1x512x512xf32, #tpu.memory_space<vmem>>, %arg3: memref<1x512xf32, #tpu.memory_space<vmem>>, %arg4: memref<1x512xf32, #tpu.memory_space<vmem>>, %arg5: memref<512x3072xf32, #tpu.memory_space<vmem>>, %arg6: memref<512x512xf32, #tpu.memory_space<vmem>>, %arg7: memref<1x3072xf32, #tpu.memory_space<vmem>>, %arg8: memref<1x512xf32, #tpu.memory_space<vmem>>, %arg9: memref<512x512xf32, #tpu.memory_space<vmem>>, %arg10: memref<512x512xf32, #tpu.memory_space<vmem>>, %arg11: memref<512x128xf32, #tpu.memory_space<vmem>>, %arg12: memref<1x128xf32, #tpu.memory_space<vmem>>, %arg13: memref<1x512x512xf32, #tpu.memory_space<vmem>>, %arg14: memref<512x512xf32, #tpu.memory_space<vmem>>, %arg15: memref<512x1xi32, #tpu.memory_space<vmem>>, %arg16: memref<512x1xi32, #tpu.memory_space<vmem>>, %arg17: memref<512x16xf32, #tpu.memory_space<vmem>>, %arg18: memref<512x16xf32, #tpu.memory_space<vmem>>, %arg19: memref<8x128xf32, #tpu.memory_space<vmem>>, %arg20: memref<512x512xf32, #tpu.memory_space<vmem>>, %arg21: memref<8x512xf32, #tpu.memory_space<vmem>>, %arg22: memref<8x128xf32, #tpu.memory_space<vmem>>) attributes {dimension_semantics = [#tpu.dimension_semantics<arbitrary>, #tpu.dimension_semantics<arbitrary>], iteration_bounds = array<i64: 2, 4>, scalar_prefetch = 0 : i64, scratch_operands = 3 : i64, tpu.core_type = #tpu.core_type<tc>, window_params = [{transform_indices = @transform_0, window_bounds = array<i64: 1, 512, 512>}, {pipeline_mode = #tpu.pipeline_mode<synchronous>, transform_indices = @transform_1, window_bounds = array<i64: 1, 512>}, {pipeline_mode = #tpu.pipeline_mode<synchronous>, transform_indices = @transform_2, window_bounds = array<i64: 1, 512>}, {pipeline_mode = #tpu.pipeline_mode<synchronous>, transform_indices = @transform_3, window_bounds = array<i64: 512, 3072>}, {pipeline_mode = #tpu.pipeline_mode<synchronous>, transform_indices = @transform_4, window_bounds = array<i64: 512, 512>}, {pipeline_mode = #tpu.pipeline_mode<synchronous>, transform_indices = @transform_5, window_bounds = array<i64: 1, 3072>}, {pipeline_mode = #tpu.pipeline_mode<synchronous>, transform_indices = @transform_6, window_bounds = array<i64: 1, 512>}, {transform_indices = @transform_7, window_bounds = array<i64: 512, 512>}, {transform_indices = @transform_8, window_bounds = array<i64: 512, 512>}, {pipeline_mode = #tpu.pipeline_mode<synchronous>, transform_indices = @transform_9, window_bounds = array<i64: 512, 128>}, {pipeline_mode = #tpu.pipeline_mode<synchronous>, transform_indices = @transform_10, window_bounds = array<i64: 1, 128>}, {transform_indices = @transform_11, window_bounds = array<i64: 1, 512, 512>}, {transform_indices = @transform_12, window_bounds = array<i64: 512, 512>}, {transform_indices = @transform_13, window_bounds = array<i64: 512, 1>}, {transform_indices = @transform_14, window_bounds = array<i64: 512, 1>}, {transform_indices = @transform_15, window_bounds = array<i64: 512, 16>}, {transform_indices = @transform_16, window_bounds = array<i64: 512, 16>}, {pipeline_mode = #tpu.pipeline_mode<synchronous>, transform_indices = @transform_17, window_bounds = array<i64: 8, 128>}]} {
    %eq3A = arith.constant 0 : i32
    %eq3A_0 = arith.cmpi eq, %arg1, %eq3A : i32
    %convert_element_type3A = arith.extui %eq3A_0 : i1 to i32
    %cond3A = arith.constant 0 : i32
    %cond3A_1 = arith.cmpi ne, %convert_element_type3A, %cond3A : i32
    scf.if %cond3A_1 {
      %broadcast_in_dim3A_690 = arith.constant 0.000000e+00 : f32
      %broadcast_in_dim3A_691 = vector.broadcast %broadcast_in_dim3A_690 : f32 to vector<512x512xf32>
      %swap3A_692 = arith.constant 0 : index
      %swap3A_693 = arith.constant 0 : index
      %swap3A_694 = vector.load %arg20[%swap3A_692, %swap3A_693] : memref<512x512xf32, #tpu.memory_space<vmem>>, vector<512x512xf32>
      tpu.vector_store %arg20[%swap3A_692, %swap3A_693], %broadcast_in_dim3A_691 {strides = array<i32>} : memref<512x512xf32, #tpu.memory_space<vmem>>, vector<512x512xf32>,
      %broadcast_in_dim3A_695 = arith.constant 0.000000e+00 : f32
      %broadcast_in_dim3A_696 = vector.broadcast %broadcast_in_dim3A_695 : f32 to vector<8x512xf32>
      %swap3A_697 = arith.constant 0 : index
      %swap3A_698 = arith.constant 0 : index
      %swap3A_699 = vector.load %arg21[%swap3A_697, %swap3A_698] : memref<8x512xf32, #tpu.memory_space<vmem>>, vector<8x512xf32>
      tpu.vector_store %arg21[%swap3A_697, %swap3A_698], %broadcast_in_dim3A_696 {strides = array<i32>} : memref<8x512xf32, #tpu.memory_space<vmem>>, vector<8x512xf32>,
    } else {
    }
    %eq3A_2 = arith.constant 0 : i32
    %eq3A_3 = arith.cmpi eq, %arg0, %eq3A_2 : i32
    %eq3A_4 = arith.constant 0 : i32
    %eq3A_5 = arith.cmpi eq, %arg1, %eq3A_4 : i32
    %and3A = arith.andi %eq3A_3, %eq3A_5 : i1
    %convert_element_type3A_6 = arith.extui %and3A : i1 to i32
    %cond3A_7 = arith.constant 0 : i32
    %cond3A_8 = arith.cmpi ne, %convert_element_type3A_6, %cond3A_7 : i32
    scf.if %cond3A_8 {
      %broadcast_in_dim3A_690 = arith.constant 0.000000e+00 : f32
      %broadcast_in_dim3A_691 = vector.broadcast %broadcast_in_dim3A_690 : f32 to vector<8x128xf32>
      %swap3A_692 = arith.constant 0 : index
      %swap3A_693 = arith.constant 0 : index
      %swap3A_694 = vector.load %arg22[%swap3A_692, %swap3A_693] : memref<8x128xf32, #tpu.memory_space<vmem>>, vector<8x128xf32>
      tpu.vector_store %arg22[%swap3A_692, %swap3A_693], %broadcast_in_dim3A_691 {strides = array<i32>} : memref<8x128xf32, #tpu.memory_space<vmem>>, vector<8x128xf32>,
    } else {
    }
    %get3A = arith.constant 0 : index
    %get3A_9 = arith.constant 0 : index
    %get3A_10 = arith.constant 0 : index
    %get3A_11 = vector.load %arg2[%get3A, %get3A_9, %get3A_10] : memref<1x512x512xf32, #tpu.memory_space<vmem>>, vector<1x512x512xf32>
    %get3A_12 = vector.shape_cast %get3A_11 : vector<1x512x512xf32> to vector<512x512xf32>
    %mul3A = arith.mulf %get3A_12, %get3A_12 : vector<512x512xf32>
    %reduce_sum3A = arith.constant dense<0.000000e+00> : vector<512xf32>
    %reduce_sum3A_13 = vector.multi_reduction <add>, %mul3A, %reduce_sum3A [1] : vector<512x512xf32> to vector<512xf32>
    %broadcast_in_dim3A = vector.shape_cast %reduce_sum3A_13 : vector<512xf32> to vector<512x1xf32>
    %div3A = arith.constant 5.120000e+02 : f32
    %div3A_14 = vector.broadcast %div3A : f32 to vector<512x1xf32>
    %div3A_15 = arith.divf %broadcast_in_dim3A, %div3A_14 : vector<512x1xf32>
    %rsqrt3A = math.rsqrt %div3A_15 : vector<512x1xf32>
    %mul3A_16 = vector.broadcast %rsqrt3A : vector<512x1xf32> to vector<512x512xf32>
    %mul3A_17 = arith.mulf %get3A_12, %mul3A_16 : vector<512x512xf32>
    %get3A_18 = arith.constant 0 : index
    %get3A_19 = arith.constant 0 : index
    %get3A_20 = vector.load %arg3[%get3A_18, %get3A_19] : memref<1x512xf32, #tpu.memory_space<vmem>>, vector<1x512xf32>
    %mul3A_21 = vector.broadcast %get3A_20 : vector<1x512xf32> to vector<512x512xf32>
    %mul3A_22 = arith.mulf %mul3A_17, %mul3A_21 : vector<512x512xf32>
    %get3A_23 = arith.constant 0 : index
    %get3A_24 = arith.constant 0 : index
    %get3A_25 = vector.load %arg5[%get3A_23, %get3A_24] : memref<512x3072xf32, #tpu.memory_space<vmem>>, vector<512x3072xf32>
    %dot_general3A = arith.constant dense<0.000000e+00> : vector<512x3072xf32>
    %dot_general3A_26 = tpu.matmul %mul3A_22, %get3A_25, %dot_general3A {dimension_numbers = #tpu.dot_dimension_numbers<[1], [0], [0], [1], [0, 0, 1, 1], [], []>, transpose_lhs_hint = false} : vector<512x512xf32>, vector<512x3072xf32>, vector<512x3072xf32> -> vector<512x3072xf32>
    %get3A_27 = arith.constant 0 : index
    %get3A_28 = arith.constant 0 : index
    %get3A_29 = vector.load %arg7[%get3A_27, %get3A_28] : memref<1x3072xf32, #tpu.memory_space<vmem>>, vector<1x3072xf32>
    %add3A = vector.broadcast %get3A_29 : vector<1x3072xf32> to vector<512x3072xf32>
    %add3A_30 = arith.addf %dot_general3A_26, %add3A : vector<512x3072xf32>
    %slice3A = vector.extract_strided_slice %add3A_30 {offsets = [0, 0], sizes = [512, 512], strides = [1, 1]} : vector<512x3072xf32> to vector<512x512xf32>
    %slice3A_31 = vector.extract_strided_slice %add3A_30 {offsets = [0, 512], sizes = [512, 512], strides = [1, 1]} : vector<512x3072xf32> to vector<512x512xf32>
    %slice3A_32 = vector.extract_strided_slice %add3A_30 {offsets = [0, 1024], sizes = [512, 512], strides = [1, 1]} : vector<512x3072xf32> to vector<512x512xf32>
    %slice3A_33 = vector.extract_strided_slice %add3A_30 {offsets = [0, 1536], sizes = [512, 512], strides = [1, 1]} : vector<512x3072xf32> to vector<512x512xf32>
    %slice3A_34 = vector.extract_strided_slice %add3A_30 {offsets = [0, 2048], sizes = [512, 512], strides = [1, 1]} : vector<512x3072xf32> to vector<512x512xf32>
    %slice3A_35 = vector.extract_strided_slice %add3A_30 {offsets = [0, 2560], sizes = [512, 512], strides = [1, 1]} : vector<512x3072xf32> to vector<512x512xf32>
    %neg3A = arith.constant 0.000000e+00 : f32
    %neg3A_36 = vector.broadcast %neg3A : f32 to vector<512x512xf32>
    %neg3A_37 = arith.subf %neg3A_36, %slice3A_35 : vector<512x512xf32>
    %exp3A = math.exp %neg3A_37 : vector<512x512xf32>
    %add3A_38 = arith.constant 1.000000e+00 : f32
    %add3A_39 = vector.broadcast %add3A_38 : f32 to vector<512x512xf32>
    %add3A_40 = arith.addf %add3A_39, %exp3A : vector<512x512xf32>
    %div3A_41 = arith.constant 1.000000e+00 : f32
    %div3A_42 = vector.broadcast %div3A_41 : f32 to vector<512x512xf32>
    %div3A_43 = arith.divf %div3A_42, %add3A_40 : vector<512x512xf32>
    %get3A_44 = arith.constant 0 : index
    %get3A_45 = arith.constant 0 : index
    %get3A_46 = vector.load %arg9[%get3A_44, %get3A_45] : memref<512x512xf32, #tpu.memory_space<vmem>>, vector<512x512xf32>
    %get3A_47 = arith.constant 0 : index
    %get3A_48 = arith.constant 0 : index
    %get3A_49 = vector.load %arg10[%get3A_47, %get3A_48] : memref<512x512xf32, #tpu.memory_space<vmem>>, vector<512x512xf32>
    %mul3A_50 = arith.mulf %slice3A, %get3A_46 : vector<512x512xf32>
    %mul3A_51 = arith.mulf %slice3A_31, %get3A_49 : vector<512x512xf32>
    %add3A_52 = arith.addf %mul3A_50, %mul3A_51 : vector<512x512xf32>
    %mul3A_53 = arith.mulf %slice3A_32, %get3A_46 : vector<512x512xf32>
    %mul3A_54 = arith.mulf %slice3A_33, %get3A_49 : vector<512x512xf32>
    %add3A_55 = arith.addf %mul3A_53, %mul3A_54 : vector<512x512xf32>
    %gt3A = arith.constant 0.000000e+00 : f32
    %gt3A_56 = vector.broadcast %gt3A : f32 to vector<512x512xf32>
    %gt3A_57 = arith.cmpf ogt, %add3A_52, %gt3A_56 : vector<512x512xf32>
    %add3A_58 = arith.constant 1.000000e+00 : f32
    %add3A_59 = vector.broadcast %add3A_58 : f32 to vector<512x512xf32>
    %add3A_60 = arith.addf %add3A_52, %add3A_59 : vector<512x512xf32>
    %exp3A_61 = math.exp %add3A_52 : vector<512x512xf32>
    %select_n3A = arith.select %gt3A_57, %add3A_60, %exp3A_61 : vector<512x512xi1>, vector<512x512xf32>
    %gt3A_62 = arith.constant 0.000000e+00 : f32
    %gt3A_63 = vector.broadcast %gt3A_62 : f32 to vector<512x512xf32>
    %gt3A_64 = arith.cmpf ogt, %add3A_55, %gt3A_63 : vector<512x512xf32>
    %add3A_65 = arith.constant 1.000000e+00 : f32
    %add3A_66 = vector.broadcast %add3A_65 : f32 to vector<512x512xf32>
    %add3A_67 = arith.addf %add3A_55, %add3A_66 : vector<512x512xf32>
    %exp3A_68 = math.exp %add3A_55 : vector<512x512xf32>
    %select_n3A_69 = arith.select %gt3A_64, %add3A_67, %exp3A_68 : vector<512x512xi1>, vector<512x512xf32>
    %iota3A = tpu.iota {dimensions = array<i32: 0>} : vector<512x512xi32>
    %jit3A = arith.constant 64 : i32
    %div3A_70 = vector.broadcast %jit3A : i32 to vector<512x512xi32>
    %div3A_71 = arith.divsi %iota3A, %div3A_70 : vector<512x512xi32>
    %sign3A = arith.constant 0 : i32
    %sign3A_72 = vector.broadcast %sign3A : i32 to vector<512x512xi32>
    %sign3A_73 = arith.cmpi sgt, %iota3A, %sign3A_72 : vector<512x512xi32>
    %sign3A_74 = arith.extui %sign3A_73 : vector<512x512xi1> to vector<512x512xi32>
    %sign3A_75 = arith.constant 0 : i32
    %sign3A_76 = vector.broadcast %sign3A_75 : i32 to vector<512x512xi32>
    %sign3A_77 = arith.cmpi slt, %iota3A, %sign3A_76 : vector<512x512xi32>
    %sign3A_78 = arith.extui %sign3A_77 : vector<512x512xi1> to vector<512x512xi32>
    %sign3A_79 = arith.subi %sign3A_74, %sign3A_78 : vector<512x512xi32>
    %sign3A_80 = arith.constant 0 : i32
    %sign3A_81 = arith.cmpi sgt, %jit3A, %sign3A_80 : i32
    %sign3A_82 = arith.extui %sign3A_81 : i1 to i32
    %sign3A_83 = arith.constant 0 : i32
    %sign3A_84 = arith.cmpi slt, %jit3A, %sign3A_83 : i32
    %sign3A_85 = arith.extui %sign3A_84 : i1 to i32
    %sign3A_86 = arith.subi %sign3A_82, %sign3A_85 : i32
    %ne3A = vector.broadcast %sign3A_86 : i32 to vector<512x512xi32>
    %ne3A_87 = arith.cmpi ne, %sign3A_79, %ne3A : vector<512x512xi32>
    %rem3A = vector.broadcast %jit3A : i32 to vector<512x512xi32>
    %rem3A_88 = arith.remsi %iota3A, %rem3A : vector<512x512xi32>
    %ne3A_89 = arith.constant 0 : i32
    %ne3A_90 = vector.broadcast %ne3A_89 : i32 to vector<512x512xi32>
    %ne3A_91 = arith.cmpi ne, %rem3A_88, %ne3A_90 : vector<512x512xi32>
    %and3A_92 = arith.andi %ne3A_87, %ne3A_91 : vector<512x512xi1>
    %sub3A = arith.constant 1 : i32
    %sub3A_93 = vector.broadcast %sub3A : i32 to vector<512x512xi32>
    %sub3A_94 = arith.subi %div3A_71, %sub3A_93 : vector<512x512xi32>
    %select_n3A_95 = arith.select %and3A_92, %sub3A_94, %div3A_71 : vector<512x512xi1>, vector<512x512xi32>
    %iota3A_96 = tpu.iota {dimensions = array<i32: 1>} : vector<512x512xi32>
    %jit3A_97 = arith.constant 64 : i32
    %div3A_98 = vector.broadcast %jit3A_97 : i32 to vector<512x512xi32>
    %div3A_99 = arith.divsi %iota3A_96, %div3A_98 : vector<512x512xi32>
    %sign3A_100 = arith.constant 0 : i32
    %sign3A_101 = vector.broadcast %sign3A_100 : i32 to vector<512x512xi32>
    %sign3A_102 = arith.cmpi sgt, %iota3A_96, %sign3A_101 : vector<512x512xi32>
    %sign3A_103 = arith.extui %sign3A_102 : vector<512x512xi1> to vector<512x512xi32>
    %sign3A_104 = arith.constant 0 : i32
    %sign3A_105 = vector.broadcast %sign3A_104 : i32 to vector<512x512xi32>
    %sign3A_106 = arith.cmpi slt, %iota3A_96, %sign3A_105 : vector<512x512xi32>
    %sign3A_107 = arith.extui %sign3A_106 : vector<512x512xi1> to vector<512x512xi32>
    %sign3A_108 = arith.subi %sign3A_103, %sign3A_107 : vector<512x512xi32>
    %sign3A_109 = arith.constant 0 : i32
    %sign3A_110 = arith.cmpi sgt, %jit3A_97, %sign3A_109 : i32
    %sign3A_111 = arith.extui %sign3A_110 : i1 to i32
    %sign3A_112 = arith.constant 0 : i32
    %sign3A_113 = arith.cmpi slt, %jit3A_97, %sign3A_112 : i32
    %sign3A_114 = arith.extui %sign3A_113 : i1 to i32
    %sign3A_115 = arith.subi %sign3A_111, %sign3A_114 : i32
    %ne3A_116 = vector.broadcast %sign3A_115 : i32 to vector<512x512xi32>
    %ne3A_117 = arith.cmpi ne, %sign3A_108, %ne3A_116 : vector<512x512xi32>
    %rem3A_118 = vector.broadcast %jit3A_97 : i32 to vector<512x512xi32>
    %rem3A_119 = arith.remsi %iota3A_96, %rem3A_118 : vector<512x512xi32>
    %ne3A_120 = arith.constant 0 : i32
    %ne3A_121 = vector.broadcast %ne3A_120 : i32 to vector<512x512xi32>
    %ne3A_122 = arith.cmpi ne, %rem3A_119, %ne3A_121 : vector<512x512xi32>
    %and3A_123 = arith.andi %ne3A_117, %ne3A_122 : vector<512x512xi1>
    %sub3A_124 = arith.constant 1 : i32
    %sub3A_125 = vector.broadcast %sub3A_124 : i32 to vector<512x512xi32>
    %sub3A_126 = arith.subi %div3A_99, %sub3A_125 : vector<512x512xi32>
    %select_n3A_127 = arith.select %and3A_123, %sub3A_126, %div3A_99 : vector<512x512xi1>, vector<512x512xi32>
    %eq3A_128 = arith.cmpi eq, %select_n3A_95, %select_n3A_127 : vector<512x512xi32>
    %convert_element_type3A_129 = arith.extui %eq3A_128 : vector<512x512xi1> to vector<512x512xi32>
    %convert_element_type3A_130 = arith.sitofp %convert_element_type3A_129 : vector<512x512xi32> to vector<512x512xf32>
    %slice3A_131 = vector.extract_strided_slice %select_n3A {offsets = [0, 0], sizes = [64, 512], strides = [1, 1]} : vector<512x512xf32> to vector<64x512xf32>
    %slice3A_132 = vector.extract_strided_slice %select_n3A_69 {offsets = [0, 0], sizes = [64, 512], strides = [1, 1]} : vector<512x512xf32> to vector<64x512xf32>
    %slice3A_133 = vector.extract_strided_slice %slice3A_34 {offsets = [0, 0], sizes = [64, 512], strides = [1, 1]} : vector<512x512xf32> to vector<64x512xf32>
    %slice3A_134 = vector.extract_strided_slice %div3A_43 {offsets = [0, 0], sizes = [64, 512], strides = [1, 1]} : vector<512x512xf32> to vector<64x512xf32>
    %dot_general3A_135 = arith.constant dense<0.000000e+00> : vector<512x512xf32>
    %dot_general3A_136 = tpu.matmul %slice3A_132, %slice3A_133, %dot_general3A_135 {dimension_numbers = #tpu.dot_dimension_numbers<[0], [0], [1], [1], [0, 1, 1, 1], [], []>, transpose_lhs_hint = false} : vector<64x512xf32>, vector<64x512xf32>, vector<512x512xf32> -> vector<512x512xf32>
    %get3A_137 = arith.constant 0 : index
    %get3A_138 = arith.constant 0 : index
    %get3A_139 = vector.load %arg20[%get3A_137, %get3A_138] : memref<512x512xf32, #tpu.memory_space<vmem>>, vector<512x512xf32>
    %mul3A_140 = arith.mulf %dot_general3A_136, %convert_element_type3A_130 : vector<512x512xf32>
    %add3A_141 = arith.addf %get3A_139, %mul3A_140 : vector<512x512xf32>
    %swap3A = arith.constant 0 : index
    %swap3A_142 = arith.constant 0 : index
    %swap3A_143 = vector.load %arg20[%swap3A, %swap3A_142] : memref<512x512xf32, #tpu.memory_space<vmem>>, vector<512x512xf32>
    tpu.vector_store %arg20[%swap3A, %swap3A_142], %add3A_141 {strides = array<i32>} : memref<512x512xf32, #tpu.memory_space<vmem>>, vector<512x512xf32>,
    %get3A_144 = arith.constant 0 : index
    %get3A_145 = arith.constant 0 : index
    %get3A_146 = vector.load %arg21[%get3A_144, %get3A_145] : memref<8x512xf32, #tpu.memory_space<vmem>>, vector<1x512xf32>
    %reduce_sum3A_147 = arith.constant dense<0.000000e+00> : vector<512xf32>
    %reduce_sum3A_148 = vector.multi_reduction <add>, %slice3A_132, %reduce_sum3A_147 [0] : vector<64x512xf32> to vector<512xf32>
    %broadcast_in_dim3A_149 = vector.shape_cast %reduce_sum3A_148 : vector<512xf32> to vector<1x512xf32>
    %add3A_150 = arith.addf %get3A_146, %broadcast_in_dim3A_149 : vector<1x512xf32>
    %swap3A_151 = arith.constant 0 : index
    %swap3A_152 = arith.constant 0 : index
    %swap3A_153 = vector.load %arg21[%swap3A_151, %swap3A_152] : memref<8x512xf32, #tpu.memory_space<vmem>>, vector<1x512xf32>
    tpu.vector_store %arg21[%swap3A_151, %swap3A_152], %add3A_150 {strides = array<i32>} : memref<8x512xf32, #tpu.memory_space<vmem>>, vector<1x512xf32>,
    %get3A_154 = arith.constant 0 : index
    %get3A_155 = arith.constant 0 : index
    %get3A_156 = vector.load %arg20[%get3A_154, %get3A_155] : memref<512x512xf32, #tpu.memory_space<vmem>>, vector<512x512xf32>
    %dot_general3A_157 = arith.constant dense<0.000000e+00> : vector<64x512xf32>
    %dot_general3A_158 = tpu.matmul %slice3A_131, %get3A_156, %dot_general3A_157 {dimension_numbers = #tpu.dot_dimension_numbers<[1], [0], [0], [1], [0, 0, 1, 1], [], []>, transpose_lhs_hint = false} : vector<64x512xf32>, vector<512x512xf32>, vector<64x512xf32> -> vector<64x512xf32>
    %get3A_159 = arith.constant 0 : index
    %get3A_160 = arith.constant 0 : index
    %get3A_161 = vector.load %arg21[%get3A_159, %get3A_160] : memref<8x512xf32, #tpu.memory_space<vmem>>, vector<1x512xf32>
    %mul3A_162 = vector.broadcast %get3A_161 : vector<1x512xf32> to vector<64x512xf32>
    %mul3A_163 = arith.mulf %slice3A_131, %mul3A_162 : vector<64x512xf32>
    %dot_general3A_164 = arith.constant dense<0.000000e+00> : vector<64x512xf32>
    %dot_general3A_165 = tpu.matmul %mul3A_163, %convert_element_type3A_130, %dot_general3A_164 {dimension_numbers = #tpu.dot_dimension_numbers<[1], [0], [0], [1], [0, 0, 1, 1], [], []>, transpose_lhs_hint = false} : vector<64x512xf32>, vector<512x512xf32>, vector<64x512xf32> -> vector<64x512xf32>
    %add3A_166 = arith.constant 9.99999997E-7 : f32
    %add3A_167 = vector.broadcast %add3A_166 : f32 to vector<64x512xf32>
    %add3A_168 = arith.addf %dot_general3A_165, %add3A_167 : vector<64x512xf32>
    %mul3A_169 = arith.mulf %slice3A_134, %dot_general3A_158 : vector<64x512xf32>
    %div3A_170 = arith.divf %mul3A_169, %add3A_168 : vector<64x512xf32>
    %slice3A_171 = vector.extract_strided_slice %select_n3A {offsets = [64, 0], sizes = [64, 512], strides = [1, 1]} : vector<512x512xf32> to vector<64x512xf32>
    %slice3A_172 = vector.extract_strided_slice %select_n3A_69 {offsets = [64, 0], sizes = [64, 512], strides = [1, 1]} : vector<512x512xf32> to vector<64x512xf32>
    %slice3A_173 = vector.extract_strided_slice %slice3A_34 {offsets = [64, 0], sizes = [64, 512], strides = [1, 1]} : vector<512x512xf32> to vector<64x512xf32>
    %slice3A_174 = vector.extract_strided_slice %div3A_43 {offsets = [64, 0], sizes = [64, 512], strides = [1, 1]} : vector<512x512xf32> to vector<64x512xf32>
    %dot_general3A_175 = arith.constant dense<0.000000e+00> : vector<512x512xf32>
    %dot_general3A_176 = tpu.matmul %slice3A_172, %slice3A_173, %dot_general3A_175 {dimension_numbers = #tpu.dot_dimension_numbers<[0], [0], [1], [1], [0, 1, 1, 1], [], []>, transpose_lhs_hint = false} : vector<64x512xf32>, vector<64x512xf32>, vector<512x512xf32> -> vector<512x512xf32>
    %get3A_177 = arith.constant 0 : index
    %get3A_178 = arith.constant 0 : index
    %get3A_179 = vector.load %arg20[%get3A_177, %get3A_178] : memref<512x512xf32, #tpu.memory_space<vmem>>, vector<512x512xf32>
    %mul3A_180 = arith.mulf %dot_general3A_176, %convert_element_type3A_130 : vector<512x512xf32>
    %add3A_181 = arith.addf %get3A_179, %mul3A_180 : vector<512x512xf32>
    %swap3A_182 = arith.constant 0 : index
    %swap3A_183 = arith.constant 0 : index
    %swap3A_184 = vector.load %arg20[%swap3A_182, %swap3A_183] : memref<512x512xf32, #tpu.memory_space<vmem>>, vector<512x512xf32>
    tpu.vector_store %arg20[%swap3A_182, %swap3A_183], %add3A_181 {strides = array<i32>} : memref<512x512xf32, #tpu.memory_space<vmem>>, vector<512x512xf32>,
    %get3A_185 = arith.constant 0 : index
    %get3A_186 = arith.constant 0 : index
    %get3A_187 = vector.load %arg21[%get3A_185, %get3A_186] : memref<8x512xf32, #tpu.memory_space<vmem>>, vector<1x512xf32>
    %reduce_sum3A_188 = arith.constant dense<0.000000e+00> : vector<512xf32>
    %reduce_sum3A_189 = vector.multi_reduction <add>, %slice3A_172, %reduce_sum3A_188 [0] : vector<64x512xf32> to vector<512xf32>
    %broadcast_in_dim3A_190 = vector.shape_cast %reduce_sum3A_189 : vector<512xf32> to vector<1x512xf32>
    %add3A_191 = arith.addf %get3A_187, %broadcast_in_dim3A_190 : vector<1x512xf32>
    %swap3A_192 = arith.constant 0 : index
    %swap3A_193 = arith.constant 0 : index
    %swap3A_194 = vector.load %arg21[%swap3A_192, %swap3A_193] : memref<8x512xf32, #tpu.memory_space<vmem>>, vector<1x512xf32>
    tpu.vector_store %arg21[%swap3A_192, %swap3A_193], %add3A_191 {strides = array<i32>} : memref<8x512xf32, #tpu.memory_space<vmem>>, vector<1x512xf32>,
    %get3A_195 = arith.constant 0 : index
    %get3A_196 = arith.constant 0 : index
    %get3A_197 = vector.load %arg20[%get3A_195, %get3A_196] : memref<512x512xf32, #tpu.memory_space<vmem>>, vector<512x512xf32>
    %dot_general3A_198 = arith.constant dense<0.000000e+00> : vector<64x512xf32>
    %dot_general3A_199 = tpu.matmul %slice3A_171, %get3A_197, %dot_general3A_198 {dimension_numbers = #tpu.dot_dimension_numbers<[1], [0], [0], [1], [0, 0, 1, 1], [], []>, transpose_lhs_hint = false} : vector<64x512xf32>, vector<512x512xf32>, vector<64x512xf32> -> vector<64x512xf32>
    %get3A_200 = arith.constant 0 : index
    %get3A_201 = arith.constant 0 : index
    %get3A_202 = vector.load %arg21[%get3A_200, %get3A_201] : memref<8x512xf32, #tpu.memory_space<vmem>>, vector<1x512xf32>
    %mul3A_203 = vector.broadcast %get3A_202 : vector<1x512xf32> to vector<64x512xf32>
    %mul3A_204 = arith.mulf %slice3A_171, %mul3A_203 : vector<64x512xf32>
    %dot_general3A_205 = arith.constant dense<0.000000e+00> : vector<64x512xf32>
    %dot_general3A_206 = tpu.matmul %mul3A_204, %convert_element_type3A_130, %dot_general3A_205 {dimension_numbers = #tpu.dot_dimension_numbers<[1], [0], [0], [1], [0, 0, 1, 1], [], []>, transpose_lhs_hint = false} : vector<64x512xf32>, vector<512x512xf32>, vector<64x512xf32> -> vector<64x512xf32>
    %add3A_207 = arith.constant 9.99999997E-7 : f32
    %add3A_208 = vector.broadcast %add3A_207 : f32 to vector<64x512xf32>
    %add3A_209 = arith.addf %dot_general3A_206, %add3A_208 : vector<64x512xf32>
    %mul3A_210 = arith.mulf %slice3A_174, %dot_general3A_199 : vector<64x512xf32>
    %div3A_211 = arith.divf %mul3A_210, %add3A_209 : vector<64x512xf32>
    %slice3A_212 = vector.extract_strided_slice %select_n3A {offsets = [128, 0], sizes = [64, 512], strides = [1, 1]} : vector<512x512xf32> to vector<64x512xf32>
    %slice3A_213 = vector.extract_strided_slice %select_n3A_69 {offsets = [128, 0], sizes = [64, 512], strides = [1, 1]} : vector<512x512xf32> to vector<64x512xf32>
    %slice3A_214 = vector.extract_strided_slice %slice3A_34 {offsets = [128, 0], sizes = [64, 512], strides = [1, 1]} : vector<512x512xf32> to vector<64x512xf32>
    %slice3A_215 = vector.extract_strided_slice %div3A_43 {offsets = [128, 0], sizes = [64, 512], strides = [1, 1]} : vector<512x512xf32> to vector<64x512xf32>
    %dot_general3A_216 = arith.constant dense<0.000000e+00> : vector<512x512xf32>
    %dot_general3A_217 = tpu.matmul %slice3A_213, %slice3A_214, %dot_general3A_216 {dimension_numbers = #tpu.dot_dimension_numbers<[0], [0], [1], [1], [0, 1, 1, 1], [], []>, transpose_lhs_hint = false} : vector<64x512xf32>, vector<64x512xf32>, vector<512x512xf32> -> vector<512x512xf32>
    %get3A_218 = arith.constant 0 : index
    %get3A_219 = arith.constant 0 : index
    %get3A_220 = vector.load %arg20[%get3A_218, %get3A_219] : memref<512x512xf32, #tpu.memory_space<vmem>>, vector<512x512xf32>
    %mul3A_221 = arith.mulf %dot_general3A_217, %convert_element_type3A_130 : vector<512x512xf32>
    %add3A_222 = arith.addf %get3A_220, %mul3A_221 : vector<512x512xf32>
    %swap3A_223 = arith.constant 0 : index
    %swap3A_224 = arith.constant 0 : index
    %swap3A_225 = vector.load %arg20[%swap3A_223, %swap3A_224] : memref<512x512xf32, #tpu.memory_space<vmem>>, vector<512x512xf32>
    tpu.vector_store %arg20[%swap3A_223, %swap3A_224], %add3A_222 {strides = array<i32>} : memref<512x512xf32, #tpu.memory_space<vmem>>, vector<512x512xf32>,
    %get3A_226 = arith.constant 0 : index
    %get3A_227 = arith.constant 0 : index
    %get3A_228 = vector.load %arg21[%get3A_226, %get3A_227] : memref<8x512xf32, #tpu.memory_space<vmem>>, vector<1x512xf32>
    %reduce_sum3A_229 = arith.constant dense<0.000000e+00> : vector<512xf32>
    %reduce_sum3A_230 = vector.multi_reduction <add>, %slice3A_213, %reduce_sum3A_229 [0] : vector<64x512xf32> to vector<512xf32>
    %broadcast_in_dim3A_231 = vector.shape_cast %reduce_sum3A_230 : vector<512xf32> to vector<1x512xf32>
    %add3A_232 = arith.addf %get3A_228, %broadcast_in_dim3A_231 : vector<1x512xf32>
    %swap3A_233 = arith.constant 0 : index
    %swap3A_234 = arith.constant 0 : index
    %swap3A_235 = vector.load %arg21[%swap3A_233, %swap3A_234] : memref<8x512xf32, #tpu.memory_space<vmem>>, vector<1x512xf32>
    tpu.vector_store %arg21[%swap3A_233, %swap3A_234], %add3A_232 {strides = array<i32>} : memref<8x512xf32, #tpu.memory_space<vmem>>, vector<1x512xf32>,
    %get3A_236 = arith.constant 0 : index
    %get3A_237 = arith.constant 0 : index
    %get3A_238 = vector.load %arg20[%get3A_236, %get3A_237] : memref<512x512xf32, #tpu.memory_space<vmem>>, vector<512x512xf32>
    %dot_general3A_239 = arith.constant dense<0.000000e+00> : vector<64x512xf32>
    %dot_general3A_240 = tpu.matmul %slice3A_212, %get3A_238, %dot_general3A_239 {dimension_numbers = #tpu.dot_dimension_numbers<[1], [0], [0], [1], [0, 0, 1, 1], [], []>, transpose_lhs_hint = false} : vector<64x512xf32>, vector<512x512xf32>, vector<64x512xf32> -> vector<64x512xf32>
    %get3A_241 = arith.constant 0 : index
    %get3A_242 = arith.constant 0 : index
    %get3A_243 = vector.load %arg21[%get3A_241, %get3A_242] : memref<8x512xf32, #tpu.memory_space<vmem>>, vector<1x512xf32>
    %mul3A_244 = vector.broadcast %get3A_243 : vector<1x512xf32> to vector<64x512xf32>
    %mul3A_245 = arith.mulf %slice3A_212, %mul3A_244 : vector<64x512xf32>
    %dot_general3A_246 = arith.constant dense<0.000000e+00> : vector<64x512xf32>
    %dot_general3A_247 = tpu.matmul %mul3A_245, %convert_element_type3A_130, %dot_general3A_246 {dimension_numbers = #tpu.dot_dimension_numbers<[1], [0], [0], [1], [0, 0, 1, 1], [], []>, transpose_lhs_hint = false} : vector<64x512xf32>, vector<512x512xf32>, vector<64x512xf32> -> vector<64x512xf32>
    %add3A_248 = arith.constant 9.99999997E-7 : f32
    %add3A_249 = vector.broadcast %add3A_248 : f32 to vector<64x512xf32>
    %add3A_250 = arith.addf %dot_general3A_247, %add3A_249 : vector<64x512xf32>
    %mul3A_251 = arith.mulf %slice3A_215, %dot_general3A_240 : vector<64x512xf32>
    %div3A_252 = arith.divf %mul3A_251, %add3A_250 : vector<64x512xf32>
    %slice3A_253 = vector.extract_strided_slice %select_n3A {offsets = [192, 0], sizes = [64, 512], strides = [1, 1]} : vector<512x512xf32> to vector<64x512xf32>
    %slice3A_254 = vector.extract_strided_slice %select_n3A_69 {offsets = [192, 0], sizes = [64, 512], strides = [1, 1]} : vector<512x512xf32> to vector<64x512xf32>
    %slice3A_255 = vector.extract_strided_slice %slice3A_34 {offsets = [192, 0], sizes = [64, 512], strides = [1, 1]} : vector<512x512xf32> to vector<64x512xf32>
    %slice3A_256 = vector.extract_strided_slice %div3A_43 {offsets = [192, 0], sizes = [64, 512], strides = [1, 1]} : vector<512x512xf32> to vector<64x512xf32>
    %dot_general3A_257 = arith.constant dense<0.000000e+00> : vector<512x512xf32>
    %dot_general3A_258 = tpu.matmul %slice3A_254, %slice3A_255, %dot_general3A_257 {dimension_numbers = #tpu.dot_dimension_numbers<[0], [0], [1], [1], [0, 1, 1, 1], [], []>, transpose_lhs_hint = false} : vector<64x512xf32>, vector<64x512xf32>, vector<512x512xf32> -> vector<512x512xf32>
    %get3A_259 = arith.constant 0 : index
    %get3A_260 = arith.constant 0 : index
    %get3A_261 = vector.load %arg20[%get3A_259, %get3A_260] : memref<512x512xf32, #tpu.memory_space<vmem>>, vector<512x512xf32>
    %mul3A_262 = arith.mulf %dot_general3A_258, %convert_element_type3A_130 : vector<512x512xf32>
    %add3A_263 = arith.addf %get3A_261, %mul3A_262 : vector<512x512xf32>
    %swap3A_264 = arith.constant 0 : index
    %swap3A_265 = arith.constant 0 : index
    %swap3A_266 = vector.load %arg20[%swap3A_264, %swap3A_265] : memref<512x512xf32, #tpu.memory_space<vmem>>, vector<512x512xf32>
    tpu.vector_store %arg20[%swap3A_264, %swap3A_265], %add3A_263 {strides = array<i32>} : memref<512x512xf32, #tpu.memory_space<vmem>>, vector<512x512xf32>,
    %get3A_267 = arith.constant 0 : index
    %get3A_268 = arith.constant 0 : index
    %get3A_269 = vector.load %arg21[%get3A_267, %get3A_268] : memref<8x512xf32, #tpu.memory_space<vmem>>, vector<1x512xf32>
    %reduce_sum3A_270 = arith.constant dense<0.000000e+00> : vector<512xf32>
    %reduce_sum3A_271 = vector.multi_reduction <add>, %slice3A_254, %reduce_sum3A_270 [0] : vector<64x512xf32> to vector<512xf32>
    %broadcast_in_dim3A_272 = vector.shape_cast %reduce_sum3A_271 : vector<512xf32> to vector<1x512xf32>
    %add3A_273 = arith.addf %get3A_269, %broadcast_in_dim3A_272 : vector<1x512xf32>
    %swap3A_274 = arith.constant 0 : index
    %swap3A_275 = arith.constant 0 : index
    %swap3A_276 = vector.load %arg21[%swap3A_274, %swap3A_275] : memref<8x512xf32, #tpu.memory_space<vmem>>, vector<1x512xf32>
    tpu.vector_store %arg21[%swap3A_274, %swap3A_275], %add3A_273 {strides = array<i32>} : memref<8x512xf32, #tpu.memory_space<vmem>>, vector<1x512xf32>,
    %get3A_277 = arith.constant 0 : index
    %get3A_278 = arith.constant 0 : index
    %get3A_279 = vector.load %arg20[%get3A_277, %get3A_278] : memref<512x512xf32, #tpu.memory_space<vmem>>, vector<512x512xf32>
    %dot_general3A_280 = arith.constant dense<0.000000e+00> : vector<64x512xf32>
    %dot_general3A_281 = tpu.matmul %slice3A_253, %get3A_279, %dot_general3A_280 {dimension_numbers = #tpu.dot_dimension_numbers<[1], [0], [0], [1], [0, 0, 1, 1], [], []>, transpose_lhs_hint = false} : vector<64x512xf32>, vector<512x512xf32>, vector<64x512xf32> -> vector<64x512xf32>
    %get3A_282 = arith.constant 0 : index
    %get3A_283 = arith.constant 0 : index
    %get3A_284 = vector.load %arg21[%get3A_282, %get3A_283] : memref<8x512xf32, #tpu.memory_space<vmem>>, vector<1x512xf32>
    %mul3A_285 = vector.broadcast %get3A_284 : vector<1x512xf32> to vector<64x512xf32>
    %mul3A_286 = arith.mulf %slice3A_253, %mul3A_285 : vector<64x512xf32>
    %dot_general3A_287 = arith.constant dense<0.000000e+00> : vector<64x512xf32>
    %dot_general3A_288 = tpu.matmul %mul3A_286, %convert_element_type3A_130, %dot_general3A_287 {dimension_numbers = #tpu.dot_dimension_numbers<[1], [0], [0], [1], [0, 0, 1, 1], [], []>, transpose_lhs_hint = false} : vector<64x512xf32>, vector<512x512xf32>, vector<64x512xf32> -> vector<64x512xf32>
    %add3A_289 = arith.constant 9.99999997E-7 : f32
    %add3A_290 = vector.broadcast %add3A_289 : f32 to vector<64x512xf32>
    %add3A_291 = arith.addf %dot_general3A_288, %add3A_290 : vector<64x512xf32>
    %mul3A_292 = arith.mulf %slice3A_256, %dot_general3A_281 : vector<64x512xf32>
    %div3A_293 = arith.divf %mul3A_292, %add3A_291 : vector<64x512xf32>
    %slice3A_294 = vector.extract_strided_slice %select_n3A {offsets = [256, 0], sizes = [64, 512], strides = [1, 1]} : vector<512x512xf32> to vector<64x512xf32>
    %slice3A_295 = vector.extract_strided_slice %select_n3A_69 {offsets = [256, 0], sizes = [64, 512], strides = [1, 1]} : vector<512x512xf32> to vector<64x512xf32>
    %slice3A_296 = vector.extract_strided_slice %slice3A_34 {offsets = [256, 0], sizes = [64, 512], strides = [1, 1]} : vector<512x512xf32> to vector<64x512xf32>
    %slice3A_297 = vector.extract_strided_slice %div3A_43 {offsets = [256, 0], sizes = [64, 512], strides = [1, 1]} : vector<512x512xf32> to vector<64x512xf32>
    %dot_general3A_298 = arith.constant dense<0.000000e+00> : vector<512x512xf32>
    %dot_general3A_299 = tpu.matmul %slice3A_295, %slice3A_296, %dot_general3A_298 {dimension_numbers = #tpu.dot_dimension_numbers<[0], [0], [1], [1], [0, 1, 1, 1], [], []>, transpose_lhs_hint = false} : vector<64x512xf32>, vector<64x512xf32>, vector<512x512xf32> -> vector<512x512xf32>
    %get3A_300 = arith.constant 0 : index
    %get3A_301 = arith.constant 0 : index
    %get3A_302 = vector.load %arg20[%get3A_300, %get3A_301] : memref<512x512xf32, #tpu.memory_space<vmem>>, vector<512x512xf32>
    %mul3A_303 = arith.mulf %dot_general3A_299, %convert_element_type3A_130 : vector<512x512xf32>
    %add3A_304 = arith.addf %get3A_302, %mul3A_303 : vector<512x512xf32>
    %swap3A_305 = arith.constant 0 : index
    %swap3A_306 = arith.constant 0 : index
    %swap3A_307 = vector.load %arg20[%swap3A_305, %swap3A_306] : memref<512x512xf32, #tpu.memory_space<vmem>>, vector<512x512xf32>
    tpu.vector_store %arg20[%swap3A_305, %swap3A_306], %add3A_304 {strides = array<i32>} : memref<512x512xf32, #tpu.memory_space<vmem>>, vector<512x512xf32>,
    %get3A_308 = arith.constant 0 : index
    %get3A_309 = arith.constant 0 : index
    %get3A_310 = vector.load %arg21[%get3A_308, %get3A_309] : memref<8x512xf32, #tpu.memory_space<vmem>>, vector<1x512xf32>
    %reduce_sum3A_311 = arith.constant dense<0.000000e+00> : vector<512xf32>
    %reduce_sum3A_312 = vector.multi_reduction <add>, %slice3A_295, %reduce_sum3A_311 [0] : vector<64x512xf32> to vector<512xf32>
    %broadcast_in_dim3A_313 = vector.shape_cast %reduce_sum3A_312 : vector<512xf32> to vector<1x512xf32>
    %add3A_314 = arith.addf %get3A_310, %broadcast_in_dim3A_313 : vector<1x512xf32>
    %swap3A_315 = arith.constant 0 : index
    %swap3A_316 = arith.constant 0 : index
    %swap3A_317 = vector.load %arg21[%swap3A_315, %swap3A_316] : memref<8x512xf32, #tpu.memory_space<vmem>>, vector<1x512xf32>
    tpu.vector_store %arg21[%swap3A_315, %swap3A_316], %add3A_314 {strides = array<i32>} : memref<8x512xf32, #tpu.memory_space<vmem>>, vector<1x512xf32>,
    %get3A_318 = arith.constant 0 : index
    %get3A_319 = arith.constant 0 : index
    %get3A_320 = vector.load %arg20[%get3A_318, %get3A_319] : memref<512x512xf32, #tpu.memory_space<vmem>>, vector<512x512xf32>
    %dot_general3A_321 = arith.constant dense<0.000000e+00> : vector<64x512xf32>
    %dot_general3A_322 = tpu.matmul %slice3A_294, %get3A_320, %dot_general3A_321 {dimension_numbers = #tpu.dot_dimension_numbers<[1], [0], [0], [1], [0, 0, 1, 1], [], []>, transpose_lhs_hint = false} : vector<64x512xf32>, vector<512x512xf32>, vector<64x512xf32> -> vector<64x512xf32>
    %get3A_323 = arith.constant 0 : index
    %get3A_324 = arith.constant 0 : index
    %get3A_325 = vector.load %arg21[%get3A_323, %get3A_324] : memref<8x512xf32, #tpu.memory_space<vmem>>, vector<1x512xf32>
    %mul3A_326 = vector.broadcast %get3A_325 : vector<1x512xf32> to vector<64x512xf32>
    %mul3A_327 = arith.mulf %slice3A_294, %mul3A_326 : vector<64x512xf32>
    %dot_general3A_328 = arith.constant dense<0.000000e+00> : vector<64x512xf32>
    %dot_general3A_329 = tpu.matmul %mul3A_327, %convert_element_type3A_130, %dot_general3A_328 {dimension_numbers = #tpu.dot_dimension_numbers<[1], [0], [0], [1], [0, 0, 1, 1], [], []>, transpose_lhs_hint = false} : vector<64x512xf32>, vector<512x512xf32>, vector<64x512xf32> -> vector<64x512xf32>
    %add3A_330 = arith.constant 9.99999997E-7 : f32
    %add3A_331 = vector.broadcast %add3A_330 : f32 to vector<64x512xf32>
    %add3A_332 = arith.addf %dot_general3A_329, %add3A_331 : vector<64x512xf32>
    %mul3A_333 = arith.mulf %slice3A_297, %dot_general3A_322 : vector<64x512xf32>
    %div3A_334 = arith.divf %mul3A_333, %add3A_332 : vector<64x512xf32>
    %slice3A_335 = vector.extract_strided_slice %select_n3A {offsets = [320, 0], sizes = [64, 512], strides = [1, 1]} : vector<512x512xf32> to vector<64x512xf32>
    %slice3A_336 = vector.extract_strided_slice %select_n3A_69 {offsets = [320, 0], sizes = [64, 512], strides = [1, 1]} : vector<512x512xf32> to vector<64x512xf32>
    %slice3A_337 = vector.extract_strided_slice %slice3A_34 {offsets = [320, 0], sizes = [64, 512], strides = [1, 1]} : vector<512x512xf32> to vector<64x512xf32>
    %slice3A_338 = vector.extract_strided_slice %div3A_43 {offsets = [320, 0], sizes = [64, 512], strides = [1, 1]} : vector<512x512xf32> to vector<64x512xf32>
    %dot_general3A_339 = arith.constant dense<0.000000e+00> : vector<512x512xf32>
    %dot_general3A_340 = tpu.matmul %slice3A_336, %slice3A_337, %dot_general3A_339 {dimension_numbers = #tpu.dot_dimension_numbers<[0], [0], [1], [1], [0, 1, 1, 1], [], []>, transpose_lhs_hint = false} : vector<64x512xf32>, vector<64x512xf32>, vector<512x512xf32> -> vector<512x512xf32>
    %get3A_341 = arith.constant 0 : index
    %get3A_342 = arith.constant 0 : index
    %get3A_343 = vector.load %arg20[%get3A_341, %get3A_342] : memref<512x512xf32, #tpu.memory_space<vmem>>, vector<512x512xf32>
    %mul3A_344 = arith.mulf %dot_general3A_340, %convert_element_type3A_130 : vector<512x512xf32>
    %add3A_345 = arith.addf %get3A_343, %mul3A_344 : vector<512x512xf32>
    %swap3A_346 = arith.constant 0 : index
    %swap3A_347 = arith.constant 0 : index
    %swap3A_348 = vector.load %arg20[%swap3A_346, %swap3A_347] : memref<512x512xf32, #tpu.memory_space<vmem>>, vector<512x512xf32>
    tpu.vector_store %arg20[%swap3A_346, %swap3A_347], %add3A_345 {strides = array<i32>} : memref<512x512xf32, #tpu.memory_space<vmem>>, vector<512x512xf32>,
    %get3A_349 = arith.constant 0 : index
    %get3A_350 = arith.constant 0 : index
    %get3A_351 = vector.load %arg21[%get3A_349, %get3A_350] : memref<8x512xf32, #tpu.memory_space<vmem>>, vector<1x512xf32>
    %reduce_sum3A_352 = arith.constant dense<0.000000e+00> : vector<512xf32>
    %reduce_sum3A_353 = vector.multi_reduction <add>, %slice3A_336, %reduce_sum3A_352 [0] : vector<64x512xf32> to vector<512xf32>
    %broadcast_in_dim3A_354 = vector.shape_cast %reduce_sum3A_353 : vector<512xf32> to vector<1x512xf32>
    %add3A_355 = arith.addf %get3A_351, %broadcast_in_dim3A_354 : vector<1x512xf32>
    %swap3A_356 = arith.constant 0 : index
    %swap3A_357 = arith.constant 0 : index
    %swap3A_358 = vector.load %arg21[%swap3A_356, %swap3A_357] : memref<8x512xf32, #tpu.memory_space<vmem>>, vector<1x512xf32>
    tpu.vector_store %arg21[%swap3A_356, %swap3A_357], %add3A_355 {strides = array<i32>} : memref<8x512xf32, #tpu.memory_space<vmem>>, vector<1x512xf32>,
    %get3A_359 = arith.constant 0 : index
    %get3A_360 = arith.constant 0 : index
    %get3A_361 = vector.load %arg20[%get3A_359, %get3A_360] : memref<512x512xf32, #tpu.memory_space<vmem>>, vector<512x512xf32>
    %dot_general3A_362 = arith.constant dense<0.000000e+00> : vector<64x512xf32>
    %dot_general3A_363 = tpu.matmul %slice3A_335, %get3A_361, %dot_general3A_362 {dimension_numbers = #tpu.dot_dimension_numbers<[1], [0], [0], [1], [0, 0, 1, 1], [], []>, transpose_lhs_hint = false} : vector<64x512xf32>, vector<512x512xf32>, vector<64x512xf32> -> vector<64x512xf32>
    %get3A_364 = arith.constant 0 : index
    %get3A_365 = arith.constant 0 : index
    %get3A_366 = vector.load %arg21[%get3A_364, %get3A_365] : memref<8x512xf32, #tpu.memory_space<vmem>>, vector<1x512xf32>
    %mul3A_367 = vector.broadcast %get3A_366 : vector<1x512xf32> to vector<64x512xf32>
    %mul3A_368 = arith.mulf %slice3A_335, %mul3A_367 : vector<64x512xf32>
    %dot_general3A_369 = arith.constant dense<0.000000e+00> : vector<64x512xf32>
    %dot_general3A_370 = tpu.matmul %mul3A_368, %convert_element_type3A_130, %dot_general3A_369 {dimension_numbers = #tpu.dot_dimension_numbers<[1], [0], [0], [1], [0, 0, 1, 1], [], []>, transpose_lhs_hint = false} : vector<64x512xf32>, vector<512x512xf32>, vector<64x512xf32> -> vector<64x512xf32>
    %add3A_371 = arith.constant 9.99999997E-7 : f32
    %add3A_372 = vector.broadcast %add3A_371 : f32 to vector<64x512xf32>
    %add3A_373 = arith.addf %dot_general3A_370, %add3A_372 : vector<64x512xf32>
    %mul3A_374 = arith.mulf %slice3A_338, %dot_general3A_363 : vector<64x512xf32>
    %div3A_375 = arith.divf %mul3A_374, %add3A_373 : vector<64x512xf32>
    %slice3A_376 = vector.extract_strided_slice %select_n3A {offsets = [384, 0], sizes = [64, 512], strides = [1, 1]} : vector<512x512xf32> to vector<64x512xf32>
    %slice3A_377 = vector.extract_strided_slice %select_n3A_69 {offsets = [384, 0], sizes = [64, 512], strides = [1, 1]} : vector<512x512xf32> to vector<64x512xf32>
    %slice3A_378 = vector.extract_strided_slice %slice3A_34 {offsets = [384, 0], sizes = [64, 512], strides = [1, 1]} : vector<512x512xf32> to vector<64x512xf32>
    %slice3A_379 = vector.extract_strided_slice %div3A_43 {offsets = [384, 0], sizes = [64, 512], strides = [1, 1]} : vector<512x512xf32> to vector<64x512xf32>
    %dot_general3A_380 = arith.constant dense<0.000000e+00> : vector<512x512xf32>
    %dot_general3A_381 = tpu.matmul %slice3A_377, %slice3A_378, %dot_general3A_380 {dimension_numbers = #tpu.dot_dimension_numbers<[0], [0], [1], [1], [0, 1, 1, 1], [], []>, transpose_lhs_hint = false} : vector<64x512xf32>, vector<64x512xf32>, vector<512x512xf32> -> vector<512x512xf32>
    %get3A_382 = arith.constant 0 : index
    %get3A_383 = arith.constant 0 : index
    %get3A_384 = vector.load %arg20[%get3A_382, %get3A_383] : memref<512x512xf32, #tpu.memory_space<vmem>>, vector<512x512xf32>
    %mul3A_385 = arith.mulf %dot_general3A_381, %convert_element_type3A_130 : vector<512x512xf32>
    %add3A_386 = arith.addf %get3A_384, %mul3A_385 : vector<512x512xf32>
    %swap3A_387 = arith.constant 0 : index
    %swap3A_388 = arith.constant 0 : index
    %swap3A_389 = vector.load %arg20[%swap3A_387, %swap3A_388] : memref<512x512xf32, #tpu.memory_space<vmem>>, vector<512x512xf32>
    tpu.vector_store %arg20[%swap3A_387, %swap3A_388], %add3A_386 {strides = array<i32>} : memref<512x512xf32, #tpu.memory_space<vmem>>, vector<512x512xf32>,
    %get3A_390 = arith.constant 0 : index
    %get3A_391 = arith.constant 0 : index
    %get3A_392 = vector.load %arg21[%get3A_390, %get3A_391] : memref<8x512xf32, #tpu.memory_space<vmem>>, vector<1x512xf32>
    %reduce_sum3A_393 = arith.constant dense<0.000000e+00> : vector<512xf32>
    %reduce_sum3A_394 = vector.multi_reduction <add>, %slice3A_377, %reduce_sum3A_393 [0] : vector<64x512xf32> to vector<512xf32>
    %broadcast_in_dim3A_395 = vector.shape_cast %reduce_sum3A_394 : vector<512xf32> to vector<1x512xf32>
    %add3A_396 = arith.addf %get3A_392, %broadcast_in_dim3A_395 : vector<1x512xf32>
    %swap3A_397 = arith.constant 0 : index
    %swap3A_398 = arith.constant 0 : index
    %swap3A_399 = vector.load %arg21[%swap3A_397, %swap3A_398] : memref<8x512xf32, #tpu.memory_space<vmem>>, vector<1x512xf32>
    tpu.vector_store %arg21[%swap3A_397, %swap3A_398], %add3A_396 {strides = array<i32>} : memref<8x512xf32, #tpu.memory_space<vmem>>, vector<1x512xf32>,
    %get3A_400 = arith.constant 0 : index
    %get3A_401 = arith.constant 0 : index
    %get3A_402 = vector.load %arg20[%get3A_400, %get3A_401] : memref<512x512xf32, #tpu.memory_space<vmem>>, vector<512x512xf32>
    %dot_general3A_403 = arith.constant dense<0.000000e+00> : vector<64x512xf32>
    %dot_general3A_404 = tpu.matmul %slice3A_376, %get3A_402, %dot_general3A_403 {dimension_numbers = #tpu.dot_dimension_numbers<[1], [0], [0], [1], [0, 0, 1, 1], [], []>, transpose_lhs_hint = false} : vector<64x512xf32>, vector<512x512xf32>, vector<64x512xf32> -> vector<64x512xf32>
    %get3A_405 = arith.constant 0 : index
    %get3A_406 = arith.constant 0 : index
    %get3A_407 = vector.load %arg21[%get3A_405, %get3A_406] : memref<8x512xf32, #tpu.memory_space<vmem>>, vector<1x512xf32>
    %mul3A_408 = vector.broadcast %get3A_407 : vector<1x512xf32> to vector<64x512xf32>
    %mul3A_409 = arith.mulf %slice3A_376, %mul3A_408 : vector<64x512xf32>
    %dot_general3A_410 = arith.constant dense<0.000000e+00> : vector<64x512xf32>
    %dot_general3A_411 = tpu.matmul %mul3A_409, %convert_element_type3A_130, %dot_general3A_410 {dimension_numbers = #tpu.dot_dimension_numbers<[1], [0], [0], [1], [0, 0, 1, 1], [], []>, transpose_lhs_hint = false} : vector<64x512xf32>, vector<512x512xf32>, vector<64x512xf32> -> vector<64x512xf32>
    %add3A_412 = arith.constant 9.99999997E-7 : f32
    %add3A_413 = vector.broadcast %add3A_412 : f32 to vector<64x512xf32>
    %add3A_414 = arith.addf %dot_general3A_411, %add3A_413 : vector<64x512xf32>
    %mul3A_415 = arith.mulf %slice3A_379, %dot_general3A_404 : vector<64x512xf32>
    %div3A_416 = arith.divf %mul3A_415, %add3A_414 : vector<64x512xf32>
    %slice3A_417 = vector.extract_strided_slice %select_n3A {offsets = [448, 0], sizes = [64, 512], strides = [1, 1]} : vector<512x512xf32> to vector<64x512xf32>
    %slice3A_418 = vector.extract_strided_slice %select_n3A_69 {offsets = [448, 0], sizes = [64, 512], strides = [1, 1]} : vector<512x512xf32> to vector<64x512xf32>
    %slice3A_419 = vector.extract_strided_slice %slice3A_34 {offsets = [448, 0], sizes = [64, 512], strides = [1, 1]} : vector<512x512xf32> to vector<64x512xf32>
    %slice3A_420 = vector.extract_strided_slice %div3A_43 {offsets = [448, 0], sizes = [64, 512], strides = [1, 1]} : vector<512x512xf32> to vector<64x512xf32>
    %dot_general3A_421 = arith.constant dense<0.000000e+00> : vector<512x512xf32>
    %dot_general3A_422 = tpu.matmul %slice3A_418, %slice3A_419, %dot_general3A_421 {dimension_numbers = #tpu.dot_dimension_numbers<[0], [0], [1], [1], [0, 1, 1, 1], [], []>, transpose_lhs_hint = false} : vector<64x512xf32>, vector<64x512xf32>, vector<512x512xf32> -> vector<512x512xf32>
    %get3A_423 = arith.constant 0 : index
    %get3A_424 = arith.constant 0 : index
    %get3A_425 = vector.load %arg20[%get3A_423, %get3A_424] : memref<512x512xf32, #tpu.memory_space<vmem>>, vector<512x512xf32>
    %mul3A_426 = arith.mulf %dot_general3A_422, %convert_element_type3A_130 : vector<512x512xf32>
    %add3A_427 = arith.addf %get3A_425, %mul3A_426 : vector<512x512xf32>
    %swap3A_428 = arith.constant 0 : index
    %swap3A_429 = arith.constant 0 : index
    %swap3A_430 = vector.load %arg20[%swap3A_428, %swap3A_429] : memref<512x512xf32, #tpu.memory_space<vmem>>, vector<512x512xf32>
    tpu.vector_store %arg20[%swap3A_428, %swap3A_429], %add3A_427 {strides = array<i32>} : memref<512x512xf32, #tpu.memory_space<vmem>>, vector<512x512xf32>,
    %get3A_431 = arith.constant 0 : index
    %get3A_432 = arith.constant 0 : index
    %get3A_433 = vector.load %arg21[%get3A_431, %get3A_432] : memref<8x512xf32, #tpu.memory_space<vmem>>, vector<1x512xf32>
    %reduce_sum3A_434 = arith.constant dense<0.000000e+00> : vector<512xf32>
    %reduce_sum3A_435 = vector.multi_reduction <add>, %slice3A_418, %reduce_sum3A_434 [0] : vector<64x512xf32> to vector<512xf32>
    %broadcast_in_dim3A_436 = vector.shape_cast %reduce_sum3A_435 : vector<512xf32> to vector<1x512xf32>
    %add3A_437 = arith.addf %get3A_433, %broadcast_in_dim3A_436 : vector<1x512xf32>
    %swap3A_438 = arith.constant 0 : index
    %swap3A_439 = arith.constant 0 : index
    %swap3A_440 = vector.load %arg21[%swap3A_438, %swap3A_439] : memref<8x512xf32, #tpu.memory_space<vmem>>, vector<1x512xf32>
    tpu.vector_store %arg21[%swap3A_438, %swap3A_439], %add3A_437 {strides = array<i32>} : memref<8x512xf32, #tpu.memory_space<vmem>>, vector<1x512xf32>,
    %get3A_441 = arith.constant 0 : index
    %get3A_442 = arith.constant 0 : index
    %get3A_443 = vector.load %arg20[%get3A_441, %get3A_442] : memref<512x512xf32, #tpu.memory_space<vmem>>, vector<512x512xf32>
    %dot_general3A_444 = arith.constant dense<0.000000e+00> : vector<64x512xf32>
    %dot_general3A_445 = tpu.matmul %slice3A_417, %get3A_443, %dot_general3A_444 {dimension_numbers = #tpu.dot_dimension_numbers<[1], [0], [0], [1], [0, 0, 1, 1], [], []>, transpose_lhs_hint = false} : vector<64x512xf32>, vector<512x512xf32>, vector<64x512xf32> -> vector<64x512xf32>
    %get3A_446 = arith.constant 0 : index
    %get3A_447 = arith.constant 0 : index
    %get3A_448 = vector.load %arg21[%get3A_446, %get3A_447] : memref<8x512xf32, #tpu.memory_space<vmem>>, vector<1x512xf32>
    %mul3A_449 = vector.broadcast %get3A_448 : vector<1x512xf32> to vector<64x512xf32>
    %mul3A_450 = arith.mulf %slice3A_417, %mul3A_449 : vector<64x512xf32>
    %dot_general3A_451 = arith.constant dense<0.000000e+00> : vector<64x512xf32>
    %dot_general3A_452 = tpu.matmul %mul3A_450, %convert_element_type3A_130, %dot_general3A_451 {dimension_numbers = #tpu.dot_dimension_numbers<[1], [0], [0], [1], [0, 0, 1, 1], [], []>, transpose_lhs_hint = false} : vector<64x512xf32>, vector<512x512xf32>, vector<64x512xf32> -> vector<64x512xf32>
    %add3A_453 = arith.constant 9.99999997E-7 : f32
    %add3A_454 = vector.broadcast %add3A_453 : f32 to vector<64x512xf32>
    %add3A_455 = arith.addf %dot_general3A_452, %add3A_454 : vector<64x512xf32>
    %mul3A_456 = arith.mulf %slice3A_420, %dot_general3A_445 : vector<64x512xf32>
    %div3A_457 = arith.divf %mul3A_456, %add3A_455 : vector<64x512xf32>
    %concatenate3A = tpu.concatenate %div3A_170, %div3A_211, %div3A_252, %div3A_293, %div3A_334, %div3A_375, %div3A_416, %div3A_457 in 0 : vector<64x512xf32>, vector<64x512xf32>, vector<64x512xf32>, vector<64x512xf32>, vector<64x512xf32>, vector<64x512xf32>, vector<64x512xf32>, vector<64x512xf32> -> vector<512x512xf32>
    %get3A_458 = arith.constant 0 : index
    %get3A_459 = arith.constant 0 : index
    %get3A_460 = vector.load %arg6[%get3A_458, %get3A_459] : memref<512x512xf32, #tpu.memory_space<vmem>>, vector<512x512xf32>
    %dot_general3A_461 = arith.constant dense<0.000000e+00> : vector<512x512xf32>
    %dot_general3A_462 = tpu.matmul %concatenate3A, %get3A_460, %dot_general3A_461 {dimension_numbers = #tpu.dot_dimension_numbers<[1], [0], [0], [1], [0, 0, 1, 1], [], []>, transpose_lhs_hint = false} : vector<512x512xf32>, vector<512x512xf32>, vector<512x512xf32> -> vector<512x512xf32>
    %add3A_463 = arith.addf %get3A_12, %dot_general3A_462 : vector<512x512xf32>
    %get3A_464 = arith.constant 0 : index
    %get3A_465 = arith.constant 0 : index
    %get3A_466 = vector.load %arg8[%get3A_464, %get3A_465] : memref<1x512xf32, #tpu.memory_space<vmem>>, vector<1x512xf32>
    %add3A_467 = vector.broadcast %get3A_466 : vector<1x512xf32> to vector<512x512xf32>
    %add3A_468 = arith.addf %add3A_463, %add3A_467 : vector<512x512xf32>
    %swap3A_469 = arith.constant 0 : index
    %swap3A_470 = arith.constant 0 : index
    %swap3A_471 = arith.constant 0 : index
    %swap3A_472 = vector.load %arg13[%swap3A_469, %swap3A_470, %swap3A_471] : memref<1x512x512xf32, #tpu.memory_space<vmem>>, vector<1x512x512xf32>
    %swap3A_473 = vector.shape_cast %swap3A_472 : vector<1x512x512xf32> to vector<512x512xf32>
    %swap3A_474 = vector.shape_cast %add3A_468 : vector<512x512xf32> to vector<1x512x512xf32>
    tpu.vector_store %arg13[%swap3A_469, %swap3A_470, %swap3A_471], %swap3A_474 {strides = array<i32>} : memref<1x512x512xf32, #tpu.memory_space<vmem>>, vector<1x512x512xf32>,
    %mul3A_475 = arith.mulf %add3A_468, %add3A_468 : vector<512x512xf32>
    %reduce_sum3A_476 = arith.constant dense<0.000000e+00> : vector<512xf32>
    %reduce_sum3A_477 = vector.multi_reduction <add>, %mul3A_475, %reduce_sum3A_476 [1] : vector<512x512xf32> to vector<512xf32>
    %broadcast_in_dim3A_478 = vector.shape_cast %reduce_sum3A_477 : vector<512xf32> to vector<512x1xf32>
    %div3A_479 = arith.constant 5.120000e+02 : f32
    %div3A_480 = vector.broadcast %div3A_479 : f32 to vector<512x1xf32>
    %div3A_481 = arith.divf %broadcast_in_dim3A_478, %div3A_480 : vector<512x1xf32>
    %rsqrt3A_482 = math.rsqrt %div3A_481 : vector<512x1xf32>
    %mul3A_483 = vector.broadcast %rsqrt3A_482 : vector<512x1xf32> to vector<512x512xf32>
    %mul3A_484 = arith.mulf %add3A_468, %mul3A_483 : vector<512x512xf32>
    %get3A_485 = arith.constant 0 : index
    %get3A_486 = arith.constant 0 : index
    %get3A_487 = vector.load %arg4[%get3A_485, %get3A_486] : memref<1x512xf32, #tpu.memory_space<vmem>>, vector<1x512xf32>
    %mul3A_488 = vector.broadcast %get3A_487 : vector<1x512xf32> to vector<512x512xf32>
    %mul3A_489 = arith.mulf %mul3A_484, %mul3A_488 : vector<512x512xf32>
    %swap3A_490 = arith.constant 0 : index
    %swap3A_491 = arith.constant 0 : index
    %swap3A_492 = vector.load %arg14[%swap3A_490, %swap3A_491] : memref<512x512xf32, #tpu.memory_space<vmem>>, vector<512x512xf32>
    tpu.vector_store %arg14[%swap3A_490, %swap3A_491], %mul3A_489 {strides = array<i32>} : memref<512x512xf32, #tpu.memory_space<vmem>>, vector<512x512xf32>,
    %get3A_493 = arith.constant 0 : index
    %get3A_494 = arith.constant 0 : index
    %get3A_495 = vector.load %arg11[%get3A_493, %get3A_494] : memref<512x128xf32, #tpu.memory_space<vmem>>, vector<512x128xf32>
    %dot_general3A_496 = arith.constant dense<0.000000e+00> : vector<512x128xf32>
    %dot_general3A_497 = tpu.matmul %mul3A_489, %get3A_495, %dot_general3A_496 {dimension_numbers = #tpu.dot_dimension_numbers<[1], [0], [0], [1], [0, 0, 1, 1], [], []>, transpose_lhs_hint = false} : vector<512x512xf32>, vector<512x128xf32>, vector<512x128xf32> -> vector<512x128xf32>
    %get3A_498 = arith.constant 0 : index
    %get3A_499 = arith.constant 0 : index
    %get3A_500 = vector.load %arg12[%get3A_498, %get3A_499] : memref<1x128xf32, #tpu.memory_space<vmem>>, vector<1x128xf32>
    %add3A_501 = vector.broadcast %get3A_500 : vector<1x128xf32> to vector<512x128xf32>
    %add3A_502 = arith.addf %dot_general3A_497, %add3A_501 : vector<512x128xf32>
    %reduce_max3A = arith.constant dense<0xFF800000> : vector<512xf32>
    %reduce_max3A_503 = vector.multi_reduction <maximumf>, %add3A_502, %reduce_max3A [1] : vector<512x128xf32> to vector<512xf32>
    %broadcast_in_dim3A_504 = vector.shape_cast %reduce_max3A_503 : vector<512xf32> to vector<512x1xf32>
    %sub3A_505 = vector.broadcast %broadcast_in_dim3A_504 : vector<512x1xf32> to vector<512x128xf32>
    %sub3A_506 = arith.subf %add3A_502, %sub3A_505 : vector<512x128xf32>
    %exp3A_507 = math.exp %sub3A_506 : vector<512x128xf32>
    %reduce_sum3A_508 = arith.constant dense<0.000000e+00> : vector<512xf32>
    %reduce_sum3A_509 = vector.multi_reduction <add>, %exp3A_507, %reduce_sum3A_508 [1] : vector<512x128xf32> to vector<512xf32>
    %broadcast_in_dim3A_510 = vector.shape_cast %reduce_sum3A_509 : vector<512xf32> to vector<512x1xf32>
    %div3A_511 = vector.broadcast %broadcast_in_dim3A_510 : vector<512x1xf32> to vector<512x128xf32>
    %div3A_512 = arith.divf %exp3A_507, %div3A_511 : vector<512x128xf32>
    %get3A_513 = arith.constant 2 : index
    %get3A_514 = arith.constant 0 : index
    %get3A_515 = vector.load %arg22[%get3A_513, %get3A_514] : memref<8x128xf32, #tpu.memory_space<vmem>>, vector<1x128xf32>
    %reduce_sum3A_516 = arith.constant dense<0.000000e+00> : vector<128xf32>
    %reduce_sum3A_517 = vector.multi_reduction <add>, %div3A_512, %reduce_sum3A_516 [0] : vector<512x128xf32> to vector<128xf32>
    %broadcast_in_dim3A_518 = vector.shape_cast %reduce_sum3A_517 : vector<128xf32> to vector<1x128xf32>
    %add3A_519 = arith.addf %get3A_515, %broadcast_in_dim3A_518 : vector<1x128xf32>
    %swap3A_520 = arith.constant 2 : index
    %swap3A_521 = arith.constant 0 : index
    %swap3A_522 = vector.load %arg22[%swap3A_520, %swap3A_521] : memref<8x128xf32, #tpu.memory_space<vmem>>, vector<1x128xf32>
    tpu.vector_store %arg22[%swap3A_520, %swap3A_521], %add3A_519 {strides = array<i32>} : memref<8x128xf32, #tpu.memory_space<vmem>>, vector<1x128xf32>,
    %iota3A_523 = tpu.iota {dimensions = array<i32: 1>} : vector<512x128xi32>
    %reduce_max3A_524 = arith.constant dense<0xFF800000> : vector<512xf32>
    %reduce_max3A_525 = vector.multi_reduction <maximumf>, %div3A_512, %reduce_max3A_524 [1] : vector<512x128xf32> to vector<512xf32>
    %broadcast_in_dim3A_526 = vector.shape_cast %reduce_max3A_525 : vector<512xf32> to vector<512x1xf32>
    %eq3A_527 = vector.broadcast %broadcast_in_dim3A_526 : vector<512x1xf32> to vector<512x128xf32>
    %eq3A_528 = arith.cmpf oeq, %div3A_512, %eq3A_527 : vector<512x128xf32>
    %jit3A_529 = arith.constant 128 : i32
    %broadcast_in_dim3A_530 = vector.broadcast %jit3A_529 : i32 to vector<512x128xi32>
    %select_n3A_531 = arith.select %eq3A_528, %iota3A_523, %broadcast_in_dim3A_530 : vector<512x128xi1>, vector<512x128xi32>
    %reduce_min3A = arith.constant dense<2147483647> : vector<512xi32>
    %reduce_min3A_532 = vector.multi_reduction <minsi>, %select_n3A_531, %reduce_min3A [1] : vector<512x128xi32> to vector<512xi32>
    %broadcast_in_dim3A_533 = vector.shape_cast %reduce_min3A_532 : vector<512xi32> to vector<512x1xi32>
    %eq3A_534 = vector.broadcast %broadcast_in_dim3A_533 : vector<512x1xi32> to vector<512x128xi32>
    %eq3A_535 = arith.cmpi eq, %iota3A_523, %eq3A_534 : vector<512x128xi32>
    %jit3A_536 = arith.constant -1.000000e+00 : f32
    %broadcast_in_dim3A_537 = vector.broadcast %jit3A_536 : f32 to vector<512x128xf32>
    %select_n3A_538 = arith.select %eq3A_535, %broadcast_in_dim3A_537, %div3A_512 : vector<512x128xi1>, vector<512x128xf32>
    %reduce_max3A_539 = arith.constant dense<0xFF800000> : vector<512xf32>
    %reduce_max3A_540 = vector.multi_reduction <maximumf>, %select_n3A_538, %reduce_max3A_539 [1] : vector<512x128xf32> to vector<512xf32>
    %broadcast_in_dim3A_541 = vector.shape_cast %reduce_max3A_540 : vector<512xf32> to vector<512x1xf32>
    %eq3A_542 = vector.broadcast %broadcast_in_dim3A_541 : vector<512x1xf32> to vector<512x128xf32>
    %eq3A_543 = arith.cmpf oeq, %select_n3A_538, %eq3A_542 : vector<512x128xf32>
    %jit3A_544 = arith.constant 128 : i32
    %broadcast_in_dim3A_545 = vector.broadcast %jit3A_544 : i32 to vector<512x128xi32>
    %select_n3A_546 = arith.select %eq3A_543, %iota3A_523, %broadcast_in_dim3A_545 : vector<512x128xi1>, vector<512x128xi32>
    %reduce_min3A_547 = arith.constant dense<2147483647> : vector<512xi32>
    %reduce_min3A_548 = vector.multi_reduction <minsi>, %select_n3A_546, %reduce_min3A_547 [1] : vector<512x128xi32> to vector<512xi32>
    %broadcast_in_dim3A_549 = vector.shape_cast %reduce_min3A_548 : vector<512xi32> to vector<512x1xi32>
    %add3A_550 = arith.addf %broadcast_in_dim3A_526, %broadcast_in_dim3A_541 : vector<512x1xf32>
    %div3A_551 = arith.divf %broadcast_in_dim3A_526, %add3A_550 : vector<512x1xf32>
    %div3A_552 = arith.divf %broadcast_in_dim3A_541, %add3A_550 : vector<512x1xf32>
    %eq3A_553 = vector.broadcast %broadcast_in_dim3A_533 : vector<512x1xi32> to vector<512x128xi32>
    %eq3A_554 = arith.cmpi eq, %iota3A_523, %eq3A_553 : vector<512x128xi32>
    %convert_element_type3A_555 = arith.extui %eq3A_554 : vector<512x128xi1> to vector<512x128xi32>
    %convert_element_type3A_556 = arith.sitofp %convert_element_type3A_555 : vector<512x128xi32> to vector<512x128xf32>
    %eq3A_557 = vector.broadcast %broadcast_in_dim3A_549 : vector<512x1xi32> to vector<512x128xi32>
    %eq3A_558 = arith.cmpi eq, %iota3A_523, %eq3A_557 : vector<512x128xi32>
    %convert_element_type3A_559 = arith.extui %eq3A_558 : vector<512x128xi1> to vector<512x128xi32>
    %convert_element_type3A_560 = arith.sitofp %convert_element_type3A_559 : vector<512x128xi32> to vector<512x128xf32>
    %add3A_561 = arith.addf %convert_element_type3A_556, %convert_element_type3A_560 : vector<512x128xf32>
    %iota3A_562 = tpu.iota {dimensions = array<i32: 1>} : vector<512x512xi32>
    %iota3A_563 = tpu.iota {dimensions = array<i32: 0>} : vector<512x512xi32>
    %lt3A = arith.cmpi slt, %iota3A_562, %iota3A_563 : vector<512x512xi32>
    %convert_element_type3A_564 = arith.extui %lt3A : vector<512x512xi1> to vector<512x512xi32>
    %convert_element_type3A_565 = arith.sitofp %convert_element_type3A_564 : vector<512x512xi32> to vector<512x512xf32>
    %dot_general3A_566 = arith.constant dense<0.000000e+00> : vector<512x128xf32>
    %dot_general3A_567 = tpu.matmul %convert_element_type3A_565, %add3A_561, %dot_general3A_566 {dimension_numbers = #tpu.dot_dimension_numbers<[1], [0], [0], [1], [0, 0, 1, 1], [], []>, transpose_lhs_hint = false} : vector<512x512xf32>, vector<512x128xf32>, vector<512x128xf32> -> vector<512x128xf32>
    %get3A_568 = arith.constant 0 : index
    %get3A_569 = arith.constant 0 : index
    %get3A_570 = vector.load %arg22[%get3A_568, %get3A_569] : memref<8x128xf32, #tpu.memory_space<vmem>>, vector<1x128xf32>
    %add3A_571 = vector.broadcast %get3A_570 : vector<1x128xf32> to vector<512x128xf32>
    %add3A_572 = arith.addf %add3A_571, %dot_general3A_567 : vector<512x128xf32>
    %lt3A_573 = arith.constant 1.280000e+03 : f32
    %lt3A_574 = vector.broadcast %lt3A_573 : f32 to vector<512x128xf32>
    %lt3A_575 = arith.cmpf olt, %add3A_572, %lt3A_574 : vector<512x128xf32>
    %convert_element_type3A_576 = arith.extui %lt3A_575 : vector<512x128xi1> to vector<512x128xi32>
    %convert_element_type3A_577 = arith.sitofp %convert_element_type3A_576 : vector<512x128xi32> to vector<512x128xf32>
    %mul3A_578 = arith.mulf %convert_element_type3A_556, %convert_element_type3A_577 : vector<512x128xf32>
    %mul3A_579 = arith.mulf %convert_element_type3A_560, %convert_element_type3A_577 : vector<512x128xf32>
    %get3A_580 = arith.constant 1 : index
    %get3A_581 = arith.constant 0 : index
    %get3A_582 = vector.load %arg22[%get3A_580, %get3A_581] : memref<8x128xf32, #tpu.memory_space<vmem>>, vector<1x128xf32>
    %add3A_583 = arith.addf %mul3A_578, %mul3A_579 : vector<512x128xf32>
    %reduce_sum3A_584 = arith.constant dense<0.000000e+00> : vector<128xf32>
    %reduce_sum3A_585 = vector.multi_reduction <add>, %add3A_583, %reduce_sum3A_584 [0] : vector<512x128xf32> to vector<128xf32>
    %broadcast_in_dim3A_586 = vector.shape_cast %reduce_sum3A_585 : vector<128xf32> to vector<1x128xf32>
    %add3A_587 = arith.addf %get3A_582, %broadcast_in_dim3A_586 : vector<1x128xf32>
    %swap3A_588 = arith.constant 1 : index
    %swap3A_589 = arith.constant 0 : index
    %swap3A_590 = vector.load %arg22[%swap3A_588, %swap3A_589] : memref<8x128xf32, #tpu.memory_space<vmem>>, vector<1x128xf32>
    tpu.vector_store %arg22[%swap3A_588, %swap3A_589], %add3A_587 {strides = array<i32>} : memref<8x128xf32, #tpu.memory_space<vmem>>, vector<1x128xf32>,
    %get3A_591 = arith.constant 0 : index
    %get3A_592 = arith.constant 0 : index
    %get3A_593 = vector.load %arg22[%get3A_591, %get3A_592] : memref<8x128xf32, #tpu.memory_space<vmem>>, vector<1x128xf32>
    %reduce_sum3A_594 = arith.constant dense<0.000000e+00> : vector<128xf32>
    %reduce_sum3A_595 = vector.multi_reduction <add>, %add3A_561, %reduce_sum3A_594 [0] : vector<512x128xf32> to vector<128xf32>
    %broadcast_in_dim3A_596 = vector.shape_cast %reduce_sum3A_595 : vector<128xf32> to vector<1x128xf32>
    %add3A_597 = arith.addf %get3A_593, %broadcast_in_dim3A_596 : vector<1x128xf32>
    %swap3A_598 = arith.constant 0 : index
    %swap3A_599 = arith.constant 0 : index
    %swap3A_600 = vector.load %arg22[%swap3A_598, %swap3A_599] : memref<8x128xf32, #tpu.memory_space<vmem>>, vector<1x128xf32>
    tpu.vector_store %arg22[%swap3A_598, %swap3A_599], %add3A_597 {strides = array<i32>} : memref<8x128xf32, #tpu.memory_space<vmem>>, vector<1x128xf32>,
    %get3A_601 = arith.constant 0 : index
    %get3A_602 = arith.constant 0 : index
    %get3A_603 = vector.load %arg22[%get3A_601, %get3A_602] : memref<8x128xf32, #tpu.memory_space<vmem>>, vector<8x128xf32>
    %swap3A_604 = arith.constant 0 : index
    %swap3A_605 = arith.constant 0 : index
    %swap3A_606 = vector.load %arg19[%swap3A_604, %swap3A_605] : memref<8x128xf32, #tpu.memory_space<vmem>>, vector<8x128xf32>
    tpu.vector_store %arg19[%swap3A_604, %swap3A_605], %get3A_603 {strides = array<i32>} : memref<8x128xf32, #tpu.memory_space<vmem>>, vector<8x128xf32>,
    %mul3A_607 = arith.mulf %add3A_572, %convert_element_type3A_556 : vector<512x128xf32>
    %reduce_sum3A_608 = arith.constant dense<0.000000e+00> : vector<512xf32>
    %reduce_sum3A_609 = vector.multi_reduction <add>, %mul3A_607, %reduce_sum3A_608 [1] : vector<512x128xf32> to vector<512xf32>
    %broadcast_in_dim3A_610 = vector.shape_cast %reduce_sum3A_609 : vector<512xf32> to vector<512x1xf32>
    %convert_element_type3A_611 = arith.fptosi %broadcast_in_dim3A_610 : vector<512x1xf32> to vector<512x1xi32>
    %mul3A_612 = arith.mulf %add3A_572, %convert_element_type3A_560 : vector<512x128xf32>
    %reduce_sum3A_613 = arith.constant dense<0.000000e+00> : vector<512xf32>
    %reduce_sum3A_614 = vector.multi_reduction <add>, %mul3A_612, %reduce_sum3A_613 [1] : vector<512x128xf32> to vector<512xf32>
    %broadcast_in_dim3A_615 = vector.shape_cast %reduce_sum3A_614 : vector<512xf32> to vector<512x1xf32>
    %convert_element_type3A_616 = arith.fptosi %broadcast_in_dim3A_615 : vector<512x1xf32> to vector<512x1xi32>
    %reduce_sum3A_617 = arith.constant dense<0.000000e+00> : vector<512xf32>
    %reduce_sum3A_618 = vector.multi_reduction <add>, %mul3A_578, %reduce_sum3A_617 [1] : vector<512x128xf32> to vector<512xf32>
    %broadcast_in_dim3A_619 = vector.shape_cast %reduce_sum3A_618 : vector<512xf32> to vector<512x1xf32>
    %reduce_sum3A_620 = arith.constant dense<0.000000e+00> : vector<512xf32>
    %reduce_sum3A_621 = vector.multi_reduction <add>, %mul3A_579, %reduce_sum3A_620 [1] : vector<512x128xf32> to vector<512xf32>
    %broadcast_in_dim3A_622 = vector.shape_cast %reduce_sum3A_621 : vector<512xf32> to vector<512x1xf32>
    %iota3A_623 = tpu.iota {dimensions = array<i32: 0>} : vector<512x1xi32>
    %mul3A_624 = arith.constant 4 : i32
    %mul3A_625 = arith.muli %arg0, %mul3A_624 : i32
    %add3A_626 = arith.addi %mul3A_625, %arg1 : i32
    %mul3A_627 = arith.constant 512 : i32
    %mul3A_628 = arith.muli %add3A_626, %mul3A_627 : i32
    %add3A_629 = vector.broadcast %mul3A_628 : i32 to vector<512x1xi32>
    %add3A_630 = arith.addi %iota3A_623, %add3A_629 : vector<512x1xi32>
    %jit3A_631 = arith.constant 256 : i32
    %eq3A_632 = arith.constant 0 : i32
    %eq3A_633 = arith.cmpi eq, %jit3A_631, %eq3A_632 : i32
    %jit3A_634 = arith.constant 1 : i32
    %select_n3A_635 = arith.select %eq3A_633, %jit3A_634, %jit3A_631 : i32
    %rem3A_636 = vector.broadcast %select_n3A_635 : i32 to vector<512x1xi32>
    %rem3A_637 = arith.remsi %add3A_630, %rem3A_636 : vector<512x1xi32>
    %ne3A_638 = arith.constant 0 : i32
    %ne3A_639 = vector.broadcast %ne3A_638 : i32 to vector<512x1xi32>
    %ne3A_640 = arith.cmpi ne, %rem3A_637, %ne3A_639 : vector<512x1xi32>
    %lt3A_641 = arith.constant 0 : i32
    %lt3A_642 = vector.broadcast %lt3A_641 : i32 to vector<512x1xi32>
    %lt3A_643 = arith.cmpi slt, %rem3A_637, %lt3A_642 : vector<512x1xi32>
    %lt3A_644 = arith.constant 0 : i32
    %lt3A_645 = arith.cmpi slt, %select_n3A_635, %lt3A_644 : i32
    %ne3A_646 = vector.broadcast %lt3A_645 : i1 to vector<512x1xi1>
    %ne3A_647 = vector.broadcast %ne3A_646 : vector<512x1xi1> to vector<512x1xi1>
    %ne3A_648 = arith.xori %lt3A_643, %ne3A_647 : vector<512x1xi1>
    %and3A_649 = arith.andi %ne3A_648, %ne3A_640 : vector<512x1xi1>
    %add3A_650 = vector.broadcast %select_n3A_635 : i32 to vector<512x1xi32>
    %add3A_651 = arith.addi %rem3A_637, %add3A_650 : vector<512x1xi32>
    %select_n3A_652 = arith.select %and3A_649, %add3A_651, %rem3A_637 : vector<512x1xi1>, vector<512x1xi32>
    %add3A_653 = arith.constant 5120 : i32
    %add3A_654 = vector.broadcast %add3A_653 : i32 to vector<512x1xi32>
    %add3A_655 = arith.addi %add3A_654, %select_n3A_652 : vector<512x1xi32>
    %gt3A_656 = arith.constant 0.000000e+00 : f32
    %gt3A_657 = vector.broadcast %gt3A_656 : f32 to vector<512x1xf32>
    %gt3A_658 = arith.cmpf ogt, %broadcast_in_dim3A_619, %gt3A_657 : vector<512x1xf32>
    %mul3A_659 = arith.constant 1280 : i32
    %mul3A_660 = vector.broadcast %mul3A_659 : i32 to vector<512x1xi32>
    %mul3A_661 = arith.muli %broadcast_in_dim3A_533, %mul3A_660 : vector<512x1xi32>
    %add3A_662 = arith.addi %mul3A_661, %convert_element_type3A_611 : vector<512x1xi32>
    %select_n3A_663 = arith.select %gt3A_658, %add3A_662, %add3A_655 : vector<512x1xi1>, vector<512x1xi32>
    %swap3A_664 = arith.constant 0 : index
    %swap3A_665 = arith.constant 0 : index
    %swap3A_666 = vector.load %arg15[%swap3A_664, %swap3A_665] : memref<512x1xi32, #tpu.memory_space<vmem>>, vector<512x1xi32>
    tpu.vector_store %arg15[%swap3A_664, %swap3A_665], %select_n3A_663 {strides = array<i32>} : memref<512x1xi32, #tpu.memory_space<vmem>>, vector<512x1xi32>,
    %gt3A_667 = arith.constant 0.000000e+00 : f32
    %gt3A_668 = vector.broadcast %gt3A_667 : f32 to vector<512x1xf32>
    %gt3A_669 = arith.cmpf ogt, %broadcast_in_dim3A_622, %gt3A_668 : vector<512x1xf32>
    %mul3A_670 = arith.constant 1280 : i32
    %mul3A_671 = vector.broadcast %mul3A_670 : i32 to vector<512x1xi32>
    %mul3A_672 = arith.muli %broadcast_in_dim3A_549, %mul3A_671 : vector<512x1xi32>
    %add3A_673 = arith.addi %mul3A_672, %convert_element_type3A_616 : vector<512x1xi32>
    %select_n3A_674 = arith.select %gt3A_669, %add3A_673, %add3A_655 : vector<512x1xi1>, vector<512x1xi32>
    %swap3A_675 = arith.constant 0 : index
    %swap3A_676 = arith.constant 0 : index
    %swap3A_677 = vector.load %arg16[%swap3A_675, %swap3A_676] : memref<512x1xi32, #tpu.memory_space<vmem>>, vector<512x1xi32>
    tpu.vector_store %arg16[%swap3A_675, %swap3A_676], %select_n3A_674 {strides = array<i32>} : memref<512x1xi32, #tpu.memory_space<vmem>>, vector<512x1xi32>,
    %mul3A_678 = arith.mulf %broadcast_in_dim3A_619, %div3A_551 : vector<512x1xf32>
    %broadcast_in_dim3A_679 = vector.shape_cast %mul3A_678 : vector<512x1xf32> to vector<512x1xf32>
    %broadcast_in_dim3A_680 = vector.broadcast %broadcast_in_dim3A_679 : vector<512x1xf32> to vector<512x16xf32>
    %swap3A_681 = arith.constant 0 : index
    %swap3A_682 = arith.constant 0 : index
    %swap3A_683 = vector.load %arg17[%swap3A_681, %swap3A_682] : memref<512x16xf32, #tpu.memory_space<vmem>>, vector<512x16xf32>
    tpu.vector_store %arg17[%swap3A_681, %swap3A_682], %broadcast_in_dim3A_680 {strides = array<i32>} : memref<512x16xf32, #tpu.memory_space<vmem>>, vector<512x16xf32>,
    %mul3A_684 = arith.mulf %broadcast_in_dim3A_622, %div3A_552 : vector<512x1xf32>
    %broadcast_in_dim3A_685 = vector.shape_cast %mul3A_684 : vector<512x1xf32> to vector<512x1xf32>
    %broadcast_in_dim3A_686 = vector.broadcast %broadcast_in_dim3A_685 : vector<512x1xf32> to vector<512x16xf32>
    %swap3A_687 = arith.constant 0 : index
    %swap3A_688 = arith.constant 0 : index
    %swap3A_689 = vector.load %arg18[%swap3A_687, %swap3A_688] : memref<512x16xf32, #tpu.memory_space<vmem>>, vector<512x16xf32>
    tpu.vector_store %arg18[%swap3A_687, %swap3A_688], %broadcast_in_dim3A_686 {strides = array<i32>} : memref<512x16xf32, #tpu.memory_space<vmem>>, vector<512x16xf32>,
    return
  }
  func.func @transform_0(%arg0: i32, %arg1: i32) -> (i32, i32, i32) {
    %c0_i32 = arith.constant 0 : i32
    %c0_i32_0 = arith.constant 0 : i32
    return %arg0, %arg1, %c0_i32 : i32, i32, i32
  }
  func.func @transform_1(%arg0: i32, %arg1: i32) -> (i32, i32) {
    %c0_i32 = arith.constant 0 : i32
    %c0_i32_0 = arith.constant 0 : i32
    %c0_i32_1 = arith.constant 0 : i32
    return %c0_i32, %c0_i32_0 : i32, i32
  }
  func.func @transform_2(%arg0: i32, %arg1: i32) -> (i32, i32) {
    %c0_i32 = arith.constant 0 : i32
    %c0_i32_0 = arith.constant 0 : i32
    %c0_i32_1 = arith.constant 0 : i32
    return %c0_i32, %c0_i32_0 : i32, i32
  }
  func.func @transform_3(%arg0: i32, %arg1: i32) -> (i32, i32) {
    %c0_i32 = arith.constant 0 : i32
    %c0_i32_0 = arith.constant 0 : i32
    %c0_i32_1 = arith.constant 0 : i32
    return %c0_i32, %c0_i32_0 : i32, i32
  }
  func.func @transform_4(%arg0: i32, %arg1: i32) -> (i32, i32) {
    %c0_i32 = arith.constant 0 : i32
    %c0_i32_0 = arith.constant 0 : i32
    %c0_i32_1 = arith.constant 0 : i32
    return %c0_i32, %c0_i32_0 : i32, i32
  }
  func.func @transform_5(%arg0: i32, %arg1: i32) -> (i32, i32) {
    %c0_i32 = arith.constant 0 : i32
    %c0_i32_0 = arith.constant 0 : i32
    %c0_i32_1 = arith.constant 0 : i32
    return %c0_i32, %c0_i32_0 : i32, i32
  }
  func.func @transform_6(%arg0: i32, %arg1: i32) -> (i32, i32) {
    %c0_i32 = arith.constant 0 : i32
    %c0_i32_0 = arith.constant 0 : i32
    %c0_i32_1 = arith.constant 0 : i32
    return %c0_i32, %c0_i32_0 : i32, i32
  }
  func.func @transform_7(%arg0: i32, %arg1: i32) -> (i32, i32) {
    %c0_i32 = arith.constant 0 : i32
    %c0_i32_0 = arith.constant 0 : i32
    return %arg1, %c0_i32 : i32, i32
  }
  func.func @transform_8(%arg0: i32, %arg1: i32) -> (i32, i32) {
    %c0_i32 = arith.constant 0 : i32
    %c0_i32_0 = arith.constant 0 : i32
    return %arg1, %c0_i32 : i32, i32
  }
  func.func @transform_9(%arg0: i32, %arg1: i32) -> (i32, i32) {
    %c0_i32 = arith.constant 0 : i32
    %c0_i32_0 = arith.constant 0 : i32
    %c0_i32_1 = arith.constant 0 : i32
    return %c0_i32, %c0_i32_0 : i32, i32
  }
  func.func @transform_10(%arg0: i32, %arg1: i32) -> (i32, i32) {
    %c0_i32 = arith.constant 0 : i32
    %c0_i32_0 = arith.constant 0 : i32
    %c0_i32_1 = arith.constant 0 : i32
    return %c0_i32, %c0_i32_0 : i32, i32
  }
  func.func @transform_11(%arg0: i32, %arg1: i32) -> (i32, i32, i32) {
    %c0_i32 = arith.constant 0 : i32
    %c0_i32_0 = arith.constant 0 : i32
    return %arg0, %arg1, %c0_i32 : i32, i32, i32
  }
  func.func @transform_12(%arg0: i32, %arg1: i32) -> (i32, i32) {
    %mul3A = arith.constant 4 : i32
    %mul3A_0 = arith.muli %arg0, %mul3A : i32
    %add3A = arith.addi %mul3A_0, %arg1 : i32
    %c0_i32 = arith.constant 0 : i32
    %c0_i32_1 = arith.constant 0 : i32
    return %add3A, %c0_i32 : i32, i32
  }
  func.func @transform_13(%arg0: i32, %arg1: i32) -> (i32, i32) {
    %mul3A = arith.constant 4 : i32
    %mul3A_0 = arith.muli %arg0, %mul3A : i32
    %add3A = arith.addi %mul3A_0, %arg1 : i32
    %c0_i32 = arith.constant 0 : i32
    %c0_i32_1 = arith.constant 0 : i32
    return %add3A, %c0_i32 : i32, i32
  }
  func.func @transform_14(%arg0: i32, %arg1: i32) -> (i32, i32) {
    %mul3A = arith.constant 4 : i32
    %mul3A_0 = arith.muli %arg0, %mul3A : i32
    %add3A = arith.addi %mul3A_0, %arg1 : i32
    %c0_i32 = arith.constant 0 : i32
    %c0_i32_1 = arith.constant 0 : i32
    return %add3A, %c0_i32 : i32, i32
  }
  func.func @transform_15(%arg0: i32, %arg1: i32) -> (i32, i32) {
    %mul3A = arith.constant 4 : i32
    %mul3A_0 = arith.muli %arg0, %mul3A : i32
    %add3A = arith.addi %mul3A_0, %arg1 : i32
    %c0_i32 = arith.constant 0 : i32
    %c0_i32_1 = arith.constant 0 : i32
    return %add3A, %c0_i32 : i32, i32
  }
  func.func @transform_16(%arg0: i32, %arg1: i32) -> (i32, i32) {
    %mul3A = arith.constant 4 : i32
    %mul3A_0 = arith.muli %arg0, %mul3A : i32
    %add3A = arith.addi %mul3A_0, %arg1 : i32
    %c0_i32 = arith.constant 0 : i32
    %c0_i32_1 = arith.constant 0 : i32
    return %add3A, %c0_i32 : i32, i32
  }
  func.func @transform_17(%arg0: i32, %arg1: i32) -> (i32, i32) {
    %c0_i32 = arith.constant 0 : i32
    %c0_i32_0 = arith.constant 0 : i32
    %c0_i32_1 = arith.constant 0 : i32
    return %c0_i32, %c0_i32_0 : i32, i32
  }
}

module attributes {stable_mosaic.version = 14 : i64} {
  func.func @_ffn_body(%arg0: i32, %arg1: memref<256x512xf32, #tpu.memory_space<vmem>>, %arg2: memref<1x512x2048xf32, #tpu.memory_space<vmem>>, %arg3: memref<1x1x2048xf32, #tpu.memory_space<vmem>>, %arg4: memref<1x2048x512xf32, #tpu.memory_space<vmem>>, %arg5: memref<1x1x512xf32, #tpu.memory_space<vmem>>, %arg6: memref<256x512xf32, #tpu.memory_space<vmem>>) attributes {dimension_semantics = [#tpu.dimension_semantics<arbitrary>], iteration_bounds = array<i64: 21>, scalar_prefetch = 0 : i64, scratch_operands = 0 : i64, tpu.core_type = #tpu.core_type<tc>, window_params = [{transform_indices = @transform_0, window_bounds = array<i64: 256, 512>}, {transform_indices = @transform_1, window_bounds = array<i64: 1, 512, 2048>}, {transform_indices = @transform_2, window_bounds = array<i64: 1, 1, 2048>}, {transform_indices = @transform_3, window_bounds = array<i64: 1, 2048, 512>}, {transform_indices = @transform_4, window_bounds = array<i64: 1, 1, 512>}, {transform_indices = @transform_5, window_bounds = array<i64: 256, 512>}]} {
    %lt3A = arith.constant 20 : i32
    %lt3A_0 = arith.cmpi slt, %arg0, %lt3A : i32
    %convert_element_type3A = arith.extui %lt3A_0 : i1 to i32
    %cond3A = arith.constant 0 : i32
    %cond3A_1 = arith.cmpi ne, %convert_element_type3A, %cond3A : i32
    scf.if %cond3A_1 {
      %get3A = arith.constant 0 : index
      %get3A_6 = arith.constant 0 : index
      %get3A_7 = vector.load %arg1[%get3A, %get3A_6] : memref<256x512xf32, #tpu.memory_space<vmem>>, vector<256x512xf32>
      %get3A_8 = arith.constant 0 : index
      %get3A_9 = arith.constant 0 : index
      %get3A_10 = arith.constant 0 : index
      %get3A_11 = vector.load %arg2[%get3A_8, %get3A_9, %get3A_10] : memref<1x512x2048xf32, #tpu.memory_space<vmem>>, vector<1x512x2048xf32>
      %get3A_12 = vector.shape_cast %get3A_11 : vector<1x512x2048xf32> to vector<512x2048xf32>
      %dot_general3A = arith.constant dense<0.000000e+00> : vector<256x2048xf32>
      %dot_general3A_13 = tpu.matmul %get3A_7, %get3A_12, %dot_general3A {dimension_numbers = #tpu.dot_dimension_numbers<[1], [0], [0], [1], [0, 0, 1, 1], [], []>, transpose_lhs_hint = false} : vector<256x512xf32>, vector<512x2048xf32>, vector<256x2048xf32> -> vector<256x2048xf32>
      %get3A_14 = arith.constant 0 : index
      %get3A_15 = arith.constant 0 : index
      %get3A_16 = arith.constant 0 : index
      %get3A_17 = vector.load %arg3[%get3A_14, %get3A_15, %get3A_16] : memref<1x1x2048xf32, #tpu.memory_space<vmem>>, vector<1x1x2048xf32>
      %get3A_18 = vector.shape_cast %get3A_17 : vector<1x1x2048xf32> to vector<1x2048xf32>
      %add3A = vector.broadcast %get3A_18 : vector<1x2048xf32> to vector<256x2048xf32>
      %add3A_19 = arith.addf %dot_general3A_13, %add3A : vector<256x2048xf32>
      %mul3A = arith.constant 5.000000e-01 : f32
      %mul3A_20 = vector.broadcast %mul3A : f32 to vector<256x2048xf32>
      %mul3A_21 = arith.mulf %mul3A_20, %add3A_19 : vector<256x2048xf32>
      %mul3A_22 = arith.constant 0.707106769 : f32
      %mul3A_23 = vector.broadcast %mul3A_22 : f32 to vector<256x2048xf32>
      %mul3A_24 = arith.mulf %add3A_19, %mul3A_23 : vector<256x2048xf32>
      %erf3A = math.erf %mul3A_24 : vector<256x2048xf32>
      %add3A_25 = arith.constant 1.000000e+00 : f32
      %add3A_26 = vector.broadcast %add3A_25 : f32 to vector<256x2048xf32>
      %add3A_27 = arith.addf %add3A_26, %erf3A : vector<256x2048xf32>
      %mul3A_28 = arith.mulf %mul3A_21, %add3A_27 : vector<256x2048xf32>
      %get3A_29 = arith.constant 0 : index
      %get3A_30 = arith.constant 0 : index
      %get3A_31 = arith.constant 0 : index
      %get3A_32 = vector.load %arg4[%get3A_29, %get3A_30, %get3A_31] : memref<1x2048x512xf32, #tpu.memory_space<vmem>>, vector<1x2048x512xf32>
      %get3A_33 = vector.shape_cast %get3A_32 : vector<1x2048x512xf32> to vector<2048x512xf32>
      %dot_general3A_34 = arith.constant dense<0.000000e+00> : vector<256x512xf32>
      %dot_general3A_35 = tpu.matmul %mul3A_28, %get3A_33, %dot_general3A_34 {dimension_numbers = #tpu.dot_dimension_numbers<[1], [0], [0], [1], [0, 0, 1, 1], [], []>, transpose_lhs_hint = false} : vector<256x2048xf32>, vector<2048x512xf32>, vector<256x512xf32> -> vector<256x512xf32>
      %get3A_36 = arith.constant 0 : index
      %get3A_37 = arith.constant 0 : index
      %get3A_38 = arith.constant 0 : index
      %get3A_39 = vector.load %arg5[%get3A_36, %get3A_37, %get3A_38] : memref<1x1x512xf32, #tpu.memory_space<vmem>>, vector<1x1x512xf32>
      %get3A_40 = vector.shape_cast %get3A_39 : vector<1x1x512xf32> to vector<1x512xf32>
      %add3A_41 = vector.broadcast %get3A_40 : vector<1x512xf32> to vector<256x512xf32>
      %add3A_42 = arith.addf %dot_general3A_35, %add3A_41 : vector<256x512xf32>
      %swap3A = arith.constant 0 : index
      %swap3A_43 = arith.constant 0 : index
      %swap3A_44 = vector.load %arg6[%swap3A, %swap3A_43] : memref<256x512xf32, #tpu.memory_space<vmem>>, vector<256x512xf32>
      tpu.vector_store %arg6[%swap3A, %swap3A_43], %add3A_42 {strides = array<i32>} : memref<256x512xf32, #tpu.memory_space<vmem>>, vector<256x512xf32>,
    } else {
    }
    %eq3A = arith.constant 20 : i32
    %eq3A_2 = arith.cmpi eq, %arg0, %eq3A : i32
    %convert_element_type3A_3 = arith.extui %eq3A_2 : i1 to i32
    %cond3A_4 = arith.constant 0 : i32
    %cond3A_5 = arith.cmpi ne, %convert_element_type3A_3, %cond3A_4 : i32
    scf.if %cond3A_5 {
      %broadcast_in_dim3A = arith.constant 0.000000e+00 : f32
      %broadcast_in_dim3A_6 = vector.broadcast %broadcast_in_dim3A : f32 to vector<256x512xf32>
      %swap3A = arith.constant 0 : index
      %swap3A_7 = arith.constant 0 : index
      %swap3A_8 = vector.load %arg6[%swap3A, %swap3A_7] : memref<256x512xf32, #tpu.memory_space<vmem>>, vector<256x512xf32>
      tpu.vector_store %arg6[%swap3A, %swap3A_7], %broadcast_in_dim3A_6 {strides = array<i32>} : memref<256x512xf32, #tpu.memory_space<vmem>>, vector<256x512xf32>,
    } else {
    }
    return
  }
  func.func @transform_0(%arg0: i32) -> (i32, i32) {
    %min3A = arith.constant 19 : i32
    %min3A_0 = arith.minsi %arg0, %min3A : i32
    %c0_i32 = arith.constant 0 : i32
    %c0_i32_1 = arith.constant 0 : i32
    return %min3A_0, %c0_i32 : i32, i32
  }
  func.func @transform_1(%arg0: i32) -> (i32, i32, i32) {
    %jit3A = arith.constant 5 : i32
    %div3A = arith.divsi %arg0, %jit3A : i32
    %sign3A = arith.constant 0 : i32
    %sign3A_0 = arith.cmpi sgt, %arg0, %sign3A : i32
    %sign3A_1 = arith.extui %sign3A_0 : i1 to i32
    %sign3A_2 = arith.constant 0 : i32
    %sign3A_3 = arith.cmpi slt, %arg0, %sign3A_2 : i32
    %sign3A_4 = arith.extui %sign3A_3 : i1 to i32
    %sign3A_5 = arith.subi %sign3A_1, %sign3A_4 : i32
    %sign3A_6 = arith.constant 0 : i32
    %sign3A_7 = arith.cmpi sgt, %jit3A, %sign3A_6 : i32
    %sign3A_8 = arith.extui %sign3A_7 : i1 to i32
    %sign3A_9 = arith.constant 0 : i32
    %sign3A_10 = arith.cmpi slt, %jit3A, %sign3A_9 : i32
    %sign3A_11 = arith.extui %sign3A_10 : i1 to i32
    %sign3A_12 = arith.subi %sign3A_8, %sign3A_11 : i32
    %ne3A = arith.cmpi ne, %sign3A_5, %sign3A_12 : i32
    %rem3A = arith.remsi %arg0, %jit3A : i32
    %ne3A_13 = arith.constant 0 : i32
    %ne3A_14 = arith.cmpi ne, %rem3A, %ne3A_13 : i32
    %and3A = arith.andi %ne3A, %ne3A_14 : i1
    %sub3A = arith.constant 1 : i32
    %sub3A_15 = arith.subi %div3A, %sub3A : i32
    %select_n3A = arith.select %and3A, %sub3A_15, %div3A : i32
    %min3A = arith.constant 3 : i32
    %min3A_16 = arith.minsi %select_n3A, %min3A : i32
    %c0_i32 = arith.constant 0 : i32
    %c0_i32_17 = arith.constant 0 : i32
    %c0_i32_18 = arith.constant 0 : i32
    return %min3A_16, %c0_i32, %c0_i32_17 : i32, i32, i32
  }
  func.func @transform_2(%arg0: i32) -> (i32, i32, i32) {
    %jit3A = arith.constant 5 : i32
    %div3A = arith.divsi %arg0, %jit3A : i32
    %sign3A = arith.constant 0 : i32
    %sign3A_0 = arith.cmpi sgt, %arg0, %sign3A : i32
    %sign3A_1 = arith.extui %sign3A_0 : i1 to i32
    %sign3A_2 = arith.constant 0 : i32
    %sign3A_3 = arith.cmpi slt, %arg0, %sign3A_2 : i32
    %sign3A_4 = arith.extui %sign3A_3 : i1 to i32
    %sign3A_5 = arith.subi %sign3A_1, %sign3A_4 : i32
    %sign3A_6 = arith.constant 0 : i32
    %sign3A_7 = arith.cmpi sgt, %jit3A, %sign3A_6 : i32
    %sign3A_8 = arith.extui %sign3A_7 : i1 to i32
    %sign3A_9 = arith.constant 0 : i32
    %sign3A_10 = arith.cmpi slt, %jit3A, %sign3A_9 : i32
    %sign3A_11 = arith.extui %sign3A_10 : i1 to i32
    %sign3A_12 = arith.subi %sign3A_8, %sign3A_11 : i32
    %ne3A = arith.cmpi ne, %sign3A_5, %sign3A_12 : i32
    %rem3A = arith.remsi %arg0, %jit3A : i32
    %ne3A_13 = arith.constant 0 : i32
    %ne3A_14 = arith.cmpi ne, %rem3A, %ne3A_13 : i32
    %and3A = arith.andi %ne3A, %ne3A_14 : i1
    %sub3A = arith.constant 1 : i32
    %sub3A_15 = arith.subi %div3A, %sub3A : i32
    %select_n3A = arith.select %and3A, %sub3A_15, %div3A : i32
    %min3A = arith.constant 3 : i32
    %min3A_16 = arith.minsi %select_n3A, %min3A : i32
    %c0_i32 = arith.constant 0 : i32
    %c0_i32_17 = arith.constant 0 : i32
    %c0_i32_18 = arith.constant 0 : i32
    return %min3A_16, %c0_i32, %c0_i32_17 : i32, i32, i32
  }
  func.func @transform_3(%arg0: i32) -> (i32, i32, i32) {
    %jit3A = arith.constant 5 : i32
    %div3A = arith.divsi %arg0, %jit3A : i32
    %sign3A = arith.constant 0 : i32
    %sign3A_0 = arith.cmpi sgt, %arg0, %sign3A : i32
    %sign3A_1 = arith.extui %sign3A_0 : i1 to i32
    %sign3A_2 = arith.constant 0 : i32
    %sign3A_3 = arith.cmpi slt, %arg0, %sign3A_2 : i32
    %sign3A_4 = arith.extui %sign3A_3 : i1 to i32
    %sign3A_5 = arith.subi %sign3A_1, %sign3A_4 : i32
    %sign3A_6 = arith.constant 0 : i32
    %sign3A_7 = arith.cmpi sgt, %jit3A, %sign3A_6 : i32
    %sign3A_8 = arith.extui %sign3A_7 : i1 to i32
    %sign3A_9 = arith.constant 0 : i32
    %sign3A_10 = arith.cmpi slt, %jit3A, %sign3A_9 : i32
    %sign3A_11 = arith.extui %sign3A_10 : i1 to i32
    %sign3A_12 = arith.subi %sign3A_8, %sign3A_11 : i32
    %ne3A = arith.cmpi ne, %sign3A_5, %sign3A_12 : i32
    %rem3A = arith.remsi %arg0, %jit3A : i32
    %ne3A_13 = arith.constant 0 : i32
    %ne3A_14 = arith.cmpi ne, %rem3A, %ne3A_13 : i32
    %and3A = arith.andi %ne3A, %ne3A_14 : i1
    %sub3A = arith.constant 1 : i32
    %sub3A_15 = arith.subi %div3A, %sub3A : i32
    %select_n3A = arith.select %and3A, %sub3A_15, %div3A : i32
    %min3A = arith.constant 3 : i32
    %min3A_16 = arith.minsi %select_n3A, %min3A : i32
    %c0_i32 = arith.constant 0 : i32
    %c0_i32_17 = arith.constant 0 : i32
    %c0_i32_18 = arith.constant 0 : i32
    return %min3A_16, %c0_i32, %c0_i32_17 : i32, i32, i32
  }
  func.func @transform_4(%arg0: i32) -> (i32, i32, i32) {
    %jit3A = arith.constant 5 : i32
    %div3A = arith.divsi %arg0, %jit3A : i32
    %sign3A = arith.constant 0 : i32
    %sign3A_0 = arith.cmpi sgt, %arg0, %sign3A : i32
    %sign3A_1 = arith.extui %sign3A_0 : i1 to i32
    %sign3A_2 = arith.constant 0 : i32
    %sign3A_3 = arith.cmpi slt, %arg0, %sign3A_2 : i32
    %sign3A_4 = arith.extui %sign3A_3 : i1 to i32
    %sign3A_5 = arith.subi %sign3A_1, %sign3A_4 : i32
    %sign3A_6 = arith.constant 0 : i32
    %sign3A_7 = arith.cmpi sgt, %jit3A, %sign3A_6 : i32
    %sign3A_8 = arith.extui %sign3A_7 : i1 to i32
    %sign3A_9 = arith.constant 0 : i32
    %sign3A_10 = arith.cmpi slt, %jit3A, %sign3A_9 : i32
    %sign3A_11 = arith.extui %sign3A_10 : i1 to i32
    %sign3A_12 = arith.subi %sign3A_8, %sign3A_11 : i32
    %ne3A = arith.cmpi ne, %sign3A_5, %sign3A_12 : i32
    %rem3A = arith.remsi %arg0, %jit3A : i32
    %ne3A_13 = arith.constant 0 : i32
    %ne3A_14 = arith.cmpi ne, %rem3A, %ne3A_13 : i32
    %and3A = arith.andi %ne3A, %ne3A_14 : i1
    %sub3A = arith.constant 1 : i32
    %sub3A_15 = arith.subi %div3A, %sub3A : i32
    %select_n3A = arith.select %and3A, %sub3A_15, %div3A : i32
    %min3A = arith.constant 3 : i32
    %min3A_16 = arith.minsi %select_n3A, %min3A : i32
    %c0_i32 = arith.constant 0 : i32
    %c0_i32_17 = arith.constant 0 : i32
    %c0_i32_18 = arith.constant 0 : i32
    return %min3A_16, %c0_i32, %c0_i32_17 : i32, i32, i32
  }
  func.func @transform_5(%arg0: i32) -> (i32, i32) {
    %c0_i32 = arith.constant 0 : i32
    %c0_i32_0 = arith.constant 0 : i32
    return %arg0, %c0_i32 : i32, i32
  }
}

</mosaic_0001>

<sc_bundles>
// kernel: kernel.6.cloned.1.call-start
scs
__scs_entry_jumppad:
0x0: {  	(pc) =	sbr.rel $0x88, $3  }
0x1: {  	(tag) =	ssettag $0x0;
	lr =	simm.s32 $0x1  }
0x2: {  	[smem:$0x3F8E] =	sst lr;
	_ =	strace $0xD0000000  }
0x3: {  	_ = 	snop  }
0x4: {  	_ = 	snop  }
0x5: {  	_ = 	snop  }
0x6: {  	_ = 	snop  }
0x7: {  	_ = 	snop  }
__scs_overlays_trampoline_lowered:
0x8: {  	[smem:$0x3F9D] =	sst s0  }
0x9: {  	[smem:$0x3F9E] =	sst s1  }
0xa: {  	[smem:$0x3F9F] =	sst s2  }
0xb: {  	[smem:$0x3FA0] =	sst s3  }
0xc: {  	[smem:$0x3FA1] =	sst s4  }
0xd: {  	[smem:$0x3FA2] =	sst s5  }
0xe: {  	[smem:$0x3FA3] =	sst s6  }
0xf: {  	[smem:$0x3FA4] =	sst s7  }
0x10: {  	[smem:$0x3FA5] =	sst s8  }
0x11: {  	[smem:$0x3FA6] =	sst s9;
	s0 =	simm.s32 @!p0 $0x0  }
0x12: {  	s1 =	sld [smem:$0x3F8C];
	s0 =	simm.s32 @p0 $0x1  }
0x13: {  	[smem:$0x3FA7] =	sst s0;
	s0 =	simm.s32 @!p1 $0x0  }
0x14: {  	s2 =	sld [smem:$0x3F8B];
	s0 =	simm.s32 @p1 $0x1  }
0x15: {  	[smem:$0x3FA8] =	sst s0;
	s0 =	simm.s32 @!p2 $0x0  }
0x16: {  	s3 =	sld [smem:$0x3FDB];
	s0 =	simm.s32 @p2 $0x1  }
0x17: {  	s4 =	simm.s32 $0x1BF5;
	[smem:$0x3FAA] =	sst s0  }
0x18: {  	s0 =	sld [smem:$0x3F8D];
	_ =	swait.ge [sflag:s4], $0x0  }
0x19: {  	s7 =	sld [smem:$0x3F8E]  }
0x1a: {  	s8 =	sadd.s32 $0xFFFFE003, lr  }
0x1b: {  	s9 =	sadd.s32 $0xFFFFFEF7, lr;
	s5 =	simm.s32 $0xFFFFFFFF;
	p2 =	slt.u32 s8, $0xFFFFF086  }
0x1c: {  	p1 =	slt.u32 s9, $0xF7A;
	s5 =	simm.s32 @!p2 $0x0  }
0x1d: {  	s5 =	simm.s32 @p1 $0x1;
	p0 =	seq.s32 s7, s2  }
0x1e: {  	s7 =	smul.u32 @!p0 $0xF7A, s2;
	p2 =	seq.s32 @!p0 s5, $0x0  }
0x1f: {  	s9 =	smul.u32 $0xF7A, s1;
	s8 =	simm.s32 @!p0 $0x1BF5;
	p2 =	por !p2, p0  }
0x20: {  	[sflag:s8] =	ssyncset.s32 @!p0 $0xFFFFF086;
	s6 =	sadd.s32 @!p0 s3, s7;
	s7 =	simm.s32 @!p0 $0x108  }
0x21: {  	s3 =	sadd.s32 s3, s9;
	s6 =	sadd.s32 @!p0 $0x88, s6;
	s7 =	simm.s32 @p2 $0x1082  }
0x22: {  	[simem:s7], [sflag:s8] =	dma.local @!p0 [hbm:s6], $0xF7A  }
0x23: {  	s9 =	sor.u32 $0xD0000000, s2;
	s6 =	simm.s32 $0x108;
	_ =	swait.ge @!p0 [sflag:s8], $0x0  }
0x24: {  	s3 =	sadd.s32 $0x88, s3;
	s6 =	simm.s32 @!p1 $0x1082;
	[sflag:s4] =	ssyncset.s32 $0xFFFFF086  }
0x25: {  	[simem:s6], [sflag:s4] =	dma.local [hbm:s3], $0xF7A  }
0x26: {  	[smem:$0x3F8E] =	sst s1;
	(tag) =	ssettag s2;
	_ =	strace s9  }
0x27: {  	s1 =	sld [smem:$0x3F9E]  }
0x28: {  	s2 =	sld [smem:$0x3F9F]  }
0x29: {  	s4 =	sld [smem:$0x3FA1]  }
0x2a: {  	p0 =	seq.s32 s5, $0x0;
	s5 =	sld [smem:$0x3FA2]  }
0x2b: {  	s6 =	sld [smem:$0x3FA3]  }
0x2c: {  	s7 =	sld [smem:$0x3FA4]  }
0x2d: {  	s3 =	simm.s32 $0x108;
	s8 =	sld [smem:$0x3FA5]  }
0x2e: {  	s3 =	simm.s32 @!p0 $0x1082;
	s9 =	sld [smem:$0x3FA6]  }
0x2f: {  	lr =	sadd.s32 s0, s3;
	s0 =	sld [smem:$0x3F9D]  }
0x30: {  	s3 =	sld [smem:$0x3FA0]  }
0x31: {  	[smem:$0x3FA9] =	sst s10  }
0x32: {  	s10 =	sld [smem:$0x3FA7];
	_ =	sdelay $0x3  }
0x33: {  	p0 =	seq.s32 s10, $0x1;
	s10 =	sld [smem:$0x3FA9];
	_ =	sdelay $0x3  }
0x34: {  	[smem:$0x3FA9] =	sst s10  }
0x35: {  	s10 =	sld [smem:$0x3FA8];
	_ =	sdelay $0x3  }
0x36: {  	p1 =	seq.s32 s10, $0x1;
	s10 =	sld [smem:$0x3FA9];
	_ =	sdelay $0x3  }
0x37: {  	[smem:$0x3FA9] =	sst s10  }
0x38: {  	s10 =	sld [smem:$0x3FAA]  }
0x39: {  	_ = 	snop;
	(pc) =	sbr.ind lr, $3  }
0x3a: {  	_ = 	snop  }
0x3b: {  	_ = 	snop  }
0x3c: {  	p2 =	seq.s32 s10, $0x1;
	s10 =	sld [smem:$0x3FA9]  }
0x3d: {  	_ =	shalt  }
0x3e: {  	_ =	shalt  }
0x3f: {  	_ =	shalt  }
0x40: {  	_ =	shalt  }
0x41: {  	_ =	shalt  }
0x42: {  	_ =	shalt  }
0x43: {  	_ =	shalt  }
0x44: {  	_ =	shalt  }
0x45: {  	_ =	shalt  }
0x46: {  	_ =	shalt  }
0x47: {  	_ =	shalt  }
0x48: {  	_ =	shalt  }
0x49: {  	_ =	shalt  }
0x4a: {  	_ =	shalt  }
0x4b: {  	_ =	shalt  }
0x4c: {  	_ =	shalt  }
0x4d: {  	_ =	shalt  }
0x4e: {  	_ =	shalt  }
0x4f: {  	_ =	shalt  }
0x50: {  	_ =	shalt  }
0x51: {  	_ =	shalt  }
0x52: {  	_ =	shalt  }
0x53: {  	_ =	shalt  }
0x54: {  	_ =	shalt  }
0x55: {  	_ =	shalt  }
0x56: {  	_ =	shalt  }
0x57: {  	_ =	shalt  }
0x58: {  	_ =	shalt  }
0x59: {  	_ =	shalt  }
0x5a: {  	_ =	shalt  }
0x5b: {  	_ =	shalt  }
0x5c: {  	_ =	shalt  }
0x5d: {  	_ =	shalt  }
0x5e: {  	_ =	shalt  }
0x5f: {  	_ =	shalt  }
0x60: {  	_ =	shalt  }
0x61: {  	_ =	shalt  }
0x62: {  	_ =	shalt  }
0x63: {  	_ =	shalt  }
0x64: {  	_ =	shalt  }
0x65: {  	_ =	shalt  }
0x66: {  	_ =	shalt  }
0x67: {  	_ =	shalt  }
0x68: {  	_ =	shalt  }
0x69: {  	_ =	shalt  }
0x6a: {  	_ =	shalt  }
0x6b: {  	_ =	shalt  }
0x6c: {  	_ =	shalt  }
0x6d: {  	_ =	shalt  }
0x6e: {  	_ =	shalt  }
0x6f: {  	_ =	shalt  }
0x70: {  	_ =	shalt  }
0x71: {  	_ =	shalt  }
0x72: {  	_ =	shalt  }
0x73: {  	_ =	shalt  }
0x74: {  	_ =	shalt  }
0x75: {  	_ =	shalt  }
0x76: {  	_ =	shalt  }
0x77: {  	_ =	shalt  }
0x78: {  	_ =	shalt  }
0x79: {  	_ =	shalt  }
0x7a: {  	_ =	shalt  }
0x7b: {  	_ =	shalt  }
0x7c: {  	_ =	shalt  }
0x7d: {  	_ =	shalt  }
0x7e: {  	_ =	shalt  }
0x7f: {  	_ =	shalt  }
0x80: {  	_ =	shalt  }
0x81: {  	_ =	shalt  }
0x82: {  	_ =	shalt  }
0x83: {  	_ =	shalt  }
0x84: {  	_ =	shalt  }
0x85: {  	_ =	shalt  }
0x86: {  	_ =	shalt  }
0x87: {  	_ =	shalt  }
.Lfunc_end0:
.L_simem_size_0:
called_computation_lowered:
.L_overlay_start_0:
0x88: {  	s2 =	sld [smem:$0x3FD9]  }
0x89: {  	s3 =	sld [smem:$0x3FFE];
	_ =	sdelay $0x1  }
0x8a: {  	s1 =	srdreg.scid  }
0x8b: {  	s0 =	sand.u32 $0x1, s1  }
0x8c: {  	s14 =	sshll.u32 s0, $0xA;
	s2 =	sadd.s32 s3, s2  }
0x8d: {  	s2 =	sadd.s32 s2, s14  }
0x8e: {  	[smem:$0x3FB5] =	sst s2  }
0x8f: {  	_ = 	snop  }
0x90: {  	s2 =	sld [smem:$0x3FD0];
	_ =	sdelay $0x2  }
0x91: {  	s15 =	simm.s32 $0xA;
	s4 =	simm.s32 $0x10  }
0x92: {  	[smem:s4], [sflag:s15] =	dma.local [hbm:s2], $0x1  }
0x93: {  	_ =	swait.eq [sflag:s15], $0x1  }
0x94: {  	[sflag:s15] =	ssyncset.done $0x0  }
0x95: {  	[sflag:s15] =	ssyncadd.s32 $0xFFFFFFFF  }
0x96: {  	s16 =	sld [smem:$0x10];
	(tm) =	ssettm $0x1  }
0x97: {  	s17 =	sld [smem:$0x3FFB];
	_ =	sdelay $0x3  }
0x98: {  	_ =	strace s17  }
0x99: {  	s3 =	sld [smem:$0x3FFC];
	_ =	sdelay $0x3  }
0x9a: {  	_ =	strace s3  }
0x9b: {  	s3 =	sld [smem:$0x3FFD];
	_ =	sdelay $0x3  }
0x9c: {  	_ =	strace s3  }
0x9d: {  	_ =	strace $0x8FFFFFFF  }
0x9e: {  	s18 =	sld [smem:$0x3FDB];
	_ =	sdelay $0x1  }
0x9f: {  	s19 =	simm.s32 $_scs_section_size  }
0xa0: {  	s5 =	simm.s32 $_size__tile_overlayer_lowered;
	s6 =	simm.s32 $_tile_overlayer_lowered  }
0xa1: {  	s22 =	simm.s32 $0x1BFF;
	s21 =	sshll.u32 s6, $0x1;
	s3 =	sadd.s32 s19, s18  }
0xa2: {  	s7 =	simm.s32 $0x0;
	s20 =	sshll.u32 s5, $0x1;
	s5 =	sadd.s32 s21, s3  }
0xa3: {  	[timem:s7], [sflag:s22] =	dma.local [hbm:s5], s20  }
0xa4: {  	_ =	swait.ge [sflag:s22], s20  }
0xa5: {  	s4 =	ssub.s32 $0x0, s20;
	[sflag:s22] =	ssyncset.done $0x0  }
0xa6: {  	[sflag:s22] =	ssyncadd.s32 s4;
	_ =	sdelay $0x1  }
0xa7: {  	s23 =	simm.s32 $0x1B8B  }
0xa8: {  	_ =	swait.ge [sflag:s23], $0x1  }
0xa9: {  	[sflag:s23] =	ssyncset.done $0x0  }
0xaa: {  	s25 =	simm.s32 $0x1B8E;
	s24 =	sld [smem:$0x3FFE];
	[sflag:s23] =	ssyncadd.s32 $0xFFFFFFFF  }
0xab: {  	s26 =	simm.s32 $execute0_lowered;
	[smem:$0x3FD2] =	sst s25  }
0xac: {  	s5 =	sshll.u32 s26, $0x1;
	_ =	strace $0x80000046;
	[dreg:$0x1] =	wrdreg $0xFFFFFFFF  }
0xad: {  	s28 =	simm.s32 $_size_execute0_lowered;
	s3 =	sadd.s32 s3, s5;
	[dreg:$0x0] =	wrdreg $0x0  }
0xae: {  	s5 =	sshll.u32 s28, $0x1;
	[dreg:$0x2] =	wrdreg s3  }
0xaf: {  	[dreg:$0x3] =	wrdreg s5  }
0xb0: {  	[dreg:$0x4] =	wrdreg $0xC0  }
0xb1: {  	_ =	task [dreg:s7], $0x5FFFF  }
0xb2: {  	[dreg:$0x1] =	wrdreg $0xFFFFFFFF  }
0xb3: {  	[dreg:$0x0] =	wrdreg $0x60  }
0xb4: {  	[dreg:$0x2] =	wrdreg s16  }
0xb5: {  	[dreg:$0x3] =	wrdreg s24  }
0xb6: {  	[dreg:$0x4] =	wrdreg $0x9  }
0xb7: {  	_ =	task.clear_ibuf [dreg:s7], $0x5FFFF;
	_ =	strace $0x90000046  }
0xb8: {  	s29 =	simm.s32 $0x9;
	_ =	strace $0x80000048  }
0xb9: {  	_ =	swait.ge [sflag:s29], $0x1  }
0xba: {  	[sflag:s29] =	ssyncadd.s32 $0xFFFFFFFF  }
0xbb: {  	_ =	strace $0x90000048  }
0xbc: {  	_ =	sfence  }
0xbd: {  	s30 =	sld [smem:$0x0];
	_ =	sdelay $0x2  }
0xbe: {  	s31 =	sshll.u32 s1, $0xD;
	s1 =	sshrl.u32 s1, $0x2  }
0xbf: {  	s3 =	sand.u32 $0x4000, s31;
	s1 =	sadd.s32 s1, s30  }
0xc0: {  	s0 =	sor.u32 s3, s0;
	s1 =	sshll.u32 s1, $0x11  }
0xc1: {  	s0 =	sor.u32 s1, s0  }
0xc2: {  	s0 =	sadd.s32 $0x8F2B, s0  }
0xc3: {  	[sflag:s0] =	ssyncadd.remote.s32 $0x1  }
0xc4: {  	_ =	sfence.sel $0xFFFF  }
0xc5: {  	[dreg:$0x0] =	wrdreg $0xFFFFFFFF;
	(pc) =	sbr.abs _section_cstart, $3  }
0xc6: {  	[dreg:$0x1] =	wrdreg $0xFFFFFFFF  }
0xc7: {  	_ =	task.clear_ibuf [dreg:s7], $0x2FFFF;
	_ =	strace $0x9FFFFFFF  }
0xc8: {  	(tm) =	ssettm $0x7FFFFFFF  }
0xc9: {  	_ =	shalt  }
tec
execute0_lowered:
.L_overlay_start_1:
0x0: {  	(tag) =	ssettag $0x1  }
0x1: {  	s0 =	srdreg.scid  }
0x2: {  	s2 =	stileid.u32;
	s1 =	rddreg [dreg:$0x0]  }
0x3: {  	s4 =	rddreg [dreg:$0x1];
	s26 =	simm.s32 $0x80;
	s14 =	simm.s32 $0x100  }
0x4: {  	s18 =	simm.s32 $0x1900;
	s19 =	simm.s32 $0x2100;
	s20 =	simm.s32 $0x2900  }
0x5: {  	s21 =	simm.s32 $0x3100;
	s22 =	simm.s32 $0x3900;
	s23 =	simm.s32 $0x4100  }
0x6: {  	s24 =	simm.s32 $0x4900;
	s28 =	simm.s32 $0x6100;
	s29 =	simm.s32 $0x6900  }
0x7: {  	s30 =	simm.s32 $0x7100;
	s31 =	simm.s32 $0x7900;
	s8 =	simm.s32 $0x9100  }
0x8: {  	s9 =	simm.s32 $0x9900;
	s10 =	simm.s32 $0xA100;
	s11 =	simm.s32 $0xA900  }
0x9: {  	s12 =	simm.s32 $0xB100;
	s13 =	simm.s32 $0xB900;
	s0 =	sand.u32 $0x1, s0  }
0xa: {  	s7 =	simm.s32 $0xC100;
	s2 =	sshll.u32 s2, $0x8;
	s3 =	sshll.u32 s0, $0x7  }
0xb: {  	s15 =	simm.s32 $0xC900;
	s0 =	ssub.s32 $0x2, s0;
	s3 =	sor.u32 s3, s2  }
0xc: {  	s2 =	simm.s32 $0x0;
	s25 =	sshrl.u32 s0, $0x1;
	s5 =	sshrl.u32 s3, $0x3  }
0xd: {  	[smem:$0x7FF] =	sst s2;
	s3 =	sshll.u32 s3, $0x6;
	s0 =	ssub.s32 s0, s25  }
0xe: {  	s25 =	simm.s32 $0x5100;
	s5 =	sadd.s32 s5, s4;
	_ =	strace $0x80000047  }
0xf: {  	s1 =	sadd.s32 s1, s3;
	s3 =	sadd.s32 $0x71600, s4;
	[dreg:$0x6] =	wrdreg s26  }
0x10: {  	v2 =	vlaneseq.u32;
	s4 =	sadd.s32 $0x71700, s4;
	s6 =	sadd.s32 $0x21600, s5;
	[dreg:$0x5] =	wrdreg s1  }
0x11: {  	vm0 =	vmmov $0xffff;
	v1 =	vshrl.u32 v2, $0x3;
	s26 =	simm.s32 $0x5900;
	s5 =	sadd.s32 $0x21800, s5;
	[dreg:$0x3] =	wrdreg s6  }
0x12: {  	v0 =	vand.u32 $0x7, v2;
	v2 =	vor.u32 $0x8, v2;
	v1 =	vmul.u32 $0x8, v1;
	[dreg:$0x4] =	wrdreg s5;
	s5 =	smax.u32 s0, $0x1;
	s6 =	simm.s32 $0x3  }
.LBB2_1:
0x13: {  	s16 =	rddreg [dreg:$0x3]  }
0x14: {  	[tilespmem:s2], [sflag:$0x3] =	stream.linear.gather [hbm4b:s16+s2], $0x80, $0x38;
	[tilespmem:$0x10100] =	vst v63  }
0x15: {  	_ =	swait.ge [sflag:s6], $0x80  }
0x16: {  	s0 =	rddreg [dreg:$0x4];
	[sflag:s6] =	ssyncset.done $0x0  }
0x17: {  	s17 =	rddreg [dreg:$0x6];
	[sflag:s6] =	ssyncadd.s32 $0xFFFFFF80  }
0x18: {  	[tilespmem:s17], [sflag:$0x3] =	stream.linear.gather [hbm4b:s0+s2], $0x80, $0x38;
	[tilespmem:$0x10100] =	vst v63  }
0x19: {  	_ =	swait.ge [sflag:s6], $0x80  }
0x1a: {  	[sflag:s6] =	ssyncset.done $0x0  }
0x1b: {  	s1 =	rddreg [dreg:$0x5];
	[sflag:s6] =	ssyncadd.s32 $0xFFFFFF80  }
0x1c: {  	[tilespmem:s14], [sflag:$0x3] =	stream.linear.gather [hbm4b:s1+s2], $0x10000, $0x38;
	[tilespmem:$0x10100] =	vst v63  }
0x1d: {  	_ =	swait.ge [sflag:s6], $0x10000  }
0x1e: {  	[sflag:s6] =	ssyncset.done $0x0  }
0x1f: {  	[sflag:s6] =	ssyncadd.s32 $0xFFFF0000  }
0x20: {  	v3 =	vld [tilespmem:$0x0];
	_ =	sdelay $0x4  }
0x21: {  	v4 =	vshll.u32 v3, $0x2  }
0x22: {  	v3 =	vand.u32 $0x7, v3;
	v4 =	vand.u32 $0xFFFFFFE0, v4  }
0x23: {  	v3 =	vor.u32 v3, v4  }
0x24: {  	v4 =	vperm.xlane v3, v0;
	_ =	sdelay $0x1  }
0x25: {  	v4 =	vadd.s32 v1, v4;
	_ =	sdelay $0x1  }
0x26: {  	v3 =	vperm.xlane v3, v2;
	_ =	sdelay $0x1  }
0x27: {  	v3 =	vadd.s32 v1, v3  }
0x28: {  	[hbm4b:s3+s2] =	stream.indirect_vreg.scatter [tilespmem:s14], [sflag:$0x1], $0x80, v4, vm0, $0xb8;
	[tilespmem:$0x10100] =	vst v63  }
0x29: {  	s16 =	simm.s32 $0x900  }
0x2a: {  	[hbm4b:s4+s2] =	stream.indirect_vreg.scatter [tilespmem:s16], [sflag:$0x1], $0x80, v4, vm0, $0xb8;
	[tilespmem:$0x10100] =	vst v63  }
0x2b: {  	s17 =	simm.s32 $0x1100  }
0x2c: {  	[hbm4b:s3+s2] =	stream.indirect_vreg.scatter [tilespmem:s17], [sflag:$0x1], $0x80, v3, vm0, $0xb8;
	[tilespmem:$0x10100] =	vst v63  }
0x2d: {  	_ = 	snop  }
0x2e: {  	[hbm4b:s4+s2] =	stream.indirect_vreg.scatter [tilespmem:s18], [sflag:$0x1], $0x80, v3, vm0, $0xb8;
	[tilespmem:$0x10100] =	vst v63  }
0x2f: {  	v3 =	vld [tilespmem:$0x10];
	_ =	sdelay $0x4  }
0x30: {  	v49 =	vshll.u32 v3, $0x2  }
0x31: {  	v3 =	vand.u32 $0x7, v3;
	v4 =	vand.u32 $0xFFFFFFE0, v49  }
0x32: {  	v3 =	vor.u32 v3, v4  }
0x33: {  	v4 =	vperm.xlane v3, v0;
	_ =	sdelay $0x1  }
0x34: {  	v4 =	vadd.s32 v1, v4;
	_ =	sdelay $0x1  }
0x35: {  	v3 =	vperm.xlane v3, v2;
	_ =	sdelay $0x1  }
0x36: {  	v3 =	vadd.s32 v1, v3  }
0x37: {  	[hbm4b:s3+s2] =	stream.indirect_vreg.scatter [tilespmem:s19], [sflag:$0x1], $0x80, v4, vm0, $0xb8;
	[tilespmem:$0x10100] =	vst v63  }
0x38: {  	_ = 	snop  }
0x39: {  	[hbm4b:s4+s2] =	stream.indirect_vreg.scatter [tilespmem:s20], [sflag:$0x1], $0x80, v4, vm0, $0xb8;
	[tilespmem:$0x10100] =	vst v63  }
0x3a: {  	_ = 	snop  }
0x3b: {  	[hbm4b:s3+s2] =	stream.indirect_vreg.scatter [tilespmem:s21], [sflag:$0x1], $0x80, v3, vm0, $0xb8;
	[tilespmem:$0x10100] =	vst v63  }
0x3c: {  	_ = 	snop  }
0x3d: {  	[hbm4b:s4+s2] =	stream.indirect_vreg.scatter [tilespmem:s22], [sflag:$0x1], $0x80, v3, vm0, $0xb8;
	[tilespmem:$0x10100] =	vst v63  }
0x3e: {  	v3 =	vld [tilespmem:$0x20];
	_ =	sdelay $0x4  }
0x3f: {  	v50 =	vshll.u32 v3, $0x2  }
0x40: {  	v3 =	vand.u32 $0x7, v3;
	v4 =	vand.u32 $0xFFFFFFE0, v50  }
0x41: {  	v3 =	vor.u32 v3, v4  }
0x42: {  	v4 =	vperm.xlane v3, v0;
	_ =	sdelay $0x1  }
0x43: {  	v4 =	vadd.s32 v1, v4;
	_ =	sdelay $0x1  }
0x44: {  	v3 =	vperm.xlane v3, v2;
	_ =	sdelay $0x1  }
0x45: {  	v3 =	vadd.s32 v1, v3  }
0x46: {  	[hbm4b:s3+s2] =	stream.indirect_vreg.scatter [tilespmem:s23], [sflag:$0x1], $0x80, v4, vm0, $0xb8;
	[tilespmem:$0x10100] =	vst v63  }
0x47: {  	_ = 	snop  }
0x48: {  	[hbm4b:s4+s2] =	stream.indirect_vreg.scatter [tilespmem:s24], [sflag:$0x1], $0x80, v4, vm0, $0xb8;
	[tilespmem:$0x10100] =	vst v63  }
0x49: {  	_ = 	snop  }
0x4a: {  	[hbm4b:s3+s2] =	stream.indirect_vreg.scatter [tilespmem:s25], [sflag:$0x1], $0x80, v3, vm0, $0xb8;
	[tilespmem:$0x10100] =	vst v63  }
0x4b: {  	_ = 	snop  }
0x4c: {  	[hbm4b:s4+s2] =	stream.indirect_vreg.scatter [tilespmem:s26], [sflag:$0x1], $0x80, v3, vm0, $0xb8;
	[tilespmem:$0x10100] =	vst v63  }
0x4d: {  	v3 =	vld [tilespmem:$0x30];
	_ =	sdelay $0x4  }
0x4e: {  	v51 =	vshll.u32 v3, $0x2  }
0x4f: {  	v3 =	vand.u32 $0x7, v3;
	v4 =	vand.u32 $0xFFFFFFE0, v51  }
0x50: {  	v3 =	vor.u32 v3, v4  }
0x51: {  	v4 =	vperm.xlane v3, v0;
	_ =	sdelay $0x1  }
0x52: {  	v4 =	vadd.s32 v1, v4;
	_ =	sdelay $0x1  }
0x53: {  	v3 =	vperm.xlane v3, v2;
	_ =	sdelay $0x1  }
0x54: {  	v3 =	vadd.s32 v1, v3  }
0x55: {  	[hbm4b:s3+s2] =	stream.indirect_vreg.scatter [tilespmem:s28], [sflag:$0x1], $0x80, v4, vm0, $0xb8;
	[tilespmem:$0x10100] =	vst v63  }
0x56: {  	_ = 	snop  }
0x57: {  	[hbm4b:s4+s2] =	stream.indirect_vreg.scatter [tilespmem:s29], [sflag:$0x1], $0x80, v4, vm0, $0xb8;
	[tilespmem:$0x10100] =	vst v63  }
0x58: {  	_ = 	snop  }
0x59: {  	[hbm4b:s3+s2] =	stream.indirect_vreg.scatter [tilespmem:s30], [sflag:$0x1], $0x80, v3, vm0, $0xb8;
	[tilespmem:$0x10100] =	vst v63  }
0x5a: {  	_ = 	snop  }
0x5b: {  	[hbm4b:s4+s2] =	stream.indirect_vreg.scatter [tilespmem:s31], [sflag:$0x1], $0x80, v3, vm0, $0xb8;
	[tilespmem:$0x10100] =	vst v63  }
0x5c: {  	v3 =	vld [tilespmem:$0x40];
	_ =	sdelay $0x4  }
0x5d: {  	v52 =	vshll.u32 v3, $0x2  }
0x5e: {  	v3 =	vand.u32 $0x7, v3;
	v4 =	vand.u32 $0xFFFFFFE0, v52  }
0x5f: {  	v3 =	vor.u32 v3, v4  }
0x60: {  	v4 =	vperm.xlane v3, v0;
	_ =	sdelay $0x1  }
0x61: {  	v4 =	vadd.s32 v1, v4;
	_ =	sdelay $0x1  }
0x62: {  	v3 =	vperm.xlane v3, v2;
	_ =	sdelay $0x1  }
0x63: {  	s1 =	simm.s32 $0x8100;
	v3 =	vadd.s32 v1, v3  }
0x64: {  	[hbm4b:s3+s2] =	stream.indirect_vreg.scatter [tilespmem:s1], [sflag:$0x1], $0x80, v4, vm0, $0xb8;
	[tilespmem:$0x10100] =	vst v63  }
0x65: {  	s0 =	simm.s32 $0x8900  }
0x66: {  	[hbm4b:s4+s2] =	stream.indirect_vreg.scatter [tilespmem:s0], [sflag:$0x1], $0x80, v4, vm0, $0xb8;
	[tilespmem:$0x10100] =	vst v63  }
0x67: {  	_ = 	snop  }
0x68: {  	[hbm4b:s3+s2] =	stream.indirect_vreg.scatter [tilespmem:s8], [sflag:$0x1], $0x80, v3, vm0, $0xb8;
	[tilespmem:$0x10100] =	vst v63  }
0x69: {  	_ = 	snop  }
0x6a: {  	[hbm4b:s4+s2] =	stream.indirect_vreg.scatter [tilespmem:s9], [sflag:$0x1], $0x80, v3, vm0, $0xb8;
	[tilespmem:$0x10100] =	vst v63  }
0x6b: {  	v3 =	vld [tilespmem:$0x50];
	_ =	sdelay $0x4  }
0x6c: {  	v53 =	vshll.u32 v3, $0x2  }
0x6d: {  	v3 =	vand.u32 $0x7, v3;
	v4 =	vand.u32 $0xFFFFFFE0, v53  }
0x6e: {  	v3 =	vor.u32 v3, v4  }
0x6f: {  	v4 =	vperm.xlane v3, v0;
	_ =	sdelay $0x1  }
0x70: {  	v4 =	vadd.s32 v1, v4;
	_ =	sdelay $0x1  }
0x71: {  	v3 =	vperm.xlane v3, v2;
	_ =	sdelay $0x1  }
0x72: {  	v3 =	vadd.s32 v1, v3  }
0x73: {  	[hbm4b:s3+s2] =	stream.indirect_vreg.scatter [tilespmem:s10], [sflag:$0x1], $0x80, v4, vm0, $0xb8;
	[tilespmem:$0x10100] =	vst v63  }
0x74: {  	_ = 	snop  }
0x75: {  	[hbm4b:s4+s2] =	stream.indirect_vreg.scatter [tilespmem:s11], [sflag:$0x1], $0x80, v4, vm0, $0xb8;
	[tilespmem:$0x10100] =	vst v63  }
0x76: {  	_ = 	snop  }
0x77: {  	[hbm4b:s3+s2] =	stream.indirect_vreg.scatter [tilespmem:s12], [sflag:$0x1], $0x80, v3, vm0, $0xb8;
	[tilespmem:$0x10100] =	vst v63  }
0x78: {  	_ = 	snop  }
0x79: {  	[hbm4b:s4+s2] =	stream.indirect_vreg.scatter [tilespmem:s13], [sflag:$0x1], $0x80, v3, vm0, $0xb8;
	[tilespmem:$0x10100] =	vst v63  }
0x7a: {  	v3 =	vld [tilespmem:$0x60];
	_ =	sdelay $0x4  }
0x7b: {  	v54 =	vshll.u32 v3, $0x2  }
0x7c: {  	v3 =	vand.u32 $0x7, v3;
	v4 =	vand.u32 $0xFFFFFFE0, v54  }
0x7d: {  	v3 =	vor.u32 v3, v4  }
0x7e: {  	v4 =	vperm.xlane v3, v0;
	_ =	sdelay $0x1  }
0x7f: {  	v4 =	vadd.s32 v1, v4;
	_ =	sdelay $0x1  }
0x80: {  	v3 =	vperm.xlane v3, v2;
	_ =	sdelay $0x1  }
0x81: {  	v3 =	vadd.s32 v1, v3  }
0x82: {  	[hbm4b:s3+s2] =	stream.indirect_vreg.scatter [tilespmem:s7], [sflag:$0x1], $0x80, v4, vm0, $0xb8;
	[tilespmem:$0x10100] =	vst v63  }
0x83: {  	_ = 	snop  }
0x84: {  	[hbm4b:s4+s2] =	stream.indirect_vreg.scatter [tilespmem:s15], [sflag:$0x1], $0x80, v4, vm0, $0xb8;
	[tilespmem:$0x10100] =	vst v63  }
0x85: {  	s0 =	simm.s32 $0xD100  }
0x86: {  	[hbm4b:s3+s2] =	stream.indirect_vreg.scatter [tilespmem:s0], [sflag:$0x1], $0x80, v3, vm0, $0xb8;
	[tilespmem:$0x10100] =	vst v63  }
0x87: {  	s0 =	simm.s32 $0xD900  }
0x88: {  	[hbm4b:s4+s2] =	stream.indirect_vreg.scatter [tilespmem:s0], [sflag:$0x1], $0x80, v3, vm0, $0xb8;
	[tilespmem:$0x10100] =	vst v63  }
0x89: {  	v3 =	vld [tilespmem:$0x70];
	_ =	sdelay $0x4  }
0x8a: {  	v55 =	vshll.u32 v3, $0x2  }
0x8b: {  	v3 =	vand.u32 $0x7, v3;
	v4 =	vand.u32 $0xFFFFFFE0, v55  }
0x8c: {  	v3 =	vor.u32 v3, v4  }
0x8d: {  	v4 =	vperm.xlane v3, v0;
	_ =	sdelay $0x1  }
0x8e: {  	v4 =	vadd.s32 v1, v4;
	_ =	sdelay $0x1  }
0x8f: {  	v3 =	vperm.xlane v3, v2;
	_ =	sdelay $0x1  }
0x90: {  	s0 =	simm.s32 $0xE100;
	v3 =	vadd.s32 v1, v3  }
0x91: {  	[hbm4b:s3+s2] =	stream.indirect_vreg.scatter [tilespmem:s0], [sflag:$0x1], $0x80, v4, vm0, $0xb8;
	[tilespmem:$0x10100] =	vst v63  }
0x92: {  	s0 =	simm.s32 $0xE900  }
0x93: {  	[hbm4b:s4+s2] =	stream.indirect_vreg.scatter [tilespmem:s0], [sflag:$0x1], $0x80, v4, vm0, $0xb8;
	[tilespmem:$0x10100] =	vst v63  }
0x94: {  	s0 =	simm.s32 $0xF100  }
0x95: {  	[hbm4b:s3+s2] =	stream.indirect_vreg.scatter [tilespmem:s0], [sflag:$0x1], $0x80, v3, vm0, $0xb8;
	[tilespmem:$0x10100] =	vst v63  }
0x96: {  	s0 =	simm.s32 $0xF900  }
0x97: {  	[hbm4b:s4+s2] =	stream.indirect_vreg.scatter [tilespmem:s0], [sflag:$0x1], $0x80, v3, vm0, $0xb8;
	[tilespmem:$0x10100] =	vst v63  }
0x98: {  	v3 =	vld [tilespmem:$0x80];
	_ =	sdelay $0x4  }
0x99: {  	v56 =	vshll.u32 v3, $0x2  }
0x9a: {  	v3 =	vand.u32 $0x7, v3;
	v4 =	vand.u32 $0xFFFFFFE0, v56  }
0x9b: {  	v3 =	vor.u32 v3, v4  }
0x9c: {  	v4 =	vperm.xlane v3, v0;
	_ =	sdelay $0x1  }
0x9d: {  	v4 =	vadd.s32 v1, v4;
	_ =	sdelay $0x1  }
0x9e: {  	v3 =	vperm.xlane v3, v2;
	_ =	sdelay $0x1  }
0x9f: {  	v3 =	vadd.s32 v1, v3  }
0xa0: {  	[hbm4b:s3+s2] =	stream.indirect_vreg.scatter [tilespmem:s14], [sflag:$0x2], $0x80, v4, vm0, $0xb8;
	[tilespmem:$0x10100] =	vst v63  }
0xa1: {  	_ = 	snop  }
0xa2: {  	[hbm4b:s4+s2] =	stream.indirect_vreg.scatter [tilespmem:s16], [sflag:$0x2], $0x80, v4, vm0, $0xb8;
	[tilespmem:$0x10100] =	vst v63  }
0xa3: {  	_ = 	snop  }
0xa4: {  	[hbm4b:s3+s2] =	stream.indirect_vreg.scatter [tilespmem:s17], [sflag:$0x2], $0x80, v3, vm0, $0xb8;
	[tilespmem:$0x10100] =	vst v63  }
0xa5: {  	_ = 	snop  }
0xa6: {  	[hbm4b:s4+s2] =	stream.indirect_vreg.scatter [tilespmem:s18], [sflag:$0x2], $0x80, v3, vm0, $0xb8;
	[tilespmem:$0x10100] =	vst v63  }
0xa7: {  	v3 =	vld [tilespmem:$0x90];
	_ =	sdelay $0x4  }
0xa8: {  	v57 =	vshll.u32 v3, $0x2  }
0xa9: {  	v3 =	vand.u32 $0x7, v3;
	v4 =	vand.u32 $0xFFFFFFE0, v57  }
0xaa: {  	v3 =	vor.u32 v3, v4  }
0xab: {  	v4 =	vperm.xlane v3, v0;
	_ =	sdelay $0x1  }
0xac: {  	v4 =	vadd.s32 v1, v4;
	_ =	sdelay $0x1  }
0xad: {  	v3 =	vperm.xlane v3, v2;
	_ =	sdelay $0x1  }
0xae: {  	v3 =	vadd.s32 v1, v3  }
0xaf: {  	[hbm4b:s3+s2] =	stream.indirect_vreg.scatter [tilespmem:s19], [sflag:$0x2], $0x80, v4, vm0, $0xb8;
	[tilespmem:$0x10100] =	vst v63  }
0xb0: {  	_ = 	snop  }
0xb1: {  	[hbm4b:s4+s2] =	stream.indirect_vreg.scatter [tilespmem:s20], [sflag:$0x2], $0x80, v4, vm0, $0xb8;
	[tilespmem:$0x10100] =	vst v63  }
0xb2: {  	_ = 	snop  }
0xb3: {  	[hbm4b:s3+s2] =	stream.indirect_vreg.scatter [tilespmem:s21], [sflag:$0x2], $0x80, v3, vm0, $0xb8;
	[tilespmem:$0x10100] =	vst v63  }
0xb4: {  	_ = 	snop  }
0xb5: {  	[hbm4b:s4+s2] =	stream.indirect_vreg.scatter [tilespmem:s22], [sflag:$0x2], $0x80, v3, vm0, $0xb8;
	[tilespmem:$0x10100] =	vst v63  }
0xb6: {  	v3 =	vld [tilespmem:$0xA0];
	_ =	sdelay $0x4  }
0xb7: {  	v58 =	vshll.u32 v3, $0x2  }
0xb8: {  	v3 =	vand.u32 $0x7, v3;
	v4 =	vand.u32 $0xFFFFFFE0, v58  }
0xb9: {  	v3 =	vor.u32 v3, v4  }
0xba: {  	v4 =	vperm.xlane v3, v0;
	_ =	sdelay $0x1  }
0xbb: {  	v4 =	vadd.s32 v1, v4;
	_ =	sdelay $0x1  }
0xbc: {  	v3 =	vperm.xlane v3, v2;
	_ =	sdelay $0x1  }
0xbd: {  	v3 =	vadd.s32 v1, v3  }
0xbe: {  	[hbm4b:s3+s2] =	stream.indirect_vreg.scatter [tilespmem:s23], [sflag:$0x2], $0x80, v4, vm0, $0xb8;
	[tilespmem:$0x10100] =	vst v63  }
0xbf: {  	_ = 	snop  }
0xc0: {  	[hbm4b:s4+s2] =	stream.indirect_vreg.scatter [tilespmem:s24], [sflag:$0x2], $0x80, v4, vm0, $0xb8;
	[tilespmem:$0x10100] =	vst v63  }
0xc1: {  	_ = 	snop  }
0xc2: {  	[hbm4b:s3+s2] =	stream.indirect_vreg.scatter [tilespmem:s25], [sflag:$0x2], $0x80, v3, vm0, $0xb8;
	[tilespmem:$0x10100] =	vst v63  }
0xc3: {  	_ = 	snop  }
0xc4: {  	[hbm4b:s4+s2] =	stream.indirect_vreg.scatter [tilespmem:s26], [sflag:$0x2], $0x80, v3, vm0, $0xb8;
	[tilespmem:$0x10100] =	vst v63  }
0xc5: {  	v3 =	vld [tilespmem:$0xB0];
	_ =	sdelay $0x4  }
0xc6: {  	v59 =	vshll.u32 v3, $0x2  }
0xc7: {  	v3 =	vand.u32 $0x7, v3;
	v4 =	vand.u32 $0xFFFFFFE0, v59  }
0xc8: {  	v3 =	vor.u32 v3, v4  }
0xc9: {  	v4 =	vperm.xlane v3, v0;
	_ =	sdelay $0x1  }
0xca: {  	v4 =	vadd.s32 v1, v4;
	_ =	sdelay $0x1  }
0xcb: {  	v3 =	vperm.xlane v3, v2;
	_ =	sdelay $0x1  }
0xcc: {  	v3 =	vadd.s32 v1, v3  }
0xcd: {  	[hbm4b:s3+s2] =	stream.indirect_vreg.scatter [tilespmem:s28], [sflag:$0x2], $0x80, v4, vm0, $0xb8;
	[tilespmem:$0x10100] =	vst v63  }
0xce: {  	_ = 	snop  }
0xcf: {  	[hbm4b:s4+s2] =	stream.indirect_vreg.scatter [tilespmem:s29], [sflag:$0x2], $0x80, v4, vm0, $0xb8;
	[tilespmem:$0x10100] =	vst v63  }
0xd0: {  	_ = 	snop  }
0xd1: {  	[hbm4b:s3+s2] =	stream.indirect_vreg.scatter [tilespmem:s30], [sflag:$0x2], $0x80, v3, vm0, $0xb8;
	[tilespmem:$0x10100] =	vst v63  }
0xd2: {  	_ = 	snop  }
0xd3: {  	[hbm4b:s4+s2] =	stream.indirect_vreg.scatter [tilespmem:s31], [sflag:$0x2], $0x80, v3, vm0, $0xb8;
	[tilespmem:$0x10100] =	vst v63  }
0xd4: {  	v3 =	vld [tilespmem:$0xC0];
	_ =	sdelay $0x4  }
0xd5: {  	v60 =	vshll.u32 v3, $0x2  }
0xd6: {  	v3 =	vand.u32 $0x7, v3;
	v4 =	vand.u32 $0xFFFFFFE0, v60  }
0xd7: {  	v3 =	vor.u32 v3, v4  }
0xd8: {  	v4 =	vperm.xlane v3, v0;
	_ =	sdelay $0x1  }
0xd9: {  	v4 =	vadd.s32 v1, v4;
	_ =	sdelay $0x1  }
0xda: {  	v3 =	vperm.xlane v3, v2;
	_ =	sdelay $0x1  }
0xdb: {  	v3 =	vadd.s32 v1, v3  }
0xdc: {  	[hbm4b:s3+s2] =	stream.indirect_vreg.scatter [tilespmem:s1], [sflag:$0x2], $0x80, v4, vm0, $0xb8;
	[tilespmem:$0x10100] =	vst v63  }
0xdd: {  	s16 =	simm.s32 $0x8900  }
0xde: {  	[hbm4b:s4+s2] =	stream.indirect_vreg.scatter [tilespmem:s16], [sflag:$0x2], $0x80, v4, vm0, $0xb8;
	[tilespmem:$0x10100] =	vst v63  }
0xdf: {  	_ = 	snop  }
0xe0: {  	[hbm4b:s3+s2] =	stream.indirect_vreg.scatter [tilespmem:s8], [sflag:$0x2], $0x80, v3, vm0, $0xb8;
	[tilespmem:$0x10100] =	vst v63  }
0xe1: {  	_ = 	snop  }
0xe2: {  	[hbm4b:s4+s2] =	stream.indirect_vreg.scatter [tilespmem:s9], [sflag:$0x2], $0x80, v3, vm0, $0xb8;
	[tilespmem:$0x10100] =	vst v63  }
0xe3: {  	v3 =	vld [tilespmem:$0xD0];
	_ =	sdelay $0x4  }
0xe4: {  	v61 =	vshll.u32 v3, $0x2  }
0xe5: {  	v3 =	vand.u32 $0x7, v3;
	v4 =	vand.u32 $0xFFFFFFE0, v61  }
0xe6: {  	v3 =	vor.u32 v3, v4  }
0xe7: {  	v4 =	vperm.xlane v3, v0;
	_ =	sdelay $0x1  }
0xe8: {  	v4 =	vadd.s32 v1, v4;
	_ =	sdelay $0x1  }
0xe9: {  	v3 =	vperm.xlane v3, v2;
	_ =	sdelay $0x1  }
0xea: {  	v3 =	vadd.s32 v1, v3  }
0xeb: {  	[hbm4b:s3+s2] =	stream.indirect_vreg.scatter [tilespmem:s10], [sflag:$0x2], $0x80, v4, vm0, $0xb8;
	[tilespmem:$0x10100] =	vst v63  }
0xec: {  	_ = 	snop  }
0xed: {  	[hbm4b:s4+s2] =	stream.indirect_vreg.scatter [tilespmem:s11], [sflag:$0x2], $0x80, v4, vm0, $0xb8;
	[tilespmem:$0x10100] =	vst v63  }
0xee: {  	_ = 	snop  }
0xef: {  	[hbm4b:s3+s2] =	stream.indirect_vreg.scatter [tilespmem:s12], [sflag:$0x2], $0x80, v3, vm0, $0xb8;
	[tilespmem:$0x10100] =	vst v63  }
0xf0: {  	_ = 	snop  }
0xf1: {  	[hbm4b:s4+s2] =	stream.indirect_vreg.scatter [tilespmem:s13], [sflag:$0x2], $0x80, v3, vm0, $0xb8;
	[tilespmem:$0x10100] =	vst v63  }
0xf2: {  	v3 =	vld [tilespmem:$0xE0];
	_ =	sdelay $0x4  }
0xf3: {  	v62 =	vshll.u32 v3, $0x2  }
0xf4: {  	v3 =	vand.u32 $0x7, v3;
	v4 =	vand.u32 $0xFFFFFFE0, v62  }
0xf5: {  	v3 =	vor.u32 v3, v4  }
0xf6: {  	v4 =	vperm.xlane v3, v0;
	_ =	sdelay $0x1  }
0xf7: {  	v4 =	vadd.s32 v1, v4;
	_ =	sdelay $0x1  }
0xf8: {  	v3 =	vperm.xlane v3, v2;
	_ =	sdelay $0x1  }
0xf9: {  	v3 =	vadd.s32 v1, v3  }
0xfa: {  	[hbm4b:s3+s2] =	stream.indirect_vreg.scatter [tilespmem:s7], [sflag:$0x2], $0x80, v4, vm0, $0xb8;
	[tilespmem:$0x10100] =	vst v63  }
0xfb: {  	_ = 	snop  }
0xfc: {  	[hbm4b:s4+s2] =	stream.indirect_vreg.scatter [tilespmem:s15], [sflag:$0x2], $0x80, v4, vm0, $0xb8;
	[tilespmem:$0x10100] =	vst v63  }
0xfd: {  	s17 =	simm.s32 $0xD100  }
0xfe: {  	[hbm4b:s3+s2] =	stream.indirect_vreg.scatter [tilespmem:s17], [sflag:$0x2], $0x80, v3, vm0, $0xb8;
	[tilespmem:$0x10100] =	vst v63  }
0xff: {  	s16 =	simm.s32 $0xD900  }
0x100: {  	[hbm4b:s4+s2] =	stream.indirect_vreg.scatter [tilespmem:s16], [sflag:$0x2], $0x80, v3, vm0, $0xb8;
	[tilespmem:$0x10100] =	vst v63  }
0x101: {  	v3 =	vld [tilespmem:$0xF0];
	_ =	sdelay $0x4  }
0x102: {  	v63 =	vshll.u32 v3, $0x2  }
0x103: {  	v3 =	vand.u32 $0x7, v3;
	v4 =	vand.u32 $0xFFFFFFE0, v63  }
0x104: {  	v3 =	vor.u32 v3, v4  }
0x105: {  	v4 =	vperm.xlane v3, v0;
	_ =	sdelay $0x1  }
0x106: {  	v4 =	vadd.s32 v1, v4;
	_ =	sdelay $0x1  }
0x107: {  	v3 =	vperm.xlane v3, v2;
	_ =	sdelay $0x1  }
0x108: {  	s17 =	simm.s32 $0xE100;
	v3 =	vadd.s32 v1, v3  }
0x109: {  	[hbm4b:s3+s2] =	stream.indirect_vreg.scatter [tilespmem:s17], [sflag:$0x2], $0x80, v4, vm0, $0xb8;
	[tilespmem:$0x10100] =	vst v63  }
0x10a: {  	s16 =	simm.s32 $0xE900  }
0x10b: {  	[hbm4b:s4+s2] =	stream.indirect_vreg.scatter [tilespmem:s16], [sflag:$0x2], $0x80, v4, vm0, $0xb8;
	[tilespmem:$0x10100] =	vst v63  }
0x10c: {  	s17 =	simm.s32 $0xF100  }
0x10d: {  	[hbm4b:s3+s2] =	stream.indirect_vreg.scatter [tilespmem:s17], [sflag:$0x2], $0x80, v3, vm0, $0xb8;
	[tilespmem:$0x10100] =	vst v63  }
0x10e: {  	s16 =	simm.s32 $0x1  }
0x10f: {  	[hbm4b:s4+s2] =	stream.indirect_vreg.scatter [tilespmem:s0], [sflag:$0x2], $0x80, v3, vm0, $0xb8;
	[tilespmem:$0x10100] =	vst v63  }
0x110: {  	p0 =	sne.s32 s5, $0x1;
	_ =	swait.ge [sflag:s16], $0x10000  }
.Ltmp0:
0x111: {  	[sflag:s16] =	ssyncset.done $0x0;
	(pc) =	sbr.rel @p0 .LBB2_1-.Ltmp0, $4  }
0x112: {  	s17 =	simm.s32 $0x2;
	[sflag:s16] =	ssyncadd.s32 $0xFFFF0000  }
0x113: {  	_ =	swait.ge [sflag:s17], $0x10000  }
0x114: {  	[sflag:s17] =	ssyncset.done $0x0  }
0x115: {  	s5 =	sadd.s32 $0xFFFFFFFF, s5;
	[sflag:s17] =	ssyncadd.s32 $0xFFFF0000  }
0x116: {  	_ =	sfence.sel $0x180000  }
0x117: {  	[bflag:$0x0] =	sbarrier.arrive $0xFFFF  }
0x118: {  	_ =	strace $0x90000047  }
0x119: {  	s0 =	stileid.u32;
	[bflag:$0x2] =	sbarrier.arrive $0xFFFF  }
0x11a: {  	p0 =	sne.s32 s0, $0x0;
	s0 =	rddreg [dreg:$0x2]  }
0x11b: {  	s0 =	sadd.s32 @!p0 $0x100000, s0  }
0x11c: {  	[sflag:s0] =	ssyncadd.tile.s32 @!p0 $0x1;
	_ =	shalt  }
.Lfunc_end2:
_tile_overlayer_lowered:
.L_overlay_start_2:
0x11d: {  	(tag) =	ssettag $0x2  }
0x11e: {  	s0 =	rddreg [dreg:$0x0];
	s2 =	stileid.u32  }
0x11f: {  	s1 =	rddreg [dreg:$0x1];
	p0 =	sne.s32 s2, $0x0  }
0x120: {  	s3 =	rddreg [dreg:$0x2];
	[bflag:$0x3] =	sbarrier.arrive $0xFFFF;
	s2 =	simm.s32 @!p0 $0x1C03  }
0x121: {  	[timem:s3], [sflag:s2] =	dma.local @!p0 [hbm:s0], s1  }
0x122: {  	s0 =	simm.s32 @!p0 $0x3  }
0x123: {  	_ =	swait.ge @!p0 [sflag:s0], s1  }
0x124: {  	s1 =	ssub.s32 @!p0 $0x0, s1;
	[sflag:s0] =	ssyncset.done @!p0 $0x0  }
0x125: {  	[sflag:s0] =	ssyncadd.s32 @!p0 s1  }
0x126: {  	[bflag:$0x3] =	sbarrier.arrive $0xFFFF  }
0x127: {  	_ =	shalt  }

// kernel: kernel.9.cloned.1.call-start
scs
__scs_entry_jumppad:
0x0: {  	(pc) =	sbr.rel $0x88, $3  }
0x1: {  	(tag) =	ssettag $0x0;
	lr =	simm.s32 $0x1  }
0x2: {  	[smem:$0x3F8E] =	sst lr;
	_ =	strace $0xD0000000  }
0x3: {  	_ = 	snop  }
0x4: {  	_ = 	snop  }
0x5: {  	_ = 	snop  }
0x6: {  	_ = 	snop  }
0x7: {  	_ = 	snop  }
__scs_overlays_trampoline_lowered:
0x8: {  	[smem:$0x3F9D] =	sst s0  }
0x9: {  	[smem:$0x3F9E] =	sst s1  }
0xa: {  	[smem:$0x3F9F] =	sst s2  }
0xb: {  	[smem:$0x3FA0] =	sst s3  }
0xc: {  	[smem:$0x3FA1] =	sst s4  }
0xd: {  	[smem:$0x3FA2] =	sst s5  }
0xe: {  	[smem:$0x3FA3] =	sst s6  }
0xf: {  	[smem:$0x3FA4] =	sst s7  }
0x10: {  	[smem:$0x3FA5] =	sst s8  }
0x11: {  	[smem:$0x3FA6] =	sst s9;
	s0 =	simm.s32 @!p0 $0x0  }
0x12: {  	s1 =	sld [smem:$0x3F8C];
	s0 =	simm.s32 @p0 $0x1  }
0x13: {  	[smem:$0x3FA7] =	sst s0;
	s0 =	simm.s32 @!p1 $0x0  }
0x14: {  	s2 =	sld [smem:$0x3F8B];
	s0 =	simm.s32 @p1 $0x1  }
0x15: {  	[smem:$0x3FA8] =	sst s0;
	s0 =	simm.s32 @!p2 $0x0  }
0x16: {  	s3 =	sld [smem:$0x3FDB];
	s0 =	simm.s32 @p2 $0x1  }
0x17: {  	s4 =	simm.s32 $0x1BF5;
	[smem:$0x3FAA] =	sst s0  }
0x18: {  	s0 =	sld [smem:$0x3F8D];
	_ =	swait.ge [sflag:s4], $0x0  }
0x19: {  	s7 =	sld [smem:$0x3F8E]  }
0x1a: {  	s8 =	sadd.s32 $0xFFFFE003, lr  }
0x1b: {  	s9 =	sadd.s32 $0xFFFFFEF7, lr;
	s5 =	simm.s32 $0xFFFFFFFF;
	p2 =	slt.u32 s8, $0xFFFFF086  }
0x1c: {  	p1 =	slt.u32 s9, $0xF7A;
	s5 =	simm.s32 @!p2 $0x0  }
0x1d: {  	s5 =	simm.s32 @p1 $0x1;
	p0 =	seq.s32 s7, s2  }
0x1e: {  	s7 =	smul.u32 @!p0 $0xF7A, s2;
	p2 =	seq.s32 @!p0 s5, $0x0  }
0x1f: {  	s9 =	smul.u32 $0xF7A, s1;
	s8 =	simm.s32 @!p0 $0x1BF5;
	p2 =	por !p2, p0  }
0x20: {  	[sflag:s8] =	ssyncset.s32 @!p0 $0xFFFFF086;
	s6 =	sadd.s32 @!p0 s3, s7;
	s7 =	simm.s32 @!p0 $0x108  }
0x21: {  	s3 =	sadd.s32 s3, s9;
	s6 =	sadd.s32 @!p0 $0x88, s6;
	s7 =	simm.s32 @p2 $0x1082  }
0x22: {  	[simem:s7], [sflag:s8] =	dma.local @!p0 [hbm:s6], $0xF7A  }
0x23: {  	s9 =	sor.u32 $0xD0000000, s2;
	s6 =	simm.s32 $0x108;
	_ =	swait.ge @!p0 [sflag:s8], $0x0  }
0x24: {  	s3 =	sadd.s32 $0x88, s3;
	s6 =	simm.s32 @!p1 $0x1082;
	[sflag:s4] =	ssyncset.s32 $0xFFFFF086  }
0x25: {  	[simem:s6], [sflag:s4] =	dma.local [hbm:s3], $0xF7A  }
0x26: {  	[smem:$0x3F8E] =	sst s1;
	(tag) =	ssettag s2;
	_ =	strace s9  }
0x27: {  	s1 =	sld [smem:$0x3F9E]  }
0x28: {  	s2 =	sld [smem:$0x3F9F]  }
0x29: {  	s4 =	sld [smem:$0x3FA1]  }
0x2a: {  	p0 =	seq.s32 s5, $0x0;
	s5 =	sld [smem:$0x3FA2]  }
0x2b: {  	s6 =	sld [smem:$0x3FA3]  }
0x2c: {  	s7 =	sld [smem:$0x3FA4]  }
0x2d: {  	s3 =	simm.s32 $0x108;
	s8 =	sld [smem:$0x3FA5]  }
0x2e: {  	s3 =	simm.s32 @!p0 $0x1082;
	s9 =	sld [smem:$0x3FA6]  }
0x2f: {  	lr =	sadd.s32 s0, s3;
	s0 =	sld [smem:$0x3F9D]  }
0x30: {  	s3 =	sld [smem:$0x3FA0]  }
0x31: {  	[smem:$0x3FA9] =	sst s10  }
0x32: {  	s10 =	sld [smem:$0x3FA7];
	_ =	sdelay $0x3  }
0x33: {  	p0 =	seq.s32 s10, $0x1;
	s10 =	sld [smem:$0x3FA9];
	_ =	sdelay $0x3  }
0x34: {  	[smem:$0x3FA9] =	sst s10  }
0x35: {  	s10 =	sld [smem:$0x3FA8];
	_ =	sdelay $0x3  }
0x36: {  	p1 =	seq.s32 s10, $0x1;
	s10 =	sld [smem:$0x3FA9];
	_ =	sdelay $0x3  }
0x37: {  	[smem:$0x3FA9] =	sst s10  }
0x38: {  	s10 =	sld [smem:$0x3FAA]  }
0x39: {  	_ = 	snop;
	(pc) =	sbr.ind lr, $3  }
0x3a: {  	_ = 	snop  }
0x3b: {  	_ = 	snop  }
0x3c: {  	p2 =	seq.s32 s10, $0x1;
	s10 =	sld [smem:$0x3FA9]  }
0x3d: {  	_ =	shalt  }
0x3e: {  	_ =	shalt  }
0x3f: {  	_ =	shalt  }
0x40: {  	_ =	shalt  }
0x41: {  	_ =	shalt  }
0x42: {  	_ =	shalt  }
0x43: {  	_ =	shalt  }
0x44: {  	_ =	shalt  }
0x45: {  	_ =	shalt  }
0x46: {  	_ =	shalt  }
0x47: {  	_ =	shalt  }
0x48: {  	_ =	shalt  }
0x49: {  	_ =	shalt  }
0x4a: {  	_ =	shalt  }
0x4b: {  	_ =	shalt  }
0x4c: {  	_ =	shalt  }
0x4d: {  	_ =	shalt  }
0x4e: {  	_ =	shalt  }
0x4f: {  	_ =	shalt  }
0x50: {  	_ =	shalt  }
0x51: {  	_ =	shalt  }
0x52: {  	_ =	shalt  }
0x53: {  	_ =	shalt  }
0x54: {  	_ =	shalt  }
0x55: {  	_ =	shalt  }
0x56: {  	_ =	shalt  }
0x57: {  	_ =	shalt  }
0x58: {  	_ =	shalt  }
0x59: {  	_ =	shalt  }
0x5a: {  	_ =	shalt  }
0x5b: {  	_ =	shalt  }
0x5c: {  	_ =	shalt  }
0x5d: {  	_ =	shalt  }
0x5e: {  	_ =	shalt  }
0x5f: {  	_ =	shalt  }
0x60: {  	_ =	shalt  }
0x61: {  	_ =	shalt  }
0x62: {  	_ =	shalt  }
0x63: {  	_ =	shalt  }
0x64: {  	_ =	shalt  }
0x65: {  	_ =	shalt  }
0x66: {  	_ =	shalt  }
0x67: {  	_ =	shalt  }
0x68: {  	_ =	shalt  }
0x69: {  	_ =	shalt  }
0x6a: {  	_ =	shalt  }
0x6b: {  	_ =	shalt  }
0x6c: {  	_ =	shalt  }
0x6d: {  	_ =	shalt  }
0x6e: {  	_ =	shalt  }
0x6f: {  	_ =	shalt  }
0x70: {  	_ =	shalt  }
0x71: {  	_ =	shalt  }
0x72: {  	_ =	shalt  }
0x73: {  	_ =	shalt  }
0x74: {  	_ =	shalt  }
0x75: {  	_ =	shalt  }
0x76: {  	_ =	shalt  }
0x77: {  	_ =	shalt  }
0x78: {  	_ =	shalt  }
0x79: {  	_ =	shalt  }
0x7a: {  	_ =	shalt  }
0x7b: {  	_ =	shalt  }
0x7c: {  	_ =	shalt  }
0x7d: {  	_ =	shalt  }
0x7e: {  	_ =	shalt  }
0x7f: {  	_ =	shalt  }
0x80: {  	_ =	shalt  }
0x81: {  	_ =	shalt  }
0x82: {  	_ =	shalt  }
0x83: {  	_ =	shalt  }
0x84: {  	_ =	shalt  }
0x85: {  	_ =	shalt  }
0x86: {  	_ =	shalt  }
0x87: {  	_ =	shalt  }
.Lfunc_end0:
.L_simem_size_0:
called_computation.1_lowered:
.L_overlay_start_0:
0x88: {  	s2 =	sld [smem:$0x3FD9]  }
0x89: {  	s3 =	sld [smem:$0x3FFE];
	_ =	sdelay $0x1  }
0x8a: {  	s1 =	srdreg.scid  }
0x8b: {  	s0 =	sand.u32 $0x1, s1  }
0x8c: {  	s14 =	sshll.u32 s0, $0xA;
	s2 =	sadd.s32 s3, s2  }
0x8d: {  	s2 =	sadd.s32 s2, s14  }
0x8e: {  	[smem:$0x3FB5] =	sst s2  }
0x8f: {  	_ = 	snop  }
0x90: {  	s2 =	sld [smem:$0x3FD0];
	_ =	sdelay $0x2  }
0x91: {  	s15 =	simm.s32 $0xA;
	s4 =	simm.s32 $0x10  }
0x92: {  	[smem:s4], [sflag:s15] =	dma.local [hbm:s2], $0x1  }
0x93: {  	_ =	swait.eq [sflag:s15], $0x1  }
0x94: {  	[sflag:s15] =	ssyncset.done $0x0  }
0x95: {  	[sflag:s15] =	ssyncadd.s32 $0xFFFFFFFF  }
0x96: {  	s16 =	sld [smem:$0x10];
	(tm) =	ssettm $0x1  }
0x97: {  	s17 =	sld [smem:$0x3FFB];
	_ =	sdelay $0x3  }
0x98: {  	_ =	strace s17  }
0x99: {  	s3 =	sld [smem:$0x3FFC];
	_ =	sdelay $0x3  }
0x9a: {  	_ =	strace s3  }
0x9b: {  	s3 =	sld [smem:$0x3FFD];
	_ =	sdelay $0x3  }
0x9c: {  	_ =	strace s3  }
0x9d: {  	_ =	strace $0x8FFFFFFF  }
0x9e: {  	s18 =	sld [smem:$0x3FDB];
	_ =	sdelay $0x1  }
0x9f: {  	s19 =	simm.s32 $_scs_section_size  }
0xa0: {  	s5 =	simm.s32 $_size__tile_overlayer_lowered;
	s6 =	simm.s32 $_tile_overlayer_lowered  }
0xa1: {  	s22 =	simm.s32 $0x1BFF;
	s21 =	sshll.u32 s6, $0x1;
	s3 =	sadd.s32 s19, s18  }
0xa2: {  	s7 =	simm.s32 $0x0;
	s20 =	sshll.u32 s5, $0x1;
	s5 =	sadd.s32 s21, s3  }
0xa3: {  	[timem:s7], [sflag:s22] =	dma.local [hbm:s5], s20  }
0xa4: {  	_ =	swait.ge [sflag:s22], s20  }
0xa5: {  	s4 =	ssub.s32 $0x0, s20;
	[sflag:s22] =	ssyncset.done $0x0  }
0xa6: {  	[sflag:s22] =	ssyncadd.s32 s4;
	_ =	sdelay $0x1  }
0xa7: {  	s23 =	simm.s32 $0x1B8B  }
0xa8: {  	_ =	swait.ge [sflag:s23], $0x1  }
0xa9: {  	[sflag:s23] =	ssyncset.done $0x0  }
0xaa: {  	s25 =	simm.s32 $0x1B8E;
	s24 =	sld [smem:$0x3FFE];
	[sflag:s23] =	ssyncadd.s32 $0xFFFFFFFF  }
0xab: {  	s26 =	simm.s32 $execute0_lowered;
	[smem:$0x3FD2] =	sst s25  }
0xac: {  	s5 =	sshll.u32 s26, $0x1;
	_ =	strace $0x80000049;
	[dreg:$0x1] =	wrdreg $0xFFFFFFFF  }
0xad: {  	s28 =	simm.s32 $_size_execute0_lowered;
	s3 =	sadd.s32 s3, s5;
	[dreg:$0x0] =	wrdreg $0x0  }
0xae: {  	s5 =	sshll.u32 s28, $0x1;
	[dreg:$0x2] =	wrdreg s3  }
0xaf: {  	[dreg:$0x3] =	wrdreg s5  }
0xb0: {  	[dreg:$0x4] =	wrdreg $0xC0  }
0xb1: {  	_ =	task [dreg:s7], $0x5FFFF  }
0xb2: {  	[dreg:$0x1] =	wrdreg $0xFFFFFFFF  }
0xb3: {  	[dreg:$0x0] =	wrdreg $0x60  }
0xb4: {  	[dreg:$0x2] =	wrdreg s24  }
0xb5: {  	[dreg:$0x3] =	wrdreg s16  }
0xb6: {  	[dreg:$0x4] =	wrdreg $0x9  }
0xb7: {  	_ =	task.clear_ibuf [dreg:s7], $0x5FFFF;
	_ =	strace $0x90000049  }
0xb8: {  	s29 =	simm.s32 $0x9;
	_ =	strace $0x8000004B  }
0xb9: {  	_ =	swait.ge [sflag:s29], $0x1  }
0xba: {  	[sflag:s29] =	ssyncadd.s32 $0xFFFFFFFF  }
0xbb: {  	_ =	strace $0x9000004B  }
0xbc: {  	_ =	sfence  }
0xbd: {  	s30 =	sld [smem:$0x0];
	_ =	sdelay $0x2  }
0xbe: {  	s31 =	sshll.u32 s1, $0xD;
	s1 =	sshrl.u32 s1, $0x2  }
0xbf: {  	s3 =	sand.u32 $0x4000, s31;
	s1 =	sadd.s32 s1, s30  }
0xc0: {  	s0 =	sor.u32 s3, s0;
	s1 =	sshll.u32 s1, $0x11  }
0xc1: {  	s0 =	sor.u32 s1, s0  }
0xc2: {  	s0 =	sadd.s32 $0x8F2B, s0  }
0xc3: {  	[sflag:s0] =	ssyncadd.remote.s32 $0x1  }
0xc4: {  	_ =	sfence.sel $0xFFFF  }
0xc5: {  	[dreg:$0x0] =	wrdreg $0xFFFFFFFF;
	(pc) =	sbr.abs _section_cstart, $3  }
0xc6: {  	[dreg:$0x1] =	wrdreg $0xFFFFFFFF  }
0xc7: {  	_ =	task.clear_ibuf [dreg:s7], $0x2FFFF;
	_ =	strace $0x9FFFFFFF  }
0xc8: {  	(tm) =	ssettm $0x7FFFFFFF  }
0xc9: {  	_ =	shalt  }
tec
execute0_lowered:
.L_overlay_start_1:
0x0: {  	(tag) =	ssettag $0x1  }
0x1: {  	s0 =	rddreg [dreg:$0x0]  }
0x2: {  	s2 =	rddreg [dreg:$0x1]  }
0x3: {  	s1 =	simm.s32 $0x0;
	s6 =	srdreg.scid;
	s9 =	stileid.u32  }
0x4: {  	s28 =	simm.s32 $0xF900;
	s29 =	simm.s32 $0x10100;
	s30 =	simm.s32 $0x11100  }
0x5: {  	s31 =	simm.s32 $0x12100;
	[smem:$0x7FF] =	sst s1;
	s4 =	sadd.s32 $0x31600, s0  }
0x6: {  	s3 =	sadd.s32 $0x71600, s0;
	s5 =	sadd.s32 $0x21600, s0;
	s7 =	sadd.s32 $0x21800, s0  }
0x7: {  	s6 =	sand.u32 $0x1, s6;
	s9 =	sshll.u32 s9, $0x8;
	s10 =	sadd.s32 $0x1600, s0  }
0x8: {  	s12 =	sadd.s32 $0x11600, s0;
	s8 =	ssub.s32 $0x2, s6;
	s6 =	sshll.u32 s6, $0x7  }
0x9: {  	_ =	strace $0x8000004A;
	s11 =	sshrl.u32 s8, $0x1;
	s9 =	sor.u32 s6, s9  }
0xa: {  	s8 =	ssub.s32 s8, s11;
	s6 =	sshrl.u32 s9, $0x3;
	s18 =	sshll.u32 s9, $0x6  }
0xb: {  	s19 =	sshll.u32 s9, $0x4;
	s9 =	sor.u32 $0x40, s9;
	s17 =	sadd.s32 s5, s6  }
0xc: {  	s6 =	sadd.s32 s7, s6;
	s13 =	sadd.s32 s4, s18;
	[dreg:$0x3] =	wrdreg s17  }
0xd: {  	s20 =	sadd.s32 s10, s19;
	s21 =	sshrl.u32 s9, $0x3;
	[dreg:$0x4] =	wrdreg s6  }
0xe: {  	s11 =	sadd.s32 s12, s19;
	s24 =	sshll.u32 s9, $0x6;
	[dreg:$0x5] =	wrdreg s13  }
0xf: {  	s25 =	sshll.u32 s9, $0x4;
	s9 =	simm.s32 $0x13100;
	[dreg:$0x6] =	wrdreg s20  }
0x10: {  	s19 =	simm.s32 $0x100;
	s6 =	sadd.s32 $0x71700, s0;
	[dreg:$0x7] =	wrdreg s11  }
0x11: {  	s0 =	sadd.s32 s2, s18;
	s22 =	sadd.s32 s5, s21;
	s23 =	sadd.s32 s7, s21  }
0x12: {  	s4 =	sadd.s32 s4, s24;
	s26 =	sadd.s32 s10, s25;
	s15 =	sadd.s32 s12, s25  }
0x13: {  	s16 =	sadd.s32 s2, s24;
	s17 =	smax.u32 s8, $0x1;
	s18 =	simm.s32 $0x3  }
0x14: {  	s5 =	simm.s32 $0xD900;
	s24 =	simm.s32 $0xE100;
	s25 =	simm.s32 $0xE900  }
0x15: {  	s7 =	simm.s32 $0x10900;
	s8 =	simm.s32 $0x11900;
	[dreg:$0x8] =	wrdreg s0  }
0x16: {  	v2 =	vlaneseq.u32;
	s2 =	simm.s32 $0x13900;
	s10 =	simm.s32 $0x14100;
	[dreg:$0x9] =	wrdreg s22  }
0x17: {  	v0 =	vand.u32 $0x7, v2;
	s11 =	simm.s32 $0x2100;
	s20 =	simm.s32 $0x1;
	[dreg:$0xa] =	wrdreg s23  }
0x18: {  	v1 =	vshrl.u32 v2, $0x3;
	[tilespmem:$0x1FFE0] =	vst v0;
	v0 =	vor.u32 $0x8, v2;
	s12 =	simm.s32 $0x2;
	s21 =	simm.s32 $0x0;
	[dreg:$0xb] =	wrdreg s4  }
0x19: {  	vm0 =	vmmov $0xffff;
	v1 =	vmul.u32 $0x8, v1;
	[tilespmem:$0x1FFF0] =	vst v0;
	[dreg:$0xc] =	wrdreg s26;
	s26 =	simm.s32 $0xF100;
	s0 =	simm.s32 $0x12900  }
.LBB2_1:
0x1a: {  	s4 =	rddreg [dreg:$0x3]  }
0x1b: {  	[tilespmem:s1], [sflag:$0x3] =	stream.linear.gather [hbm4b:s4+s1], $0x40, $0x38;
	[tilespmem:$0x1C100] =	vst v63  }
0x1c: {  	_ =	swait.ge [sflag:s18], $0x40  }
0x1d: {  	[sflag:s18] =	ssyncset.done $0x0  }
0x1e: {  	s13 =	simm.s32 $0x80;
	s23 =	rddreg [dreg:$0x4];
	[sflag:s18] =	ssyncadd.s32 $0xFFFFFFC0  }
0x1f: {  	[tilespmem:s13], [sflag:$0x3] =	stream.linear.gather [hbm4b:s23+s1], $0x40, $0x38;
	[tilespmem:$0x1C100] =	vst v63  }
0x20: {  	_ =	swait.ge [sflag:s18], $0x40  }
0x21: {  	[sflag:s18] =	ssyncset.done $0x0  }
0x22: {  	[sflag:s18] =	ssyncadd.s32 $0xFFFFFFC0  }
0x23: {  	v3 =	vld [tilespmem:$0x0];
	_ =	sdelay $0x2  }
0x24: {  	v0 =	vld [tilespmem:$0x1FFE0];
	_ =	sdelay $0x1  }
0x25: {  	v4 =	vshll.u32 v3, $0x2  }
0x26: {  	v3 =	vand.u32 $0x7, v3;
	v4 =	vand.u32 $0xFFFFFFE0, v4  }
0x27: {  	v2 =	vld [tilespmem:$0x1FFF0];
	v3 =	vor.u32 v3, v4  }
0x28: {  	v4 =	vperm.xlane v3, v0;
	_ =	sdelay $0x1  }
0x29: {  	v4 =	vadd.s32 v1, v4;
	_ =	sdelay $0x1  }
0x2a: {  	v3 =	vperm.xlane v3, v2;
	_ =	sdelay $0x1  }
0x2b: {  	s13 =	simm.s32 $0x4100;
	v3 =	vadd.s32 v1, v3  }
0x2c: {  	[tilespmem:s13], [sflag:$0x1] =	stream.indirect_vreg.gather [hbm4b:s3+s1], $0x80, v4, vm0, $0xb8;
	[tilespmem:$0x1C100] =	vst v63  }
0x2d: {  	s14 =	simm.s32 $0x4900  }
0x2e: {  	[tilespmem:s14], [sflag:$0x1] =	stream.indirect_vreg.gather [hbm4b:s6+s1], $0x80, v4, vm0, $0xb8;
	[tilespmem:$0x1C100] =	vst v63  }
0x2f: {  	s22 =	simm.s32 $0x5100  }
0x30: {  	[tilespmem:s22], [sflag:$0x1] =	stream.indirect_vreg.gather [hbm4b:s3+s1], $0x80, v3, vm0, $0xb8;
	[tilespmem:$0x1C100] =	vst v63  }
0x31: {  	s23 =	simm.s32 $0x5900  }
0x32: {  	[tilespmem:s23], [sflag:$0x1] =	stream.indirect_vreg.gather [hbm4b:s6+s1], $0x80, v3, vm0, $0xb8;
	[tilespmem:$0x1C100] =	vst v63  }
0x33: {  	v3 =	vld [tilespmem:$0x10];
	_ =	sdelay $0x4  }
0x34: {  	v4 =	vshll.u32 v3, $0x2  }
0x35: {  	v3 =	vand.u32 $0x7, v3;
	v4 =	vand.u32 $0xFFFFFFE0, v4  }
0x36: {  	v3 =	vor.u32 v3, v4  }
0x37: {  	v4 =	vperm.xlane v3, v0;
	_ =	sdelay $0x1  }
0x38: {  	v4 =	vadd.s32 v1, v4;
	_ =	sdelay $0x1  }
0x39: {  	v3 =	vperm.xlane v3, v2;
	_ =	sdelay $0x1  }
0x3a: {  	s13 =	simm.s32 $0x6100;
	v3 =	vadd.s32 v1, v3  }
0x3b: {  	[tilespmem:s13], [sflag:$0x1] =	stream.indirect_vreg.gather [hbm4b:s3+s1], $0x80, v4, vm0, $0xb8;
	[tilespmem:$0x1C100] =	vst v63  }
0x3c: {  	s14 =	simm.s32 $0x6900  }
0x3d: {  	[tilespmem:s14], [sflag:$0x1] =	stream.indirect_vreg.gather [hbm4b:s6+s1], $0x80, v4, vm0, $0xb8;
	[tilespmem:$0x1C100] =	vst v63  }
0x3e: {  	s22 =	simm.s32 $0x7100  }
0x3f: {  	[tilespmem:s22], [sflag:$0x1] =	stream.indirect_vreg.gather [hbm4b:s3+s1], $0x80, v3, vm0, $0xb8;
	[tilespmem:$0x1C100] =	vst v63  }
0x40: {  	s23 =	simm.s32 $0x7900  }
0x41: {  	[tilespmem:s23], [sflag:$0x1] =	stream.indirect_vreg.gather [hbm4b:s6+s1], $0x80, v3, vm0, $0xb8;
	[tilespmem:$0x1C100] =	vst v63  }
0x42: {  	v3 =	vld [tilespmem:$0x20];
	_ =	sdelay $0x4  }
0x43: {  	v4 =	vshll.u32 v3, $0x2  }
0x44: {  	v3 =	vand.u32 $0x7, v3;
	v4 =	vand.u32 $0xFFFFFFE0, v4  }
0x45: {  	v3 =	vor.u32 v3, v4  }
0x46: {  	v4 =	vperm.xlane v3, v0;
	_ =	sdelay $0x1  }
0x47: {  	v4 =	vadd.s32 v1, v4;
	_ =	sdelay $0x1  }
0x48: {  	v3 =	vperm.xlane v3, v2;
	_ =	sdelay $0x1  }
0x49: {  	s13 =	simm.s32 $0x8100;
	v3 =	vadd.s32 v1, v3  }
0x4a: {  	[tilespmem:s13], [sflag:$0x1] =	stream.indirect_vreg.gather [hbm4b:s3+s1], $0x80, v4, vm0, $0xb8;
	[tilespmem:$0x1C100] =	vst v63  }
0x4b: {  	s14 =	simm.s32 $0x8900  }
0x4c: {  	[tilespmem:s14], [sflag:$0x1] =	stream.indirect_vreg.gather [hbm4b:s6+s1], $0x80, v4, vm0, $0xb8;
	[tilespmem:$0x1C100] =	vst v63  }
0x4d: {  	s22 =	simm.s32 $0x9100  }
0x4e: {  	[tilespmem:s22], [sflag:$0x1] =	stream.indirect_vreg.gather [hbm4b:s3+s1], $0x80, v3, vm0, $0xb8;
	[tilespmem:$0x1C100] =	vst v63  }
0x4f: {  	s23 =	simm.s32 $0x9900  }
0x50: {  	[tilespmem:s23], [sflag:$0x1] =	stream.indirect_vreg.gather [hbm4b:s6+s1], $0x80, v3, vm0, $0xb8;
	[tilespmem:$0x1C100] =	vst v63  }
0x51: {  	v3 =	vld [tilespmem:$0x30];
	_ =	sdelay $0x4  }
0x52: {  	v4 =	vshll.u32 v3, $0x2  }
0x53: {  	v3 =	vand.u32 $0x7, v3;
	v4 =	vand.u32 $0xFFFFFFE0, v4  }
0x54: {  	v3 =	vor.u32 v3, v4  }
0x55: {  	v4 =	vperm.xlane v3, v0;
	_ =	sdelay $0x1  }
0x56: {  	v4 =	vadd.s32 v1, v4;
	_ =	sdelay $0x1  }
0x57: {  	v3 =	vperm.xlane v3, v2;
	_ =	sdelay $0x1  }
0x58: {  	s13 =	simm.s32 $0xA100;
	v3 =	vadd.s32 v1, v3  }
0x59: {  	[tilespmem:s13], [sflag:$0x1] =	stream.indirect_vreg.gather [hbm4b:s3+s1], $0x80, v4, vm0, $0xb8;
	[tilespmem:$0x1C100] =	vst v63  }
0x5a: {  	s14 =	simm.s32 $0xA900  }
0x5b: {  	[tilespmem:s14], [sflag:$0x1] =	stream.indirect_vreg.gather [hbm4b:s6+s1], $0x80, v4, vm0, $0xb8;
	[tilespmem:$0x1C100] =	vst v63  }
0x5c: {  	s22 =	simm.s32 $0xB100  }
0x5d: {  	[tilespmem:s22], [sflag:$0x1] =	stream.indirect_vreg.gather [hbm4b:s3+s1], $0x80, v3, vm0, $0xb8;
	[tilespmem:$0x1C100] =	vst v63  }
0x5e: {  	s23 =	simm.s32 $0xB900  }
0x5f: {  	[tilespmem:s23], [sflag:$0x1] =	stream.indirect_vreg.gather [hbm4b:s6+s1], $0x80, v3, vm0, $0xb8;
	[tilespmem:$0x1C100] =	vst v63  }
0x60: {  	v3 =	vld [tilespmem:$0x80];
	_ =	sdelay $0x4  }
0x61: {  	v4 =	vshll.u32 v3, $0x2  }
0x62: {  	v3 =	vand.u32 $0x7, v3;
	v4 =	vand.u32 $0xFFFFFFE0, v4  }
0x63: {  	v3 =	vor.u32 v3, v4  }
0x64: {  	v4 =	vperm.xlane v3, v0;
	_ =	sdelay $0x1  }
0x65: {  	v4 =	vadd.s32 v1, v4;
	_ =	sdelay $0x1  }
0x66: {  	v3 =	vperm.xlane v3, v2;
	_ =	sdelay $0x1  }
0x67: {  	s13 =	simm.s32 $0xC100;
	v3 =	vadd.s32 v1, v3  }
0x68: {  	[tilespmem:s13], [sflag:$0x2] =	stream.indirect_vreg.gather [hbm4b:s3+s1], $0x80, v4, vm0, $0xb8;
	[tilespmem:$0x1C100] =	vst v63  }
0x69: {  	s14 =	simm.s32 $0xC900  }
0x6a: {  	[tilespmem:s14], [sflag:$0x2] =	stream.indirect_vreg.gather [hbm4b:s6+s1], $0x80, v4, vm0, $0xb8;
	[tilespmem:$0x1C100] =	vst v63  }
0x6b: {  	s22 =	simm.s32 $0xD100  }
0x6c: {  	[tilespmem:s22], [sflag:$0x2] =	stream.indirect_vreg.gather [hbm4b:s3+s1], $0x80, v3, vm0, $0xb8;
	[tilespmem:$0x1C100] =	vst v63  }
0x6d: {  	_ = 	snop  }
0x6e: {  	[tilespmem:s5], [sflag:$0x2] =	stream.indirect_vreg.gather [hbm4b:s6+s1], $0x80, v3, vm0, $0xb8;
	[tilespmem:$0x1C100] =	vst v63  }
0x6f: {  	v3 =	vld [tilespmem:$0x90];
	_ =	sdelay $0x4  }
0x70: {  	v4 =	vshll.u32 v3, $0x2  }
0x71: {  	v3 =	vand.u32 $0x7, v3;
	v4 =	vand.u32 $0xFFFFFFE0, v4  }
0x72: {  	v3 =	vor.u32 v3, v4  }
0x73: {  	v4 =	vperm.xlane v3, v0;
	_ =	sdelay $0x1  }
0x74: {  	v4 =	vadd.s32 v1, v4;
	_ =	sdelay $0x1  }
0x75: {  	v3 =	vperm.xlane v3, v2;
	_ =	sdelay $0x1  }
0x76: {  	v3 =	vadd.s32 v1, v3  }
0x77: {  	[tilespmem:s24], [sflag:$0x2] =	stream.indirect_vreg.gather [hbm4b:s3+s1], $0x80, v4, vm0, $0xb8;
	[tilespmem:$0x1C100] =	vst v63  }
0x78: {  	_ = 	snop  }
0x79: {  	[tilespmem:s25], [sflag:$0x2] =	stream.indirect_vreg.gather [hbm4b:s6+s1], $0x80, v4, vm0, $0xb8;
	[tilespmem:$0x1C100] =	vst v63  }
0x7a: {  	_ = 	snop  }
0x7b: {  	[tilespmem:s26], [sflag:$0x2] =	stream.indirect_vreg.gather [hbm4b:s3+s1], $0x80, v3, vm0, $0xb8;
	[tilespmem:$0x1C100] =	vst v63  }
0x7c: {  	_ = 	snop  }
0x7d: {  	[tilespmem:s28], [sflag:$0x2] =	stream.indirect_vreg.gather [hbm4b:s6+s1], $0x80, v3, vm0, $0xb8;
	[tilespmem:$0x1C100] =	vst v63  }
0x7e: {  	v3 =	vld [tilespmem:$0xA0];
	_ =	sdelay $0x4  }
0x7f: {  	v4 =	vshll.u32 v3, $0x2  }
0x80: {  	v3 =	vand.u32 $0x7, v3;
	v4 =	vand.u32 $0xFFFFFFE0, v4  }
0x81: {  	v3 =	vor.u32 v3, v4  }
0x82: {  	v4 =	vperm.xlane v3, v0;
	_ =	sdelay $0x1  }
0x83: {  	v4 =	vadd.s32 v1, v4;
	_ =	sdelay $0x1  }
0x84: {  	v3 =	vperm.xlane v3, v2;
	_ =	sdelay $0x1  }
0x85: {  	v3 =	vadd.s32 v1, v3  }
0x86: {  	[tilespmem:s29], [sflag:$0x2] =	stream.indirect_vreg.gather [hbm4b:s3+s1], $0x80, v4, vm0, $0xb8;
	[tilespmem:$0x1C100] =	vst v63  }
0x87: {  	_ = 	snop  }
0x88: {  	[tilespmem:s7], [sflag:$0x2] =	stream.indirect_vreg.gather [hbm4b:s6+s1], $0x80, v4, vm0, $0xb8;
	[tilespmem:$0x1C100] =	vst v63  }
0x89: {  	_ = 	snop  }
0x8a: {  	[tilespmem:s30], [sflag:$0x2] =	stream.indirect_vreg.gather [hbm4b:s3+s1], $0x80, v3, vm0, $0xb8;
	[tilespmem:$0x1C100] =	vst v63  }
0x8b: {  	_ = 	snop  }
0x8c: {  	[tilespmem:s8], [sflag:$0x2] =	stream.indirect_vreg.gather [hbm4b:s6+s1], $0x80, v3, vm0, $0xb8;
	[tilespmem:$0x1C100] =	vst v63  }
0x8d: {  	v3 =	vld [tilespmem:$0xB0];
	_ =	sdelay $0x4  }
0x8e: {  	v4 =	vshll.u32 v3, $0x2  }
0x8f: {  	v3 =	vand.u32 $0x7, v3;
	v4 =	vand.u32 $0xFFFFFFE0, v4  }
0x90: {  	v3 =	vor.u32 v3, v4  }
0x91: {  	v4 =	vperm.xlane v3, v0;
	_ =	sdelay $0x1  }
0x92: {  	v4 =	vadd.s32 v1, v4;
	_ =	sdelay $0x1  }
0x93: {  	v3 =	vperm.xlane v3, v2;
	_ =	sdelay $0x1  }
0x94: {  	v3 =	vadd.s32 v1, v3  }
0x95: {  	[tilespmem:s31], [sflag:$0x2] =	stream.indirect_vreg.gather [hbm4b:s3+s1], $0x80, v4, vm0, $0xb8;
	[tilespmem:$0x1C100] =	vst v63  }
0x96: {  	_ = 	snop  }
0x97: {  	[tilespmem:s0], [sflag:$0x2] =	stream.indirect_vreg.gather [hbm4b:s6+s1], $0x80, v4, vm0, $0xb8;
	[tilespmem:$0x1C100] =	vst v63  }
0x98: {  	_ = 	snop  }
0x99: {  	[tilespmem:s9], [sflag:$0x2] =	stream.indirect_vreg.gather [hbm4b:s3+s1], $0x80, v3, vm0, $0xb8;
	[tilespmem:$0x1C100] =	vst v63  }
0x9a: {  	_ = 	snop  }
0x9b: {  	[tilespmem:s2], [sflag:$0x2] =	stream.indirect_vreg.gather [hbm4b:s6+s1], $0x80, v3, vm0, $0xb8;
	[tilespmem:$0x1C100] =	vst v63  }
0x9c: {  	s23 =	rddreg [dreg:$0x5]  }
0x9d: {  	[tilespmem:s10], [sflag:$0x3] =	stream.linear.gather [hbm4b:s23+s1], $0x8000, $0x38;
	[tilespmem:$0x1C100] =	vst v63  }
0x9e: {  	_ =	swait.ge [sflag:s18], $0x8000  }
0x9f: {  	[sflag:s18] =	ssyncset.done $0x0  }
0xa0: {  	s13 =	rddreg [dreg:$0x6];
	[sflag:s18] =	ssyncadd.s32 $0xFFFF8000  }
0xa1: {  	[tilespmem:s19], [sflag:$0x3] =	stream.linear.gather [hbm4b:s13+s1], $0x2000, $0x38;
	[tilespmem:$0x1C100] =	vst v63  }
0xa2: {  	_ =	swait.ge [sflag:s18], $0x2000  }
0xa3: {  	[sflag:s18] =	ssyncset.done $0x0  }
0xa4: {  	s14 =	rddreg [dreg:$0x7];
	[sflag:s18] =	ssyncadd.s32 $0xFFFFE000  }
0xa5: {  	[tilespmem:s11], [sflag:$0x3] =	stream.linear.gather [hbm4b:s14+s1], $0x2000, $0x38;
	[tilespmem:$0x1C100] =	vst v63  }
0xa6: {  	_ =	swait.ge [sflag:s18], $0x2000  }
0xa7: {  	[sflag:s18] =	ssyncset.done $0x0  }
0xa8: {  	[sflag:s18] =	ssyncadd.s32 $0xFFFFE000  }
0xa9: {  	_ =	swait.ge [sflag:s20], $0x8000  }
0xaa: {  	[sflag:s20] =	ssyncset.done $0x0  }
0xab: {  	[sflag:s20] =	ssyncadd.s32 $0xFFFF8000  }
0xac: {  	_ =	swait.ge [sflag:s12], $0x8000  }
0xad: {  	s22 =	sand.u32 $0x7000, s1;
	s23 =	sand.u32 $0x380, s1;
	[sflag:s12] =	ssyncset.done $0x0  }
0xae: {  	s22 =	sor.u32 s23, s22;
	[sflag:s12] =	ssyncadd.s32 $0xFFFF8000  }
0xaf: {  	v3 =	vld [tilespmem:s22+$0xC100]  }
0xb0: {  	v4 =	vld [tilespmem:s22+$0x14110]  }
0xb1: {  	v5 =	vld [tilespmem:s22+$0xC110]  }
0xb2: {  	v6 =	vld [tilespmem:s22+$0x14120]  }
0xb3: {  	v7 =	vld [tilespmem:s22+$0xC120]  }
0xb4: {  	v8 =	vld [tilespmem:s22+$0x14130]  }
0xb5: {  	v9 =	vld [tilespmem:s22+$0xC130]  }
0xb6: {  	v10 =	vld [tilespmem:s22+$0x14140]  }
0xb7: {  	v11 =	vld [tilespmem:s22+$0xC140]  }
0xb8: {  	v12 =	vld [tilespmem:s22+$0x14150]  }
0xb9: {  	v13 =	vld [tilespmem:s22+$0xC150]  }
0xba: {  	v14 =	vld [tilespmem:s22+$0x14160]  }
0xbb: {  	v16 =	vld [tilespmem:s22+$0xC160]  }
0xbc: {  	v17 =	vld [tilespmem:s22+$0x14170]  }
0xbd: {  	v19 =	vld [tilespmem:s22+$0xC170]  }
0xbe: {  	v20 =	vld [tilespmem:s22+$0x14500]  }
0xbf: {  	v22 =	vld [tilespmem:s22+$0xC500]  }
0xc0: {  	v23 =	vld [tilespmem:s22+$0x14510]  }
0xc1: {  	v24 =	vld [tilespmem:s22+$0xC510]  }
0xc2: {  	v25 =	vld [tilespmem:s22+$0x14520]  }
0xc3: {  	v26 =	vld [tilespmem:s22+$0xC520]  }
0xc4: {  	v27 =	vld [tilespmem:s22+$0x14530]  }
0xc5: {  	v28 =	vld [tilespmem:s22+$0xC530]  }
0xc6: {  	v29 =	vld [tilespmem:s22+$0x14540]  }
0xc7: {  	v30 =	vld [tilespmem:s22+$0xC540]  }
0xc8: {  	v31 =	vld [tilespmem:s22+$0x14550]  }
0xc9: {  	v33 =	vld [tilespmem:s22+$0xC550]  }
0xca: {  	v32 =	vld [tilespmem:s22+$0x14560]  }
0xcb: {  	v34 =	vld [tilespmem:s22+$0xC560]  }
0xcc: {  	v37 =	vld [tilespmem:s22+$0x14570]  }
0xcd: {  	v38 =	vld [tilespmem:s22+$0xC570]  }
0xce: {  	v39 =	vld [tilespmem:s22+$0x14900]  }
0xcf: {  	v42 =	vld [tilespmem:s22+$0xC900]  }
0xd0: {  	v45 =	vld [tilespmem:s22+$0x14910]  }
0xd1: {  	v46 =	vld [tilespmem:s22+$0xC910]  }
0xd2: {  	v47 =	vld [tilespmem:s22+$0x14920]  }
0xd3: {  	v48 =	vld [tilespmem:s22+$0xC920]  }
0xd4: {  	v49 =	vld [tilespmem:s22+$0x14930]  }
0xd5: {  	v50 =	vld [tilespmem:s22+$0xC930]  }
0xd6: {  	v51 =	vld [tilespmem:s22+$0x14940]  }
0xd7: {  	v52 =	vld [tilespmem:s22+$0xC940]  }
0xd8: {  	v44 =	vld [tilespmem:s22+$0x14950]  }
0xd9: {  	v53 =	vld [tilespmem:s22+$0xC950]  }
0xda: {  	v55 =	vld [tilespmem:s22+$0x14960]  }
0xdb: {  	v54 =	vld [tilespmem:s22+$0xC960]  }
0xdc: {  	v43 =	vld [tilespmem:s22+$0xC970]  }
0xdd: {  	v56 =	vld [tilespmem:s22+$0xCD00]  }
0xde: {  	v21 =	vld [tilespmem:s22+$0xCD10]  }
0xdf: {  	v18 =	vld [tilespmem:s22+$0xCD20]  }
0xe0: {  	v15 =	vld [tilespmem:s22+$0xCD30]  }
0xe1: {  	v57 =	vld [tilespmem:s22+$0x4950]  }
0xe2: {  	v58 =	vld [tilespmem:s22+$0x4960]  }
0xe3: {  	v59 =	vld [tilespmem:s22+$0x4970]  }
0xe4: {  	s4 =	simm.s32 $0x0;
	s13 =	simm.s32 $0x80;
	v60 =	vld [tilespmem:s22+$0x4D00]  }
.LBB2_2:
0xe5: {  	p0 =	sne.s32 s13, $0x1F80;
	s23 =	sshra.s32 s4, $0x2;
	v61 =	vld [tilespmem:s22+$0x14D00]  }
0xe6: {  	v36 =	vld [tilespmem:s23+$0x100]  }
0xe7: {  	v62 =	vld [tilespmem:s22+$0x14970]  }
0xe8: {  	v35 =	vld [tilespmem:s23+$0x2100]  }
0xe9: {  	v41 =	vld [tilespmem:s22+$0xCD40]  }
0xea: {  	v40 =	vld [tilespmem:s22+$0xCD50]  }
0xeb: {  	v63 =	vld [tilespmem:s22+$0x4940];
	v59 =	vmul.f32 v59, v36;
	v60 =	vmul.f32 v60, v36  }
0xec: {  	v57 =	vmul.f32 v57, v36;
	v58 =	vmul.f32 v58, v36;
	v0 =	vld [tilespmem:s22+$0x4930]  }
0xed: {  	v2 =	vld [tilespmem:s22+$0x4920];
	v59 =	vadd.f32 v59, v62;
	v60 =	vadd.f32 v60, v61;
	v56 =	vmul.f32 v56, v35  }
0xee: {  	v55 =	vadd.f32 v58, v55;
	v54 =	vmul.f32 v54, v35;
	v58 =	vmul.f32 v43, v35;
	v61 =	vld [tilespmem:s22+$0x4910]  }
0xef: {  	v44 =	vadd.f32 v57, v44;
	v53 =	vmul.f32 v53, v35;
	v56 =	vadd.f32 v56, v60;
	v43 =	vld [tilespmem:s22+$0xCD60]  }
0xf0: {  	v54 =	vadd.f32 v54, v55;
	v55 =	vadd.f32 v58, v59;
	v57 =	vld [tilespmem:s22+$0x4900];
	v60 =	vmul.f32 v63, v36  }
0xf1: {  	v52 =	vmul.f32 v52, v35;
	v53 =	vadd.f32 v53, v44;
	v58 =	vld [tilespmem:s22+$0x4570];
	v0 =	vmul.f32 v0, v36;
	[tilespmem:s22+$0x14D00] =	vst v56  }
0xf2: {  	v50 =	vmul.f32 v50, v35;
	v2 =	vmul.f32 v2, v36;
	v51 =	vadd.f32 v60, v51;
	[tilespmem:s22+$0x14970] =	vst v55;
	v44 =	vld [tilespmem:s22+$0xCD70]  }
0xf3: {  	v48 =	vmul.f32 v48, v35;
	v55 =	vld [tilespmem:s22+$0x4560];
	v56 =	vmul.f32 v61, v36;
	v0 =	vadd.f32 v0, v49;
	[tilespmem:s22+$0x14960] =	vst v54  }
0xf4: {  	v46 =	vmul.f32 v46, v35;
	v49 =	vld [tilespmem:s22+$0x4550];
	v2 =	vadd.f32 v2, v47;
	v47 =	vadd.f32 v52, v51;
	[tilespmem:s22+$0x14950] =	vst v53  }
0xf5: {  	v51 =	vld [tilespmem:s22+$0x4540];
	v52 =	vmul.f32 v57, v36;
	v45 =	vadd.f32 v56, v45;
	v0 =	vadd.f32 v50, v0  }
0xf6: {  	v54 =	vmul.f32 v42, v35;
	v50 =	vld [tilespmem:s22+$0x4530];
	v53 =	vmul.f32 v58, v36;
	v2 =	vadd.f32 v48, v2;
	[tilespmem:s22+$0x14940] =	vst v47  }
0xf7: {  	v38 =	vmul.f32 v38, v35;
	v42 =	vld [tilespmem:s22+$0x4100];
	v39 =	vadd.f32 v52, v39;
	v45 =	vadd.f32 v46, v45;
	[tilespmem:s22+$0x14930] =	vst v0  }
0xf8: {  	v34 =	vmul.f32 v34, v35;
	v0 =	vld [tilespmem:s22+$0x4520];
	v46 =	vmul.f32 v55, v36;
	v37 =	vadd.f32 v53, v37;
	[tilespmem:s22+$0x14920] =	vst v2  }
0xf9: {  	v33 =	vmul.f32 v33, v35;
	v2 =	vld [tilespmem:s22+$0x4510];
	v47 =	vmul.f32 v49, v36;
	v39 =	vadd.f32 v54, v39;
	[tilespmem:s22+$0x14910] =	vst v45  }
0xfa: {  	v45 =	vld [tilespmem:s22+$0x4110];
	v48 =	vmul.f32 v51, v36;
	v32 =	vadd.f32 v46, v32;
	v37 =	vadd.f32 v38, v37  }
0xfb: {  	v30 =	vmul.f32 v30, v35;
	v38 =	vld [tilespmem:s22+$0x4500];
	v46 =	vmul.f32 v50, v36;
	v31 =	vadd.f32 v47, v31;
	[tilespmem:s22+$0x14900] =	vst v39  }
0xfc: {  	v28 =	vmul.f32 v28, v35;
	v39 =	vld [tilespmem:s22+$0x4170];
	v29 =	vadd.f32 v48, v29;
	v32 =	vadd.f32 v34, v32;
	[tilespmem:s22+$0x14570] =	vst v37  }
0xfd: {  	v34 =	vld [tilespmem:s22+$0x4160];
	v0 =	vmul.f32 v0, v36;
	v27 =	vadd.f32 v46, v27;
	v31 =	vadd.f32 v33, v31  }
0xfe: {  	v26 =	vmul.f32 v26, v35;
	v33 =	vld [tilespmem:s22+$0x4150];
	v2 =	vmul.f32 v2, v36;
	v29 =	vadd.f32 v30, v29;
	[tilespmem:s22+$0x14560] =	vst v32  }
0xff: {  	v24 =	vmul.f32 v24, v35;
	v30 =	vld [tilespmem:s22+$0x4120];
	v0 =	vadd.f32 v0, v25;
	v25 =	vadd.f32 v28, v27;
	[tilespmem:s22+$0x14550] =	vst v31  }
0x100: {  	v22 =	vmul.f32 v22, v35;
	v27 =	vld [tilespmem:s22+$0x4140];
	v28 =	vmul.f32 v38, v36;
	v2 =	vadd.f32 v2, v23;
	[tilespmem:s22+$0x14540] =	vst v29  }
0x101: {  	v19 =	vmul.f32 v19, v35;
	v23 =	vld [tilespmem:s22+$0x4130];
	v29 =	vmul.f32 v39, v36;
	v0 =	vadd.f32 v26, v0;
	[tilespmem:s22+$0x14530] =	vst v25  }
0x102: {  	v25 =	vmul.f32 v34, v36;
	v20 =	vadd.f32 v28, v20;
	v2 =	vadd.f32 v24, v2;
	v24 =	vld [tilespmem:s22+$0x4D10]  }
0x103: {  	v16 =	vmul.f32 v16, v35;
	v26 =	vmul.f32 v33, v36;
	v17 =	vadd.f32 v29, v17;
	[tilespmem:s22+$0x14520] =	vst v0;
	v0 =	vld [tilespmem:s22+$0x4D20]  }
0x104: {  	v13 =	vmul.f32 v13, v35;
	v14 =	vadd.f32 v25, v14;
	v20 =	vadd.f32 v22, v20;
	[tilespmem:s22+$0x14510] =	vst v2;
	v2 =	vld [tilespmem:s22+$0x4D30]  }
0x105: {  	v22 =	vmul.f32 v27, v36;
	v12 =	vadd.f32 v26, v12;
	v17 =	vadd.f32 v19, v17;
	v19 =	vld [tilespmem:s22+$0x4D40]  }
0x106: {  	v11 =	vmul.f32 v11, v35;
	v23 =	vmul.f32 v23, v36;
	v14 =	vadd.f32 v16, v14;
	[tilespmem:s22+$0x14500] =	vst v20;
	v16 =	vld [tilespmem:s22+$0x4D50]  }
0x107: {  	v9 =	vmul.f32 v9, v35;
	v10 =	vadd.f32 v22, v10;
	v12 =	vadd.f32 v13, v12;
	[tilespmem:s22+$0x14170] =	vst v17;
	v13 =	vld [tilespmem:s22+$0x14D10]  }
0x108: {  	v7 =	vmul.f32 v7, v35;
	v17 =	vmul.f32 v30, v36;
	v8 =	vadd.f32 v23, v8;
	[tilespmem:s22+$0x14160] =	vst v14;
	v14 =	vld [tilespmem:s22+$0x14D20]  }
0x109: {  	v5 =	vmul.f32 v5, v35;
	v20 =	vmul.f32 v45, v36;
	v10 =	vadd.f32 v11, v10;
	[tilespmem:s22+$0x14150] =	vst v12;
	v11 =	vld [tilespmem:s22+$0x4D60]  }
0x10a: {  	v6 =	vadd.f32 v17, v6;
	v8 =	vadd.f32 v9, v8;
	v9 =	vmul.f32 v24, v36;
	v12 =	vld [tilespmem:s22+$0x14D30]  }
0x10b: {  	v4 =	vadd.f32 v20, v4;
	v0 =	vmul.f32 v0, v36;
	[tilespmem:s22+$0x14140] =	vst v10;
	v10 =	vmul.f32 v21, v35;
	v17 =	vld [tilespmem:s22+$0x14D40]  }
0x10c: {  	v6 =	vadd.f32 v7, v6;
	[tilespmem:s22+$0x14130] =	vst v8;
	v7 =	vadd.f32 v9, v13;
	v8 =	vmul.f32 v18, v35;
	v9 =	vld [tilespmem:s22+$0x4D70]  }
0x10d: {  	v2 =	vmul.f32 v2, v36;
	v4 =	vadd.f32 v5, v4;
	v0 =	vadd.f32 v0, v14;
	v5 =	vld [tilespmem:s22+$0x14D50]  }
0x10e: {  	s4 =	sadd.s32 $0x200, s4;
	[tilespmem:s22+$0x14120] =	vst v6;
	v6 =	vadd.f32 v10, v7;
	v7 =	vmul.f32 v15, v35;
	v10 =	vmul.f32 v19, v36;
	v13 =	vld [tilespmem:s22+$0x14D60]  }
0x10f: {  	s14 =	sand.u32 $0x380, s13;
	s23 =	sand.u32 $0x7000, s4;
	[tilespmem:s22+$0x14110] =	vst v4;
	v0 =	vadd.f32 v8, v0;
	v2 =	vadd.f32 v2, v12;
	v8 =	vmul.f32 v41, v35;
	v12 =	vld [tilespmem:s22+$0x14D70]  }
0x110: {  	s14 =	sor.u32 s14, s23;
	v15 =	vmul.f32 v40, v35;
	v14 =	vld [tilespmem:s22+$0x14100];
	[tilespmem:s22+$0x14D10] =	vst v6;
	v6 =	vadd.f32 v10, v17;
	v10 =	vmul.f32 v16, v36  }
0x111: {  	v16 =	vld [tilespmem:s14+$0xC100];
	[tilespmem:s22+$0x14D20] =	vst v0;
	v0 =	vadd.f32 v7, v2;
	v2 =	vmul.f32 v11, v36;
	v11 =	vmul.f32 v43, v35  }
0x112: {  	v9 =	vmul.f32 v9, v36;
	v4 =	vld [tilespmem:s14+$0x14110];
	v7 =	vadd.f32 v8, v6;
	v8 =	vadd.f32 v10, v5  }
0x113: {  	v10 =	vmul.f32 v42, v36;
	v5 =	vld [tilespmem:s14+$0xC110];
	[tilespmem:s22+$0x14D30] =	vst v0;
	v0 =	vadd.f32 v2, v13;
	v2 =	vmul.f32 v44, v35  }
0x114: {  	v13 =	vmul.f32 v3, v35;
	v6 =	vld [tilespmem:s14+$0x14120];
	[tilespmem:s22+$0x14D40] =	vst v7;
	v15 =	vadd.f32 v15, v8;
	v9 =	vadd.f32 v9, v12  }
0x115: {  	v7 =	vld [tilespmem:s14+$0xC120];
	v10 =	vadd.f32 v10, v14;
	v0 =	vadd.f32 v11, v0  }
0x116: {  	v8 =	vld [tilespmem:s14+$0x14130];
	[tilespmem:s22+$0x14D50] =	vst v15;
	v2 =	vadd.f32 v2, v9;
	v3 =	vmov v16  }
0x117: {  	v9 =	vld [tilespmem:s14+$0xC130];
	v12 =	vadd.f32 v13, v10;
	[tilespmem:s22+$0x14D60] =	vst v0  }
0x118: {  	v10 =	vld [tilespmem:s14+$0x14140];
	[tilespmem:s22+$0x14D70] =	vst v2  }
0x119: {  	v11 =	vld [tilespmem:s14+$0xC140];
	[tilespmem:s22+$0x14100] =	vst v12;
	s22 =	smov.u32 s14  }
0x11a: {  	v12 =	vld [tilespmem:s22+$0x14150]  }
0x11b: {  	v13 =	vld [tilespmem:s22+$0xC150]  }
0x11c: {  	v14 =	vld [tilespmem:s22+$0x14160]  }
0x11d: {  	v16 =	vld [tilespmem:s22+$0xC160]  }
0x11e: {  	v17 =	vld [tilespmem:s22+$0x14170]  }
0x11f: {  	v19 =	vld [tilespmem:s22+$0xC170]  }
0x120: {  	v20 =	vld [tilespmem:s22+$0x14500]  }
0x121: {  	v22 =	vld [tilespmem:s22+$0xC500]  }
0x122: {  	v23 =	vld [tilespmem:s22+$0x14510]  }
0x123: {  	v24 =	vld [tilespmem:s22+$0xC510]  }
0x124: {  	v25 =	vld [tilespmem:s22+$0x14520]  }
0x125: {  	v26 =	vld [tilespmem:s22+$0xC520]  }
0x126: {  	v27 =	vld [tilespmem:s22+$0x14530]  }
0x127: {  	v28 =	vld [tilespmem:s22+$0xC530]  }
0x128: {  	v29 =	vld [tilespmem:s22+$0x14540]  }
0x129: {  	v30 =	vld [tilespmem:s22+$0xC540]  }
0x12a: {  	v31 =	vld [tilespmem:s22+$0x14550]  }
0x12b: {  	v33 =	vld [tilespmem:s22+$0xC550]  }
0x12c: {  	v32 =	vld [tilespmem:s22+$0x14560]  }
0x12d: {  	v34 =	vld [tilespmem:s22+$0xC560]  }
0x12e: {  	v37 =	vld [tilespmem:s22+$0x14570]  }
0x12f: {  	v38 =	vld [tilespmem:s22+$0xC570]  }
0x130: {  	v39 =	vld [tilespmem:s22+$0x14900]  }
0x131: {  	v42 =	vld [tilespmem:s22+$0xC900]  }
0x132: {  	v45 =	vld [tilespmem:s22+$0x14910]  }
0x133: {  	v46 =	vld [tilespmem:s22+$0xC910]  }
0x134: {  	v47 =	vld [tilespmem:s22+$0x14920]  }
0x135: {  	v48 =	vld [tilespmem:s22+$0xC920]  }
0x136: {  	v49 =	vld [tilespmem:s22+$0x14930]  }
0x137: {  	v50 =	vld [tilespmem:s22+$0xC930]  }
0x138: {  	v51 =	vld [tilespmem:s22+$0x14940]  }
0x139: {  	v52 =	vld [tilespmem:s22+$0xC940]  }
0x13a: {  	v44 =	vld [tilespmem:s22+$0x14950]  }
0x13b: {  	v53 =	vld [tilespmem:s22+$0xC950]  }
0x13c: {  	v55 =	vld [tilespmem:s22+$0x14960]  }
0x13d: {  	v54 =	vld [tilespmem:s22+$0xC960]  }
0x13e: {  	v43 =	vld [tilespmem:s22+$0xC970]  }
0x13f: {  	v56 =	vld [tilespmem:s22+$0xCD00]  }
0x140: {  	v21 =	vld [tilespmem:s22+$0xCD10]  }
0x141: {  	v18 =	vld [tilespmem:s22+$0xCD20]  }
.Ltmp0:
0x142: {  	v15 =	vld [tilespmem:s22+$0xCD30];
	(pc) =	sbr.rel @p0 .LBB2_2-.Ltmp0, $4  }
0x143: {  	v57 =	vld [tilespmem:s22+$0x4950]  }
0x144: {  	v58 =	vld [tilespmem:s22+$0x4960]  }
0x145: {  	v59 =	vld [tilespmem:s22+$0x4970]  }
0x146: {  	s13 =	sadd.s32 $0x80, s13;
	v60 =	vld [tilespmem:s22+$0x4D00]  }
0x147: {  	s4 =	sshra.s32 s4, $0x2  }
0x148: {  	v36 =	vld [tilespmem:s4+$0x100]  }
0x149: {  	v0 =	vld [tilespmem:s22+$0x14D00]  }
0x14a: {  	v35 =	vld [tilespmem:s4+$0x2100];
	_ =	sdelay $0x1  }
0x14b: {  	v2 =	vld [tilespmem:s22+$0x14970]  }
0x14c: {  	v60 =	vmul.f32 v60, v36;
	_ =	sdelay $0x1  }
0x14d: {  	v59 =	vmul.f32 v59, v36;
	v56 =	vmul.f32 v56, v35;
	v0 =	vadd.f32 v60, v0;
	_ =	sdelay $0x1  }
0x14e: {  	v2 =	vadd.f32 v59, v2;
	v59 =	vmul.f32 v43, v35;
	v0 =	vadd.f32 v56, v0;
	_ =	sdelay $0x1  }
0x14f: {  	v62 =	vld [tilespmem:s22+$0x4930];
	v2 =	vadd.f32 v59, v2;
	[tilespmem:s22+$0x14D00] =	vst v0;
	v0 =	vmul.f32 v57, v36  }
0x150: {  	v63 =	vld [tilespmem:s22+$0x4920]  }
0x151: {  	[tilespmem:s22+$0x14970] =	vst v2;
	v2 =	vmul.f32 v53, v35;
	v0 =	vadd.f32 v0, v44;
	_ =	sdelay $0x1  }
0x152: {  	v61 =	vld [tilespmem:s22+$0x4940];
	v0 =	vadd.f32 v2, v0  }
0x153: {  	v2 =	vmul.f32 v62, v36  }
0x154: {  	v58 =	vmul.f32 v58, v36;
	v56 =	vld [tilespmem:s22+$0x4900];
	[tilespmem:s22+$0x14950] =	vst v0;
	v0 =	vmul.f32 v63, v36  }
0x155: {  	v54 =	vmul.f32 v54, v35;
	v59 =	vld [tilespmem:s22+$0x4570];
	v57 =	vmul.f32 v50, v35;
	v2 =	vadd.f32 v2, v49  }
0x156: {  	v41 =	vld [tilespmem:s22+$0xCD40];
	v48 =	vmul.f32 v48, v35;
	v55 =	vadd.f32 v58, v55;
	v0 =	vadd.f32 v0, v47  }
0x157: {  	v40 =	vld [tilespmem:s22+$0xCD50];
	v61 =	vmul.f32 v61, v36;
	v2 =	vadd.f32 v57, v2  }
0x158: {  	v58 =	vadd.f32 v54, v55;
	v55 =	vld [tilespmem:s22+$0x4560];
	v0 =	vadd.f32 v48, v0  }
0x159: {  	v51 =	vadd.f32 v61, v51;
	v61 =	vld [tilespmem:s22+$0x4540];
	[tilespmem:s22+$0x14930] =	vst v2;
	v2 =	vmul.f32 v56, v36  }
0x15a: {  	v53 =	vld [tilespmem:s22+$0x4550];
	[tilespmem:s22+$0x14920] =	vst v0;
	v0 =	vmul.f32 v59, v36  }
0x15b: {  	v42 =	vmul.f32 v42, v35;
	v62 =	vld [tilespmem:s22+$0x4530];
	v2 =	vadd.f32 v2, v39  }
0x15c: {  	v52 =	vmul.f32 v52, v35;
	v38 =	vmul.f32 v38, v35;
	v60 =	vld [tilespmem:s22+$0x4910];
	v0 =	vadd.f32 v0, v37  }
0x15d: {  	v43 =	vld [tilespmem:s22+$0xCD60];
	v57 =	vmul.f32 v55, v36;
	v2 =	vadd.f32 v42, v2  }
0x15e: {  	[tilespmem:s22+$0x14960] =	vst v58;
	v58 =	vadd.f32 v52, v51;
	v48 =	vld [tilespmem:s22+$0x4520];
	v0 =	vadd.f32 v38, v0  }
0x15f: {  	v54 =	vld [tilespmem:s22+$0x4510];
	v32 =	vadd.f32 v57, v32;
	v59 =	vmul.f32 v53, v36;
	[tilespmem:s22+$0x14900] =	vst v2;
	v2 =	vmul.f32 v34, v35  }
0x160: {  	v44 =	vld [tilespmem:s22+$0xCD70];
	v62 =	vmul.f32 v62, v36;
	[tilespmem:s22+$0x14570] =	vst v0;
	v0 =	vmul.f32 v61, v36  }
0x161: {  	v33 =	vmul.f32 v33, v35;
	[tilespmem:s22+$0x14940] =	vst v58;
	v58 =	vld [tilespmem:s22+$0x4500];
	v31 =	vadd.f32 v59, v31;
	v2 =	vadd.f32 v2, v32  }
0x162: {  	v63 =	vmul.f32 v60, v36;
	v60 =	vld [tilespmem:s22+$0x4170];
	v27 =	vadd.f32 v62, v27;
	v0 =	vadd.f32 v0, v29  }
0x163: {  	v47 =	vld [tilespmem:s22+$0x4100];
	v29 =	vadd.f32 v33, v31;
	[tilespmem:s22+$0x14560] =	vst v2;
	v2 =	vmul.f32 v28, v35;
	v31 =	vmul.f32 v48, v36  }
0x164: {  	v30 =	vmul.f32 v30, v35;
	v26 =	vmul.f32 v26, v35;
	v45 =	vadd.f32 v63, v45;
	v61 =	vld [tilespmem:s22+$0x4160]  }
0x165: {  	v63 =	vld [tilespmem:s22+$0x4150];
	[tilespmem:s22+$0x14550] =	vst v29;
	v29 =	vmul.f32 v54, v36;
	v25 =	vadd.f32 v31, v25;
	v2 =	vadd.f32 v2, v27  }
0x166: {  	v46 =	vmul.f32 v46, v35;
	v24 =	vmul.f32 v24, v35;
	v56 =	vld [tilespmem:s22+$0x4110];
	v0 =	vadd.f32 v30, v0  }
0x167: {  	v30 =	vld [tilespmem:s22+$0x4140];
	v23 =	vadd.f32 v29, v23;
	v25 =	vadd.f32 v26, v25;
	[tilespmem:s22+$0x14530] =	vst v2;
	v2 =	vmul.f32 v58, v36  }
0x168: {  	v22 =	vmul.f32 v22, v35;
	v19 =	vmul.f32 v19, v35;
	[tilespmem:s22+$0x14540] =	vst v0;
	v0 =	vld [tilespmem:s22+$0x4130]  }
0x169: {  	v28 =	vld [tilespmem:s22+$0x4120];
	v23 =	vadd.f32 v24, v23;
	[tilespmem:s22+$0x14520] =	vst v25;
	v2 =	vadd.f32 v2, v20;
	v25 =	vmul.f32 v61, v36  }
0x16a: {  	v16 =	vmul.f32 v16, v35;
	v26 =	vld [tilespmem:s22+$0x4D10];
	v24 =	vmul.f32 v60, v36  }
0x16b: {  	v20 =	vld [tilespmem:s22+$0x4D20];
	[tilespmem:s22+$0x14510] =	vst v23;
	v23 =	vmul.f32 v63, v36;
	v2 =	vadd.f32 v22, v2;
	v14 =	vadd.f32 v25, v14  }
0x16c: {  	v13 =	vmul.f32 v13, v35;
	v17 =	vadd.f32 v24, v17;
	v22 =	vld [tilespmem:s22+$0x4D30];
	v25 =	vmul.f32 v30, v36  }
0x16d: {  	v24 =	vld [tilespmem:s22+$0x4D40];
	v0 =	vmul.f32 v0, v36;
	v12 =	vadd.f32 v23, v12;
	[tilespmem:s22+$0x14500] =	vst v2;
	v2 =	vadd.f32 v16, v14  }
0x16e: {  	v11 =	vmul.f32 v11, v35;
	v9 =	vmul.f32 v9, v35;
	v14 =	vld [tilespmem:s22+$0x4D50];
	v10 =	vadd.f32 v25, v10  }
0x16f: {  	v0 =	vadd.f32 v0, v8;
	v12 =	vadd.f32 v13, v12;
	v13 =	vld [tilespmem:s22+$0x14D10];
	[tilespmem:s22+$0x14160] =	vst v2;
	v2 =	vmul.f32 v28, v36  }
0x170: {  	v7 =	vmul.f32 v7, v35;
	v8 =	vld [tilespmem:s22+$0x14D20];
	v10 =	vadd.f32 v11, v10;
	v11 =	vmul.f32 v56, v36  }
0x171: {  	v5 =	vmul.f32 v5, v35;
	v16 =	vld [tilespmem:s22+$0x14D40];
	v0 =	vadd.f32 v9, v0;
	v2 =	vadd.f32 v2, v6  }
0x172: {  	v45 =	vadd.f32 v46, v45;
	v9 =	vld [tilespmem:s22+$0x14D30];
	[tilespmem:s22+$0x14150] =	vst v12;
	v6 =	vmul.f32 v26, v36;
	v4 =	vadd.f32 v11, v4  }
0x173: {  	v17 =	vadd.f32 v19, v17;
	v12 =	vld [tilespmem:s22+$0x4D60];
	v11 =	vmul.f32 v20, v36;
	[tilespmem:s22+$0x14130] =	vst v0;
	v0 =	vadd.f32 v7, v2  }
0x174: {  	[tilespmem:s22+$0x14140] =	vst v10;
	v10 =	vmul.f32 v21, v35;
	v7 =	vld [tilespmem:s22+$0x4D70];
	v4 =	vadd.f32 v5, v4;
	v2 =	vadd.f32 v6, v13  }
0x175: {  	v5 =	vadd.f32 v11, v8;
	v8 =	vmul.f32 v22, v36;
	v11 =	vld [tilespmem:s22+$0x14D50];
	v6 =	vmul.f32 v18, v35  }
0x176: {  	v14 =	vmul.f32 v14, v36;
	v13 =	vmul.f32 v15, v35;
	[tilespmem:s22+$0x14120] =	vst v0;
	v0 =	vadd.f32 v10, v2;
	v10 =	vld [tilespmem:s22+$0x14D60]  }
0x177: {  	[tilespmem:s22+$0x14110] =	vst v4;
	v2 =	vmul.f32 v24, v36;
	v4 =	vadd.f32 v6, v5;
	v5 =	vadd.f32 v8, v9;
	v6 =	vld [tilespmem:s22+$0x14D70]  }
0x178: {  	[tilespmem:s22+$0x14910] =	vst v45;
	v15 =	vmul.f32 v40, v35;
	v8 =	vmul.f32 v41, v35;
	v9 =	vld [tilespmem:s22+$0x14100]  }
0x179: {  	[tilespmem:s22+$0x14170] =	vst v17;
	v12 =	vmul.f32 v12, v36;
	v2 =	vadd.f32 v2, v16;
	v5 =	vadd.f32 v13, v5  }
0x17a: {  	[tilespmem:s22+$0x14D10] =	vst v0;
	v0 =	vmul.f32 v43, v35;
	v11 =	vadd.f32 v14, v11;
	v7 =	vmul.f32 v7, v36  }
0x17b: {  	[tilespmem:s22+$0x14D20] =	vst v4;
	v4 =	vmul.f32 v47, v36;
	v2 =	vadd.f32 v8, v2;
	v8 =	vadd.f32 v12, v10  }
0x17c: {  	[tilespmem:s22+$0x14D30] =	vst v5;
	v5 =	vmul.f32 v44, v35;
	v10 =	vadd.f32 v15, v11;
	v6 =	vadd.f32 v7, v6  }
0x17d: {  	v3 =	vmul.f32 v3, v35;
	[tilespmem:s22+$0x14D40] =	vst v2;
	v2 =	vadd.f32 v4, v9;
	v0 =	vadd.f32 v0, v8  }
0x17e: {  	[tilespmem:s22+$0x14D50] =	vst v10;
	v4 =	vadd.f32 v5, v6  }
0x17f: {  	v2 =	vadd.f32 v3, v2;
	[tilespmem:s22+$0x14D60] =	vst v0  }
0x180: {  	[tilespmem:s22+$0x14D70] =	vst v4  }
0x181: {  	s13 =	rddreg [dreg:$0x8];
	s4 =	simm.s32 $0x0;
	[tilespmem:s22+$0x14100] =	vst v2  }
0x182: {  	[hbm4b:s13+s4] =	stream.linear.scatter [tilespmem:s10], [sflag:$0x3], $0x8000, $0x38;
	[tilespmem:$0x1C100] =	vst v63  }
0x183: {  	_ =	swait.ge [sflag:s18], $0x8000  }
0x184: {  	[sflag:s18] =	ssyncset.done $0x0  }
0x185: {  	s22 =	rddreg [dreg:$0x9];
	[sflag:s18] =	ssyncadd.s32 $0xFFFF8000  }
0x186: {  	[tilespmem:s4], [sflag:$0x3] =	stream.linear.gather [hbm4b:s22+s4], $0x40, $0x38;
	[tilespmem:$0x1C100] =	vst v63  }
0x187: {  	_ =	swait.ge [sflag:s18], $0x40  }
0x188: {  	[sflag:s18] =	ssyncset.done $0x0  }
0x189: {  	s14 =	simm.s32 $0x80;
	s23 =	rddreg [dreg:$0xa];
	[sflag:s18] =	ssyncadd.s32 $0xFFFFFFC0  }
0x18a: {  	[tilespmem:s14], [sflag:$0x3] =	stream.linear.gather [hbm4b:s23+s4], $0x40, $0x38;
	[tilespmem:$0x1C100] =	vst v63  }
0x18b: {  	_ =	swait.ge [sflag:s18], $0x40  }
0x18c: {  	[sflag:s18] =	ssyncset.done $0x0  }
0x18d: {  	[sflag:s18] =	ssyncadd.s32 $0xFFFFFFC0  }
0x18e: {  	v0 =	vld [tilespmem:$0x0];
	_ =	sdelay $0x2  }
0x18f: {  	v3 =	vld [tilespmem:$0x1FFE0];
	_ =	sdelay $0x1  }
0x190: {  	v2 =	vshll.u32 v0, $0x2  }
0x191: {  	v0 =	vand.u32 $0x7, v0;
	v2 =	vand.u32 $0xFFFFFFE0, v2  }
0x192: {  	v4 =	vld [tilespmem:$0x1FFF0];
	v0 =	vor.u32 v0, v2  }
0x193: {  	v2 =	vperm.xlane v0, v3;
	_ =	sdelay $0x1  }
0x194: {  	v2 =	vadd.s32 v1, v2;
	_ =	sdelay $0x1  }
0x195: {  	v0 =	vperm.xlane v0, v4;
	_ =	sdelay $0x1  }
0x196: {  	s22 =	simm.s32 $0x4100;
	v0 =	vadd.s32 v1, v0  }
0x197: {  	[tilespmem:s22], [sflag:$0x1] =	stream.indirect_vreg.gather [hbm4b:s3+s4], $0x80, v2, vm0, $0xb8;
	[tilespmem:$0x1C100] =	vst v63  }
0x198: {  	s23 =	simm.s32 $0x4900  }
0x199: {  	[tilespmem:s23], [sflag:$0x1] =	stream.indirect_vreg.gather [hbm4b:s6+s4], $0x80, v2, vm0, $0xb8;
	[tilespmem:$0x1C100] =	vst v63  }
0x19a: {  	s14 =	simm.s32 $0x5100  }
0x19b: {  	[tilespmem:s14], [sflag:$0x1] =	stream.indirect_vreg.gather [hbm4b:s3+s4], $0x80, v0, vm0, $0xb8;
	[tilespmem:$0x1C100] =	vst v63  }
0x19c: {  	s22 =	simm.s32 $0x5900  }
0x19d: {  	[tilespmem:s22], [sflag:$0x1] =	stream.indirect_vreg.gather [hbm4b:s6+s4], $0x80, v0, vm0, $0xb8;
	[tilespmem:$0x1C100] =	vst v63  }
0x19e: {  	v0 =	vld [tilespmem:$0x10];
	_ =	sdelay $0x4  }
0x19f: {  	v2 =	vshll.u32 v0, $0x2  }
0x1a0: {  	v0 =	vand.u32 $0x7, v0;
	v2 =	vand.u32 $0xFFFFFFE0, v2  }
0x1a1: {  	v0 =	vor.u32 v0, v2  }
0x1a2: {  	v2 =	vperm.xlane v0, v3;
	_ =	sdelay $0x1  }
0x1a3: {  	v2 =	vadd.s32 v1, v2;
	_ =	sdelay $0x1  }
0x1a4: {  	v0 =	vperm.xlane v0, v4;
	_ =	sdelay $0x1  }
0x1a5: {  	s23 =	simm.s32 $0x6100;
	v0 =	vadd.s32 v1, v0  }
0x1a6: {  	[tilespmem:s23], [sflag:$0x1] =	stream.indirect_vreg.gather [hbm4b:s3+s4], $0x80, v2, vm0, $0xb8;
	[tilespmem:$0x1C100] =	vst v63  }
0x1a7: {  	s14 =	simm.s32 $0x6900  }
0x1a8: {  	[tilespmem:s14], [sflag:$0x1] =	stream.indirect_vreg.gather [hbm4b:s6+s4], $0x80, v2, vm0, $0xb8;
	[tilespmem:$0x1C100] =	vst v63  }
0x1a9: {  	s22 =	simm.s32 $0x7100  }
0x1aa: {  	[tilespmem:s22], [sflag:$0x1] =	stream.indirect_vreg.gather [hbm4b:s3+s4], $0x80, v0, vm0, $0xb8;
	[tilespmem:$0x1C100] =	vst v63  }
0x1ab: {  	s23 =	simm.s32 $0x7900  }
0x1ac: {  	[tilespmem:s23], [sflag:$0x1] =	stream.indirect_vreg.gather [hbm4b:s6+s4], $0x80, v0, vm0, $0xb8;
	[tilespmem:$0x1C100] =	vst v63  }
0x1ad: {  	v0 =	vld [tilespmem:$0x20];
	_ =	sdelay $0x4  }
0x1ae: {  	v2 =	vshll.u32 v0, $0x2  }
0x1af: {  	v0 =	vand.u32 $0x7, v0;
	v2 =	vand.u32 $0xFFFFFFE0, v2  }
0x1b0: {  	v0 =	vor.u32 v0, v2  }
0x1b1: {  	v2 =	vperm.xlane v0, v3;
	_ =	sdelay $0x1  }
0x1b2: {  	v2 =	vadd.s32 v1, v2;
	_ =	sdelay $0x1  }
0x1b3: {  	v0 =	vperm.xlane v0, v4;
	_ =	sdelay $0x1  }
0x1b4: {  	s14 =	simm.s32 $0x8100;
	v0 =	vadd.s32 v1, v0  }
0x1b5: {  	[tilespmem:s14], [sflag:$0x1] =	stream.indirect_vreg.gather [hbm4b:s3+s4], $0x80, v2, vm0, $0xb8;
	[tilespmem:$0x1C100] =	vst v63  }
0x1b6: {  	s22 =	simm.s32 $0x8900  }
0x1b7: {  	[tilespmem:s22], [sflag:$0x1] =	stream.indirect_vreg.gather [hbm4b:s6+s4], $0x80, v2, vm0, $0xb8;
	[tilespmem:$0x1C100] =	vst v63  }
0x1b8: {  	s23 =	simm.s32 $0x9100  }
0x1b9: {  	[tilespmem:s23], [sflag:$0x1] =	stream.indirect_vreg.gather [hbm4b:s3+s4], $0x80, v0, vm0, $0xb8;
	[tilespmem:$0x1C100] =	vst v63  }
0x1ba: {  	s14 =	simm.s32 $0x9900  }
0x1bb: {  	[tilespmem:s14], [sflag:$0x1] =	stream.indirect_vreg.gather [hbm4b:s6+s4], $0x80, v0, vm0, $0xb8;
	[tilespmem:$0x1C100] =	vst v63  }
0x1bc: {  	v0 =	vld [tilespmem:$0x30];
	_ =	sdelay $0x4  }
0x1bd: {  	v2 =	vshll.u32 v0, $0x2  }
0x1be: {  	v0 =	vand.u32 $0x7, v0;
	v2 =	vand.u32 $0xFFFFFFE0, v2  }
0x1bf: {  	v0 =	vor.u32 v0, v2  }
0x1c0: {  	v2 =	vperm.xlane v0, v3;
	_ =	sdelay $0x1  }
0x1c1: {  	v2 =	vadd.s32 v1, v2;
	_ =	sdelay $0x1  }
0x1c2: {  	v0 =	vperm.xlane v0, v4;
	_ =	sdelay $0x1  }
0x1c3: {  	s22 =	simm.s32 $0xA100;
	v0 =	vadd.s32 v1, v0  }
0x1c4: {  	[tilespmem:s22], [sflag:$0x1] =	stream.indirect_vreg.gather [hbm4b:s3+s4], $0x80, v2, vm0, $0xb8;
	[tilespmem:$0x1C100] =	vst v63  }
0x1c5: {  	s23 =	simm.s32 $0xA900  }
0x1c6: {  	[tilespmem:s23], [sflag:$0x1] =	stream.indirect_vreg.gather [hbm4b:s6+s4], $0x80, v2, vm0, $0xb8;
	[tilespmem:$0x1C100] =	vst v63  }
0x1c7: {  	s14 =	simm.s32 $0xB100  }
0x1c8: {  	[tilespmem:s14], [sflag:$0x1] =	stream.indirect_vreg.gather [hbm4b:s3+s4], $0x80, v0, vm0, $0xb8;
	[tilespmem:$0x1C100] =	vst v63  }
0x1c9: {  	s22 =	simm.s32 $0xB900  }
0x1ca: {  	[tilespmem:s22], [sflag:$0x1] =	stream.indirect_vreg.gather [hbm4b:s6+s4], $0x80, v0, vm0, $0xb8;
	[tilespmem:$0x1C100] =	vst v63  }
0x1cb: {  	v0 =	vld [tilespmem:$0x80];
	_ =	sdelay $0x4  }
0x1cc: {  	v2 =	vshll.u32 v0, $0x2  }
0x1cd: {  	v0 =	vand.u32 $0x7, v0;
	v2 =	vand.u32 $0xFFFFFFE0, v2  }
0x1ce: {  	v0 =	vor.u32 v0, v2  }
0x1cf: {  	v2 =	vperm.xlane v0, v3;
	_ =	sdelay $0x1  }
0x1d0: {  	v2 =	vadd.s32 v1, v2;
	_ =	sdelay $0x1  }
0x1d1: {  	v0 =	vperm.xlane v0, v4;
	_ =	sdelay $0x1  }
0x1d2: {  	s23 =	simm.s32 $0xC100;
	v0 =	vadd.s32 v1, v0  }
0x1d3: {  	[tilespmem:s23], [sflag:$0x2] =	stream.indirect_vreg.gather [hbm4b:s3+s4], $0x80, v2, vm0, $0xb8;
	[tilespmem:$0x1C100] =	vst v63  }
0x1d4: {  	s14 =	simm.s32 $0xC900  }
0x1d5: {  	[tilespmem:s14], [sflag:$0x2] =	stream.indirect_vreg.gather [hbm4b:s6+s4], $0x80, v2, vm0, $0xb8;
	[tilespmem:$0x1C100] =	vst v63  }
0x1d6: {  	s22 =	simm.s32 $0xD100  }
0x1d7: {  	[tilespmem:s22], [sflag:$0x2] =	stream.indirect_vreg.gather [hbm4b:s3+s4], $0x80, v0, vm0, $0xb8;
	[tilespmem:$0x1C100] =	vst v63  }
0x1d8: {  	_ = 	snop  }
0x1d9: {  	[tilespmem:s5], [sflag:$0x2] =	stream.indirect_vreg.gather [hbm4b:s6+s4], $0x80, v0, vm0, $0xb8;
	[tilespmem:$0x1C100] =	vst v63  }
0x1da: {  	v0 =	vld [tilespmem:$0x90];
	_ =	sdelay $0x4  }
0x1db: {  	v2 =	vshll.u32 v0, $0x2  }
0x1dc: {  	v0 =	vand.u32 $0x7, v0;
	v2 =	vand.u32 $0xFFFFFFE0, v2  }
0x1dd: {  	v0 =	vor.u32 v0, v2  }
0x1de: {  	v2 =	vperm.xlane v0, v3;
	_ =	sdelay $0x1  }
0x1df: {  	v2 =	vadd.s32 v1, v2;
	_ =	sdelay $0x1  }
0x1e0: {  	v0 =	vperm.xlane v0, v4;
	_ =	sdelay $0x1  }
0x1e1: {  	v0 =	vadd.s32 v1, v0  }
0x1e2: {  	[tilespmem:s24], [sflag:$0x2] =	stream.indirect_vreg.gather [hbm4b:s3+s4], $0x80, v2, vm0, $0xb8;
	[tilespmem:$0x1C100] =	vst v63  }
0x1e3: {  	_ = 	snop  }
0x1e4: {  	[tilespmem:s25], [sflag:$0x2] =	stream.indirect_vreg.gather [hbm4b:s6+s4], $0x80, v2, vm0, $0xb8;
	[tilespmem:$0x1C100] =	vst v63  }
0x1e5: {  	_ = 	snop  }
0x1e6: {  	[tilespmem:s26], [sflag:$0x2] =	stream.indirect_vreg.gather [hbm4b:s3+s4], $0x80, v0, vm0, $0xb8;
	[tilespmem:$0x1C100] =	vst v63  }
0x1e7: {  	_ = 	snop  }
0x1e8: {  	[tilespmem:s28], [sflag:$0x2] =	stream.indirect_vreg.gather [hbm4b:s6+s4], $0x80, v0, vm0, $0xb8;
	[tilespmem:$0x1C100] =	vst v63  }
0x1e9: {  	v0 =	vld [tilespmem:$0xA0];
	_ =	sdelay $0x4  }
0x1ea: {  	v2 =	vshll.u32 v0, $0x2  }
0x1eb: {  	v0 =	vand.u32 $0x7, v0;
	v2 =	vand.u32 $0xFFFFFFE0, v2  }
0x1ec: {  	v0 =	vor.u32 v0, v2  }
0x1ed: {  	v2 =	vperm.xlane v0, v3;
	_ =	sdelay $0x1  }
0x1ee: {  	v2 =	vadd.s32 v1, v2;
	_ =	sdelay $0x1  }
0x1ef: {  	v0 =	vperm.xlane v0, v4;
	_ =	sdelay $0x1  }
0x1f0: {  	v0 =	vadd.s32 v1, v0  }
0x1f1: {  	[tilespmem:s29], [sflag:$0x2] =	stream.indirect_vreg.gather [hbm4b:s3+s4], $0x80, v2, vm0, $0xb8;
	[tilespmem:$0x1C100] =	vst v63  }
0x1f2: {  	_ = 	snop  }
0x1f3: {  	[tilespmem:s7], [sflag:$0x2] =	stream.indirect_vreg.gather [hbm4b:s6+s4], $0x80, v2, vm0, $0xb8;
	[tilespmem:$0x1C100] =	vst v63  }
0x1f4: {  	_ = 	snop  }
0x1f5: {  	[tilespmem:s30], [sflag:$0x2] =	stream.indirect_vreg.gather [hbm4b:s3+s4], $0x80, v0, vm0, $0xb8;
	[tilespmem:$0x1C100] =	vst v63  }
0x1f6: {  	_ = 	snop  }
0x1f7: {  	[tilespmem:s8], [sflag:$0x2] =	stream.indirect_vreg.gather [hbm4b:s6+s4], $0x80, v0, vm0, $0xb8;
	[tilespmem:$0x1C100] =	vst v63  }
0x1f8: {  	v0 =	vld [tilespmem:$0xB0];
	_ =	sdelay $0x4  }
0x1f9: {  	v2 =	vshll.u32 v0, $0x2  }
0x1fa: {  	v0 =	vand.u32 $0x7, v0;
	v2 =	vand.u32 $0xFFFFFFE0, v2  }
0x1fb: {  	v0 =	vor.u32 v0, v2  }
0x1fc: {  	v2 =	vperm.xlane v0, v3;
	_ =	sdelay $0x1  }
0x1fd: {  	v2 =	vadd.s32 v1, v2;
	_ =	sdelay $0x1  }
0x1fe: {  	v0 =	vperm.xlane v0, v4;
	_ =	sdelay $0x1  }
0x1ff: {  	v0 =	vadd.s32 v1, v0  }
0x200: {  	[tilespmem:s31], [sflag:$0x2] =	stream.indirect_vreg.gather [hbm4b:s3+s4], $0x80, v2, vm0, $0xb8;
	[tilespmem:$0x1C100] =	vst v63  }
0x201: {  	_ = 	snop  }
0x202: {  	[tilespmem:s0], [sflag:$0x2] =	stream.indirect_vreg.gather [hbm4b:s6+s4], $0x80, v2, vm0, $0xb8;
	[tilespmem:$0x1C100] =	vst v63  }
0x203: {  	_ = 	snop  }
0x204: {  	[tilespmem:s9], [sflag:$0x2] =	stream.indirect_vreg.gather [hbm4b:s3+s4], $0x80, v0, vm0, $0xb8;
	[tilespmem:$0x1C100] =	vst v63  }
0x205: {  	_ = 	snop  }
0x206: {  	[tilespmem:s2], [sflag:$0x2] =	stream.indirect_vreg.gather [hbm4b:s6+s4], $0x80, v0, vm0, $0xb8;
	[tilespmem:$0x1C100] =	vst v63  }
0x207: {  	s23 =	rddreg [dreg:$0xb]  }
0x208: {  	[tilespmem:s10], [sflag:$0x3] =	stream.linear.gather [hbm4b:s23+s4], $0x8000, $0x38;
	[tilespmem:$0x1C100] =	vst v63  }
0x209: {  	_ =	swait.ge [sflag:s18], $0x8000  }
0x20a: {  	[sflag:s18] =	ssyncset.done $0x0  }
0x20b: {  	s14 =	rddreg [dreg:$0xc];
	[sflag:s18] =	ssyncadd.s32 $0xFFFF8000  }
0x20c: {  	[tilespmem:s19], [sflag:$0x3] =	stream.linear.gather [hbm4b:s14+s4], $0x2000, $0x38;
	[tilespmem:$0x1C100] =	vst v63  }
0x20d: {  	_ =	swait.ge [sflag:s18], $0x2000  }
0x20e: {  	[sflag:s18] =	ssyncset.done $0x0  }
0x20f: {  	[sflag:s18] =	ssyncadd.s32 $0xFFFFE000  }
0x210: {  	[tilespmem:s11], [sflag:$0x3] =	stream.linear.gather [hbm4b:s15+s4], $0x2000, $0x38;
	[tilespmem:$0x1C100] =	vst v63  }
0x211: {  	_ =	swait.ge [sflag:s18], $0x2000  }
0x212: {  	[sflag:s18] =	ssyncset.done $0x0  }
0x213: {  	[sflag:s18] =	ssyncadd.s32 $0xFFFFE000  }
0x214: {  	_ =	swait.ge [sflag:s20], $0x8000  }
0x215: {  	[sflag:s20] =	ssyncset.done $0x0  }
0x216: {  	[sflag:s20] =	ssyncadd.s32 $0xFFFF8000  }
0x217: {  	_ =	swait.ge [sflag:s12], $0x8000  }
0x218: {  	s22 =	sand.u32 $0x7000, s4;
	s23 =	sand.u32 $0x380, s4;
	[sflag:s12] =	ssyncset.done $0x0  }
0x219: {  	s22 =	sor.u32 s23, s22;
	[sflag:s12] =	ssyncadd.s32 $0xFFFF8000  }
0x21a: {  	v3 =	vld [tilespmem:s22+$0xC100]  }
0x21b: {  	v4 =	vld [tilespmem:s22+$0x14110]  }
0x21c: {  	v5 =	vld [tilespmem:s22+$0xC110]  }
0x21d: {  	v6 =	vld [tilespmem:s22+$0x14120]  }
0x21e: {  	v7 =	vld [tilespmem:s22+$0xC120]  }
0x21f: {  	v8 =	vld [tilespmem:s22+$0x14130]  }
0x220: {  	v9 =	vld [tilespmem:s22+$0xC130]  }
0x221: {  	v10 =	vld [tilespmem:s22+$0x14140]  }
0x222: {  	v11 =	vld [tilespmem:s22+$0xC140]  }
0x223: {  	v12 =	vld [tilespmem:s22+$0x14150]  }
0x224: {  	v13 =	vld [tilespmem:s22+$0xC150]  }
0x225: {  	v14 =	vld [tilespmem:s22+$0x14160]  }
0x226: {  	v16 =	vld [tilespmem:s22+$0xC160]  }
0x227: {  	v17 =	vld [tilespmem:s22+$0x14170]  }
0x228: {  	v19 =	vld [tilespmem:s22+$0xC170]  }
0x229: {  	v20 =	vld [tilespmem:s22+$0x14500]  }
0x22a: {  	v22 =	vld [tilespmem:s22+$0xC500]  }
0x22b: {  	v23 =	vld [tilespmem:s22+$0x14510]  }
0x22c: {  	v24 =	vld [tilespmem:s22+$0xC510]  }
0x22d: {  	v25 =	vld [tilespmem:s22+$0x14520]  }
0x22e: {  	v26 =	vld [tilespmem:s22+$0xC520]  }
0x22f: {  	v27 =	vld [tilespmem:s22+$0x14530]  }
0x230: {  	v28 =	vld [tilespmem:s22+$0xC530]  }
0x231: {  	v29 =	vld [tilespmem:s22+$0x14540]  }
0x232: {  	v30 =	vld [tilespmem:s22+$0xC540]  }
0x233: {  	v31 =	vld [tilespmem:s22+$0x14550]  }
0x234: {  	v33 =	vld [tilespmem:s22+$0xC550]  }
0x235: {  	v32 =	vld [tilespmem:s22+$0x14560]  }
0x236: {  	v34 =	vld [tilespmem:s22+$0xC560]  }
0x237: {  	v37 =	vld [tilespmem:s22+$0x14570]  }
0x238: {  	v38 =	vld [tilespmem:s22+$0xC570]  }
0x239: {  	v40 =	vld [tilespmem:s22+$0x14900]  }
0x23a: {  	v42 =	vld [tilespmem:s22+$0xC900]  }
0x23b: {  	v45 =	vld [tilespmem:s22+$0x14910]  }
0x23c: {  	v46 =	vld [tilespmem:s22+$0xC910]  }
0x23d: {  	v47 =	vld [tilespmem:s22+$0x14920]  }
0x23e: {  	v48 =	vld [tilespmem:s22+$0xC920]  }
0x23f: {  	v49 =	vld [tilespmem:s22+$0x14930]  }
0x240: {  	v50 =	vld [tilespmem:s22+$0xC930]  }
0x241: {  	v51 =	vld [tilespmem:s22+$0x14940]  }
0x242: {  	v52 =	vld [tilespmem:s22+$0xC940]  }
0x243: {  	v44 =	vld [tilespmem:s22+$0x14950]  }
0x244: {  	v53 =	vld [tilespmem:s22+$0xC950]  }
0x245: {  	v54 =	vld [tilespmem:s22+$0x14960]  }
0x246: {  	v55 =	vld [tilespmem:s22+$0xC960]  }
0x247: {  	v43 =	vld [tilespmem:s22+$0xC970]  }
0x248: {  	v56 =	vld [tilespmem:s22+$0xCD00]  }
0x249: {  	v21 =	vld [tilespmem:s22+$0xCD10]  }
0x24a: {  	v18 =	vld [tilespmem:s22+$0xCD20]  }
0x24b: {  	v15 =	vld [tilespmem:s22+$0xCD30]  }
0x24c: {  	v57 =	vld [tilespmem:s22+$0x4950]  }
0x24d: {  	v58 =	vld [tilespmem:s22+$0x4960]  }
0x24e: {  	v59 =	vld [tilespmem:s22+$0x4970]  }
0x24f: {  	s13 =	simm.s32 $0x80;
	v60 =	vld [tilespmem:s22+$0x4D00]  }
.LBB2_4:
0x250: {  	p0 =	sne.s32 s13, $0x1F80;
	s14 =	sshra.s32 s4, $0x2;
	v0 =	vld [tilespmem:s22+$0x14D00]  }
0x251: {  	v36 =	vld [tilespmem:s14+$0x100]  }
0x252: {  	v2 =	vld [tilespmem:s22+$0x14970]  }
0x253: {  	v35 =	vld [tilespmem:s14+$0x2100]  }
0x254: {  	v41 =	vld [tilespmem:s22+$0xCD40]  }
0x255: {  	v39 =	vld [tilespmem:s22+$0xCD50]  }
0x256: {  	v61 =	vld [tilespmem:s22+$0x4940];
	v59 =	vmul.f32 v59, v36;
	v60 =	vmul.f32 v60, v36  }
0x257: {  	v57 =	vmul.f32 v57, v36;
	v58 =	vmul.f32 v58, v36;
	v62 =	vld [tilespmem:s22+$0x4930]  }
0x258: {  	v63 =	vld [tilespmem:s22+$0x4920];
	v2 =	vadd.f32 v59, v2;
	v0 =	vadd.f32 v60, v0;
	v56 =	vmul.f32 v56, v35  }
0x259: {  	v54 =	vadd.f32 v58, v54;
	v55 =	vmul.f32 v55, v35;
	v58 =	vmul.f32 v43, v35;
	v59 =	vld [tilespmem:s22+$0x4910]  }
0x25a: {  	v44 =	vadd.f32 v57, v44;
	v53 =	vmul.f32 v53, v35;
	v0 =	vadd.f32 v56, v0;
	v43 =	vld [tilespmem:s22+$0xCD60]  }
0x25b: {  	v54 =	vadd.f32 v55, v54;
	v2 =	vadd.f32 v58, v2;
	v56 =	vld [tilespmem:s22+$0x4900];
	v57 =	vmul.f32 v61, v36  }
0x25c: {  	v52 =	vmul.f32 v52, v35;
	v53 =	vadd.f32 v53, v44;
	v55 =	vld [tilespmem:s22+$0x4570];
	v58 =	vmul.f32 v62, v36;
	[tilespmem:s22+$0x14D00] =	vst v0  }
0x25d: {  	v50 =	vmul.f32 v50, v35;
	v0 =	vmul.f32 v63, v36;
	v51 =	vadd.f32 v57, v51;
	[tilespmem:s22+$0x14970] =	vst v2;
	v44 =	vld [tilespmem:s22+$0xCD70]  }
0x25e: {  	v48 =	vmul.f32 v48, v35;
	v2 =	vld [tilespmem:s22+$0x4560];
	v57 =	vmul.f32 v59, v36;
	v49 =	vadd.f32 v58, v49;
	[tilespmem:s22+$0x14960] =	vst v54  }
0x25f: {  	v46 =	vmul.f32 v46, v35;
	v54 =	vld [tilespmem:s22+$0x4550];
	v0 =	vadd.f32 v0, v47;
	v47 =	vadd.f32 v52, v51;
	[tilespmem:s22+$0x14950] =	vst v53  }
0x260: {  	v51 =	vld [tilespmem:s22+$0x4540];
	v52 =	vmul.f32 v56, v36;
	v45 =	vadd.f32 v57, v45;
	v49 =	vadd.f32 v50, v49  }
0x261: {  	v50 =	vld [tilespmem:s22+$0x4530];
	v53 =	vmul.f32 v55, v36;
	v55 =	vmul.f32 v42, v35;
	v0 =	vadd.f32 v48, v0;
	[tilespmem:s22+$0x14940] =	vst v47  }
0x262: {  	v38 =	vmul.f32 v38, v35;
	v42 =	vld [tilespmem:s22+$0x4100];
	v40 =	vadd.f32 v52, v40;
	v45 =	vadd.f32 v46, v45;
	[tilespmem:s22+$0x14930] =	vst v49  }
0x263: {  	v34 =	vmul.f32 v34, v35;
	v46 =	vld [tilespmem:s22+$0x4520];
	v2 =	vmul.f32 v2, v36;
	v37 =	vadd.f32 v53, v37;
	[tilespmem:s22+$0x14920] =	vst v0  }
0x264: {  	v33 =	vmul.f32 v33, v35;
	v0 =	vld [tilespmem:s22+$0x4510];
	v47 =	vmul.f32 v54, v36;
	v40 =	vadd.f32 v55, v40;
	[tilespmem:s22+$0x14910] =	vst v45  }
0x265: {  	v45 =	vld [tilespmem:s22+$0x4110];
	v48 =	vmul.f32 v51, v36;
	v2 =	vadd.f32 v2, v32;
	v32 =	vadd.f32 v38, v37  }
0x266: {  	v30 =	vmul.f32 v30, v35;
	v37 =	vld [tilespmem:s22+$0x4500];
	v38 =	vmul.f32 v50, v36;
	v31 =	vadd.f32 v47, v31;
	[tilespmem:s22+$0x14900] =	vst v40  }
0x267: {  	v28 =	vmul.f32 v28, v35;
	v40 =	vld [tilespmem:s22+$0x4170];
	v29 =	vadd.f32 v48, v29;
	v2 =	vadd.f32 v34, v2;
	[tilespmem:s22+$0x14570] =	vst v32  }
0x268: {  	v32 =	vld [tilespmem:s22+$0x4160];
	v34 =	vmul.f32 v46, v36;
	v27 =	vadd.f32 v38, v27;
	v31 =	vadd.f32 v33, v31  }
0x269: {  	v26 =	vmul.f32 v26, v35;
	v33 =	vld [tilespmem:s22+$0x4150];
	v0 =	vmul.f32 v0, v36;
	v29 =	vadd.f32 v30, v29;
	[tilespmem:s22+$0x14560] =	vst v2  }
0x26a: {  	v24 =	vmul.f32 v24, v35;
	v2 =	vld [tilespmem:s22+$0x4120];
	v25 =	vadd.f32 v34, v25;
	v27 =	vadd.f32 v28, v27;
	[tilespmem:s22+$0x14550] =	vst v31  }
0x26b: {  	v22 =	vmul.f32 v22, v35;
	v28 =	vld [tilespmem:s22+$0x4140];
	v30 =	vmul.f32 v37, v36;
	v0 =	vadd.f32 v0, v23;
	[tilespmem:s22+$0x14540] =	vst v29  }
0x26c: {  	v19 =	vmul.f32 v19, v35;
	v23 =	vld [tilespmem:s22+$0x4130];
	v29 =	vmul.f32 v40, v36;
	v25 =	vadd.f32 v26, v25;
	[tilespmem:s22+$0x14530] =	vst v27  }
0x26d: {  	v26 =	vmul.f32 v32, v36;
	v20 =	vadd.f32 v30, v20;
	v0 =	vadd.f32 v24, v0;
	v24 =	vld [tilespmem:s22+$0x4D10]  }
0x26e: {  	v16 =	vmul.f32 v16, v35;
	v27 =	vmul.f32 v33, v36;
	v17 =	vadd.f32 v29, v17;
	[tilespmem:s22+$0x14520] =	vst v25;
	v25 =	vld [tilespmem:s22+$0x4D20]  }
0x26f: {  	v13 =	vmul.f32 v13, v35;
	v14 =	vadd.f32 v26, v14;
	v20 =	vadd.f32 v22, v20;
	[tilespmem:s22+$0x14510] =	vst v0;
	v0 =	vld [tilespmem:s22+$0x4D30]  }
0x270: {  	v22 =	vmul.f32 v28, v36;
	v12 =	vadd.f32 v27, v12;
	v17 =	vadd.f32 v19, v17;
	v19 =	vld [tilespmem:s22+$0x4D40]  }
0x271: {  	v11 =	vmul.f32 v11, v35;
	v23 =	vmul.f32 v23, v36;
	v14 =	vadd.f32 v16, v14;
	[tilespmem:s22+$0x14500] =	vst v20;
	v16 =	vld [tilespmem:s22+$0x4D50]  }
0x272: {  	v9 =	vmul.f32 v9, v35;
	v10 =	vadd.f32 v22, v10;
	v12 =	vadd.f32 v13, v12;
	[tilespmem:s22+$0x14170] =	vst v17;
	v13 =	vld [tilespmem:s22+$0x14D10]  }
0x273: {  	v7 =	vmul.f32 v7, v35;
	v2 =	vmul.f32 v2, v36;
	v8 =	vadd.f32 v23, v8;
	[tilespmem:s22+$0x14160] =	vst v14;
	v14 =	vld [tilespmem:s22+$0x14D20]  }
0x274: {  	v5 =	vmul.f32 v5, v35;
	v17 =	vmul.f32 v45, v36;
	v10 =	vadd.f32 v11, v10;
	[tilespmem:s22+$0x14150] =	vst v12;
	v11 =	vld [tilespmem:s22+$0x4D60]  }
0x275: {  	v2 =	vadd.f32 v2, v6;
	v6 =	vadd.f32 v9, v8;
	v8 =	vmul.f32 v24, v36;
	v9 =	vld [tilespmem:s22+$0x14D30]  }
0x276: {  	v4 =	vadd.f32 v17, v4;
	v12 =	vmul.f32 v25, v36;
	[tilespmem:s22+$0x14140] =	vst v10;
	v10 =	vmul.f32 v21, v35;
	v17 =	vld [tilespmem:s22+$0x14D40]  }
0x277: {  	v2 =	vadd.f32 v7, v2;
	v7 =	vmul.f32 v18, v35;
	[tilespmem:s22+$0x14130] =	vst v6;
	v6 =	vadd.f32 v8, v13;
	v8 =	vld [tilespmem:s22+$0x4D70]  }
0x278: {  	v0 =	vmul.f32 v0, v36;
	v4 =	vadd.f32 v5, v4;
	v5 =	vadd.f32 v12, v14;
	v12 =	vld [tilespmem:s22+$0x14D50]  }
0x279: {  	s4 =	sadd.s32 $0x200, s4;
	[tilespmem:s22+$0x14120] =	vst v2;
	v2 =	vadd.f32 v10, v6;
	v6 =	vmul.f32 v15, v35;
	v10 =	vmul.f32 v19, v36;
	v13 =	vld [tilespmem:s22+$0x14D60]  }
0x27a: {  	s23 =	sand.u32 $0x380, s13;
	s14 =	sand.u32 $0x7000, s4;
	[tilespmem:s22+$0x14110] =	vst v4;
	v4 =	vadd.f32 v7, v5;
	v0 =	vadd.f32 v0, v9;
	v5 =	vmul.f32 v41, v35;
	v7 =	vld [tilespmem:s22+$0x14D70]  }
0x27b: {  	s14 =	sor.u32 s23, s14;
	v14 =	vmul.f32 v39, v35;
	v9 =	vld [tilespmem:s22+$0x14100];
	[tilespmem:s22+$0x14D10] =	vst v2;
	v2 =	vadd.f32 v10, v17;
	v10 =	vmul.f32 v16, v36  }
0x27c: {  	v15 =	vld [tilespmem:s14+$0xC100];
	[tilespmem:s22+$0x14D20] =	vst v4;
	v0 =	vadd.f32 v6, v0;
	v6 =	vmul.f32 v11, v36;
	v11 =	vmul.f32 v43, v35  }
0x27d: {  	v8 =	vmul.f32 v8, v36;
	v4 =	vld [tilespmem:s14+$0x14110];
	v2 =	vadd.f32 v5, v2;
	v10 =	vadd.f32 v10, v12  }
0x27e: {  	v12 =	vmul.f32 v42, v36;
	v5 =	vld [tilespmem:s14+$0xC110];
	[tilespmem:s22+$0x14D30] =	vst v0;
	v0 =	vadd.f32 v6, v13;
	v13 =	vmul.f32 v44, v35  }
0x27f: {  	v16 =	vmul.f32 v3, v35;
	v6 =	vld [tilespmem:s14+$0x14120];
	[tilespmem:s22+$0x14D40] =	vst v2;
	v2 =	vadd.f32 v14, v10;
	v14 =	vadd.f32 v8, v7  }
0x280: {  	v7 =	vld [tilespmem:s14+$0xC120];
	v10 =	vadd.f32 v12, v9;
	v0 =	vadd.f32 v11, v0  }
0x281: {  	v8 =	vld [tilespmem:s14+$0x14130];
	[tilespmem:s22+$0x14D50] =	vst v2;
	v2 =	vadd.f32 v13, v14;
	v3 =	vmov v15  }
0x282: {  	v9 =	vld [tilespmem:s14+$0xC130];
	v12 =	vadd.f32 v16, v10;
	[tilespmem:s22+$0x14D60] =	vst v0  }
0x283: {  	v10 =	vld [tilespmem:s14+$0x14140];
	[tilespmem:s22+$0x14D70] =	vst v2  }
0x284: {  	v11 =	vld [tilespmem:s14+$0xC140];
	[tilespmem:s22+$0x14100] =	vst v12;
	s22 =	smov.u32 s14  }
0x285: {  	v12 =	vld [tilespmem:s22+$0x14150]  }
0x286: {  	v13 =	vld [tilespmem:s22+$0xC150]  }
0x287: {  	v14 =	vld [tilespmem:s22+$0x14160]  }
0x288: {  	v16 =	vld [tilespmem:s22+$0xC160]  }
0x289: {  	v17 =	vld [tilespmem:s22+$0x14170]  }
0x28a: {  	v19 =	vld [tilespmem:s22+$0xC170]  }
0x28b: {  	v20 =	vld [tilespmem:s22+$0x14500]  }
0x28c: {  	v22 =	vld [tilespmem:s22+$0xC500]  }
0x28d: {  	v23 =	vld [tilespmem:s22+$0x14510]  }
0x28e: {  	v24 =	vld [tilespmem:s22+$0xC510]  }
0x28f: {  	v25 =	vld [tilespmem:s22+$0x14520]  }
0x290: {  	v26 =	vld [tilespmem:s22+$0xC520]  }
0x291: {  	v27 =	vld [tilespmem:s22+$0x14530]  }
0x292: {  	v28 =	vld [tilespmem:s22+$0xC530]  }
0x293: {  	v29 =	vld [tilespmem:s22+$0x14540]  }
0x294: {  	v30 =	vld [tilespmem:s22+$0xC540]  }
0x295: {  	v31 =	vld [tilespmem:s22+$0x14550]  }
0x296: {  	v33 =	vld [tilespmem:s22+$0xC550]  }
0x297: {  	v32 =	vld [tilespmem:s22+$0x14560]  }
0x298: {  	v34 =	vld [tilespmem:s22+$0xC560]  }
0x299: {  	v37 =	vld [tilespmem:s22+$0x14570]  }
0x29a: {  	v38 =	vld [tilespmem:s22+$0xC570]  }
0x29b: {  	v40 =	vld [tilespmem:s22+$0x14900]  }
0x29c: {  	v42 =	vld [tilespmem:s22+$0xC900]  }
0x29d: {  	v45 =	vld [tilespmem:s22+$0x14910]  }
0x29e: {  	v46 =	vld [tilespmem:s22+$0xC910]  }
0x29f: {  	v47 =	vld [tilespmem:s22+$0x14920]  }
0x2a0: {  	v48 =	vld [tilespmem:s22+$0xC920]  }
0x2a1: {  	v49 =	vld [tilespmem:s22+$0x14930]  }
0x2a2: {  	v50 =	vld [tilespmem:s22+$0xC930]  }
0x2a3: {  	v51 =	vld [tilespmem:s22+$0x14940]  }
0x2a4: {  	v52 =	vld [tilespmem:s22+$0xC940]  }
0x2a5: {  	v44 =	vld [tilespmem:s22+$0x14950]  }
0x2a6: {  	v53 =	vld [tilespmem:s22+$0xC950]  }
0x2a7: {  	v54 =	vld [tilespmem:s22+$0x14960]  }
0x2a8: {  	v55 =	vld [tilespmem:s22+$0xC960]  }
0x2a9: {  	v43 =	vld [tilespmem:s22+$0xC970]  }
0x2aa: {  	v56 =	vld [tilespmem:s22+$0xCD00]  }
0x2ab: {  	v21 =	vld [tilespmem:s22+$0xCD10]  }
0x2ac: {  	v18 =	vld [tilespmem:s22+$0xCD20]  }
.Ltmp1:
0x2ad: {  	v15 =	vld [tilespmem:s22+$0xCD30];
	(pc) =	sbr.rel @p0 .LBB2_4-.Ltmp1, $4  }
0x2ae: {  	v57 =	vld [tilespmem:s22+$0x4950]  }
0x2af: {  	v58 =	vld [tilespmem:s22+$0x4960]  }
0x2b0: {  	v59 =	vld [tilespmem:s22+$0x4970]  }
0x2b1: {  	s13 =	sadd.s32 $0x80, s13;
	v60 =	vld [tilespmem:s22+$0x4D00]  }
0x2b2: {  	s4 =	sshra.s32 s4, $0x2  }
0x2b3: {  	v36 =	vld [tilespmem:s4+$0x100]  }
0x2b4: {  	v0 =	vld [tilespmem:s22+$0x14D00]  }
0x2b5: {  	v35 =	vld [tilespmem:s4+$0x2100]  }
0x2b6: {  	v2 =	vld [tilespmem:s22+$0x14970];
	_ =	sdelay $0x1  }
0x2b7: {  	v60 =	vmul.f32 v60, v36  }
0x2b8: {  	v59 =	vmul.f32 v59, v36  }
0x2b9: {  	v56 =	vmul.f32 v56, v35;
	v0 =	vadd.f32 v60, v0  }
0x2ba: {  	v2 =	vadd.f32 v59, v2;
	v59 =	vmul.f32 v43, v35  }
0x2bb: {  	v62 =	vld [tilespmem:s22+$0x4930];
	v0 =	vadd.f32 v56, v0  }
0x2bc: {  	v57 =	vmul.f32 v57, v36;
	v2 =	vadd.f32 v59, v2  }
0x2bd: {  	v41 =	vld [tilespmem:s22+$0xCD40];
	[tilespmem:s22+$0x14D00] =	vst v0  }
0x2be: {  	v61 =	vld [tilespmem:s22+$0x4940];
	[tilespmem:s22+$0x14970] =	vst v2;
	v0 =	vadd.f32 v57, v44;
	v2 =	vmul.f32 v53, v35  }
0x2bf: {  	v63 =	vld [tilespmem:s22+$0x4920]  }
0x2c0: {  	v60 =	vld [tilespmem:s22+$0x4910];
	v0 =	vadd.f32 v2, v0;
	v2 =	vmul.f32 v62, v36  }
0x2c1: {  	v58 =	vmul.f32 v58, v36;
	v56 =	vld [tilespmem:s22+$0x4900]  }
0x2c2: {  	v39 =	vld [tilespmem:s22+$0xCD50];
	[tilespmem:s22+$0x14950] =	vst v0;
	v0 =	vmul.f32 v50, v35;
	v2 =	vadd.f32 v2, v49  }
0x2c3: {  	v55 =	vmul.f32 v55, v35;
	v43 =	vld [tilespmem:s22+$0xCD60];
	v54 =	vadd.f32 v58, v54  }
0x2c4: {  	v52 =	vmul.f32 v52, v35;
	v58 =	vmul.f32 v61, v36;
	v59 =	vld [tilespmem:s22+$0x4570];
	v0 =	vadd.f32 v0, v2  }
0x2c5: {  	v61 =	vmul.f32 v63, v36;
	v57 =	vadd.f32 v55, v54;
	v55 =	vld [tilespmem:s22+$0x4560];
	v63 =	vmul.f32 v60, v36  }
0x2c6: {  	v48 =	vmul.f32 v48, v35;
	v44 =	vld [tilespmem:s22+$0xCD70];
	[tilespmem:s22+$0x14930] =	vst v0;
	v0 =	vmul.f32 v56, v36  }
0x2c7: {  	v51 =	vadd.f32 v58, v51;
	v53 =	vld [tilespmem:s22+$0x4550];
	v45 =	vadd.f32 v63, v45;
	v2 =	vmul.f32 v46, v35  }
0x2c8: {  	v42 =	vmul.f32 v42, v35;
	v54 =	vadd.f32 v61, v47;
	v47 =	vld [tilespmem:s22+$0x4100];
	v0 =	vadd.f32 v0, v40  }
0x2c9: {  	v62 =	vadd.f32 v52, v51;
	v52 =	vld [tilespmem:s22+$0x4530];
	v58 =	vmul.f32 v59, v36;
	v2 =	vadd.f32 v2, v45  }
0x2ca: {  	v33 =	vmul.f32 v33, v35;
	[tilespmem:s22+$0x14960] =	vst v57;
	v50 =	vld [tilespmem:s22+$0x4540];
	v60 =	vmul.f32 v55, v36;
	v0 =	vadd.f32 v42, v0  }
0x2cb: {  	v30 =	vmul.f32 v30, v35;
	v61 =	vld [tilespmem:s22+$0x4500];
	v37 =	vadd.f32 v58, v37;
	[tilespmem:s22+$0x14910] =	vst v2;
	v2 =	vmul.f32 v38, v35  }
0x2cc: {  	v26 =	vmul.f32 v26, v35;
	v57 =	vld [tilespmem:s22+$0x4520];
	v32 =	vadd.f32 v60, v32;
	[tilespmem:s22+$0x14900] =	vst v0;
	v0 =	vmul.f32 v34, v35  }
0x2cd: {  	v24 =	vmul.f32 v24, v35;
	v22 =	vmul.f32 v22, v35;
	v59 =	vld [tilespmem:s22+$0x4510];
	v2 =	vadd.f32 v2, v37  }
0x2ce: {  	v19 =	vmul.f32 v19, v35;
	v63 =	vld [tilespmem:s22+$0x4170];
	[tilespmem:s22+$0x14940] =	vst v62;
	v49 =	vmul.f32 v52, v36;
	v0 =	vadd.f32 v0, v32  }
0x2cf: {  	v16 =	vmul.f32 v16, v35;
	v55 =	vld [tilespmem:s22+$0x4140];
	[tilespmem:s22+$0x14570] =	vst v2;
	v2 =	vmul.f32 v50, v36  }
0x2d0: {  	v62 =	vmul.f32 v53, v36;
	v58 =	vld [tilespmem:s22+$0x4D20];
	v27 =	vadd.f32 v49, v27;
	[tilespmem:s22+$0x14560] =	vst v0;
	v0 =	vmul.f32 v28, v35  }
0x2d1: {  	v13 =	vmul.f32 v13, v35;
	v54 =	vadd.f32 v48, v54;
	v46 =	vld [tilespmem:s22+$0x4160];
	v2 =	vadd.f32 v2, v29  }
0x2d2: {  	v11 =	vmul.f32 v11, v35;
	v31 =	vadd.f32 v62, v31;
	v52 =	vld [tilespmem:s22+$0x4120];
	v0 =	vadd.f32 v0, v27  }
0x2d3: {  	v9 =	vmul.f32 v9, v35;
	v7 =	vmul.f32 v7, v35;
	[tilespmem:s22+$0x14920] =	vst v54;
	v62 =	vld [tilespmem:s22+$0x4D40];
	v2 =	vadd.f32 v30, v2  }
0x2d4: {  	v53 =	vmul.f32 v57, v36;
	v51 =	vadd.f32 v33, v31;
	v31 =	vld [tilespmem:s22+$0x14D20];
	[tilespmem:s22+$0x14530] =	vst v0;
	v0 =	vmul.f32 v61, v36  }
0x2d5: {  	v54 =	vmul.f32 v59, v36;
	v57 =	vmul.f32 v63, v36;
	[tilespmem:s22+$0x14540] =	vst v2;
	v2 =	vld [tilespmem:s22+$0x4130]  }
0x2d6: {  	v25 =	vadd.f32 v53, v25;
	v38 =	vld [tilespmem:s22+$0x4110];
	v59 =	vmul.f32 v46, v36;
	v0 =	vadd.f32 v0, v20  }
0x2d7: {  	v56 =	vld [tilespmem:s22+$0x4D10];
	v45 =	vmul.f32 v18, v35;
	v23 =	vadd.f32 v54, v23;
	v17 =	vadd.f32 v57, v17  }
0x2d8: {  	v33 =	vld [tilespmem:s22+$0x4D60];
	v63 =	vmul.f32 v55, v36;
	v14 =	vadd.f32 v59, v14;
	v0 =	vadd.f32 v22, v0  }
0x2d9: {  	v40 =	vmul.f32 v58, v36;
	v25 =	vadd.f32 v26, v25;
	v23 =	vadd.f32 v24, v23;
	v50 =	vld [tilespmem:s22+$0x4150]  }
0x2da: {  	v10 =	vadd.f32 v63, v10;
	v61 =	vld [tilespmem:s22+$0x4D30];
	[tilespmem:s22+$0x14500] =	vst v0;
	v0 =	vmul.f32 v2, v36;
	v2 =	vadd.f32 v16, v14  }
0x2db: {  	[tilespmem:s22+$0x14550] =	vst v51;
	v17 =	vadd.f32 v19, v17;
	v48 =	vadd.f32 v40, v31;
	v32 =	vmul.f32 v38, v36;
	v30 =	vld [tilespmem:s22+$0x14D10]  }
0x2dc: {  	v37 =	vld [tilespmem:s22+$0x14D30];
	v10 =	vadd.f32 v11, v10;
	v0 =	vadd.f32 v0, v8;
	[tilespmem:s22+$0x14160] =	vst v2;
	v2 =	vmul.f32 v52, v36  }
0x2dd: {  	v5 =	vmul.f32 v5, v35;
	v46 =	vld [tilespmem:s22+$0x4D70];
	[tilespmem:s22+$0x14520] =	vst v25;
	v53 =	vadd.f32 v45, v48;
	v4 =	vadd.f32 v32, v4  }
0x2de: {  	[tilespmem:s22+$0x14510] =	vst v23;
	v34 =	vmul.f32 v56, v36;
	v29 =	vld [tilespmem:s22+$0x4D50];
	v0 =	vadd.f32 v9, v0;
	v2 =	vadd.f32 v2, v6  }
0x2df: {  	v42 =	vld [tilespmem:s22+$0x14D40];
	[tilespmem:s22+$0x14170] =	vst v17;
	v60 =	vmul.f32 v50, v36;
	v4 =	vadd.f32 v5, v4;
	v49 =	vmul.f32 v61, v36  }
0x2e0: {  	v38 =	vmul.f32 v21, v35;
	v50 =	vld [tilespmem:s22+$0x14D50];
	[tilespmem:s22+$0x14130] =	vst v0;
	v0 =	vadd.f32 v7, v2;
	v2 =	vadd.f32 v34, v30  }
0x2e1: {  	v55 =	vld [tilespmem:s22+$0x14D70];
	v58 =	vmul.f32 v39, v35;
	[tilespmem:s22+$0x14140] =	vst v10;
	v12 =	vadd.f32 v60, v12;
	v54 =	vadd.f32 v49, v37  }
0x2e2: {  	v51 =	vld [tilespmem:s22+$0x14D60];
	v52 =	vmul.f32 v15, v35;
	[tilespmem:s22+$0x14120] =	vst v0;
	v0 =	vadd.f32 v38, v2;
	v2 =	vmul.f32 v62, v36  }
0x2e3: {  	v57 =	vld [tilespmem:s22+$0x14100];
	v56 =	vmul.f32 v41, v35;
	[tilespmem:s22+$0x14D20] =	vst v53;
	v12 =	vadd.f32 v13, v12;
	v14 =	vmul.f32 v29, v36  }
0x2e4: {  	[tilespmem:s22+$0x14110] =	vst v4;
	v5 =	vadd.f32 v52, v54;
	v7 =	vmul.f32 v46, v36;
	v2 =	vadd.f32 v2, v42  }
0x2e5: {  	v59 =	vmul.f32 v47, v36;
	[tilespmem:s22+$0x14150] =	vst v12;
	v12 =	vmul.f32 v33, v36;
	v11 =	vadd.f32 v14, v50  }
0x2e6: {  	v61 =	vmul.f32 v44, v35;
	[tilespmem:s22+$0x14D30] =	vst v5;
	v6 =	vadd.f32 v7, v55;
	v2 =	vadd.f32 v56, v2  }
0x2e7: {  	v60 =	vadd.f32 v12, v51;
	v62 =	vadd.f32 v58, v11;
	[tilespmem:s22+$0x14D10] =	vst v0;
	v0 =	vmul.f32 v43, v35  }
0x2e8: {  	v3 =	vmul.f32 v3, v35;
	v63 =	vadd.f32 v61, v6;
	[tilespmem:s22+$0x14D40] =	vst v2;
	v2 =	vadd.f32 v59, v57  }
0x2e9: {  	[tilespmem:s22+$0x14D50] =	vst v62;
	v0 =	vadd.f32 v0, v60  }
0x2ea: {  	s21 =	sadd.s32 $0x1, s21;
	[tilespmem:s22+$0x14D70] =	vst v63;
	v2 =	vadd.f32 v3, v2  }
0x2eb: {  	p0 =	sne.s32 s21, s17;
	[tilespmem:s22+$0x14D60] =	vst v0  }
.Ltmp2:
0x2ec: {  	[tilespmem:s22+$0x14100] =	vst v2;
	(pc) =	sbr.rel @p0 .LBB2_1-.Ltmp2, $4  }
0x2ed: {  	[hbm4b:s16+s1] =	stream.linear.scatter [tilespmem:s10], [sflag:$0x3], $0x8000, $0x38;
	[tilespmem:$0x1C100] =	vst v63  }
0x2ee: {  	_ =	swait.ge [sflag:s18], $0x8000  }
0x2ef: {  	[sflag:s18] =	ssyncset.done $0x0  }
0x2f0: {  	[sflag:s18] =	ssyncadd.s32 $0xFFFF8000  }
0x2f1: {  	_ =	sfence.sel $0x180000  }
0x2f2: {  	[bflag:$0x0] =	sbarrier.arrive $0xFFFF  }
0x2f3: {  	_ =	strace $0x9000004A  }
0x2f4: {  	s0 =	stileid.u32;
	[bflag:$0x2] =	sbarrier.arrive $0xFFFF  }
0x2f5: {  	p0 =	sne.s32 s0, $0x0;
	s0 =	rddreg [dreg:$0x2]  }
0x2f6: {  	s0 =	sadd.s32 @!p0 $0x100000, s0  }
0x2f7: {  	[sflag:s0] =	ssyncadd.tile.s32 @!p0 $0x1;
	_ =	shalt  }
.Lfunc_end2:
_tile_overlayer_lowered:
.L_overlay_start_2:
0x2f8: {  	(tag) =	ssettag $0x2  }
0x2f9: {  	s0 =	rddreg [dreg:$0x0];
	s2 =	stileid.u32  }
0x2fa: {  	s1 =	rddreg [dreg:$0x1];
	p0 =	sne.s32 s2, $0x0  }
0x2fb: {  	s3 =	rddreg [dreg:$0x2];
	[bflag:$0x3] =	sbarrier.arrive $0xFFFF;
	s2 =	simm.s32 @!p0 $0x1C03  }
0x2fc: {  	[timem:s3], [sflag:s2] =	dma.local @!p0 [hbm:s0], s1  }
0x2fd: {  	s0 =	simm.s32 @!p0 $0x3  }
0x2fe: {  	_ =	swait.ge @!p0 [sflag:s0], s1  }
0x2ff: {  	s1 =	ssub.s32 @!p0 $0x0, s1;
	[sflag:s0] =	ssyncset.done @!p0 $0x0  }
0x300: {  	[sflag:s0] =	ssyncadd.s32 @!p0 s1  }
0x301: {  	[bflag:$0x3] =	sbarrier.arrive $0xFFFF  }
0x302: {  	_ =	shalt  }

</sc_bundles>
